<compile_context>
chip_gen: v7x
topology: tpu7x:2x2x1
jax: 0.10.2.dev20260603
libtpu: 0.0.44.dev20260713+nightly
codegen_flags: <defaults>
</compile_context>

<pallas_src>
import functools

import jax
import jax.numpy as jnp
from jax import lax
from jax.experimental import pallas as pl
from jax.experimental.pallas import tpu as pltpu
from jax.experimental.pallas import tpu_sc as plsc

E = 160000
LE = 320000
EMB = 128
NRAD = 6
NSPH = 7
NBIL = 8

NC = 2
NS = 16
LANES = 16
NW = NC * NS

W1 = LE // NW
CH1 = 80
NCH1 = W1 // CH1

SH2 = LE // NS
CSHIFT = 13
CROWS = 1 << CSHIFT
NCHUNK2 = 20
EPAD = NCHUNK2 * CROWS
SB_ROWS = CROWS + 8
TRASH = CROWS
NGRP2 = SH2 // LANES
SELR = 158
SELC = 64
TROWS = CROWS // NS


def _nr_rsqrt(s):
  i = lax.bitcast_convert_type(s, jnp.int32)
  i = jnp.int32(0x5F3759DF) - (i >> 1)
  t = lax.bitcast_convert_type(i, jnp.float32)
  for _ in range(3):
    t = t * (jnp.float32(1.5) - jnp.float32(0.5) * s * t * t)
  return t


def _sc_gather_body(ox_hbm, oy_hbm, oz_hbm, m_hbm, src_hbm, dst_hbm,
                    msrc_hbm, c_hbm,
                    idxs_a, idxd_a, mrows_a, xyz_a,
                    idxs_b, idxd_b, mrows_b, xyz_b,
                    c_v, semm_a, semo_a, semm_b, semo_b):
  cid = lax.axis_index("c")
  sid = lax.axis_index("s")
  wid = sid * NC + cid
  wbase = wid * W1
  bufs_a = (idxs_a, idxd_a, mrows_a, xyz_a, semm_a, semo_a)
  bufs_b = (idxs_b, idxd_b, mrows_b, xyz_b, semm_b, semo_b)

  def o_copies(idxs_v, idxd_v, xyz_v, semo):
    return [
        pltpu.make_async_copy(ox_hbm.at[idxs_v], xyz_v.at[0], semo),
        pltpu.make_async_copy(oy_hbm.at[idxs_v], xyz_v.at[1], semo),
        pltpu.make_async_copy(oz_hbm.at[idxs_v], xyz_v.at[2], semo),
        pltpu.make_async_copy(ox_hbm.at[idxd_v], xyz_v.at[3], semo),
        pltpu.make_async_copy(oy_hbm.at[idxd_v], xyz_v.at[4], semo),
        pltpu.make_async_copy(oz_hbm.at[idxd_v], xyz_v.at[5], semo),
    ]

  def fire(k, bufs):
    idxs_v, idxd_v, mrows_v, xyz_v, semm, semo = bufs
    off = wbase + k * CH1
    pltpu.sync_copy(src_hbm.at[pl.ds(off, CH1)], idxs_v)
    pltpu.sync_copy(dst_hbm.at[pl.ds(off, CH1)], idxd_v)
    pltpu.async_copy(m_hbm.at[idxs_v], mrows_v, semm)
    for cp in o_copies(idxs_v, idxd_v, xyz_v, semo):
      cp.start()

  def drain(k, bufs):
    idxs_v, idxd_v, mrows_v, xyz_v, semm, semo = bufs
    off = wbase + k * CH1
    for cp in o_copies(idxs_v, idxd_v, xyz_v, semo):
      cp.wait()
    for g in range(CH1 // LANES):
      sl = pl.ds(g * LANES, LANES)
      x1, y1, z1 = xyz_v[0, sl], xyz_v[1, sl], xyz_v[2, sl]
      x2, y2, z2 = xyz_v[3, sl], xyz_v[4, sl], xyz_v[5, sl]
      dot = x1 * x2 + y1 * y2 + z1 * z2
      cx = y1 * z2 - z1 * y2
      cy = z1 * x2 - x1 * z2
      cz = x1 * y2 - y1 * x2
      s = dot * dot + cx * cx + cy * cy + cz * cz
      c_v[sl] = dot * _nr_rsqrt(s)
    pltpu.make_async_copy(m_hbm.at[idxs_v], mrows_v, semm).wait()
    pltpu.sync_copy(mrows_v, msrc_hbm.at[pl.ds(off, CH1)])
    pltpu.sync_copy(c_v, c_hbm.at[pl.ds(off, CH1)])

  fire(0, bufs_a)

  def pair(i, carry):
    k0 = i * 2
    fire(k0 + 1, bufs_b)
    drain(k0, bufs_a)
    fire(k0 + 2, bufs_a)
    drain(k0 + 1, bufs_b)
    return carry

  lax.fori_loop(0, NCH1 // 2, pair, 0)
  drain(NCH1 - 1, bufs_a)


def _make_sc_gather():
  mesh = plsc.VectorSubcoreMesh(
      core_axis_name="c", subcore_axis_name="s", num_cores=NC,
      num_subcores=NS)
  return pl.kernel(
      _sc_gather_body,
      out_type=[
          jax.ShapeDtypeStruct((LE, EMB), jnp.float32),
          jax.ShapeDtypeStruct((LE,), jnp.float32),
      ],
      mesh=mesh,
      compiler_params=pltpu.CompilerParams(needs_layout_passes=False),
      scratch_types=[
          pltpu.VMEM((CH1,), jnp.int32),
          pltpu.VMEM((CH1,), jnp.int32),
          pltpu.VMEM((CH1, EMB), jnp.float32),
          pltpu.VMEM((6, CH1), jnp.float32),
          pltpu.VMEM((CH1,), jnp.int32),
          pltpu.VMEM((CH1,), jnp.int32),
          pltpu.VMEM((CH1, EMB), jnp.float32),
          pltpu.VMEM((6, CH1), jnp.float32),
          pltpu.VMEM((CH1,), jnp.float32),
          pltpu.SemaphoreType.DMA,
          pltpu.SemaphoreType.DMA,
          pltpu.SemaphoreType.DMA,
          pltpu.SemaphoreType.DMA,
      ],
  )


def _sc_scatter_body(dst_hbm, xkj_hbm, zeros_hbm, mupd_hbm,
                     dstc_v, psel_v, rows0_v, rows1_v,
                     wselb0_v, dselb0_v, wselb1_v, dselb1_v,
                     sbuf, semg0, semg1, sema0, sema1):
  cid = lax.axis_index("c")
  sid = lax.axis_index("s")
  lane = lax.iota(jnp.int32, 16)
  c0 = lane * 0
  wbase = sid * SH2
  pltpu.sync_copy(dst_hbm.at[pl.ds(wbase, SH2)], dstc_v)

  def chunk(k, carry):
    chunk_id = k * NC + cid
    lo = chunk_id * CROWS
    pltpu.sync_copy(zeros_hbm.at[pl.ds(sid * TROWS, TROWS)],
                    sbuf.at[pl.ds(sid * TROWS, TROWS)])
    plsc.subcore_barrier()

    def scan(g, carry2):
      del g
      offm1, pwv, idxv = carry2
      dv = plsc.load_gather(dstc_v, [idxv])
      mask = (dv >> CSHIFT) == chunk_id
      mv = mask.astype(jnp.int32)
      pos = plsc.cumsum(mv) + offm1
      packed = pwv | (dv & (CROWS - 1))
      plsc.store_scatter(psel_v, [pos >> 7, pos & 127], packed, mask=mask)
      pc = plsc.all_reduce_population_count(mask)
      return (offm1 + pc, pwv + (LANES << CSHIFT), idxv + LANES)

    offm1, _, _ = lax.fori_loop(
        0, NGRP2, scan, (c0 - 1, lane << CSHIFT, lane))
    nsel = jnp.max(offm1) + 1
    nb = (nsel + (SELC - 1)) // SELC

    def unpack(b, wselb_v, dselb_v):
      for g in range(SELC // LANES):
        colv = lane + g * LANES
        fl = (b * SELC) + colv
        p = plsc.load_gather(psel_v, [fl >> 7, fl & 127])
        pm = fl >= nsel
        wv = jnp.where(pm, 0,
                       wbase + lax.shift_right_logical(p, CSHIFT))
        dv = jnp.where(pm, TRASH + (colv & 7), p & (CROWS - 1))
        plsc.store_scatter(wselb_v, [colv], wv)
        plsc.store_scatter(dselb_v, [colv], dv)

    def add0_copy():
      return pltpu.make_async_copy(rows0_v, sbuf.at[dselb0_v], sema0)

    def add1_copy():
      return pltpu.make_async_copy(rows1_v, sbuf.at[dselb1_v], sema1)

    def subpair(i, carry3):
      b0 = i * 2
      b1 = b0 + 1

      @pl.when(b0 < nb)
      def _fire0():
        @pl.when(b0 >= 2)
        def _reclaim0():
          add0_copy().wait()
        unpack(b0, wselb0_v, dselb0_v)
        pltpu.async_copy(xkj_hbm.at[wselb0_v], rows0_v, semg0)

      @pl.when(b1 < nb)
      def _fire1():
        @pl.when(b1 >= 2)
        def _reclaim1():
          add1_copy().wait()
        unpack(b1, wselb1_v, dselb1_v)
        pltpu.async_copy(xkj_hbm.at[wselb1_v], rows1_v, semg1)

      @pl.when(b0 < nb)
      def _drain0():
        pltpu.make_async_copy(xkj_hbm.at[wselb0_v], rows0_v, semg0).wait()
        pltpu.async_copy(rows0_v, sbuf.at[dselb0_v], sema0, add=True)

      @pl.when(b1 < nb)
      def _drain1():
        pltpu.make_async_copy(xkj_hbm.at[wselb1_v], rows1_v, semg1).wait()
        pltpu.async_copy(rows1_v, sbuf.at[dselb1_v], sema1, add=True)

      return carry3

    lax.fori_loop(0, (nb + 1) >> 1, subpair, 0)

    @pl.when(nb >= 1)
    def _final0():
      add0_copy().wait()

    @pl.when(nb >= 2)
    def _final1():
      add1_copy().wait()

    plsc.subcore_barrier()
    out0 = lo + sid * TROWS

    @pl.when(out0 + TROWS <= E)
    def _full_write():
      pltpu.sync_copy(sbuf.at[pl.ds(sid * TROWS, TROWS)],
                      mupd_hbm.at[pl.ds(out0, TROWS)])

    @pl.when(out0 == (E // TROWS) * TROWS)
    def _partial_write():
      pltpu.sync_copy(sbuf.at[pl.ds(sid * TROWS, E - (E // TROWS) * TROWS)],
                      mupd_hbm.at[pl.ds(out0, E - (E // TROWS) * TROWS)])

    return carry

  lax.fori_loop(0, NCHUNK2 // NC, chunk, 0)


def _make_sc_scatter():
  mesh = plsc.VectorSubcoreMesh(
      core_axis_name="c", subcore_axis_name="s", num_cores=NC,
      num_subcores=NS)
  return pl.kernel(
      _sc_scatter_body,
      out_type=jax.ShapeDtypeStruct((E, EMB), jnp.float32),
      mesh=mesh,
      compiler_params=pltpu.CompilerParams(needs_layout_passes=False),
      scratch_types=[
          pltpu.VMEM((SH2,), jnp.int32),
          pltpu.VMEM((SELR, 128), jnp.int32),
          pltpu.VMEM((SELC, EMB), jnp.float32),
          pltpu.VMEM((SELC, EMB), jnp.float32),
          pltpu.VMEM((SELC,), jnp.int32),
          pltpu.VMEM((SELC,), jnp.int32),
          pltpu.VMEM((SELC,), jnp.int32),
          pltpu.VMEM((SELC,), jnp.int32),
          pltpu.VMEM_SHARED((SB_ROWS, EMB), jnp.float32),
          pltpu.SemaphoreType.DMA,
          pltpu.SemaphoreType.DMA,
          pltpu.SemaphoreType.DMA,
          pltpu.SemaphoreType.DMA,
      ],
  )


BE = 640


def _w_body(rbf_ref, m_ref, wrbf_ref, wm_ref, bm_ref, w_ref):
  mt = jnp.dot(m_ref[...], wm_ref[...],
               preferred_element_type=jnp.float32) + bm_ref[...]
  mt = mt * jax.nn.sigmoid(mt)
  rp = jnp.dot(rbf_ref[...], wrbf_ref[...],
               preferred_element_type=jnp.float32)
  w_ref[...] = rp * mt


def _make_w_kernel():
  return pl.pallas_call(
      _w_body,
      grid=(E // BE,),
      in_specs=[
          pl.BlockSpec((BE, NRAD), lambda i: (i, 0)),
          pl.BlockSpec((BE, EMB), lambda i: (i, 0)),
          pl.BlockSpec((NRAD, EMB), lambda i: (0, 0)),
          pl.BlockSpec((EMB, EMB), lambda i: (0, 0)),
          pl.BlockSpec((EMB,), lambda i: (0,)),
      ],
      out_specs=pl.BlockSpec((BE, EMB), lambda i: (i, 0)),
      out_shape=jax.ShapeDtypeStruct((E, EMB), jnp.float32),
  )


BL = 512


def _xkj_body(c_ref, msrc_ref, wr_ref, w2_ref, xkj_ref):
  c = c_ref[...]
  ms = msrc_ref[...].astype(jnp.bfloat16)
  ts = [jnp.ones_like(c), c]
  for _ in range(2, NSPH):
    ts.append(jnp.float32(2.0) * c * ts[-1] - ts[-2])
  acc = None
  for j in range(NBIL):
    sj = ts[0] * wr_ref[0, j]
    for n in range(1, NSPH):
      sj = sj + ts[n] * wr_ref[n, j]
    sjb = sj.astype(jnp.bfloat16)
    p = jnp.dot(ms * sjb[:, None], w2_ref[j * EMB:(j + 1) * EMB, :],
                preferred_element_type=jnp.float32)
    acc = p if acc is None else acc + p
  xkj_ref[...] = acc


def _make_xkj_kernel():
  return pl.pallas_call(
      _xkj_body,
      grid=(LE // BL,),
      in_specs=[
          pl.BlockSpec((BL,), lambda i: (i,)),
          pl.BlockSpec((BL, EMB), lambda i: (i, 0)),
          pl.BlockSpec(memory_space=pltpu.SMEM),
          pl.BlockSpec((NBIL * EMB, EMB), lambda i: (0, 0)),
      ],
      out_specs=pl.BlockSpec((BL, EMB), lambda i: (i, 0)),
      out_shape=jax.ShapeDtypeStruct((LE, EMB), jnp.float32),
  )


def kernel(rbf, m, o, lg_src, lg_dst, W_rbf, W_sbf, W_m, b_m, W_bilin):
  ox, oy, oz = o[:, 0], o[:, 1], o[:, 2]
  wr = W_sbf.reshape(NSPH, NRAD, NBIL).sum(axis=1)
  w2 = W_bilin.transpose(1, 2, 0).reshape(NBIL * EMB, EMB).astype(jnp.bfloat16)
  zeros_c = jnp.zeros((CROWS, EMB), jnp.float32)

  m_src, c = _make_sc_gather()(ox, oy, oz, m, lg_src, lg_dst)
  w = _make_w_kernel()(rbf, m, W_rbf, W_m, b_m)
  x_kj = _make_xkj_kernel()(c, m_src, wr, w2)
  m_update = _make_sc_scatter()(lg_dst, x_kj, zeros_c)
  return (m_update, w)

# --- scband reference (transcript-rebuilt; emitter-appended) ---
"""Pipeline reference for scband-interaction-block-41523743818102 (READ-ONLY COPY).

The authoritative reference and input builder live on the scoring server;
editing this copy changes nothing except your own understanding.
"""

import jax, jax.numpy as jnp
import numpy as np

EMB = 128
NUM_RADIAL = 6
NUM_SPHERICAL = 7
NUM_BILINEAR = 8
N_EDGES = 160000
N_LINE_EDGES = 320000


def setup_inputs(seed: int = 0) -> dict:
    key = jax.random.key(seed)
    ks = jax.random.split(key, 10)
    rbf = jax.random.normal(ks[0], (N_EDGES, NUM_RADIAL), dtype=jnp.float32)
    m = jax.random.normal(ks[1], (N_EDGES, EMB), dtype=jnp.float32)
    o = jax.random.normal(ks[2], (N_EDGES, 3), dtype=jnp.float32)
    lg_src = jax.random.randint(ks[3], (N_LINE_EDGES,), 0, N_EDGES, dtype=jnp.int32)
    lg_dst = jax.random.randint(ks[4], (N_LINE_EDGES,), 0, N_EDGES, dtype=jnp.int32)
    # learned parameters
    W_rbf = jax.random.normal(ks[5], (NUM_RADIAL, EMB), dtype=jnp.float32) * 0.1
    W_sbf = jax.random.normal(ks[6], (NUM_RADIAL * NUM_SPHERICAL, NUM_BILINEAR), dtype=jnp.float32) * 0.1
    W_m = jax.random.normal(ks[7], (EMB, EMB), dtype=jnp.float32) * (1.0 / np.sqrt(EMB))
    b_m = jnp.zeros((EMB,), dtype=jnp.float32)
    W_bilin = jax.random.normal(ks[8], (EMB, NUM_BILINEAR, EMB), dtype=jnp.float32) * (2.0 / EMB)
    return {"rbf": rbf, "m": m, "o": o, "lg_src": lg_src, "lg_dst": lg_dst,
            "W_rbf": W_rbf, "W_sbf": W_sbf, "W_m": W_m, "b_m": b_m, "W_bilin": W_bilin}


def reference(rbf, m, o, lg_src, lg_dst, W_rbf, W_sbf, W_m, b_m, W_bilin):
    E = rbf.shape[0]
    # ---- edge_transfer ----
    rbf_proj = rbf @ W_rbf                       # dense_rbf (no bias)
    m_t = m @ W_m + b_m                          # dense_m
    m_t = jax.nn.silu(m_t)                       # activation
    w = rbf_proj * m_t                           # edge weight 'w'
    rbf_env = jnp.ones((E, NUM_RADIAL * NUM_SPHERICAL), dtype=rbf.dtype)
    # ---- line-graph message function (over directed edge-pairs) ----
    R1 = o[lg_src]                               # edges.src['o']
    R2 = o[lg_dst]                               # edges.dst['o']
    x = jnp.sum(R1 * R2, axis=-1)
    y = jnp.cross(R1, R2)
    y = jnp.linalg.norm(y, axis=-1)
    angle = jnp.arctan2(y, x)
    cbf = jnp.stack([jnp.cos(float(n) * angle) for n in range(NUM_SPHERICAL)], axis=1)
    cbf = jnp.repeat(cbf, NUM_RADIAL, axis=1)    # repeat_interleave(num_radial, dim=1)
    sbf = rbf_env[lg_src] * cbf
    sbf = sbf @ W_sbf                            # dense_sbf (no bias)
    x_kj = jnp.einsum('wj,wl,ijl->wi', sbf, m[lg_src], W_bilin)
    # ---- reduce: sum mailbox over incoming line-graph edges ----
    m_update = jax.ops.segment_sum(x_kj, lg_dst, num_segments=E)
    return (m_update, w)

if __name__ == "__main__":
    import jax
    _d = setup_inputs()
    print(jax.jit(kernel)(*tuple(_d.values())))

</pallas_src>

<mosaic_0001>
#map = affine_map<(d0, d1) -> (0)>
#map1 = affine_map<(d0, d1) -> (0, 0)>
module attributes {stable_mosaic.version = 14 : i64} {
  func.func @_sc_scatter_body(%arg0: i32, %arg1: i32, %arg2: memref<320000xi32, #tpu.memory_space<hbm>>, %arg3: memref<320000x128xf32, #tpu.memory_space<hbm>>, %arg4: memref<8192x128xf32, #tpu.memory_space<hbm>>, %arg5: memref<160000x128xf32, #tpu.memory_space<hbm>>, %arg6: memref<20000xi32, #tpu.memory_space<vmem>>, %arg7: memref<158x128xi32, #tpu.memory_space<vmem>>, %arg8: memref<64x128xf32, #tpu.memory_space<vmem>>, %arg9: memref<64x128xf32, #tpu.memory_space<vmem>>, %arg10: memref<64xi32, #tpu.memory_space<vmem>>, %arg11: memref<64xi32, #tpu.memory_space<vmem>>, %arg12: memref<64xi32, #tpu.memory_space<vmem>>, %arg13: memref<64xi32, #tpu.memory_space<vmem>>, %arg14: memref<8200x128xf32, #tpu.memory_space<vmem_shared>>, %arg15: memref<!tpu.dma_semaphore, #tpu.memory_space<semaphore_mem>>, %arg16: memref<!tpu.dma_semaphore, #tpu.memory_space<semaphore_mem>>, %arg17: memref<!tpu.dma_semaphore, #tpu.memory_space<semaphore_mem>>, %arg18: memref<!tpu.dma_semaphore, #tpu.memory_space<semaphore_mem>>) attributes {dimension_semantics = [#tpu.dimension_semantics<core_parallel>, #tpu.dimension_semantics<subcore_parallel>], iteration_bounds = array<i64: 2, 16>, scalar_prefetch = 0 : i64, scratch_operands = 13 : i64, tpu.core_type = #tpu.core_type<sc_vector_subcore>, window_params = [{transform_indices = #map}, {transform_indices = #map1}, {transform_indices = #map1}, {transform_indices = #map1}]} {
    %iota3A = tpu.iota {dimensions = array<i32: 0>} : vector<16xi32>
    %mul3A = arith.constant 0 : i32
    %mul3A_0 = vector.broadcast %mul3A : i32 to vector<16xi32>
    %mul3A_1 = arith.muli %iota3A, %mul3A_0 : vector<16xi32>
    %mul3A_2 = arith.constant 20000 : i32
    %mul3A_3 = arith.muli %arg1, %mul3A_2 : i32
    "tpu.region"() ({
      %run_scoped3A = tpu.sem_alloc : memref<!tpu.dma_semaphore, #tpu.memory_space<semaphore_mem>>
      %dma_start3A = tpu.memref_slice %arg2[%mul3A_3] : memref<320000xi32, #tpu.memory_space<hbm>> -> memref<20000xi32, #tpu.memory_space<hbm>>
      %dma_start3A_9 = tpu.memref_slice %arg2[%mul3A_3] : memref<320000xi32, #tpu.memory_space<hbm>> -> memref<20000xi32, #tpu.memory_space<hbm>>
      tpu.enqueue_dma source(%dma_start3A_9 : memref<20000xi32, #tpu.memory_space<hbm>>) target(%arg6 : memref<20000xi32, #tpu.memory_space<vmem>>) target_semaphore(%run_scoped3A : memref<!tpu.dma_semaphore, #tpu.memory_space<semaphore_mem>>)
      %dma_wait3A = tpu.memref_slice %arg2[%mul3A_3] : memref<320000xi32, #tpu.memory_space<hbm>> -> memref<20000xi32, #tpu.memory_space<hbm>>
      %dma_wait3A_10 = tpu.memref_slice %arg2[%mul3A_3] : memref<320000xi32, #tpu.memory_space<hbm>> -> memref<20000xi32, #tpu.memory_space<hbm>>
      tpu.wait_dma2 semaphore(%run_scoped3A : memref<!tpu.dma_semaphore, #tpu.memory_space<semaphore_mem>>) src(%dma_wait3A_10 : memref<20000xi32, #tpu.memory_space<hbm>>) dst(%arg6 : memref<20000xi32, #tpu.memory_space<vmem>>)
      tpu.yield
    }) : () -> ()
    %scan3A = arith.constant 0 : i32
    %scan3A_4 = arith.constant 0 : i32
    %scan3A_5 = arith.constant 10 : i32
    %scan3A_6 = arith.addi %scan3A_4, %scan3A_5 : i32
    %scan3A_7 = arith.constant 1 : i32
    scf.for %scan3A_9 = %scan3A_4 to %scan3A_6 step %scan3A_7  : i32 {
      %mul3A_10 = arith.constant 2 : i32
      %mul3A_11 = arith.muli %scan3A_9, %mul3A_10 : i32
      %add3A = arith.addi %mul3A_11, %arg0 : i32
      %mul3A_12 = arith.constant 8192 : i32
      %mul3A_13 = arith.muli %add3A, %mul3A_12 : i32
      %mul3A_14 = arith.constant 512 : i32
      %mul3A_15 = arith.muli %arg1, %mul3A_14 : i32
      %mul3A_16 = arith.constant 512 : i32
      %mul3A_17 = arith.muli %arg1, %mul3A_16 : i32
      "tpu.region"() ({
        %run_scoped3A = tpu.sem_alloc : memref<!tpu.dma_semaphore, #tpu.memory_space<semaphore_mem>>
        %dma_start3A = arith.constant 0 : i32
        %dma_start3A_89 = tpu.memref_slice %arg14[%mul3A_17, %dma_start3A] : memref<8200x128xf32, #tpu.memory_space<vmem_shared>> -> memref<512x128xf32, #tpu.memory_space<vmem_shared>>
        %dma_start3A_90 = arith.constant 0 : i32
        %dma_start3A_91 = tpu.memref_slice %arg4[%mul3A_15, %dma_start3A_90] : memref<8192x128xf32, #tpu.memory_space<hbm>> -> memref<512x128xf32, #tpu.memory_space<hbm>>
        tpu.enqueue_dma source(%dma_start3A_91 : memref<512x128xf32, #tpu.memory_space<hbm>>) target(%dma_start3A_89 : memref<512x128xf32, #tpu.memory_space<vmem_shared>>) target_semaphore(%run_scoped3A : memref<!tpu.dma_semaphore, #tpu.memory_space<semaphore_mem>>)
        %dma_wait3A = arith.constant 0 : i32
        %dma_wait3A_92 = tpu.memref_slice %arg14[%mul3A_17, %dma_wait3A] : memref<8200x128xf32, #tpu.memory_space<vmem_shared>> -> memref<512x128xf32, #tpu.memory_space<vmem_shared>>
        %dma_wait3A_93 = arith.constant 0 : i32
        %dma_wait3A_94 = tpu.memref_slice %arg4[%mul3A_15, %dma_wait3A_93] : memref<8192x128xf32, #tpu.memory_space<hbm>> -> memref<512x128xf32, #tpu.memory_space<hbm>>
        tpu.wait_dma2 semaphore(%run_scoped3A : memref<!tpu.dma_semaphore, #tpu.memory_space<semaphore_mem>>) src(%dma_wait3A_94 : memref<512x128xf32, #tpu.memory_space<hbm>>) dst(%dma_wait3A_92 : memref<512x128xf32, #tpu.memory_space<vmem_shared>>)
        tpu.yield
      }) : () -> ()
      %barrier3A = arith.constant 0 : index
      tpu.barrier barrier_id(%barrier3A)
      %sub3A = arith.constant 1 : i32
      %sub3A_18 = vector.broadcast %sub3A : i32 to vector<16xi32>
      %sub3A_19 = arith.subi %mul3A_1, %sub3A_18 : vector<16xi32>
      %shift_left3A = arith.constant 13 : i32
      %shift_left3A_20 = vector.broadcast %shift_left3A : i32 to vector<16xi32>
      %shift_left3A_21 = arith.shli %iota3A, %shift_left3A_20 : vector<16xi32>
      %scan3A_22 = arith.constant 0 : i32
      %scan3A_23 = arith.constant 1250 : i32
      %scan3A_24 = arith.addi %scan3A_22, %scan3A_23 : i32
      %scan3A_25 = arith.constant 1 : i32
      %scan3A_26:3 = scf.for %scan3A_89 = %scan3A_22 to %scan3A_24 step %scan3A_25 iter_args(%scan3A_90 = %sub3A_19, %scan3A_91 = %shift_left3A_21, %scan3A_92 = %iota3A) -> (vector<16xi32>, vector<16xi32>, vector<16xi32>)  : i32 {
        %gather3A = tpu.vector_load_idx %arg6[%scan3A_92] : memref<20000xi32, #tpu.memory_space<vmem>>[vector<16xi32>], vector<16xi32>,
        %shift_right_arithmetic3A_93 = arith.constant 13 : i32
        %shift_right_arithmetic3A_94 = vector.broadcast %shift_right_arithmetic3A_93 : i32 to vector<16xi32>
        %shift_right_arithmetic3A_95 = arith.shrsi %gather3A, %shift_right_arithmetic3A_94 : vector<16xi32>
        %eq3A_96 = vector.broadcast %add3A : i32 to vector<16xi32>
        %eq3A_97 = arith.cmpi eq, %shift_right_arithmetic3A_95, %eq3A_96 : vector<16xi32>
        %convert_element_type3A_98 = arith.extui %eq3A_97 : vector<16xi1> to vector<16xi32>
        %broadcast_in_dim3A = arith.constant true
        %broadcast_in_dim3A_99 = vector.broadcast %broadcast_in_dim3A : i1 to vector<16xi1>
        %masked_cumsum3A = tpu.scan <sum>, %convert_element_type3A_98 masked %broadcast_in_dim3A_99 : vector<16xi32>, vector<16xi1> -> vector<16xi32>
        %add3A_100 = arith.addi %masked_cumsum3A, %scan3A_90 : vector<16xi32>
        %and3A_101 = arith.constant 8191 : i32
        %and3A_102 = vector.broadcast %and3A_101 : i32 to vector<16xi32>
        %and3A_103 = arith.andi %gather3A, %and3A_102 : vector<16xi32>
        %or3A = arith.ori %scan3A_91, %and3A_103 : vector<16xi32>
        %shift_right_arithmetic3A_104 = arith.constant 7 : i32
        %shift_right_arithmetic3A_105 = vector.broadcast %shift_right_arithmetic3A_104 : i32 to vector<16xi32>
        %shift_right_arithmetic3A_106 = arith.shrsi %add3A_100, %shift_right_arithmetic3A_105 : vector<16xi32>
        %and3A_107 = arith.constant 127 : i32
        %and3A_108 = vector.broadcast %and3A_107 : i32 to vector<16xi32>
        %and3A_109 = arith.andi %add3A_100, %and3A_108 : vector<16xi32>
        tpu.vector_store_idx %arg7[%shift_right_arithmetic3A_106, %and3A_109], %or3A masked %eq3A_97 : memref<158x128xi32, #tpu.memory_space<vmem>>[vector<16xi32>, vector<16xi32>], vector<16xi32>, vector<16xi1>
        %all_reduce_population_count3A = tpu.all_reduce %eq3A_97 {dim = 0 : i64, kind = #tpu.reduction_kind<sum>} : vector<16xi1> -> vector<16xi32>
        %add3A_110 = arith.addi %scan3A_90, %all_reduce_population_count3A : vector<16xi32>
        %add3A_111 = arith.constant 131072 : i32
        %add3A_112 = vector.broadcast %add3A_111 : i32 to vector<16xi32>
        %add3A_113 = arith.addi %scan3A_91, %add3A_112 : vector<16xi32>
        %add3A_114 = arith.constant 16 : i32
        %add3A_115 = vector.broadcast %add3A_114 : i32 to vector<16xi32>
        %add3A_116 = arith.addi %scan3A_92, %add3A_115 : vector<16xi32>
        scf.yield %add3A_110, %add3A_113, %add3A_116 : vector<16xi32>, vector<16xi32>, vector<16xi32>
      }
      %scan3A_27 = arith.constant 1250 : i32
      %reduce_max3A = arith.constant true
      %reduce_max3A_28 = vector.broadcast %reduce_max3A : i1 to vector<16xi1>
      %reduce_max3A_29 = arith.constant -2147483648 : i32
      %reduce_max3A_30 = vector.broadcast %reduce_max3A_29 : i32 to vector<16xi32>
      %reduce_max3A_31 = arith.xori %scan3A_26#0, %reduce_max3A_30 : vector<16xi32>
      %reduce_max3A_32 = tpu.scan <max>, %reduce_max3A_31 masked %reduce_max3A_28 : vector<16xi32>, vector<16xi1> -> vector<16xi32>
      %reduce_max3A_33 = arith.xori %reduce_max3A_32, %reduce_max3A_30 : vector<16xi32>
      %reduce_max3A_34 = vector.extract %reduce_max3A_33[15] : i32 from vector<16xi32>
      %add3A_35 = arith.constant 1 : i32
      %add3A_36 = arith.addi %reduce_max3A_34, %add3A_35 : i32
      %add3A_37 = arith.constant 63 : i32
      %add3A_38 = arith.addi %add3A_36, %add3A_37 : i32
      %jit3A = arith.constant 64 : i32
      %div3A = arith.divsi %add3A_38, %jit3A : i32
      %sign3A = arith.constant 0 : i32
      %sign3A_39 = arith.cmpi sgt, %add3A_38, %sign3A : i32
      %sign3A_40 = arith.extui %sign3A_39 : i1 to i32
      %sign3A_41 = arith.constant 0 : i32
      %sign3A_42 = arith.cmpi slt, %add3A_38, %sign3A_41 : i32
      %sign3A_43 = arith.extui %sign3A_42 : i1 to i32
      %sign3A_44 = arith.subi %sign3A_40, %sign3A_43 : i32
      %sign3A_45 = arith.constant 0 : i32
      %sign3A_46 = arith.cmpi sgt, %jit3A, %sign3A_45 : i32
      %sign3A_47 = arith.extui %sign3A_46 : i1 to i32
      %sign3A_48 = arith.constant 0 : i32
      %sign3A_49 = arith.cmpi slt, %jit3A, %sign3A_48 : i32
      %sign3A_50 = arith.extui %sign3A_49 : i1 to i32
      %sign3A_51 = arith.subi %sign3A_47, %sign3A_50 : i32
      %ne3A = arith.cmpi ne, %sign3A_44, %sign3A_51 : i32
      %rem3A = arith.remsi %add3A_38, %jit3A : i32
      %ne3A_52 = arith.constant 0 : i32
      %ne3A_53 = arith.cmpi ne, %rem3A, %ne3A_52 : i32
      %and3A = arith.andi %ne3A, %ne3A_53 : i1
      %sub3A_54 = arith.constant 1 : i32
      %sub3A_55 = arith.subi %div3A, %sub3A_54 : i32
      %select_n3A = arith.select %and3A, %sub3A_55, %div3A : i32
      %add3A_56 = arith.constant 1 : i32
      %add3A_57 = arith.addi %select_n3A, %add3A_56 : i32
      %shift_right_arithmetic3A = arith.constant 1 : i32
      %shift_right_arithmetic3A_58 = arith.shrsi %add3A_57, %shift_right_arithmetic3A : i32
      %while3A = arith.constant 0 : i32
      %while3A_59 = arith.constant 0 : i32
      %while3A_60 = arith.subi %shift_right_arithmetic3A_58, %while3A_59 : i32
      %while3A_61 = arith.addi %while3A_59, %while3A_60 : i32
      %while3A_62 = arith.constant 1 : i32
      %while3A_63 = arith.divsi %while3A_60, %while3A_62 : i32
      %while3A_64 = arith.muli %while3A_63, %while3A_62 : i32
      %while3A_65 = arith.addi %while3A_59, %while3A_64 : i32
      %while3A_66 = arith.constant 1 : i32
      scf.for %while3A_89 = %while3A_59 to %while3A_65 step %while3A_66  : i32 {
        %mul3A_90 = arith.constant 2 : i32
        %mul3A_91 = arith.muli %while3A_89, %mul3A_90 : i32
        %add3A_92 = arith.constant 1 : i32
        %add3A_93 = arith.addi %mul3A_91, %add3A_92 : i32
        %lt3A = arith.cmpi slt, %mul3A_91, %select_n3A : i32
        %convert_element_type3A_94 = arith.extui %lt3A : i1 to i32
        %cond3A_95 = arith.constant 0 : i32
        %cond3A_96 = arith.cmpi ne, %convert_element_type3A_94, %cond3A_95 : i32
        scf.if %cond3A_96 {
          %ge3A_109 = arith.constant 2 : i32
          %ge3A_110 = arith.cmpi sge, %mul3A_91, %ge3A_109 : i32
          %convert_element_type3A_111 = arith.extui %ge3A_110 : i1 to i32
          %cond3A_112 = arith.constant 0 : i32
          %cond3A_113 = arith.cmpi ne, %convert_element_type3A_111, %cond3A_112 : i32
          scf.if %cond3A_113 {
            %dma_wait3A = arith.constant 0 : i32
            %dma_wait3A_249 = arith.constant 0 : i32
            %dma_wait3A_250 = tpu.memref_slice %arg14[%dma_wait3A, %dma_wait3A_249] : memref<8200x128xf32, #tpu.memory_space<vmem_shared>> -> memref<8200x128xf32, #tpu.memory_space<vmem_shared>>
            tpu.wait_indirect_dma semaphore(%arg17 : memref<!tpu.dma_semaphore, #tpu.memory_space<semaphore_mem>>) src(%arg8 : memref<64x128xf32, #tpu.memory_space<vmem>>) dst(%dma_wait3A_250 : memref<8200x128xf32, #tpu.memory_space<vmem_shared>>)
          } else {
          }
          %add3A_114 = arith.constant 0 : i32
          %add3A_115 = vector.broadcast %add3A_114 : i32 to vector<16xi32>
          %add3A_116 = arith.addi %iota3A, %add3A_115 : vector<16xi32>
          %mul3A_117 = arith.constant 64 : i32
          %mul3A_118 = arith.muli %mul3A_91, %mul3A_117 : i32
          %add3A_119 = vector.broadcast %mul3A_118 : i32 to vector<16xi32>
          %add3A_120 = arith.addi %add3A_119, %add3A_116 : vector<16xi32>
          %shift_right_arithmetic3A_121 = arith.constant 7 : i32
          %shift_right_arithmetic3A_122 = vector.broadcast %shift_right_arithmetic3A_121 : i32 to vector<16xi32>
          %shift_right_arithmetic3A_123 = arith.shrsi %add3A_120, %shift_right_arithmetic3A_122 : vector<16xi32>
          %and3A_124 = arith.constant 127 : i32
          %and3A_125 = vector.broadcast %and3A_124 : i32 to vector<16xi32>
          %and3A_126 = arith.andi %add3A_120, %and3A_125 : vector<16xi32>
          %gather3A = tpu.vector_load_idx %arg7[%shift_right_arithmetic3A_123, %and3A_126] : memref<158x128xi32, #tpu.memory_space<vmem>>[vector<16xi32>, vector<16xi32>], vector<16xi32>,
          %ge3A_127 = vector.broadcast %add3A_36 : i32 to vector<16xi32>
          %ge3A_128 = arith.cmpi sge, %add3A_120, %ge3A_127 : vector<16xi32>
          %shift_right_logical3A = arith.constant 13 : i32
          %shift_right_logical3A_129 = vector.broadcast %shift_right_logical3A : i32 to vector<16xi32>
          %shift_right_logical3A_130 = arith.shrui %gather3A, %shift_right_logical3A_129 : vector<16xi32>
          %add3A_131 = vector.broadcast %mul3A_3 : i32 to vector<16xi32>
          %add3A_132 = arith.addi %add3A_131, %shift_right_logical3A_130 : vector<16xi32>
          %jit3A_133 = arith.constant 0 : i32
          %broadcast_in_dim3A = vector.broadcast %jit3A_133 : i32 to vector<16xi32>
          %select_n3A_134 = arith.select %ge3A_128, %broadcast_in_dim3A, %add3A_132 : vector<16xi1>, vector<16xi32>
          %and3A_135 = arith.constant 7 : i32
          %and3A_136 = vector.broadcast %and3A_135 : i32 to vector<16xi32>
          %and3A_137 = arith.andi %add3A_116, %and3A_136 : vector<16xi32>
          %add3A_138 = arith.constant 8192 : i32
          %add3A_139 = vector.broadcast %add3A_138 : i32 to vector<16xi32>
          %add3A_140 = arith.addi %add3A_139, %and3A_137 : vector<16xi32>
          %and3A_141 = arith.constant 8191 : i32
          %and3A_142 = vector.broadcast %and3A_141 : i32 to vector<16xi32>
          %and3A_143 = arith.andi %gather3A, %and3A_142 : vector<16xi32>
          %select_n3A_144 = arith.select %ge3A_128, %add3A_140, %and3A_143 : vector<16xi1>, vector<16xi32>
          tpu.vector_store_idx %arg10[%add3A_116], %select_n3A_134 : memref<64xi32, #tpu.memory_space<vmem>>[vector<16xi32>], vector<16xi32>,
          tpu.vector_store_idx %arg11[%add3A_116], %select_n3A_144 : memref<64xi32, #tpu.memory_space<vmem>>[vector<16xi32>], vector<16xi32>,
          %add3A_145 = arith.constant 16 : i32
          %add3A_146 = vector.broadcast %add3A_145 : i32 to vector<16xi32>
          %add3A_147 = arith.addi %iota3A, %add3A_146 : vector<16xi32>
          %mul3A_148 = arith.constant 64 : i32
          %mul3A_149 = arith.muli %mul3A_91, %mul3A_148 : i32
          %add3A_150 = vector.broadcast %mul3A_149 : i32 to vector<16xi32>
          %add3A_151 = arith.addi %add3A_150, %add3A_147 : vector<16xi32>
          %shift_right_arithmetic3A_152 = arith.constant 7 : i32
          %shift_right_arithmetic3A_153 = vector.broadcast %shift_right_arithmetic3A_152 : i32 to vector<16xi32>
          %shift_right_arithmetic3A_154 = arith.shrsi %add3A_151, %shift_right_arithmetic3A_153 : vector<16xi32>
          %and3A_155 = arith.constant 127 : i32
          %and3A_156 = vector.broadcast %and3A_155 : i32 to vector<16xi32>
          %and3A_157 = arith.andi %add3A_151, %and3A_156 : vector<16xi32>
          %gather3A_158 = tpu.vector_load_idx %arg7[%shift_right_arithmetic3A_154, %and3A_157] : memref<158x128xi32, #tpu.memory_space<vmem>>[vector<16xi32>, vector<16xi32>], vector<16xi32>,
          %ge3A_159 = vector.broadcast %add3A_36 : i32 to vector<16xi32>
          %ge3A_160 = arith.cmpi sge, %add3A_151, %ge3A_159 : vector<16xi32>
          %shift_right_logical3A_161 = arith.constant 13 : i32
          %shift_right_logical3A_162 = vector.broadcast %shift_right_logical3A_161 : i32 to vector<16xi32>
          %shift_right_logical3A_163 = arith.shrui %gather3A_158, %shift_right_logical3A_162 : vector<16xi32>
          %add3A_164 = vector.broadcast %mul3A_3 : i32 to vector<16xi32>
          %add3A_165 = arith.addi %add3A_164, %shift_right_logical3A_163 : vector<16xi32>
          %jit3A_166 = arith.constant 0 : i32
          %broadcast_in_dim3A_167 = vector.broadcast %jit3A_166 : i32 to vector<16xi32>
          %select_n3A_168 = arith.select %ge3A_160, %broadcast_in_dim3A_167, %add3A_165 : vector<16xi1>, vector<16xi32>
          %and3A_169 = arith.constant 7 : i32
          %and3A_170 = vector.broadcast %and3A_169 : i32 to vector<16xi32>
          %and3A_171 = arith.andi %add3A_147, %and3A_170 : vector<16xi32>
          %add3A_172 = arith.constant 8192 : i32
          %add3A_173 = vector.broadcast %add3A_172 : i32 to vector<16xi32>
          %add3A_174 = arith.addi %add3A_173, %and3A_171 : vector<16xi32>
          %and3A_175 = arith.constant 8191 : i32
          %and3A_176 = vector.broadcast %and3A_175 : i32 to vector<16xi32>
          %and3A_177 = arith.andi %gather3A_158, %and3A_176 : vector<16xi32>
          %select_n3A_178 = arith.select %ge3A_160, %add3A_174, %and3A_177 : vector<16xi1>, vector<16xi32>
          tpu.vector_store_idx %arg10[%add3A_147], %select_n3A_168 : memref<64xi32, #tpu.memory_space<vmem>>[vector<16xi32>], vector<16xi32>,
          tpu.vector_store_idx %arg11[%add3A_147], %select_n3A_178 : memref<64xi32, #tpu.memory_space<vmem>>[vector<16xi32>], vector<16xi32>,
          %add3A_179 = arith.constant 32 : i32
          %add3A_180 = vector.broadcast %add3A_179 : i32 to vector<16xi32>
          %add3A_181 = arith.addi %iota3A, %add3A_180 : vector<16xi32>
          %mul3A_182 = arith.constant 64 : i32
          %mul3A_183 = arith.muli %mul3A_91, %mul3A_182 : i32
          %add3A_184 = vector.broadcast %mul3A_183 : i32 to vector<16xi32>
          %add3A_185 = arith.addi %add3A_184, %add3A_181 : vector<16xi32>
          %shift_right_arithmetic3A_186 = arith.constant 7 : i32
          %shift_right_arithmetic3A_187 = vector.broadcast %shift_right_arithmetic3A_186 : i32 to vector<16xi32>
          %shift_right_arithmetic3A_188 = arith.shrsi %add3A_185, %shift_right_arithmetic3A_187 : vector<16xi32>
          %and3A_189 = arith.constant 127 : i32
          %and3A_190 = vector.broadcast %and3A_189 : i32 to vector<16xi32>
          %and3A_191 = arith.andi %add3A_185, %and3A_190 : vector<16xi32>
          %gather3A_192 = tpu.vector_load_idx %arg7[%shift_right_arithmetic3A_188, %and3A_191] : memref<158x128xi32, #tpu.memory_space<vmem>>[vector<16xi32>, vector<16xi32>], vector<16xi32>,
          %ge3A_193 = vector.broadcast %add3A_36 : i32 to vector<16xi32>
          %ge3A_194 = arith.cmpi sge, %add3A_185, %ge3A_193 : vector<16xi32>
          %shift_right_logical3A_195 = arith.constant 13 : i32
          %shift_right_logical3A_196 = vector.broadcast %shift_right_logical3A_195 : i32 to vector<16xi32>
          %shift_right_logical3A_197 = arith.shrui %gather3A_192, %shift_right_logical3A_196 : vector<16xi32>
          %add3A_198 = vector.broadcast %mul3A_3 : i32 to vector<16xi32>
          %add3A_199 = arith.addi %add3A_198, %shift_right_logical3A_197 : vector<16xi32>
          %jit3A_200 = arith.constant 0 : i32
          %broadcast_in_dim3A_201 = vector.broadcast %jit3A_200 : i32 to vector<16xi32>
          %select_n3A_202 = arith.select %ge3A_194, %broadcast_in_dim3A_201, %add3A_199 : vector<16xi1>, vector<16xi32>
          %and3A_203 = arith.constant 7 : i32
          %and3A_204 = vector.broadcast %and3A_203 : i32 to vector<16xi32>
          %and3A_205 = arith.andi %add3A_181, %and3A_204 : vector<16xi32>
          %add3A_206 = arith.constant 8192 : i32
          %add3A_207 = vector.broadcast %add3A_206 : i32 to vector<16xi32>
          %add3A_208 = arith.addi %add3A_207, %and3A_205 : vector<16xi32>
          %and3A_209 = arith.constant 8191 : i32
          %and3A_210 = vector.broadcast %and3A_209 : i32 to vector<16xi32>
          %and3A_211 = arith.andi %gather3A_192, %and3A_210 : vector<16xi32>
          %select_n3A_212 = arith.select %ge3A_194, %add3A_208, %and3A_211 : vector<16xi1>, vector<16xi32>
          tpu.vector_store_idx %arg10[%add3A_181], %select_n3A_202 : memref<64xi32, #tpu.memory_space<vmem>>[vector<16xi32>], vector<16xi32>,
          tpu.vector_store_idx %arg11[%add3A_181], %select_n3A_212 : memref<64xi32, #tpu.memory_space<vmem>>[vector<16xi32>], vector<16xi32>,
          %add3A_213 = arith.constant 48 : i32
          %add3A_214 = vector.broadcast %add3A_213 : i32 to vector<16xi32>
          %add3A_215 = arith.addi %iota3A, %add3A_214 : vector<16xi32>
          %mul3A_216 = arith.constant 64 : i32
          %mul3A_217 = arith.muli %mul3A_91, %mul3A_216 : i32
          %add3A_218 = vector.broadcast %mul3A_217 : i32 to vector<16xi32>
          %add3A_219 = arith.addi %add3A_218, %add3A_215 : vector<16xi32>
          %shift_right_arithmetic3A_220 = arith.constant 7 : i32
          %shift_right_arithmetic3A_221 = vector.broadcast %shift_right_arithmetic3A_220 : i32 to vector<16xi32>
          %shift_right_arithmetic3A_222 = arith.shrsi %add3A_219, %shift_right_arithmetic3A_221 : vector<16xi32>
          %and3A_223 = arith.constant 127 : i32
          %and3A_224 = vector.broadcast %and3A_223 : i32 to vector<16xi32>
          %and3A_225 = arith.andi %add3A_219, %and3A_224 : vector<16xi32>
          %gather3A_226 = tpu.vector_load_idx %arg7[%shift_right_arithmetic3A_222, %and3A_225] : memref<158x128xi32, #tpu.memory_space<vmem>>[vector<16xi32>, vector<16xi32>], vector<16xi32>,
          %ge3A_227 = vector.broadcast %add3A_36 : i32 to vector<16xi32>
          %ge3A_228 = arith.cmpi sge, %add3A_219, %ge3A_227 : vector<16xi32>
          %shift_right_logical3A_229 = arith.constant 13 : i32
          %shift_right_logical3A_230 = vector.broadcast %shift_right_logical3A_229 : i32 to vector<16xi32>
          %shift_right_logical3A_231 = arith.shrui %gather3A_226, %shift_right_logical3A_230 : vector<16xi32>
          %add3A_232 = vector.broadcast %mul3A_3 : i32 to vector<16xi32>
          %add3A_233 = arith.addi %add3A_232, %shift_right_logical3A_231 : vector<16xi32>
          %jit3A_234 = arith.constant 0 : i32
          %broadcast_in_dim3A_235 = vector.broadcast %jit3A_234 : i32 to vector<16xi32>
          %select_n3A_236 = arith.select %ge3A_228, %broadcast_in_dim3A_235, %add3A_233 : vector<16xi1>, vector<16xi32>
          %and3A_237 = arith.constant 7 : i32
          %and3A_238 = vector.broadcast %and3A_237 : i32 to vector<16xi32>
          %and3A_239 = arith.andi %add3A_215, %and3A_238 : vector<16xi32>
          %add3A_240 = arith.constant 8192 : i32
          %add3A_241 = vector.broadcast %add3A_240 : i32 to vector<16xi32>
          %add3A_242 = arith.addi %add3A_241, %and3A_239 : vector<16xi32>
          %and3A_243 = arith.constant 8191 : i32
          %and3A_244 = vector.broadcast %and3A_243 : i32 to vector<16xi32>
          %and3A_245 = arith.andi %gather3A_226, %and3A_244 : vector<16xi32>
          %select_n3A_246 = arith.select %ge3A_228, %add3A_242, %and3A_245 : vector<16xi1>, vector<16xi32>
          tpu.vector_store_idx %arg10[%add3A_215], %select_n3A_236 : memref<64xi32, #tpu.memory_space<vmem>>[vector<16xi32>], vector<16xi32>,
          tpu.vector_store_idx %arg11[%add3A_215], %select_n3A_246 : memref<64xi32, #tpu.memory_space<vmem>>[vector<16xi32>], vector<16xi32>,
          %dma_start3A = arith.constant 0 : i32
          %dma_start3A_247 = arith.constant 0 : i32
          %dma_start3A_248 = tpu.memref_slice %arg3[%dma_start3A, %dma_start3A_247] : memref<320000x128xf32, #tpu.memory_space<hbm>> -> memref<320000x128xf32, #tpu.memory_space<hbm>>
          tpu.enqueue_indirect_dma source(%dma_start3A_248 : memref<320000x128xf32, #tpu.memory_space<hbm>>) target(%arg8 : memref<64x128xf32, #tpu.memory_space<vmem>>) offsets(%arg10 : memref<64xi32, #tpu.memory_space<vmem>>) semaphore(%arg15 : memref<!tpu.dma_semaphore, #tpu.memory_space<semaphore_mem>>)
        } else {
        }
        %lt3A_97 = arith.cmpi slt, %add3A_93, %select_n3A : i32
        %convert_element_type3A_98 = arith.extui %lt3A_97 : i1 to i32
        %cond3A_99 = arith.constant 0 : i32
        %cond3A_100 = arith.cmpi ne, %convert_element_type3A_98, %cond3A_99 : i32
        scf.if %cond3A_100 {
          %ge3A_109 = arith.constant 2 : i32
          %ge3A_110 = arith.cmpi sge, %add3A_93, %ge3A_109 : i32
          %convert_element_type3A_111 = arith.extui %ge3A_110 : i1 to i32
          %cond3A_112 = arith.constant 0 : i32
          %cond3A_113 = arith.cmpi ne, %convert_element_type3A_111, %cond3A_112 : i32
          scf.if %cond3A_113 {
            %dma_wait3A = arith.constant 0 : i32
            %dma_wait3A_249 = arith.constant 0 : i32
            %dma_wait3A_250 = tpu.memref_slice %arg14[%dma_wait3A, %dma_wait3A_249] : memref<8200x128xf32, #tpu.memory_space<vmem_shared>> -> memref<8200x128xf32, #tpu.memory_space<vmem_shared>>
            tpu.wait_indirect_dma semaphore(%arg18 : memref<!tpu.dma_semaphore, #tpu.memory_space<semaphore_mem>>) src(%arg9 : memref<64x128xf32, #tpu.memory_space<vmem>>) dst(%dma_wait3A_250 : memref<8200x128xf32, #tpu.memory_space<vmem_shared>>)
          } else {
          }
          %add3A_114 = arith.constant 0 : i32
          %add3A_115 = vector.broadcast %add3A_114 : i32 to vector<16xi32>
          %add3A_116 = arith.addi %iota3A, %add3A_115 : vector<16xi32>
          %mul3A_117 = arith.constant 64 : i32
          %mul3A_118 = arith.muli %add3A_93, %mul3A_117 : i32
          %add3A_119 = vector.broadcast %mul3A_118 : i32 to vector<16xi32>
          %add3A_120 = arith.addi %add3A_119, %add3A_116 : vector<16xi32>
          %shift_right_arithmetic3A_121 = arith.constant 7 : i32
          %shift_right_arithmetic3A_122 = vector.broadcast %shift_right_arithmetic3A_121 : i32 to vector<16xi32>
          %shift_right_arithmetic3A_123 = arith.shrsi %add3A_120, %shift_right_arithmetic3A_122 : vector<16xi32>
          %and3A_124 = arith.constant 127 : i32
          %and3A_125 = vector.broadcast %and3A_124 : i32 to vector<16xi32>
          %and3A_126 = arith.andi %add3A_120, %and3A_125 : vector<16xi32>
          %gather3A = tpu.vector_load_idx %arg7[%shift_right_arithmetic3A_123, %and3A_126] : memref<158x128xi32, #tpu.memory_space<vmem>>[vector<16xi32>, vector<16xi32>], vector<16xi32>,
          %ge3A_127 = vector.broadcast %add3A_36 : i32 to vector<16xi32>
          %ge3A_128 = arith.cmpi sge, %add3A_120, %ge3A_127 : vector<16xi32>
          %shift_right_logical3A = arith.constant 13 : i32
          %shift_right_logical3A_129 = vector.broadcast %shift_right_logical3A : i32 to vector<16xi32>
          %shift_right_logical3A_130 = arith.shrui %gather3A, %shift_right_logical3A_129 : vector<16xi32>
          %add3A_131 = vector.broadcast %mul3A_3 : i32 to vector<16xi32>
          %add3A_132 = arith.addi %add3A_131, %shift_right_logical3A_130 : vector<16xi32>
          %jit3A_133 = arith.constant 0 : i32
          %broadcast_in_dim3A = vector.broadcast %jit3A_133 : i32 to vector<16xi32>
          %select_n3A_134 = arith.select %ge3A_128, %broadcast_in_dim3A, %add3A_132 : vector<16xi1>, vector<16xi32>
          %and3A_135 = arith.constant 7 : i32
          %and3A_136 = vector.broadcast %and3A_135 : i32 to vector<16xi32>
          %and3A_137 = arith.andi %add3A_116, %and3A_136 : vector<16xi32>
          %add3A_138 = arith.constant 8192 : i32
          %add3A_139 = vector.broadcast %add3A_138 : i32 to vector<16xi32>
          %add3A_140 = arith.addi %add3A_139, %and3A_137 : vector<16xi32>
          %and3A_141 = arith.constant 8191 : i32
          %and3A_142 = vector.broadcast %and3A_141 : i32 to vector<16xi32>
          %and3A_143 = arith.andi %gather3A, %and3A_142 : vector<16xi32>
          %select_n3A_144 = arith.select %ge3A_128, %add3A_140, %and3A_143 : vector<16xi1>, vector<16xi32>
          tpu.vector_store_idx %arg12[%add3A_116], %select_n3A_134 : memref<64xi32, #tpu.memory_space<vmem>>[vector<16xi32>], vector<16xi32>,
          tpu.vector_store_idx %arg13[%add3A_116], %select_n3A_144 : memref<64xi32, #tpu.memory_space<vmem>>[vector<16xi32>], vector<16xi32>,
          %add3A_145 = arith.constant 16 : i32
          %add3A_146 = vector.broadcast %add3A_145 : i32 to vector<16xi32>
          %add3A_147 = arith.addi %iota3A, %add3A_146 : vector<16xi32>
          %mul3A_148 = arith.constant 64 : i32
          %mul3A_149 = arith.muli %add3A_93, %mul3A_148 : i32
          %add3A_150 = vector.broadcast %mul3A_149 : i32 to vector<16xi32>
          %add3A_151 = arith.addi %add3A_150, %add3A_147 : vector<16xi32>
          %shift_right_arithmetic3A_152 = arith.constant 7 : i32
          %shift_right_arithmetic3A_153 = vector.broadcast %shift_right_arithmetic3A_152 : i32 to vector<16xi32>
          %shift_right_arithmetic3A_154 = arith.shrsi %add3A_151, %shift_right_arithmetic3A_153 : vector<16xi32>
          %and3A_155 = arith.constant 127 : i32
          %and3A_156 = vector.broadcast %and3A_155 : i32 to vector<16xi32>
          %and3A_157 = arith.andi %add3A_151, %and3A_156 : vector<16xi32>
          %gather3A_158 = tpu.vector_load_idx %arg7[%shift_right_arithmetic3A_154, %and3A_157] : memref<158x128xi32, #tpu.memory_space<vmem>>[vector<16xi32>, vector<16xi32>], vector<16xi32>,
          %ge3A_159 = vector.broadcast %add3A_36 : i32 to vector<16xi32>
          %ge3A_160 = arith.cmpi sge, %add3A_151, %ge3A_159 : vector<16xi32>
          %shift_right_logical3A_161 = arith.constant 13 : i32
          %shift_right_logical3A_162 = vector.broadcast %shift_right_logical3A_161 : i32 to vector<16xi32>
          %shift_right_logical3A_163 = arith.shrui %gather3A_158, %shift_right_logical3A_162 : vector<16xi32>
          %add3A_164 = vector.broadcast %mul3A_3 : i32 to vector<16xi32>
          %add3A_165 = arith.addi %add3A_164, %shift_right_logical3A_163 : vector<16xi32>
          %jit3A_166 = arith.constant 0 : i32
          %broadcast_in_dim3A_167 = vector.broadcast %jit3A_166 : i32 to vector<16xi32>
          %select_n3A_168 = arith.select %ge3A_160, %broadcast_in_dim3A_167, %add3A_165 : vector<16xi1>, vector<16xi32>
          %and3A_169 = arith.constant 7 : i32
          %and3A_170 = vector.broadcast %and3A_169 : i32 to vector<16xi32>
          %and3A_171 = arith.andi %add3A_147, %and3A_170 : vector<16xi32>
          %add3A_172 = arith.constant 8192 : i32
          %add3A_173 = vector.broadcast %add3A_172 : i32 to vector<16xi32>
          %add3A_174 = arith.addi %add3A_173, %and3A_171 : vector<16xi32>
          %and3A_175 = arith.constant 8191 : i32
          %and3A_176 = vector.broadcast %and3A_175 : i32 to vector<16xi32>
          %and3A_177 = arith.andi %gather3A_158, %and3A_176 : vector<16xi32>
          %select_n3A_178 = arith.select %ge3A_160, %add3A_174, %and3A_177 : vector<16xi1>, vector<16xi32>
          tpu.vector_store_idx %arg12[%add3A_147], %select_n3A_168 : memref<64xi32, #tpu.memory_space<vmem>>[vector<16xi32>], vector<16xi32>,
          tpu.vector_store_idx %arg13[%add3A_147], %select_n3A_178 : memref<64xi32, #tpu.memory_space<vmem>>[vector<16xi32>], vector<16xi32>,
          %add3A_179 = arith.constant 32 : i32
          %add3A_180 = vector.broadcast %add3A_179 : i32 to vector<16xi32>
          %add3A_181 = arith.addi %iota3A, %add3A_180 : vector<16xi32>
          %mul3A_182 = arith.constant 64 : i32
          %mul3A_183 = arith.muli %add3A_93, %mul3A_182 : i32
          %add3A_184 = vector.broadcast %mul3A_183 : i32 to vector<16xi32>
          %add3A_185 = arith.addi %add3A_184, %add3A_181 : vector<16xi32>
          %shift_right_arithmetic3A_186 = arith.constant 7 : i32
          %shift_right_arithmetic3A_187 = vector.broadcast %shift_right_arithmetic3A_186 : i32 to vector<16xi32>
          %shift_right_arithmetic3A_188 = arith.shrsi %add3A_185, %shift_right_arithmetic3A_187 : vector<16xi32>
          %and3A_189 = arith.constant 127 : i32
          %and3A_190 = vector.broadcast %and3A_189 : i32 to vector<16xi32>
          %and3A_191 = arith.andi %add3A_185, %and3A_190 : vector<16xi32>
          %gather3A_192 = tpu.vector_load_idx %arg7[%shift_right_arithmetic3A_188, %and3A_191] : memref<158x128xi32, #tpu.memory_space<vmem>>[vector<16xi32>, vector<16xi32>], vector<16xi32>,
          %ge3A_193 = vector.broadcast %add3A_36 : i32 to vector<16xi32>
          %ge3A_194 = arith.cmpi sge, %add3A_185, %ge3A_193 : vector<16xi32>
          %shift_right_logical3A_195 = arith.constant 13 : i32
          %shift_right_logical3A_196 = vector.broadcast %shift_right_logical3A_195 : i32 to vector<16xi32>
          %shift_right_logical3A_197 = arith.shrui %gather3A_192, %shift_right_logical3A_196 : vector<16xi32>
          %add3A_198 = vector.broadcast %mul3A_3 : i32 to vector<16xi32>
          %add3A_199 = arith.addi %add3A_198, %shift_right_logical3A_197 : vector<16xi32>
          %jit3A_200 = arith.constant 0 : i32
          %broadcast_in_dim3A_201 = vector.broadcast %jit3A_200 : i32 to vector<16xi32>
          %select_n3A_202 = arith.select %ge3A_194, %broadcast_in_dim3A_201, %add3A_199 : vector<16xi1>, vector<16xi32>
          %and3A_203 = arith.constant 7 : i32
          %and3A_204 = vector.broadcast %and3A_203 : i32 to vector<16xi32>
          %and3A_205 = arith.andi %add3A_181, %and3A_204 : vector<16xi32>
          %add3A_206 = arith.constant 8192 : i32
          %add3A_207 = vector.broadcast %add3A_206 : i32 to vector<16xi32>
          %add3A_208 = arith.addi %add3A_207, %and3A_205 : vector<16xi32>
          %and3A_209 = arith.constant 8191 : i32
          %and3A_210 = vector.broadcast %and3A_209 : i32 to vector<16xi32>
          %and3A_211 = arith.andi %gather3A_192, %and3A_210 : vector<16xi32>
          %select_n3A_212 = arith.select %ge3A_194, %add3A_208, %and3A_211 : vector<16xi1>, vector<16xi32>
          tpu.vector_store_idx %arg12[%add3A_181], %select_n3A_202 : memref<64xi32, #tpu.memory_space<vmem>>[vector<16xi32>], vector<16xi32>,
          tpu.vector_store_idx %arg13[%add3A_181], %select_n3A_212 : memref<64xi32, #tpu.memory_space<vmem>>[vector<16xi32>], vector<16xi32>,
          %add3A_213 = arith.constant 48 : i32
          %add3A_214 = vector.broadcast %add3A_213 : i32 to vector<16xi32>
          %add3A_215 = arith.addi %iota3A, %add3A_214 : vector<16xi32>
          %mul3A_216 = arith.constant 64 : i32
          %mul3A_217 = arith.muli %add3A_93, %mul3A_216 : i32
          %add3A_218 = vector.broadcast %mul3A_217 : i32 to vector<16xi32>
          %add3A_219 = arith.addi %add3A_218, %add3A_215 : vector<16xi32>
          %shift_right_arithmetic3A_220 = arith.constant 7 : i32
          %shift_right_arithmetic3A_221 = vector.broadcast %shift_right_arithmetic3A_220 : i32 to vector<16xi32>
          %shift_right_arithmetic3A_222 = arith.shrsi %add3A_219, %shift_right_arithmetic3A_221 : vector<16xi32>
          %and3A_223 = arith.constant 127 : i32
          %and3A_224 = vector.broadcast %and3A_223 : i32 to vector<16xi32>
          %and3A_225 = arith.andi %add3A_219, %and3A_224 : vector<16xi32>
          %gather3A_226 = tpu.vector_load_idx %arg7[%shift_right_arithmetic3A_222, %and3A_225] : memref<158x128xi32, #tpu.memory_space<vmem>>[vector<16xi32>, vector<16xi32>], vector<16xi32>,
          %ge3A_227 = vector.broadcast %add3A_36 : i32 to vector<16xi32>
          %ge3A_228 = arith.cmpi sge, %add3A_219, %ge3A_227 : vector<16xi32>
          %shift_right_logical3A_229 = arith.constant 13 : i32
          %shift_right_logical3A_230 = vector.broadcast %shift_right_logical3A_229 : i32 to vector<16xi32>
          %shift_right_logical3A_231 = arith.shrui %gather3A_226, %shift_right_logical3A_230 : vector<16xi32>
          %add3A_232 = vector.broadcast %mul3A_3 : i32 to vector<16xi32>
          %add3A_233 = arith.addi %add3A_232, %shift_right_logical3A_231 : vector<16xi32>
          %jit3A_234 = arith.constant 0 : i32
          %broadcast_in_dim3A_235 = vector.broadcast %jit3A_234 : i32 to vector<16xi32>
          %select_n3A_236 = arith.select %ge3A_228, %broadcast_in_dim3A_235, %add3A_233 : vector<16xi1>, vector<16xi32>
          %and3A_237 = arith.constant 7 : i32
          %and3A_238 = vector.broadcast %and3A_237 : i32 to vector<16xi32>
          %and3A_239 = arith.andi %add3A_215, %and3A_238 : vector<16xi32>
          %add3A_240 = arith.constant 8192 : i32
          %add3A_241 = vector.broadcast %add3A_240 : i32 to vector<16xi32>
          %add3A_242 = arith.addi %add3A_241, %and3A_239 : vector<16xi32>
          %and3A_243 = arith.constant 8191 : i32
          %and3A_244 = vector.broadcast %and3A_243 : i32 to vector<16xi32>
          %and3A_245 = arith.andi %gather3A_226, %and3A_244 : vector<16xi32>
          %select_n3A_246 = arith.select %ge3A_228, %add3A_242, %and3A_245 : vector<16xi1>, vector<16xi32>
          tpu.vector_store_idx %arg12[%add3A_215], %select_n3A_236 : memref<64xi32, #tpu.memory_space<vmem>>[vector<16xi32>], vector<16xi32>,
          tpu.vector_store_idx %arg13[%add3A_215], %select_n3A_246 : memref<64xi32, #tpu.memory_space<vmem>>[vector<16xi32>], vector<16xi32>,
          %dma_start3A = arith.constant 0 : i32
          %dma_start3A_247 = arith.constant 0 : i32
          %dma_start3A_248 = tpu.memref_slice %arg3[%dma_start3A, %dma_start3A_247] : memref<320000x128xf32, #tpu.memory_space<hbm>> -> memref<320000x128xf32, #tpu.memory_space<hbm>>
          tpu.enqueue_indirect_dma source(%dma_start3A_248 : memref<320000x128xf32, #tpu.memory_space<hbm>>) target(%arg9 : memref<64x128xf32, #tpu.memory_space<vmem>>) offsets(%arg12 : memref<64xi32, #tpu.memory_space<vmem>>) semaphore(%arg16 : memref<!tpu.dma_semaphore, #tpu.memory_space<semaphore_mem>>)
        } else {
        }
        %lt3A_101 = arith.cmpi slt, %mul3A_91, %select_n3A : i32
        %convert_element_type3A_102 = arith.extui %lt3A_101 : i1 to i32
        %cond3A_103 = arith.constant 0 : i32
        %cond3A_104 = arith.cmpi ne, %convert_element_type3A_102, %cond3A_103 : i32
        scf.if %cond3A_104 {
          %dma_wait3A = arith.constant 0 : i32
          %dma_wait3A_109 = arith.constant 0 : i32
          %dma_wait3A_110 = tpu.memref_slice %arg3[%dma_wait3A, %dma_wait3A_109] : memref<320000x128xf32, #tpu.memory_space<hbm>> -> memref<320000x128xf32, #tpu.memory_space<hbm>>
          tpu.wait_indirect_dma semaphore(%arg15 : memref<!tpu.dma_semaphore, #tpu.memory_space<semaphore_mem>>) src(%dma_wait3A_110 : memref<320000x128xf32, #tpu.memory_space<hbm>>) dst(%arg8 : memref<64x128xf32, #tpu.memory_space<vmem>>)
          %dma_start3A = arith.constant 0 : i32
          %dma_start3A_111 = arith.constant 0 : i32
          %dma_start3A_112 = tpu.memref_slice %arg14[%dma_start3A, %dma_start3A_111] : memref<8200x128xf32, #tpu.memory_space<vmem_shared>> -> memref<8200x128xf32, #tpu.memory_space<vmem_shared>>
          tpu.enqueue_indirect_dma source(%arg8 : memref<64x128xf32, #tpu.memory_space<vmem>>) target(%dma_start3A_112 : memref<8200x128xf32, #tpu.memory_space<vmem_shared>>) offsets(%arg11 : memref<64xi32, #tpu.memory_space<vmem>>) semaphore(%arg17 : memref<!tpu.dma_semaphore, #tpu.memory_space<semaphore_mem>>) {add = true}
        } else {
        }
        %lt3A_105 = arith.cmpi slt, %add3A_93, %select_n3A : i32
        %convert_element_type3A_106 = arith.extui %lt3A_105 : i1 to i32
        %cond3A_107 = arith.constant 0 : i32
        %cond3A_108 = arith.cmpi ne, %convert_element_type3A_106, %cond3A_107 : i32
        scf.if %cond3A_108 {
          %dma_wait3A = arith.constant 0 : i32
          %dma_wait3A_109 = arith.constant 0 : i32
          %dma_wait3A_110 = tpu.memref_slice %arg3[%dma_wait3A, %dma_wait3A_109] : memref<320000x128xf32, #tpu.memory_space<hbm>> -> memref<320000x128xf32, #tpu.memory_space<hbm>>
          tpu.wait_indirect_dma semaphore(%arg16 : memref<!tpu.dma_semaphore, #tpu.memory_space<semaphore_mem>>) src(%dma_wait3A_110 : memref<320000x128xf32, #tpu.memory_space<hbm>>) dst(%arg9 : memref<64x128xf32, #tpu.memory_space<vmem>>)
          %dma_start3A = arith.constant 0 : i32
          %dma_start3A_111 = arith.constant 0 : i32
          %dma_start3A_112 = tpu.memref_slice %arg14[%dma_start3A, %dma_start3A_111] : memref<8200x128xf32, #tpu.memory_space<vmem_shared>> -> memref<8200x128xf32, #tpu.memory_space<vmem_shared>>
          tpu.enqueue_indirect_dma source(%arg9 : memref<64x128xf32, #tpu.memory_space<vmem>>) target(%dma_start3A_112 : memref<8200x128xf32, #tpu.memory_space<vmem_shared>>) offsets(%arg13 : memref<64xi32, #tpu.memory_space<vmem>>) semaphore(%arg18 : memref<!tpu.dma_semaphore, #tpu.memory_space<semaphore_mem>>) {add = true}
        } else {
        }
      }
      %while3A_67 = arith.constant 1 : i32
      scf.for %while3A_89 = %while3A_65 to %while3A_61 step %while3A_67  : i32 {
        %mul3A_90 = arith.constant 2 : i32
        %mul3A_91 = arith.muli %while3A_89, %mul3A_90 : i32
        %add3A_92 = arith.constant 1 : i32
        %add3A_93 = arith.addi %mul3A_91, %add3A_92 : i32
        %lt3A = arith.cmpi slt, %mul3A_91, %select_n3A : i32
        %convert_element_type3A_94 = arith.extui %lt3A : i1 to i32
        %cond3A_95 = arith.constant 0 : i32
        %cond3A_96 = arith.cmpi ne, %convert_element_type3A_94, %cond3A_95 : i32
        scf.if %cond3A_96 {
          %ge3A_109 = arith.constant 2 : i32
          %ge3A_110 = arith.cmpi sge, %mul3A_91, %ge3A_109 : i32
          %convert_element_type3A_111 = arith.extui %ge3A_110 : i1 to i32
          %cond3A_112 = arith.constant 0 : i32
          %cond3A_113 = arith.cmpi ne, %convert_element_type3A_111, %cond3A_112 : i32
          scf.if %cond3A_113 {
            %dma_wait3A = arith.constant 0 : i32
            %dma_wait3A_249 = arith.constant 0 : i32
            %dma_wait3A_250 = tpu.memref_slice %arg14[%dma_wait3A, %dma_wait3A_249] : memref<8200x128xf32, #tpu.memory_space<vmem_shared>> -> memref<8200x128xf32, #tpu.memory_space<vmem_shared>>
            tpu.wait_indirect_dma semaphore(%arg17 : memref<!tpu.dma_semaphore, #tpu.memory_space<semaphore_mem>>) src(%arg8 : memref<64x128xf32, #tpu.memory_space<vmem>>) dst(%dma_wait3A_250 : memref<8200x128xf32, #tpu.memory_space<vmem_shared>>)
          } else {
          }
          %add3A_114 = arith.constant 0 : i32
          %add3A_115 = vector.broadcast %add3A_114 : i32 to vector<16xi32>
          %add3A_116 = arith.addi %iota3A, %add3A_115 : vector<16xi32>
          %mul3A_117 = arith.constant 64 : i32
          %mul3A_118 = arith.muli %mul3A_91, %mul3A_117 : i32
          %add3A_119 = vector.broadcast %mul3A_118 : i32 to vector<16xi32>
          %add3A_120 = arith.addi %add3A_119, %add3A_116 : vector<16xi32>
          %shift_right_arithmetic3A_121 = arith.constant 7 : i32
          %shift_right_arithmetic3A_122 = vector.broadcast %shift_right_arithmetic3A_121 : i32 to vector<16xi32>
          %shift_right_arithmetic3A_123 = arith.shrsi %add3A_120, %shift_right_arithmetic3A_122 : vector<16xi32>
          %and3A_124 = arith.constant 127 : i32
          %and3A_125 = vector.broadcast %and3A_124 : i32 to vector<16xi32>
          %and3A_126 = arith.andi %add3A_120, %and3A_125 : vector<16xi32>
          %gather3A = tpu.vector_load_idx %arg7[%shift_right_arithmetic3A_123, %and3A_126] : memref<158x128xi32, #tpu.memory_space<vmem>>[vector<16xi32>, vector<16xi32>], vector<16xi32>,
          %ge3A_127 = vector.broadcast %add3A_36 : i32 to vector<16xi32>
          %ge3A_128 = arith.cmpi sge, %add3A_120, %ge3A_127 : vector<16xi32>
          %shift_right_logical3A = arith.constant 13 : i32
          %shift_right_logical3A_129 = vector.broadcast %shift_right_logical3A : i32 to vector<16xi32>
          %shift_right_logical3A_130 = arith.shrui %gather3A, %shift_right_logical3A_129 : vector<16xi32>
          %add3A_131 = vector.broadcast %mul3A_3 : i32 to vector<16xi32>
          %add3A_132 = arith.addi %add3A_131, %shift_right_logical3A_130 : vector<16xi32>
          %jit3A_133 = arith.constant 0 : i32
          %broadcast_in_dim3A = vector.broadcast %jit3A_133 : i32 to vector<16xi32>
          %select_n3A_134 = arith.select %ge3A_128, %broadcast_in_dim3A, %add3A_132 : vector<16xi1>, vector<16xi32>
          %and3A_135 = arith.constant 7 : i32
          %and3A_136 = vector.broadcast %and3A_135 : i32 to vector<16xi32>
          %and3A_137 = arith.andi %add3A_116, %and3A_136 : vector<16xi32>
          %add3A_138 = arith.constant 8192 : i32
          %add3A_139 = vector.broadcast %add3A_138 : i32 to vector<16xi32>
          %add3A_140 = arith.addi %add3A_139, %and3A_137 : vector<16xi32>
          %and3A_141 = arith.constant 8191 : i32
          %and3A_142 = vector.broadcast %and3A_141 : i32 to vector<16xi32>
          %and3A_143 = arith.andi %gather3A, %and3A_142 : vector<16xi32>
          %select_n3A_144 = arith.select %ge3A_128, %add3A_140, %and3A_143 : vector<16xi1>, vector<16xi32>
          tpu.vector_store_idx %arg10[%add3A_116], %select_n3A_134 : memref<64xi32, #tpu.memory_space<vmem>>[vector<16xi32>], vector<16xi32>,
          tpu.vector_store_idx %arg11[%add3A_116], %select_n3A_144 : memref<64xi32, #tpu.memory_space<vmem>>[vector<16xi32>], vector<16xi32>,
          %add3A_145 = arith.constant 16 : i32
          %add3A_146 = vector.broadcast %add3A_145 : i32 to vector<16xi32>
          %add3A_147 = arith.addi %iota3A, %add3A_146 : vector<16xi32>
          %mul3A_148 = arith.constant 64 : i32
          %mul3A_149 = arith.muli %mul3A_91, %mul3A_148 : i32
          %add3A_150 = vector.broadcast %mul3A_149 : i32 to vector<16xi32>
          %add3A_151 = arith.addi %add3A_150, %add3A_147 : vector<16xi32>
          %shift_right_arithmetic3A_152 = arith.constant 7 : i32
          %shift_right_arithmetic3A_153 = vector.broadcast %shift_right_arithmetic3A_152 : i32 to vector<16xi32>
          %shift_right_arithmetic3A_154 = arith.shrsi %add3A_151, %shift_right_arithmetic3A_153 : vector<16xi32>
          %and3A_155 = arith.constant 127 : i32
          %and3A_156 = vector.broadcast %and3A_155 : i32 to vector<16xi32>
          %and3A_157 = arith.andi %add3A_151, %and3A_156 : vector<16xi32>
          %gather3A_158 = tpu.vector_load_idx %arg7[%shift_right_arithmetic3A_154, %and3A_157] : memref<158x128xi32, #tpu.memory_space<vmem>>[vector<16xi32>, vector<16xi32>], vector<16xi32>,
          %ge3A_159 = vector.broadcast %add3A_36 : i32 to vector<16xi32>
          %ge3A_160 = arith.cmpi sge, %add3A_151, %ge3A_159 : vector<16xi32>
          %shift_right_logical3A_161 = arith.constant 13 : i32
          %shift_right_logical3A_162 = vector.broadcast %shift_right_logical3A_161 : i32 to vector<16xi32>
          %shift_right_logical3A_163 = arith.shrui %gather3A_158, %shift_right_logical3A_162 : vector<16xi32>
          %add3A_164 = vector.broadcast %mul3A_3 : i32 to vector<16xi32>
          %add3A_165 = arith.addi %add3A_164, %shift_right_logical3A_163 : vector<16xi32>
          %jit3A_166 = arith.constant 0 : i32
          %broadcast_in_dim3A_167 = vector.broadcast %jit3A_166 : i32 to vector<16xi32>
          %select_n3A_168 = arith.select %ge3A_160, %broadcast_in_dim3A_167, %add3A_165 : vector<16xi1>, vector<16xi32>
          %and3A_169 = arith.constant 7 : i32
          %and3A_170 = vector.broadcast %and3A_169 : i32 to vector<16xi32>
          %and3A_171 = arith.andi %add3A_147, %and3A_170 : vector<16xi32>
          %add3A_172 = arith.constant 8192 : i32
          %add3A_173 = vector.broadcast %add3A_172 : i32 to vector<16xi32>
          %add3A_174 = arith.addi %add3A_173, %and3A_171 : vector<16xi32>
          %and3A_175 = arith.constant 8191 : i32
          %and3A_176 = vector.broadcast %and3A_175 : i32 to vector<16xi32>
          %and3A_177 = arith.andi %gather3A_158, %and3A_176 : vector<16xi32>
          %select_n3A_178 = arith.select %ge3A_160, %add3A_174, %and3A_177 : vector<16xi1>, vector<16xi32>
          tpu.vector_store_idx %arg10[%add3A_147], %select_n3A_168 : memref<64xi32, #tpu.memory_space<vmem>>[vector<16xi32>], vector<16xi32>,
          tpu.vector_store_idx %arg11[%add3A_147], %select_n3A_178 : memref<64xi32, #tpu.memory_space<vmem>>[vector<16xi32>], vector<16xi32>,
          %add3A_179 = arith.constant 32 : i32
          %add3A_180 = vector.broadcast %add3A_179 : i32 to vector<16xi32>
          %add3A_181 = arith.addi %iota3A, %add3A_180 : vector<16xi32>
          %mul3A_182 = arith.constant 64 : i32
          %mul3A_183 = arith.muli %mul3A_91, %mul3A_182 : i32
          %add3A_184 = vector.broadcast %mul3A_183 : i32 to vector<16xi32>
          %add3A_185 = arith.addi %add3A_184, %add3A_181 : vector<16xi32>
          %shift_right_arithmetic3A_186 = arith.constant 7 : i32
          %shift_right_arithmetic3A_187 = vector.broadcast %shift_right_arithmetic3A_186 : i32 to vector<16xi32>
          %shift_right_arithmetic3A_188 = arith.shrsi %add3A_185, %shift_right_arithmetic3A_187 : vector<16xi32>
          %and3A_189 = arith.constant 127 : i32
          %and3A_190 = vector.broadcast %and3A_189 : i32 to vector<16xi32>
          %and3A_191 = arith.andi %add3A_185, %and3A_190 : vector<16xi32>
          %gather3A_192 = tpu.vector_load_idx %arg7[%shift_right_arithmetic3A_188, %and3A_191] : memref<158x128xi32, #tpu.memory_space<vmem>>[vector<16xi32>, vector<16xi32>], vector<16xi32>,
          %ge3A_193 = vector.broadcast %add3A_36 : i32 to vector<16xi32>
          %ge3A_194 = arith.cmpi sge, %add3A_185, %ge3A_193 : vector<16xi32>
          %shift_right_logical3A_195 = arith.constant 13 : i32
          %shift_right_logical3A_196 = vector.broadcast %shift_right_logical3A_195 : i32 to vector<16xi32>
          %shift_right_logical3A_197 = arith.shrui %gather3A_192, %shift_right_logical3A_196 : vector<16xi32>
          %add3A_198 = vector.broadcast %mul3A_3 : i32 to vector<16xi32>
          %add3A_199 = arith.addi %add3A_198, %shift_right_logical3A_197 : vector<16xi32>
          %jit3A_200 = arith.constant 0 : i32
          %broadcast_in_dim3A_201 = vector.broadcast %jit3A_200 : i32 to vector<16xi32>
          %select_n3A_202 = arith.select %ge3A_194, %broadcast_in_dim3A_201, %add3A_199 : vector<16xi1>, vector<16xi32>
          %and3A_203 = arith.constant 7 : i32
          %and3A_204 = vector.broadcast %and3A_203 : i32 to vector<16xi32>
          %and3A_205 = arith.andi %add3A_181, %and3A_204 : vector<16xi32>
          %add3A_206 = arith.constant 8192 : i32
          %add3A_207 = vector.broadcast %add3A_206 : i32 to vector<16xi32>
          %add3A_208 = arith.addi %add3A_207, %and3A_205 : vector<16xi32>
          %and3A_209 = arith.constant 8191 : i32
          %and3A_210 = vector.broadcast %and3A_209 : i32 to vector<16xi32>
          %and3A_211 = arith.andi %gather3A_192, %and3A_210 : vector<16xi32>
          %select_n3A_212 = arith.select %ge3A_194, %add3A_208, %and3A_211 : vector<16xi1>, vector<16xi32>
          tpu.vector_store_idx %arg10[%add3A_181], %select_n3A_202 : memref<64xi32, #tpu.memory_space<vmem>>[vector<16xi32>], vector<16xi32>,
          tpu.vector_store_idx %arg11[%add3A_181], %select_n3A_212 : memref<64xi32, #tpu.memory_space<vmem>>[vector<16xi32>], vector<16xi32>,
          %add3A_213 = arith.constant 48 : i32
          %add3A_214 = vector.broadcast %add3A_213 : i32 to vector<16xi32>
          %add3A_215 = arith.addi %iota3A, %add3A_214 : vector<16xi32>
          %mul3A_216 = arith.constant 64 : i32
          %mul3A_217 = arith.muli %mul3A_91, %mul3A_216 : i32
          %add3A_218 = vector.broadcast %mul3A_217 : i32 to vector<16xi32>
          %add3A_219 = arith.addi %add3A_218, %add3A_215 : vector<16xi32>
          %shift_right_arithmetic3A_220 = arith.constant 7 : i32
          %shift_right_arithmetic3A_221 = vector.broadcast %shift_right_arithmetic3A_220 : i32 to vector<16xi32>
          %shift_right_arithmetic3A_222 = arith.shrsi %add3A_219, %shift_right_arithmetic3A_221 : vector<16xi32>
          %and3A_223 = arith.constant 127 : i32
          %and3A_224 = vector.broadcast %and3A_223 : i32 to vector<16xi32>
          %and3A_225 = arith.andi %add3A_219, %and3A_224 : vector<16xi32>
          %gather3A_226 = tpu.vector_load_idx %arg7[%shift_right_arithmetic3A_222, %and3A_225] : memref<158x128xi32, #tpu.memory_space<vmem>>[vector<16xi32>, vector<16xi32>], vector<16xi32>,
          %ge3A_227 = vector.broadcast %add3A_36 : i32 to vector<16xi32>
          %ge3A_228 = arith.cmpi sge, %add3A_219, %ge3A_227 : vector<16xi32>
          %shift_right_logical3A_229 = arith.constant 13 : i32
          %shift_right_logical3A_230 = vector.broadcast %shift_right_logical3A_229 : i32 to vector<16xi32>
          %shift_right_logical3A_231 = arith.shrui %gather3A_226, %shift_right_logical3A_230 : vector<16xi32>
          %add3A_232 = vector.broadcast %mul3A_3 : i32 to vector<16xi32>
          %add3A_233 = arith.addi %add3A_232, %shift_right_logical3A_231 : vector<16xi32>
          %jit3A_234 = arith.constant 0 : i32
          %broadcast_in_dim3A_235 = vector.broadcast %jit3A_234 : i32 to vector<16xi32>
          %select_n3A_236 = arith.select %ge3A_228, %broadcast_in_dim3A_235, %add3A_233 : vector<16xi1>, vector<16xi32>
          %and3A_237 = arith.constant 7 : i32
          %and3A_238 = vector.broadcast %and3A_237 : i32 to vector<16xi32>
          %and3A_239 = arith.andi %add3A_215, %and3A_238 : vector<16xi32>
          %add3A_240 = arith.constant 8192 : i32
          %add3A_241 = vector.broadcast %add3A_240 : i32 to vector<16xi32>
          %add3A_242 = arith.addi %add3A_241, %and3A_239 : vector<16xi32>
          %and3A_243 = arith.constant 8191 : i32
          %and3A_244 = vector.broadcast %and3A_243 : i32 to vector<16xi32>
          %and3A_245 = arith.andi %gather3A_226, %and3A_244 : vector<16xi32>
          %select_n3A_246 = arith.select %ge3A_228, %add3A_242, %and3A_245 : vector<16xi1>, vector<16xi32>
          tpu.vector_store_idx %arg10[%add3A_215], %select_n3A_236 : memref<64xi32, #tpu.memory_space<vmem>>[vector<16xi32>], vector<16xi32>,
          tpu.vector_store_idx %arg11[%add3A_215], %select_n3A_246 : memref<64xi32, #tpu.memory_space<vmem>>[vector<16xi32>], vector<16xi32>,
          %dma_start3A = arith.constant 0 : i32
          %dma_start3A_247 = arith.constant 0 : i32
          %dma_start3A_248 = tpu.memref_slice %arg3[%dma_start3A, %dma_start3A_247] : memref<320000x128xf32, #tpu.memory_space<hbm>> -> memref<320000x128xf32, #tpu.memory_space<hbm>>
          tpu.enqueue_indirect_dma source(%dma_start3A_248 : memref<320000x128xf32, #tpu.memory_space<hbm>>) target(%arg8 : memref<64x128xf32, #tpu.memory_space<vmem>>) offsets(%arg10 : memref<64xi32, #tpu.memory_space<vmem>>) semaphore(%arg15 : memref<!tpu.dma_semaphore, #tpu.memory_space<semaphore_mem>>)
        } else {
        }
        %lt3A_97 = arith.cmpi slt, %add3A_93, %select_n3A : i32
        %convert_element_type3A_98 = arith.extui %lt3A_97 : i1 to i32
        %cond3A_99 = arith.constant 0 : i32
        %cond3A_100 = arith.cmpi ne, %convert_element_type3A_98, %cond3A_99 : i32
        scf.if %cond3A_100 {
          %ge3A_109 = arith.constant 2 : i32
          %ge3A_110 = arith.cmpi sge, %add3A_93, %ge3A_109 : i32
          %convert_element_type3A_111 = arith.extui %ge3A_110 : i1 to i32
          %cond3A_112 = arith.constant 0 : i32
          %cond3A_113 = arith.cmpi ne, %convert_element_type3A_111, %cond3A_112 : i32
          scf.if %cond3A_113 {
            %dma_wait3A = arith.constant 0 : i32
            %dma_wait3A_249 = arith.constant 0 : i32
            %dma_wait3A_250 = tpu.memref_slice %arg14[%dma_wait3A, %dma_wait3A_249] : memref<8200x128xf32, #tpu.memory_space<vmem_shared>> -> memref<8200x128xf32, #tpu.memory_space<vmem_shared>>
            tpu.wait_indirect_dma semaphore(%arg18 : memref<!tpu.dma_semaphore, #tpu.memory_space<semaphore_mem>>) src(%arg9 : memref<64x128xf32, #tpu.memory_space<vmem>>) dst(%dma_wait3A_250 : memref<8200x128xf32, #tpu.memory_space<vmem_shared>>)
          } else {
          }
          %add3A_114 = arith.constant 0 : i32
          %add3A_115 = vector.broadcast %add3A_114 : i32 to vector<16xi32>
          %add3A_116 = arith.addi %iota3A, %add3A_115 : vector<16xi32>
          %mul3A_117 = arith.constant 64 : i32
          %mul3A_118 = arith.muli %add3A_93, %mul3A_117 : i32
          %add3A_119 = vector.broadcast %mul3A_118 : i32 to vector<16xi32>
          %add3A_120 = arith.addi %add3A_119, %add3A_116 : vector<16xi32>
          %shift_right_arithmetic3A_121 = arith.constant 7 : i32
          %shift_right_arithmetic3A_122 = vector.broadcast %shift_right_arithmetic3A_121 : i32 to vector<16xi32>
          %shift_right_arithmetic3A_123 = arith.shrsi %add3A_120, %shift_right_arithmetic3A_122 : vector<16xi32>
          %and3A_124 = arith.constant 127 : i32
          %and3A_125 = vector.broadcast %and3A_124 : i32 to vector<16xi32>
          %and3A_126 = arith.andi %add3A_120, %and3A_125 : vector<16xi32>
          %gather3A = tpu.vector_load_idx %arg7[%shift_right_arithmetic3A_123, %and3A_126] : memref<158x128xi32, #tpu.memory_space<vmem>>[vector<16xi32>, vector<16xi32>], vector<16xi32>,
          %ge3A_127 = vector.broadcast %add3A_36 : i32 to vector<16xi32>
          %ge3A_128 = arith.cmpi sge, %add3A_120, %ge3A_127 : vector<16xi32>
          %shift_right_logical3A = arith.constant 13 : i32
          %shift_right_logical3A_129 = vector.broadcast %shift_right_logical3A : i32 to vector<16xi32>
          %shift_right_logical3A_130 = arith.shrui %gather3A, %shift_right_logical3A_129 : vector<16xi32>
          %add3A_131 = vector.broadcast %mul3A_3 : i32 to vector<16xi32>
          %add3A_132 = arith.addi %add3A_131, %shift_right_logical3A_130 : vector<16xi32>
          %jit3A_133 = arith.constant 0 : i32
          %broadcast_in_dim3A = vector.broadcast %jit3A_133 : i32 to vector<16xi32>
          %select_n3A_134 = arith.select %ge3A_128, %broadcast_in_dim3A, %add3A_132 : vector<16xi1>, vector<16xi32>
          %and3A_135 = arith.constant 7 : i32
          %and3A_136 = vector.broadcast %and3A_135 : i32 to vector<16xi32>
          %and3A_137 = arith.andi %add3A_116, %and3A_136 : vector<16xi32>
          %add3A_138 = arith.constant 8192 : i32
          %add3A_139 = vector.broadcast %add3A_138 : i32 to vector<16xi32>
          %add3A_140 = arith.addi %add3A_139, %and3A_137 : vector<16xi32>
          %and3A_141 = arith.constant 8191 : i32
          %and3A_142 = vector.broadcast %and3A_141 : i32 to vector<16xi32>
          %and3A_143 = arith.andi %gather3A, %and3A_142 : vector<16xi32>
          %select_n3A_144 = arith.select %ge3A_128, %add3A_140, %and3A_143 : vector<16xi1>, vector<16xi32>
          tpu.vector_store_idx %arg12[%add3A_116], %select_n3A_134 : memref<64xi32, #tpu.memory_space<vmem>>[vector<16xi32>], vector<16xi32>,
          tpu.vector_store_idx %arg13[%add3A_116], %select_n3A_144 : memref<64xi32, #tpu.memory_space<vmem>>[vector<16xi32>], vector<16xi32>,
          %add3A_145 = arith.constant 16 : i32
          %add3A_146 = vector.broadcast %add3A_145 : i32 to vector<16xi32>
          %add3A_147 = arith.addi %iota3A, %add3A_146 : vector<16xi32>
          %mul3A_148 = arith.constant 64 : i32
          %mul3A_149 = arith.muli %add3A_93, %mul3A_148 : i32
          %add3A_150 = vector.broadcast %mul3A_149 : i32 to vector<16xi32>
          %add3A_151 = arith.addi %add3A_150, %add3A_147 : vector<16xi32>
          %shift_right_arithmetic3A_152 = arith.constant 7 : i32
          %shift_right_arithmetic3A_153 = vector.broadcast %shift_right_arithmetic3A_152 : i32 to vector<16xi32>
          %shift_right_arithmetic3A_154 = arith.shrsi %add3A_151, %shift_right_arithmetic3A_153 : vector<16xi32>
          %and3A_155 = arith.constant 127 : i32
          %and3A_156 = vector.broadcast %and3A_155 : i32 to vector<16xi32>
          %and3A_157 = arith.andi %add3A_151, %and3A_156 : vector<16xi32>
          %gather3A_158 = tpu.vector_load_idx %arg7[%shift_right_arithmetic3A_154, %and3A_157] : memref<158x128xi32, #tpu.memory_space<vmem>>[vector<16xi32>, vector<16xi32>], vector<16xi32>,
          %ge3A_159 = vector.broadcast %add3A_36 : i32 to vector<16xi32>
          %ge3A_160 = arith.cmpi sge, %add3A_151, %ge3A_159 : vector<16xi32>
          %shift_right_logical3A_161 = arith.constant 13 : i32
          %shift_right_logical3A_162 = vector.broadcast %shift_right_logical3A_161 : i32 to vector<16xi32>
          %shift_right_logical3A_163 = arith.shrui %gather3A_158, %shift_right_logical3A_162 : vector<16xi32>
          %add3A_164 = vector.broadcast %mul3A_3 : i32 to vector<16xi32>
          %add3A_165 = arith.addi %add3A_164, %shift_right_logical3A_163 : vector<16xi32>
          %jit3A_166 = arith.constant 0 : i32
          %broadcast_in_dim3A_167 = vector.broadcast %jit3A_166 : i32 to vector<16xi32>
          %select_n3A_168 = arith.select %ge3A_160, %broadcast_in_dim3A_167, %add3A_165 : vector<16xi1>, vector<16xi32>
          %and3A_169 = arith.constant 7 : i32
          %and3A_170 = vector.broadcast %and3A_169 : i32 to vector<16xi32>
          %and3A_171 = arith.andi %add3A_147, %and3A_170 : vector<16xi32>
          %add3A_172 = arith.constant 8192 : i32
          %add3A_173 = vector.broadcast %add3A_172 : i32 to vector<16xi32>
          %add3A_174 = arith.addi %add3A_173, %and3A_171 : vector<16xi32>
          %and3A_175 = arith.constant 8191 : i32
          %and3A_176 = vector.broadcast %and3A_175 : i32 to vector<16xi32>
          %and3A_177 = arith.andi %gather3A_158, %and3A_176 : vector<16xi32>
          %select_n3A_178 = arith.select %ge3A_160, %add3A_174, %and3A_177 : vector<16xi1>, vector<16xi32>
          tpu.vector_store_idx %arg12[%add3A_147], %select_n3A_168 : memref<64xi32, #tpu.memory_space<vmem>>[vector<16xi32>], vector<16xi32>,
          tpu.vector_store_idx %arg13[%add3A_147], %select_n3A_178 : memref<64xi32, #tpu.memory_space<vmem>>[vector<16xi32>], vector<16xi32>,
          %add3A_179 = arith.constant 32 : i32
          %add3A_180 = vector.broadcast %add3A_179 : i32 to vector<16xi32>
          %add3A_181 = arith.addi %iota3A, %add3A_180 : vector<16xi32>
          %mul3A_182 = arith.constant 64 : i32
          %mul3A_183 = arith.muli %add3A_93, %mul3A_182 : i32
          %add3A_184 = vector.broadcast %mul3A_183 : i32 to vector<16xi32>
          %add3A_185 = arith.addi %add3A_184, %add3A_181 : vector<16xi32>
          %shift_right_arithmetic3A_186 = arith.constant 7 : i32
          %shift_right_arithmetic3A_187 = vector.broadcast %shift_right_arithmetic3A_186 : i32 to vector<16xi32>
          %shift_right_arithmetic3A_188 = arith.shrsi %add3A_185, %shift_right_arithmetic3A_187 : vector<16xi32>
          %and3A_189 = arith.constant 127 : i32
          %and3A_190 = vector.broadcast %and3A_189 : i32 to vector<16xi32>
          %and3A_191 = arith.andi %add3A_185, %and3A_190 : vector<16xi32>
          %gather3A_192 = tpu.vector_load_idx %arg7[%shift_right_arithmetic3A_188, %and3A_191] : memref<158x128xi32, #tpu.memory_space<vmem>>[vector<16xi32>, vector<16xi32>], vector<16xi32>,
          %ge3A_193 = vector.broadcast %add3A_36 : i32 to vector<16xi32>
          %ge3A_194 = arith.cmpi sge, %add3A_185, %ge3A_193 : vector<16xi32>
          %shift_right_logical3A_195 = arith.constant 13 : i32
          %shift_right_logical3A_196 = vector.broadcast %shift_right_logical3A_195 : i32 to vector<16xi32>
          %shift_right_logical3A_197 = arith.shrui %gather3A_192, %shift_right_logical3A_196 : vector<16xi32>
          %add3A_198 = vector.broadcast %mul3A_3 : i32 to vector<16xi32>
          %add3A_199 = arith.addi %add3A_198, %shift_right_logical3A_197 : vector<16xi32>
          %jit3A_200 = arith.constant 0 : i32
          %broadcast_in_dim3A_201 = vector.broadcast %jit3A_200 : i32 to vector<16xi32>
          %select_n3A_202 = arith.select %ge3A_194, %broadcast_in_dim3A_201, %add3A_199 : vector<16xi1>, vector<16xi32>
          %and3A_203 = arith.constant 7 : i32
          %and3A_204 = vector.broadcast %and3A_203 : i32 to vector<16xi32>
          %and3A_205 = arith.andi %add3A_181, %and3A_204 : vector<16xi32>
          %add3A_206 = arith.constant 8192 : i32
          %add3A_207 = vector.broadcast %add3A_206 : i32 to vector<16xi32>
          %add3A_208 = arith.addi %add3A_207, %and3A_205 : vector<16xi32>
          %and3A_209 = arith.constant 8191 : i32
          %and3A_210 = vector.broadcast %and3A_209 : i32 to vector<16xi32>
          %and3A_211 = arith.andi %gather3A_192, %and3A_210 : vector<16xi32>
          %select_n3A_212 = arith.select %ge3A_194, %add3A_208, %and3A_211 : vector<16xi1>, vector<16xi32>
          tpu.vector_store_idx %arg12[%add3A_181], %select_n3A_202 : memref<64xi32, #tpu.memory_space<vmem>>[vector<16xi32>], vector<16xi32>,
          tpu.vector_store_idx %arg13[%add3A_181], %select_n3A_212 : memref<64xi32, #tpu.memory_space<vmem>>[vector<16xi32>], vector<16xi32>,
          %add3A_213 = arith.constant 48 : i32
          %add3A_214 = vector.broadcast %add3A_213 : i32 to vector<16xi32>
          %add3A_215 = arith.addi %iota3A, %add3A_214 : vector<16xi32>
          %mul3A_216 = arith.constant 64 : i32
          %mul3A_217 = arith.muli %add3A_93, %mul3A_216 : i32
          %add3A_218 = vector.broadcast %mul3A_217 : i32 to vector<16xi32>
          %add3A_219 = arith.addi %add3A_218, %add3A_215 : vector<16xi32>
          %shift_right_arithmetic3A_220 = arith.constant 7 : i32
          %shift_right_arithmetic3A_221 = vector.broadcast %shift_right_arithmetic3A_220 : i32 to vector<16xi32>
          %shift_right_arithmetic3A_222 = arith.shrsi %add3A_219, %shift_right_arithmetic3A_221 : vector<16xi32>
          %and3A_223 = arith.constant 127 : i32
          %and3A_224 = vector.broadcast %and3A_223 : i32 to vector<16xi32>
          %and3A_225 = arith.andi %add3A_219, %and3A_224 : vector<16xi32>
          %gather3A_226 = tpu.vector_load_idx %arg7[%shift_right_arithmetic3A_222, %and3A_225] : memref<158x128xi32, #tpu.memory_space<vmem>>[vector<16xi32>, vector<16xi32>], vector<16xi32>,
          %ge3A_227 = vector.broadcast %add3A_36 : i32 to vector<16xi32>
          %ge3A_228 = arith.cmpi sge, %add3A_219, %ge3A_227 : vector<16xi32>
          %shift_right_logical3A_229 = arith.constant 13 : i32
          %shift_right_logical3A_230 = vector.broadcast %shift_right_logical3A_229 : i32 to vector<16xi32>
          %shift_right_logical3A_231 = arith.shrui %gather3A_226, %shift_right_logical3A_230 : vector<16xi32>
          %add3A_232 = vector.broadcast %mul3A_3 : i32 to vector<16xi32>
          %add3A_233 = arith.addi %add3A_232, %shift_right_logical3A_231 : vector<16xi32>
          %jit3A_234 = arith.constant 0 : i32
          %broadcast_in_dim3A_235 = vector.broadcast %jit3A_234 : i32 to vector<16xi32>
          %select_n3A_236 = arith.select %ge3A_228, %broadcast_in_dim3A_235, %add3A_233 : vector<16xi1>, vector<16xi32>
          %and3A_237 = arith.constant 7 : i32
          %and3A_238 = vector.broadcast %and3A_237 : i32 to vector<16xi32>
          %and3A_239 = arith.andi %add3A_215, %and3A_238 : vector<16xi32>
          %add3A_240 = arith.constant 8192 : i32
          %add3A_241 = vector.broadcast %add3A_240 : i32 to vector<16xi32>
          %add3A_242 = arith.addi %add3A_241, %and3A_239 : vector<16xi32>
          %and3A_243 = arith.constant 8191 : i32
          %and3A_244 = vector.broadcast %and3A_243 : i32 to vector<16xi32>
          %and3A_245 = arith.andi %gather3A_226, %and3A_244 : vector<16xi32>
          %select_n3A_246 = arith.select %ge3A_228, %add3A_242, %and3A_245 : vector<16xi1>, vector<16xi32>
          tpu.vector_store_idx %arg12[%add3A_215], %select_n3A_236 : memref<64xi32, #tpu.memory_space<vmem>>[vector<16xi32>], vector<16xi32>,
          tpu.vector_store_idx %arg13[%add3A_215], %select_n3A_246 : memref<64xi32, #tpu.memory_space<vmem>>[vector<16xi32>], vector<16xi32>,
          %dma_start3A = arith.constant 0 : i32
          %dma_start3A_247 = arith.constant 0 : i32
          %dma_start3A_248 = tpu.memref_slice %arg3[%dma_start3A, %dma_start3A_247] : memref<320000x128xf32, #tpu.memory_space<hbm>> -> memref<320000x128xf32, #tpu.memory_space<hbm>>
          tpu.enqueue_indirect_dma source(%dma_start3A_248 : memref<320000x128xf32, #tpu.memory_space<hbm>>) target(%arg9 : memref<64x128xf32, #tpu.memory_space<vmem>>) offsets(%arg12 : memref<64xi32, #tpu.memory_space<vmem>>) semaphore(%arg16 : memref<!tpu.dma_semaphore, #tpu.memory_space<semaphore_mem>>)
        } else {
        }
        %lt3A_101 = arith.cmpi slt, %mul3A_91, %select_n3A : i32
        %convert_element_type3A_102 = arith.extui %lt3A_101 : i1 to i32
        %cond3A_103 = arith.constant 0 : i32
        %cond3A_104 = arith.cmpi ne, %convert_element_type3A_102, %cond3A_103 : i32
        scf.if %cond3A_104 {
          %dma_wait3A = arith.constant 0 : i32
          %dma_wait3A_109 = arith.constant 0 : i32
          %dma_wait3A_110 = tpu.memref_slice %arg3[%dma_wait3A, %dma_wait3A_109] : memref<320000x128xf32, #tpu.memory_space<hbm>> -> memref<320000x128xf32, #tpu.memory_space<hbm>>
          tpu.wait_indirect_dma semaphore(%arg15 : memref<!tpu.dma_semaphore, #tpu.memory_space<semaphore_mem>>) src(%dma_wait3A_110 : memref<320000x128xf32, #tpu.memory_space<hbm>>) dst(%arg8 : memref<64x128xf32, #tpu.memory_space<vmem>>)
          %dma_start3A = arith.constant 0 : i32
          %dma_start3A_111 = arith.constant 0 : i32
          %dma_start3A_112 = tpu.memref_slice %arg14[%dma_start3A, %dma_start3A_111] : memref<8200x128xf32, #tpu.memory_space<vmem_shared>> -> memref<8200x128xf32, #tpu.memory_space<vmem_shared>>
          tpu.enqueue_indirect_dma source(%arg8 : memref<64x128xf32, #tpu.memory_space<vmem>>) target(%dma_start3A_112 : memref<8200x128xf32, #tpu.memory_space<vmem_shared>>) offsets(%arg11 : memref<64xi32, #tpu.memory_space<vmem>>) semaphore(%arg17 : memref<!tpu.dma_semaphore, #tpu.memory_space<semaphore_mem>>) {add = true}
        } else {
        }
        %lt3A_105 = arith.cmpi slt, %add3A_93, %select_n3A : i32
        %convert_element_type3A_106 = arith.extui %lt3A_105 : i1 to i32
        %cond3A_107 = arith.constant 0 : i32
        %cond3A_108 = arith.cmpi ne, %convert_element_type3A_106, %cond3A_107 : i32
        scf.if %cond3A_108 {
          %dma_wait3A = arith.constant 0 : i32
          %dma_wait3A_109 = arith.constant 0 : i32
          %dma_wait3A_110 = tpu.memref_slice %arg3[%dma_wait3A, %dma_wait3A_109] : memref<320000x128xf32, #tpu.memory_space<hbm>> -> memref<320000x128xf32, #tpu.memory_space<hbm>>
          tpu.wait_indirect_dma semaphore(%arg16 : memref<!tpu.dma_semaphore, #tpu.memory_space<semaphore_mem>>) src(%dma_wait3A_110 : memref<320000x128xf32, #tpu.memory_space<hbm>>) dst(%arg9 : memref<64x128xf32, #tpu.memory_space<vmem>>)
          %dma_start3A = arith.constant 0 : i32
          %dma_start3A_111 = arith.constant 0 : i32
          %dma_start3A_112 = tpu.memref_slice %arg14[%dma_start3A, %dma_start3A_111] : memref<8200x128xf32, #tpu.memory_space<vmem_shared>> -> memref<8200x128xf32, #tpu.memory_space<vmem_shared>>
          tpu.enqueue_indirect_dma source(%arg9 : memref<64x128xf32, #tpu.memory_space<vmem>>) target(%dma_start3A_112 : memref<8200x128xf32, #tpu.memory_space<vmem_shared>>) offsets(%arg13 : memref<64xi32, #tpu.memory_space<vmem>>) semaphore(%arg18 : memref<!tpu.dma_semaphore, #tpu.memory_space<semaphore_mem>>) {add = true}
        } else {
        }
      }
      %ge3A = arith.constant 1 : i32
      %ge3A_68 = arith.cmpi sge, %select_n3A, %ge3A : i32
      %convert_element_type3A = arith.extui %ge3A_68 : i1 to i32
      %cond3A = arith.constant 0 : i32
      %cond3A_69 = arith.cmpi ne, %convert_element_type3A, %cond3A : i32
      scf.if %cond3A_69 {
        %dma_wait3A = arith.constant 0 : i32
        %dma_wait3A_89 = arith.constant 0 : i32
        %dma_wait3A_90 = tpu.memref_slice %arg14[%dma_wait3A, %dma_wait3A_89] : memref<8200x128xf32, #tpu.memory_space<vmem_shared>> -> memref<8200x128xf32, #tpu.memory_space<vmem_shared>>
        tpu.wait_indirect_dma semaphore(%arg17 : memref<!tpu.dma_semaphore, #tpu.memory_space<semaphore_mem>>) src(%arg8 : memref<64x128xf32, #tpu.memory_space<vmem>>) dst(%dma_wait3A_90 : memref<8200x128xf32, #tpu.memory_space<vmem_shared>>)
      } else {
      }
      %ge3A_70 = arith.constant 2 : i32
      %ge3A_71 = arith.cmpi sge, %select_n3A, %ge3A_70 : i32
      %convert_element_type3A_72 = arith.extui %ge3A_71 : i1 to i32
      %cond3A_73 = arith.constant 0 : i32
      %cond3A_74 = arith.cmpi ne, %convert_element_type3A_72, %cond3A_73 : i32
      scf.if %cond3A_74 {
        %dma_wait3A = arith.constant 0 : i32
        %dma_wait3A_89 = arith.constant 0 : i32
        %dma_wait3A_90 = tpu.memref_slice %arg14[%dma_wait3A, %dma_wait3A_89] : memref<8200x128xf32, #tpu.memory_space<vmem_shared>> -> memref<8200x128xf32, #tpu.memory_space<vmem_shared>>
        tpu.wait_indirect_dma semaphore(%arg18 : memref<!tpu.dma_semaphore, #tpu.memory_space<semaphore_mem>>) src(%arg9 : memref<64x128xf32, #tpu.memory_space<vmem>>) dst(%dma_wait3A_90 : memref<8200x128xf32, #tpu.memory_space<vmem_shared>>)
      } else {
      }
      %barrier3A_75 = arith.constant 0 : index
      tpu.barrier barrier_id(%barrier3A_75)
      %mul3A_76 = arith.constant 512 : i32
      %mul3A_77 = arith.muli %arg1, %mul3A_76 : i32
      %add3A_78 = arith.addi %mul3A_13, %mul3A_77 : i32
      %add3A_79 = arith.constant 512 : i32
      %add3A_80 = arith.addi %add3A_78, %add3A_79 : i32
      %le3A = arith.constant 160000 : i32
      %le3A_81 = arith.cmpi sle, %add3A_80, %le3A : i32
      %convert_element_type3A_82 = arith.extui %le3A_81 : i1 to i32
      %cond3A_83 = arith.constant 0 : i32
      %cond3A_84 = arith.cmpi ne, %convert_element_type3A_82, %cond3A_83 : i32
      scf.if %cond3A_84 {
        %mul3A_89 = arith.constant 512 : i32
        %mul3A_90 = arith.muli %arg1, %mul3A_89 : i32
        "tpu.region"() ({
          %run_scoped3A = tpu.sem_alloc : memref<!tpu.dma_semaphore, #tpu.memory_space<semaphore_mem>>
          %dma_start3A = arith.constant 0 : i32
          %dma_start3A_91 = tpu.memref_slice %arg5[%add3A_78, %dma_start3A] : memref<160000x128xf32, #tpu.memory_space<hbm>> -> memref<512x128xf32, #tpu.memory_space<hbm>>
          %dma_start3A_92 = arith.constant 0 : i32
          %dma_start3A_93 = tpu.memref_slice %arg14[%mul3A_90, %dma_start3A_92] : memref<8200x128xf32, #tpu.memory_space<vmem_shared>> -> memref<512x128xf32, #tpu.memory_space<vmem_shared>>
          tpu.enqueue_dma source(%dma_start3A_93 : memref<512x128xf32, #tpu.memory_space<vmem_shared>>) target(%dma_start3A_91 : memref<512x128xf32, #tpu.memory_space<hbm>>) target_semaphore(%run_scoped3A : memref<!tpu.dma_semaphore, #tpu.memory_space<semaphore_mem>>)
          %dma_wait3A = arith.constant 0 : i32
          %dma_wait3A_94 = tpu.memref_slice %arg5[%add3A_78, %dma_wait3A] : memref<160000x128xf32, #tpu.memory_space<hbm>> -> memref<512x128xf32, #tpu.memory_space<hbm>>
          %dma_wait3A_95 = arith.constant 0 : i32
          %dma_wait3A_96 = tpu.memref_slice %arg14[%mul3A_90, %dma_wait3A_95] : memref<8200x128xf32, #tpu.memory_space<vmem_shared>> -> memref<512x128xf32, #tpu.memory_space<vmem_shared>>
          tpu.wait_dma2 semaphore(%run_scoped3A : memref<!tpu.dma_semaphore, #tpu.memory_space<semaphore_mem>>) src(%dma_wait3A_96 : memref<512x128xf32, #tpu.memory_space<vmem_shared>>) dst(%dma_wait3A_94 : memref<512x128xf32, #tpu.memory_space<hbm>>)
          tpu.yield
        }) : () -> ()
      } else {
      }
      %eq3A = arith.constant 159744 : i32
      %eq3A_85 = arith.cmpi eq, %add3A_78, %eq3A : i32
      %convert_element_type3A_86 = arith.extui %eq3A_85 : i1 to i32
      %cond3A_87 = arith.constant 0 : i32
      %cond3A_88 = arith.cmpi ne, %convert_element_type3A_86, %cond3A_87 : i32
      scf.if %cond3A_88 {
        %mul3A_89 = arith.constant 512 : i32
        %mul3A_90 = arith.muli %arg1, %mul3A_89 : i32
        "tpu.region"() ({
          %run_scoped3A = tpu.sem_alloc : memref<!tpu.dma_semaphore, #tpu.memory_space<semaphore_mem>>
          %dma_start3A = arith.constant 0 : i32
          %dma_start3A_91 = tpu.memref_slice %arg5[%add3A_78, %dma_start3A] : memref<160000x128xf32, #tpu.memory_space<hbm>> -> memref<256x128xf32, #tpu.memory_space<hbm>>
          %dma_start3A_92 = arith.constant 0 : i32
          %dma_start3A_93 = tpu.memref_slice %arg14[%mul3A_90, %dma_start3A_92] : memref<8200x128xf32, #tpu.memory_space<vmem_shared>> -> memref<256x128xf32, #tpu.memory_space<vmem_shared>>
          tpu.enqueue_dma source(%dma_start3A_93 : memref<256x128xf32, #tpu.memory_space<vmem_shared>>) target(%dma_start3A_91 : memref<256x128xf32, #tpu.memory_space<hbm>>) target_semaphore(%run_scoped3A : memref<!tpu.dma_semaphore, #tpu.memory_space<semaphore_mem>>)
          %dma_wait3A = arith.constant 0 : i32
          %dma_wait3A_94 = tpu.memref_slice %arg5[%add3A_78, %dma_wait3A] : memref<160000x128xf32, #tpu.memory_space<hbm>> -> memref<256x128xf32, #tpu.memory_space<hbm>>
          %dma_wait3A_95 = arith.constant 0 : i32
          %dma_wait3A_96 = tpu.memref_slice %arg14[%mul3A_90, %dma_wait3A_95] : memref<8200x128xf32, #tpu.memory_space<vmem_shared>> -> memref<256x128xf32, #tpu.memory_space<vmem_shared>>
          tpu.wait_dma2 semaphore(%run_scoped3A : memref<!tpu.dma_semaphore, #tpu.memory_space<semaphore_mem>>) src(%dma_wait3A_96 : memref<256x128xf32, #tpu.memory_space<vmem_shared>>) dst(%dma_wait3A_94 : memref<256x128xf32, #tpu.memory_space<hbm>>)
          tpu.yield
        }) : () -> ()
      } else {
      }
    }
    %scan3A_8 = arith.constant 10 : i32
    return
  }
}

#map = affine_map<(d0, d1) -> (0)>
#map1 = affine_map<(d0, d1) -> (0, 0)>
module attributes {stable_mosaic.version = 14 : i64} {
  func.func @_sc_gather_body(%arg0: i32, %arg1: i32, %arg2: memref<160000xf32, #tpu.memory_space<hbm>>, %arg3: memref<160000xf32, #tpu.memory_space<hbm>>, %arg4: memref<160000xf32, #tpu.memory_space<hbm>>, %arg5: memref<160000x128xf32, #tpu.memory_space<hbm>>, %arg6: memref<320000xi32, #tpu.memory_space<hbm>>, %arg7: memref<320000xi32, #tpu.memory_space<hbm>>, %arg8: memref<320000x128xf32, #tpu.memory_space<hbm>>, %arg9: memref<320000xf32, #tpu.memory_space<hbm>>, %arg10: memref<80xi32, #tpu.memory_space<vmem>>, %arg11: memref<80xi32, #tpu.memory_space<vmem>>, %arg12: memref<80x128xf32, #tpu.memory_space<vmem>>, %arg13: memref<6x80xf32, #tpu.memory_space<vmem>>, %arg14: memref<80xi32, #tpu.memory_space<vmem>>, %arg15: memref<80xi32, #tpu.memory_space<vmem>>, %arg16: memref<80x128xf32, #tpu.memory_space<vmem>>, %arg17: memref<6x80xf32, #tpu.memory_space<vmem>>, %arg18: memref<80xf32, #tpu.memory_space<vmem>>, %arg19: memref<!tpu.dma_semaphore, #tpu.memory_space<semaphore_mem>>, %arg20: memref<!tpu.dma_semaphore, #tpu.memory_space<semaphore_mem>>, %arg21: memref<!tpu.dma_semaphore, #tpu.memory_space<semaphore_mem>>, %arg22: memref<!tpu.dma_semaphore, #tpu.memory_space<semaphore_mem>>) attributes {dimension_semantics = [#tpu.dimension_semantics<core_parallel>, #tpu.dimension_semantics<subcore_parallel>], iteration_bounds = array<i64: 2, 16>, scalar_prefetch = 0 : i64, scratch_operands = 13 : i64, tpu.core_type = #tpu.core_type<sc_vector_subcore>, window_params = [{transform_indices = #map}, {transform_indices = #map}, {transform_indices = #map}, {transform_indices = #map1}, {transform_indices = #map}, {transform_indices = #map}, {transform_indices = #map1}, {transform_indices = #map}]} {
    %mul3A = arith.constant 2 : i32
    %mul3A_0 = arith.muli %arg1, %mul3A : i32
    %add3A = arith.addi %mul3A_0, %arg0 : i32
    %mul3A_1 = arith.constant 10000 : i32
    %mul3A_2 = arith.muli %add3A, %mul3A_1 : i32
    %add3A_3 = arith.constant 0 : i32
    %add3A_4 = arith.addi %mul3A_2, %add3A_3 : i32
    "tpu.region"() ({
      %run_scoped3A = tpu.sem_alloc : memref<!tpu.dma_semaphore, #tpu.memory_space<semaphore_mem>>
      %dma_start3A_498 = tpu.memref_slice %arg6[%add3A_4] : memref<320000xi32, #tpu.memory_space<hbm>> -> memref<80xi32, #tpu.memory_space<hbm>>
      %dma_start3A_499 = tpu.memref_slice %arg6[%add3A_4] : memref<320000xi32, #tpu.memory_space<hbm>> -> memref<80xi32, #tpu.memory_space<hbm>>
      tpu.enqueue_dma source(%dma_start3A_499 : memref<80xi32, #tpu.memory_space<hbm>>) target(%arg10 : memref<80xi32, #tpu.memory_space<vmem>>) target_semaphore(%run_scoped3A : memref<!tpu.dma_semaphore, #tpu.memory_space<semaphore_mem>>)
      %dma_wait3A_500 = tpu.memref_slice %arg6[%add3A_4] : memref<320000xi32, #tpu.memory_space<hbm>> -> memref<80xi32, #tpu.memory_space<hbm>>
      %dma_wait3A_501 = tpu.memref_slice %arg6[%add3A_4] : memref<320000xi32, #tpu.memory_space<hbm>> -> memref<80xi32, #tpu.memory_space<hbm>>
      tpu.wait_dma2 semaphore(%run_scoped3A : memref<!tpu.dma_semaphore, #tpu.memory_space<semaphore_mem>>) src(%dma_wait3A_501 : memref<80xi32, #tpu.memory_space<hbm>>) dst(%arg10 : memref<80xi32, #tpu.memory_space<vmem>>)
      tpu.yield
    }) : () -> ()
    "tpu.region"() ({
      %run_scoped3A = tpu.sem_alloc : memref<!tpu.dma_semaphore, #tpu.memory_space<semaphore_mem>>
      %dma_start3A_498 = tpu.memref_slice %arg7[%add3A_4] : memref<320000xi32, #tpu.memory_space<hbm>> -> memref<80xi32, #tpu.memory_space<hbm>>
      %dma_start3A_499 = tpu.memref_slice %arg7[%add3A_4] : memref<320000xi32, #tpu.memory_space<hbm>> -> memref<80xi32, #tpu.memory_space<hbm>>
      tpu.enqueue_dma source(%dma_start3A_499 : memref<80xi32, #tpu.memory_space<hbm>>) target(%arg11 : memref<80xi32, #tpu.memory_space<vmem>>) target_semaphore(%run_scoped3A : memref<!tpu.dma_semaphore, #tpu.memory_space<semaphore_mem>>)
      %dma_wait3A_500 = tpu.memref_slice %arg7[%add3A_4] : memref<320000xi32, #tpu.memory_space<hbm>> -> memref<80xi32, #tpu.memory_space<hbm>>
      %dma_wait3A_501 = tpu.memref_slice %arg7[%add3A_4] : memref<320000xi32, #tpu.memory_space<hbm>> -> memref<80xi32, #tpu.memory_space<hbm>>
      tpu.wait_dma2 semaphore(%run_scoped3A : memref<!tpu.dma_semaphore, #tpu.memory_space<semaphore_mem>>) src(%dma_wait3A_501 : memref<80xi32, #tpu.memory_space<hbm>>) dst(%arg11 : memref<80xi32, #tpu.memory_space<vmem>>)
      tpu.yield
    }) : () -> ()
    %dma_start3A = arith.constant 0 : i32
    %dma_start3A_5 = arith.constant 0 : i32
    %dma_start3A_6 = tpu.memref_slice %arg5[%dma_start3A, %dma_start3A_5] : memref<160000x128xf32, #tpu.memory_space<hbm>> -> memref<160000x128xf32, #tpu.memory_space<hbm>>
    tpu.enqueue_indirect_dma source(%dma_start3A_6 : memref<160000x128xf32, #tpu.memory_space<hbm>>) target(%arg12 : memref<80x128xf32, #tpu.memory_space<vmem>>) offsets(%arg10 : memref<80xi32, #tpu.memory_space<vmem>>) semaphore(%arg19 : memref<!tpu.dma_semaphore, #tpu.memory_space<semaphore_mem>>)
    %dma_start3A_7 = arith.constant 0 : i32
    %dma_start3A_8 = arith.constant 0 : i32
    %dma_start3A_9 = tpu.memref_slice %arg13[%dma_start3A_7, %dma_start3A_8] : memref<6x80xf32, #tpu.memory_space<vmem>> -> memref<1x80xf32, #tpu.memory_space<vmem>>
    %dma_start3A_10 = tpu.memref_squeeze %dma_start3A_9 : memref<1x80xf32, #tpu.memory_space<vmem>> -> memref<80xf32, #tpu.memory_space<vmem>>
    %dma_start3A_11 = arith.constant 0 : i32
    %dma_start3A_12 = tpu.memref_slice %arg2[%dma_start3A_11] : memref<160000xf32, #tpu.memory_space<hbm>> -> memref<160000xf32, #tpu.memory_space<hbm>>
    tpu.enqueue_indirect_dma source(%dma_start3A_12 : memref<160000xf32, #tpu.memory_space<hbm>>) target(%dma_start3A_10 : memref<80xf32, #tpu.memory_space<vmem>>) offsets(%arg10 : memref<80xi32, #tpu.memory_space<vmem>>) semaphore(%arg20 : memref<!tpu.dma_semaphore, #tpu.memory_space<semaphore_mem>>)
    %dma_start3A_13 = arith.constant 1 : i32
    %dma_start3A_14 = arith.constant 0 : i32
    %dma_start3A_15 = tpu.memref_slice %arg13[%dma_start3A_13, %dma_start3A_14] : memref<6x80xf32, #tpu.memory_space<vmem>> -> memref<1x80xf32, #tpu.memory_space<vmem>>
    %dma_start3A_16 = tpu.memref_squeeze %dma_start3A_15 : memref<1x80xf32, #tpu.memory_space<vmem>> -> memref<80xf32, #tpu.memory_space<vmem>>
    %dma_start3A_17 = arith.constant 0 : i32
    %dma_start3A_18 = tpu.memref_slice %arg3[%dma_start3A_17] : memref<160000xf32, #tpu.memory_space<hbm>> -> memref<160000xf32, #tpu.memory_space<hbm>>
    tpu.enqueue_indirect_dma source(%dma_start3A_18 : memref<160000xf32, #tpu.memory_space<hbm>>) target(%dma_start3A_16 : memref<80xf32, #tpu.memory_space<vmem>>) offsets(%arg10 : memref<80xi32, #tpu.memory_space<vmem>>) semaphore(%arg20 : memref<!tpu.dma_semaphore, #tpu.memory_space<semaphore_mem>>)
    %dma_start3A_19 = arith.constant 2 : i32
    %dma_start3A_20 = arith.constant 0 : i32
    %dma_start3A_21 = tpu.memref_slice %arg13[%dma_start3A_19, %dma_start3A_20] : memref<6x80xf32, #tpu.memory_space<vmem>> -> memref<1x80xf32, #tpu.memory_space<vmem>>
    %dma_start3A_22 = tpu.memref_squeeze %dma_start3A_21 : memref<1x80xf32, #tpu.memory_space<vmem>> -> memref<80xf32, #tpu.memory_space<vmem>>
    %dma_start3A_23 = arith.constant 0 : i32
    %dma_start3A_24 = tpu.memref_slice %arg4[%dma_start3A_23] : memref<160000xf32, #tpu.memory_space<hbm>> -> memref<160000xf32, #tpu.memory_space<hbm>>
    tpu.enqueue_indirect_dma source(%dma_start3A_24 : memref<160000xf32, #tpu.memory_space<hbm>>) target(%dma_start3A_22 : memref<80xf32, #tpu.memory_space<vmem>>) offsets(%arg10 : memref<80xi32, #tpu.memory_space<vmem>>) semaphore(%arg20 : memref<!tpu.dma_semaphore, #tpu.memory_space<semaphore_mem>>)
    %dma_start3A_25 = arith.constant 3 : i32
    %dma_start3A_26 = arith.constant 0 : i32
    %dma_start3A_27 = tpu.memref_slice %arg13[%dma_start3A_25, %dma_start3A_26] : memref<6x80xf32, #tpu.memory_space<vmem>> -> memref<1x80xf32, #tpu.memory_space<vmem>>
    %dma_start3A_28 = tpu.memref_squeeze %dma_start3A_27 : memref<1x80xf32, #tpu.memory_space<vmem>> -> memref<80xf32, #tpu.memory_space<vmem>>
    %dma_start3A_29 = arith.constant 0 : i32
    %dma_start3A_30 = tpu.memref_slice %arg2[%dma_start3A_29] : memref<160000xf32, #tpu.memory_space<hbm>> -> memref<160000xf32, #tpu.memory_space<hbm>>
    tpu.enqueue_indirect_dma source(%dma_start3A_30 : memref<160000xf32, #tpu.memory_space<hbm>>) target(%dma_start3A_28 : memref<80xf32, #tpu.memory_space<vmem>>) offsets(%arg11 : memref<80xi32, #tpu.memory_space<vmem>>) semaphore(%arg20 : memref<!tpu.dma_semaphore, #tpu.memory_space<semaphore_mem>>)
    %dma_start3A_31 = arith.constant 4 : i32
    %dma_start3A_32 = arith.constant 0 : i32
    %dma_start3A_33 = tpu.memref_slice %arg13[%dma_start3A_31, %dma_start3A_32] : memref<6x80xf32, #tpu.memory_space<vmem>> -> memref<1x80xf32, #tpu.memory_space<vmem>>
    %dma_start3A_34 = tpu.memref_squeeze %dma_start3A_33 : memref<1x80xf32, #tpu.memory_space<vmem>> -> memref<80xf32, #tpu.memory_space<vmem>>
    %dma_start3A_35 = arith.constant 0 : i32
    %dma_start3A_36 = tpu.memref_slice %arg3[%dma_start3A_35] : memref<160000xf32, #tpu.memory_space<hbm>> -> memref<160000xf32, #tpu.memory_space<hbm>>
    tpu.enqueue_indirect_dma source(%dma_start3A_36 : memref<160000xf32, #tpu.memory_space<hbm>>) target(%dma_start3A_34 : memref<80xf32, #tpu.memory_space<vmem>>) offsets(%arg11 : memref<80xi32, #tpu.memory_space<vmem>>) semaphore(%arg20 : memref<!tpu.dma_semaphore, #tpu.memory_space<semaphore_mem>>)
    %dma_start3A_37 = arith.constant 5 : i32
    %dma_start3A_38 = arith.constant 0 : i32
    %dma_start3A_39 = tpu.memref_slice %arg13[%dma_start3A_37, %dma_start3A_38] : memref<6x80xf32, #tpu.memory_space<vmem>> -> memref<1x80xf32, #tpu.memory_space<vmem>>
    %dma_start3A_40 = tpu.memref_squeeze %dma_start3A_39 : memref<1x80xf32, #tpu.memory_space<vmem>> -> memref<80xf32, #tpu.memory_space<vmem>>
    %dma_start3A_41 = arith.constant 0 : i32
    %dma_start3A_42 = tpu.memref_slice %arg4[%dma_start3A_41] : memref<160000xf32, #tpu.memory_space<hbm>> -> memref<160000xf32, #tpu.memory_space<hbm>>
    tpu.enqueue_indirect_dma source(%dma_start3A_42 : memref<160000xf32, #tpu.memory_space<hbm>>) target(%dma_start3A_40 : memref<80xf32, #tpu.memory_space<vmem>>) offsets(%arg11 : memref<80xi32, #tpu.memory_space<vmem>>) semaphore(%arg20 : memref<!tpu.dma_semaphore, #tpu.memory_space<semaphore_mem>>)
    %scan3A = arith.constant 0 : i32
    %scan3A_43 = arith.constant 0 : i32
    %scan3A_44 = arith.constant 62 : i32
    %scan3A_45 = arith.addi %scan3A_43, %scan3A_44 : i32
    %scan3A_46 = arith.constant 1 : i32
    scf.for %scan3A_498 = %scan3A_43 to %scan3A_45 step %scan3A_46  : i32 {
      %mul3A_499 = arith.constant 2 : i32
      %mul3A_500 = arith.muli %scan3A_498, %mul3A_499 : i32
      %add3A_501 = arith.constant 1 : i32
      %add3A_502 = arith.addi %mul3A_500, %add3A_501 : i32
      %mul3A_503 = arith.constant 80 : i32
      %mul3A_504 = arith.muli %add3A_502, %mul3A_503 : i32
      %add3A_505 = arith.addi %mul3A_2, %mul3A_504 : i32
      "tpu.region"() ({
        %run_scoped3A = tpu.sem_alloc : memref<!tpu.dma_semaphore, #tpu.memory_space<semaphore_mem>>
        %dma_start3A_1505 = tpu.memref_slice %arg6[%add3A_505] : memref<320000xi32, #tpu.memory_space<hbm>> -> memref<80xi32, #tpu.memory_space<hbm>>
        %dma_start3A_1506 = tpu.memref_slice %arg6[%add3A_505] : memref<320000xi32, #tpu.memory_space<hbm>> -> memref<80xi32, #tpu.memory_space<hbm>>
        tpu.enqueue_dma source(%dma_start3A_1506 : memref<80xi32, #tpu.memory_space<hbm>>) target(%arg14 : memref<80xi32, #tpu.memory_space<vmem>>) target_semaphore(%run_scoped3A : memref<!tpu.dma_semaphore, #tpu.memory_space<semaphore_mem>>)
        %dma_wait3A_1507 = tpu.memref_slice %arg6[%add3A_505] : memref<320000xi32, #tpu.memory_space<hbm>> -> memref<80xi32, #tpu.memory_space<hbm>>
        %dma_wait3A_1508 = tpu.memref_slice %arg6[%add3A_505] : memref<320000xi32, #tpu.memory_space<hbm>> -> memref<80xi32, #tpu.memory_space<hbm>>
        tpu.wait_dma2 semaphore(%run_scoped3A : memref<!tpu.dma_semaphore, #tpu.memory_space<semaphore_mem>>) src(%dma_wait3A_1508 : memref<80xi32, #tpu.memory_space<hbm>>) dst(%arg14 : memref<80xi32, #tpu.memory_space<vmem>>)
        tpu.yield
      }) : () -> ()
      "tpu.region"() ({
        %run_scoped3A = tpu.sem_alloc : memref<!tpu.dma_semaphore, #tpu.memory_space<semaphore_mem>>
        %dma_start3A_1505 = tpu.memref_slice %arg7[%add3A_505] : memref<320000xi32, #tpu.memory_space<hbm>> -> memref<80xi32, #tpu.memory_space<hbm>>
        %dma_start3A_1506 = tpu.memref_slice %arg7[%add3A_505] : memref<320000xi32, #tpu.memory_space<hbm>> -> memref<80xi32, #tpu.memory_space<hbm>>
        tpu.enqueue_dma source(%dma_start3A_1506 : memref<80xi32, #tpu.memory_space<hbm>>) target(%arg15 : memref<80xi32, #tpu.memory_space<vmem>>) target_semaphore(%run_scoped3A : memref<!tpu.dma_semaphore, #tpu.memory_space<semaphore_mem>>)
        %dma_wait3A_1507 = tpu.memref_slice %arg7[%add3A_505] : memref<320000xi32, #tpu.memory_space<hbm>> -> memref<80xi32, #tpu.memory_space<hbm>>
        %dma_wait3A_1508 = tpu.memref_slice %arg7[%add3A_505] : memref<320000xi32, #tpu.memory_space<hbm>> -> memref<80xi32, #tpu.memory_space<hbm>>
        tpu.wait_dma2 semaphore(%run_scoped3A : memref<!tpu.dma_semaphore, #tpu.memory_space<semaphore_mem>>) src(%dma_wait3A_1508 : memref<80xi32, #tpu.memory_space<hbm>>) dst(%arg15 : memref<80xi32, #tpu.memory_space<vmem>>)
        tpu.yield
      }) : () -> ()
      %dma_start3A_506 = arith.constant 0 : i32
      %dma_start3A_507 = arith.constant 0 : i32
      %dma_start3A_508 = tpu.memref_slice %arg5[%dma_start3A_506, %dma_start3A_507] : memref<160000x128xf32, #tpu.memory_space<hbm>> -> memref<160000x128xf32, #tpu.memory_space<hbm>>
      tpu.enqueue_indirect_dma source(%dma_start3A_508 : memref<160000x128xf32, #tpu.memory_space<hbm>>) target(%arg16 : memref<80x128xf32, #tpu.memory_space<vmem>>) offsets(%arg14 : memref<80xi32, #tpu.memory_space<vmem>>) semaphore(%arg21 : memref<!tpu.dma_semaphore, #tpu.memory_space<semaphore_mem>>)
      %dma_start3A_509 = arith.constant 0 : i32
      %dma_start3A_510 = arith.constant 0 : i32
      %dma_start3A_511 = tpu.memref_slice %arg17[%dma_start3A_509, %dma_start3A_510] : memref<6x80xf32, #tpu.memory_space<vmem>> -> memref<1x80xf32, #tpu.memory_space<vmem>>
      %dma_start3A_512 = tpu.memref_squeeze %dma_start3A_511 : memref<1x80xf32, #tpu.memory_space<vmem>> -> memref<80xf32, #tpu.memory_space<vmem>>
      %dma_start3A_513 = arith.constant 0 : i32
      %dma_start3A_514 = tpu.memref_slice %arg2[%dma_start3A_513] : memref<160000xf32, #tpu.memory_space<hbm>> -> memref<160000xf32, #tpu.memory_space<hbm>>
      tpu.enqueue_indirect_dma source(%dma_start3A_514 : memref<160000xf32, #tpu.memory_space<hbm>>) target(%dma_start3A_512 : memref<80xf32, #tpu.memory_space<vmem>>) offsets(%arg14 : memref<80xi32, #tpu.memory_space<vmem>>) semaphore(%arg22 : memref<!tpu.dma_semaphore, #tpu.memory_space<semaphore_mem>>)
      %dma_start3A_515 = arith.constant 1 : i32
      %dma_start3A_516 = arith.constant 0 : i32
      %dma_start3A_517 = tpu.memref_slice %arg17[%dma_start3A_515, %dma_start3A_516] : memref<6x80xf32, #tpu.memory_space<vmem>> -> memref<1x80xf32, #tpu.memory_space<vmem>>
      %dma_start3A_518 = tpu.memref_squeeze %dma_start3A_517 : memref<1x80xf32, #tpu.memory_space<vmem>> -> memref<80xf32, #tpu.memory_space<vmem>>
      %dma_start3A_519 = arith.constant 0 : i32
      %dma_start3A_520 = tpu.memref_slice %arg3[%dma_start3A_519] : memref<160000xf32, #tpu.memory_space<hbm>> -> memref<160000xf32, #tpu.memory_space<hbm>>
      tpu.enqueue_indirect_dma source(%dma_start3A_520 : memref<160000xf32, #tpu.memory_space<hbm>>) target(%dma_start3A_518 : memref<80xf32, #tpu.memory_space<vmem>>) offsets(%arg14 : memref<80xi32, #tpu.memory_space<vmem>>) semaphore(%arg22 : memref<!tpu.dma_semaphore, #tpu.memory_space<semaphore_mem>>)
      %dma_start3A_521 = arith.constant 2 : i32
      %dma_start3A_522 = arith.constant 0 : i32
      %dma_start3A_523 = tpu.memref_slice %arg17[%dma_start3A_521, %dma_start3A_522] : memref<6x80xf32, #tpu.memory_space<vmem>> -> memref<1x80xf32, #tpu.memory_space<vmem>>
      %dma_start3A_524 = tpu.memref_squeeze %dma_start3A_523 : memref<1x80xf32, #tpu.memory_space<vmem>> -> memref<80xf32, #tpu.memory_space<vmem>>
      %dma_start3A_525 = arith.constant 0 : i32
      %dma_start3A_526 = tpu.memref_slice %arg4[%dma_start3A_525] : memref<160000xf32, #tpu.memory_space<hbm>> -> memref<160000xf32, #tpu.memory_space<hbm>>
      tpu.enqueue_indirect_dma source(%dma_start3A_526 : memref<160000xf32, #tpu.memory_space<hbm>>) target(%dma_start3A_524 : memref<80xf32, #tpu.memory_space<vmem>>) offsets(%arg14 : memref<80xi32, #tpu.memory_space<vmem>>) semaphore(%arg22 : memref<!tpu.dma_semaphore, #tpu.memory_space<semaphore_mem>>)
      %dma_start3A_527 = arith.constant 3 : i32
      %dma_start3A_528 = arith.constant 0 : i32
      %dma_start3A_529 = tpu.memref_slice %arg17[%dma_start3A_527, %dma_start3A_528] : memref<6x80xf32, #tpu.memory_space<vmem>> -> memref<1x80xf32, #tpu.memory_space<vmem>>
      %dma_start3A_530 = tpu.memref_squeeze %dma_start3A_529 : memref<1x80xf32, #tpu.memory_space<vmem>> -> memref<80xf32, #tpu.memory_space<vmem>>
      %dma_start3A_531 = arith.constant 0 : i32
      %dma_start3A_532 = tpu.memref_slice %arg2[%dma_start3A_531] : memref<160000xf32, #tpu.memory_space<hbm>> -> memref<160000xf32, #tpu.memory_space<hbm>>
      tpu.enqueue_indirect_dma source(%dma_start3A_532 : memref<160000xf32, #tpu.memory_space<hbm>>) target(%dma_start3A_530 : memref<80xf32, #tpu.memory_space<vmem>>) offsets(%arg15 : memref<80xi32, #tpu.memory_space<vmem>>) semaphore(%arg22 : memref<!tpu.dma_semaphore, #tpu.memory_space<semaphore_mem>>)
      %dma_start3A_533 = arith.constant 4 : i32
      %dma_start3A_534 = arith.constant 0 : i32
      %dma_start3A_535 = tpu.memref_slice %arg17[%dma_start3A_533, %dma_start3A_534] : memref<6x80xf32, #tpu.memory_space<vmem>> -> memref<1x80xf32, #tpu.memory_space<vmem>>
      %dma_start3A_536 = tpu.memref_squeeze %dma_start3A_535 : memref<1x80xf32, #tpu.memory_space<vmem>> -> memref<80xf32, #tpu.memory_space<vmem>>
      %dma_start3A_537 = arith.constant 0 : i32
      %dma_start3A_538 = tpu.memref_slice %arg3[%dma_start3A_537] : memref<160000xf32, #tpu.memory_space<hbm>> -> memref<160000xf32, #tpu.memory_space<hbm>>
      tpu.enqueue_indirect_dma source(%dma_start3A_538 : memref<160000xf32, #tpu.memory_space<hbm>>) target(%dma_start3A_536 : memref<80xf32, #tpu.memory_space<vmem>>) offsets(%arg15 : memref<80xi32, #tpu.memory_space<vmem>>) semaphore(%arg22 : memref<!tpu.dma_semaphore, #tpu.memory_space<semaphore_mem>>)
      %dma_start3A_539 = arith.constant 5 : i32
      %dma_start3A_540 = arith.constant 0 : i32
      %dma_start3A_541 = tpu.memref_slice %arg17[%dma_start3A_539, %dma_start3A_540] : memref<6x80xf32, #tpu.memory_space<vmem>> -> memref<1x80xf32, #tpu.memory_space<vmem>>
      %dma_start3A_542 = tpu.memref_squeeze %dma_start3A_541 : memref<1x80xf32, #tpu.memory_space<vmem>> -> memref<80xf32, #tpu.memory_space<vmem>>
      %dma_start3A_543 = arith.constant 0 : i32
      %dma_start3A_544 = tpu.memref_slice %arg4[%dma_start3A_543] : memref<160000xf32, #tpu.memory_space<hbm>> -> memref<160000xf32, #tpu.memory_space<hbm>>
      tpu.enqueue_indirect_dma source(%dma_start3A_544 : memref<160000xf32, #tpu.memory_space<hbm>>) target(%dma_start3A_542 : memref<80xf32, #tpu.memory_space<vmem>>) offsets(%arg15 : memref<80xi32, #tpu.memory_space<vmem>>) semaphore(%arg22 : memref<!tpu.dma_semaphore, #tpu.memory_space<semaphore_mem>>)
      %mul3A_545 = arith.constant 80 : i32
      %mul3A_546 = arith.muli %mul3A_500, %mul3A_545 : i32
      %add3A_547 = arith.addi %mul3A_2, %mul3A_546 : i32
      %dma_wait3A_548 = arith.constant 0 : i32
      %dma_wait3A_549 = arith.constant 0 : i32
      %dma_wait3A_550 = tpu.memref_slice %arg13[%dma_wait3A_548, %dma_wait3A_549] : memref<6x80xf32, #tpu.memory_space<vmem>> -> memref<1x80xf32, #tpu.memory_space<vmem>>
      %dma_wait3A_551 = tpu.memref_squeeze %dma_wait3A_550 : memref<1x80xf32, #tpu.memory_space<vmem>> -> memref<80xf32, #tpu.memory_space<vmem>>
      %dma_wait3A_552 = arith.constant 0 : i32
      %dma_wait3A_553 = tpu.memref_slice %arg2[%dma_wait3A_552] : memref<160000xf32, #tpu.memory_space<hbm>> -> memref<160000xf32, #tpu.memory_space<hbm>>
      tpu.wait_indirect_dma semaphore(%arg20 : memref<!tpu.dma_semaphore, #tpu.memory_space<semaphore_mem>>) src(%dma_wait3A_553 : memref<160000xf32, #tpu.memory_space<hbm>>) dst(%dma_wait3A_551 : memref<80xf32, #tpu.memory_space<vmem>>)
      %dma_wait3A_554 = arith.constant 1 : i32
      %dma_wait3A_555 = arith.constant 0 : i32
      %dma_wait3A_556 = tpu.memref_slice %arg13[%dma_wait3A_554, %dma_wait3A_555] : memref<6x80xf32, #tpu.memory_space<vmem>> -> memref<1x80xf32, #tpu.memory_space<vmem>>
      %dma_wait3A_557 = tpu.memref_squeeze %dma_wait3A_556 : memref<1x80xf32, #tpu.memory_space<vmem>> -> memref<80xf32, #tpu.memory_space<vmem>>
      %dma_wait3A_558 = arith.constant 0 : i32
      %dma_wait3A_559 = tpu.memref_slice %arg3[%dma_wait3A_558] : memref<160000xf32, #tpu.memory_space<hbm>> -> memref<160000xf32, #tpu.memory_space<hbm>>
      tpu.wait_indirect_dma semaphore(%arg20 : memref<!tpu.dma_semaphore, #tpu.memory_space<semaphore_mem>>) src(%dma_wait3A_559 : memref<160000xf32, #tpu.memory_space<hbm>>) dst(%dma_wait3A_557 : memref<80xf32, #tpu.memory_space<vmem>>)
      %dma_wait3A_560 = arith.constant 2 : i32
      %dma_wait3A_561 = arith.constant 0 : i32
      %dma_wait3A_562 = tpu.memref_slice %arg13[%dma_wait3A_560, %dma_wait3A_561] : memref<6x80xf32, #tpu.memory_space<vmem>> -> memref<1x80xf32, #tpu.memory_space<vmem>>
      %dma_wait3A_563 = tpu.memref_squeeze %dma_wait3A_562 : memref<1x80xf32, #tpu.memory_space<vmem>> -> memref<80xf32, #tpu.memory_space<vmem>>
      %dma_wait3A_564 = arith.constant 0 : i32
      %dma_wait3A_565 = tpu.memref_slice %arg4[%dma_wait3A_564] : memref<160000xf32, #tpu.memory_space<hbm>> -> memref<160000xf32, #tpu.memory_space<hbm>>
      tpu.wait_indirect_dma semaphore(%arg20 : memref<!tpu.dma_semaphore, #tpu.memory_space<semaphore_mem>>) src(%dma_wait3A_565 : memref<160000xf32, #tpu.memory_space<hbm>>) dst(%dma_wait3A_563 : memref<80xf32, #tpu.memory_space<vmem>>)
      %dma_wait3A_566 = arith.constant 3 : i32
      %dma_wait3A_567 = arith.constant 0 : i32
      %dma_wait3A_568 = tpu.memref_slice %arg13[%dma_wait3A_566, %dma_wait3A_567] : memref<6x80xf32, #tpu.memory_space<vmem>> -> memref<1x80xf32, #tpu.memory_space<vmem>>
      %dma_wait3A_569 = tpu.memref_squeeze %dma_wait3A_568 : memref<1x80xf32, #tpu.memory_space<vmem>> -> memref<80xf32, #tpu.memory_space<vmem>>
      %dma_wait3A_570 = arith.constant 0 : i32
      %dma_wait3A_571 = tpu.memref_slice %arg2[%dma_wait3A_570] : memref<160000xf32, #tpu.memory_space<hbm>> -> memref<160000xf32, #tpu.memory_space<hbm>>
      tpu.wait_indirect_dma semaphore(%arg20 : memref<!tpu.dma_semaphore, #tpu.memory_space<semaphore_mem>>) src(%dma_wait3A_571 : memref<160000xf32, #tpu.memory_space<hbm>>) dst(%dma_wait3A_569 : memref<80xf32, #tpu.memory_space<vmem>>)
      %dma_wait3A_572 = arith.constant 4 : i32
      %dma_wait3A_573 = arith.constant 0 : i32
      %dma_wait3A_574 = tpu.memref_slice %arg13[%dma_wait3A_572, %dma_wait3A_573] : memref<6x80xf32, #tpu.memory_space<vmem>> -> memref<1x80xf32, #tpu.memory_space<vmem>>
      %dma_wait3A_575 = tpu.memref_squeeze %dma_wait3A_574 : memref<1x80xf32, #tpu.memory_space<vmem>> -> memref<80xf32, #tpu.memory_space<vmem>>
      %dma_wait3A_576 = arith.constant 0 : i32
      %dma_wait3A_577 = tpu.memref_slice %arg3[%dma_wait3A_576] : memref<160000xf32, #tpu.memory_space<hbm>> -> memref<160000xf32, #tpu.memory_space<hbm>>
      tpu.wait_indirect_dma semaphore(%arg20 : memref<!tpu.dma_semaphore, #tpu.memory_space<semaphore_mem>>) src(%dma_wait3A_577 : memref<160000xf32, #tpu.memory_space<hbm>>) dst(%dma_wait3A_575 : memref<80xf32, #tpu.memory_space<vmem>>)
      %dma_wait3A_578 = arith.constant 5 : i32
      %dma_wait3A_579 = arith.constant 0 : i32
      %dma_wait3A_580 = tpu.memref_slice %arg13[%dma_wait3A_578, %dma_wait3A_579] : memref<6x80xf32, #tpu.memory_space<vmem>> -> memref<1x80xf32, #tpu.memory_space<vmem>>
      %dma_wait3A_581 = tpu.memref_squeeze %dma_wait3A_580 : memref<1x80xf32, #tpu.memory_space<vmem>> -> memref<80xf32, #tpu.memory_space<vmem>>
      %dma_wait3A_582 = arith.constant 0 : i32
      %dma_wait3A_583 = tpu.memref_slice %arg4[%dma_wait3A_582] : memref<160000xf32, #tpu.memory_space<hbm>> -> memref<160000xf32, #tpu.memory_space<hbm>>
      tpu.wait_indirect_dma semaphore(%arg20 : memref<!tpu.dma_semaphore, #tpu.memory_space<semaphore_mem>>) src(%dma_wait3A_583 : memref<160000xf32, #tpu.memory_space<hbm>>) dst(%dma_wait3A_581 : memref<80xf32, #tpu.memory_space<vmem>>)
      %get3A_584 = arith.constant 0 : i32
      %get3A_585 = arith.index_cast %get3A_584 : i32 to index
      %get3A_586 = arith.constant 0 : index
      %get3A_587 = tpu.vector_load %arg13[%get3A_585, %get3A_586] {strides = array<i32>} : memref<6x80xf32, #tpu.memory_space<vmem>>, vector<16xf32>,
      %get3A_588 = arith.constant 1 : i32
      %get3A_589 = arith.index_cast %get3A_588 : i32 to index
      %get3A_590 = arith.constant 0 : index
      %get3A_591 = tpu.vector_load %arg13[%get3A_589, %get3A_590] {strides = array<i32>} : memref<6x80xf32, #tpu.memory_space<vmem>>, vector<16xf32>,
      %get3A_592 = arith.constant 2 : i32
      %get3A_593 = arith.index_cast %get3A_592 : i32 to index
      %get3A_594 = arith.constant 0 : index
      %get3A_595 = tpu.vector_load %arg13[%get3A_593, %get3A_594] {strides = array<i32>} : memref<6x80xf32, #tpu.memory_space<vmem>>, vector<16xf32>,
      %get3A_596 = arith.constant 3 : i32
      %get3A_597 = arith.index_cast %get3A_596 : i32 to index
      %get3A_598 = arith.constant 0 : index
      %get3A_599 = tpu.vector_load %arg13[%get3A_597, %get3A_598] {strides = array<i32>} : memref<6x80xf32, #tpu.memory_space<vmem>>, vector<16xf32>,
      %get3A_600 = arith.constant 4 : i32
      %get3A_601 = arith.index_cast %get3A_600 : i32 to index
      %get3A_602 = arith.constant 0 : index
      %get3A_603 = tpu.vector_load %arg13[%get3A_601, %get3A_602] {strides = array<i32>} : memref<6x80xf32, #tpu.memory_space<vmem>>, vector<16xf32>,
      %get3A_604 = arith.constant 5 : i32
      %get3A_605 = arith.index_cast %get3A_604 : i32 to index
      %get3A_606 = arith.constant 0 : index
      %get3A_607 = tpu.vector_load %arg13[%get3A_605, %get3A_606] {strides = array<i32>} : memref<6x80xf32, #tpu.memory_space<vmem>>, vector<16xf32>,
      %mul3A_608 = arith.mulf %get3A_587, %get3A_599 : vector<16xf32>
      %mul3A_609 = arith.mulf %get3A_591, %get3A_603 : vector<16xf32>
      %add3A_610 = arith.addf %mul3A_608, %mul3A_609 : vector<16xf32>
      %mul3A_611 = arith.mulf %get3A_595, %get3A_607 : vector<16xf32>
      %add3A_612 = arith.addf %add3A_610, %mul3A_611 : vector<16xf32>
      %mul3A_613 = arith.mulf %get3A_591, %get3A_607 : vector<16xf32>
      %mul3A_614 = arith.mulf %get3A_595, %get3A_603 : vector<16xf32>
      %sub3A_615 = arith.subf %mul3A_613, %mul3A_614 : vector<16xf32>
      %mul3A_616 = arith.mulf %get3A_595, %get3A_599 : vector<16xf32>
      %mul3A_617 = arith.mulf %get3A_587, %get3A_607 : vector<16xf32>
      %sub3A_618 = arith.subf %mul3A_616, %mul3A_617 : vector<16xf32>
      %mul3A_619 = arith.mulf %get3A_587, %get3A_603 : vector<16xf32>
      %mul3A_620 = arith.mulf %get3A_591, %get3A_599 : vector<16xf32>
      %sub3A_621 = arith.subf %mul3A_619, %mul3A_620 : vector<16xf32>
      %mul3A_622 = arith.mulf %add3A_612, %add3A_612 : vector<16xf32>
      %mul3A_623 = arith.mulf %sub3A_615, %sub3A_615 : vector<16xf32>
      %add3A_624 = arith.addf %mul3A_622, %mul3A_623 : vector<16xf32>
      %mul3A_625 = arith.mulf %sub3A_618, %sub3A_618 : vector<16xf32>
      %add3A_626 = arith.addf %add3A_624, %mul3A_625 : vector<16xf32>
      %mul3A_627 = arith.mulf %sub3A_621, %sub3A_621 : vector<16xf32>
      %add3A_628 = arith.addf %add3A_626, %mul3A_627 : vector<16xf32>
      %bitcast_convert_type3A_629 = tpu.bitcast %add3A_628 : vector<16xf32> -> vector<16xi32>
      %shift_right_arithmetic3A_630 = arith.constant 1 : i32
      %shift_right_arithmetic3A_631 = vector.broadcast %shift_right_arithmetic3A_630 : i32 to vector<16xi32>
      %shift_right_arithmetic3A_632 = arith.shrsi %bitcast_convert_type3A_629, %shift_right_arithmetic3A_631 : vector<16xi32>
      %sub3A_633 = arith.constant 1597463007 : i32
      %sub3A_634 = vector.broadcast %sub3A_633 : i32 to vector<16xi32>
      %sub3A_635 = arith.subi %sub3A_634, %shift_right_arithmetic3A_632 : vector<16xi32>
      %bitcast_convert_type3A_636 = tpu.bitcast %sub3A_635 : vector<16xi32> -> vector<16xf32>
      %mul3A_637 = arith.constant 5.000000e-01 : f32
      %mul3A_638 = vector.broadcast %mul3A_637 : f32 to vector<16xf32>
      %mul3A_639 = arith.mulf %mul3A_638, %add3A_628 : vector<16xf32>
      %mul3A_640 = arith.mulf %mul3A_639, %bitcast_convert_type3A_636 : vector<16xf32>
      %mul3A_641 = arith.mulf %mul3A_640, %bitcast_convert_type3A_636 : vector<16xf32>
      %sub3A_642 = arith.constant 1.500000e+00 : f32
      %sub3A_643 = vector.broadcast %sub3A_642 : f32 to vector<16xf32>
      %sub3A_644 = arith.subf %sub3A_643, %mul3A_641 : vector<16xf32>
      %mul3A_645 = arith.mulf %bitcast_convert_type3A_636, %sub3A_644 : vector<16xf32>
      %mul3A_646 = arith.constant 5.000000e-01 : f32
      %mul3A_647 = vector.broadcast %mul3A_646 : f32 to vector<16xf32>
      %mul3A_648 = arith.mulf %mul3A_647, %add3A_628 : vector<16xf32>
      %mul3A_649 = arith.mulf %mul3A_648, %mul3A_645 : vector<16xf32>
      %mul3A_650 = arith.mulf %mul3A_649, %mul3A_645 : vector<16xf32>
      %sub3A_651 = arith.constant 1.500000e+00 : f32
      %sub3A_652 = vector.broadcast %sub3A_651 : f32 to vector<16xf32>
      %sub3A_653 = arith.subf %sub3A_652, %mul3A_650 : vector<16xf32>
      %mul3A_654 = arith.mulf %mul3A_645, %sub3A_653 : vector<16xf32>
      %mul3A_655 = arith.constant 5.000000e-01 : f32
      %mul3A_656 = vector.broadcast %mul3A_655 : f32 to vector<16xf32>
      %mul3A_657 = arith.mulf %mul3A_656, %add3A_628 : vector<16xf32>
      %mul3A_658 = arith.mulf %mul3A_657, %mul3A_654 : vector<16xf32>
      %mul3A_659 = arith.mulf %mul3A_658, %mul3A_654 : vector<16xf32>
      %sub3A_660 = arith.constant 1.500000e+00 : f32
      %sub3A_661 = vector.broadcast %sub3A_660 : f32 to vector<16xf32>
      %sub3A_662 = arith.subf %sub3A_661, %mul3A_659 : vector<16xf32>
      %mul3A_663 = arith.mulf %mul3A_654, %sub3A_662 : vector<16xf32>
      %mul3A_664 = arith.mulf %add3A_612, %mul3A_663 : vector<16xf32>
      %swap3A_665 = arith.constant 0 : index
      %swap3A_666 = tpu.vector_load %arg18[%swap3A_665] {strides = array<i32>} : memref<80xf32, #tpu.memory_space<vmem>>, vector<16xf32>,
      tpu.vector_store %arg18[%swap3A_665], %mul3A_664 {strides = array<i32>} : memref<80xf32, #tpu.memory_space<vmem>>, vector<16xf32>,
      %get3A_667 = arith.constant 0 : i32
      %get3A_668 = arith.index_cast %get3A_667 : i32 to index
      %get3A_669 = arith.constant 16 : index
      %get3A_670 = tpu.vector_load %arg13[%get3A_668, %get3A_669] {strides = array<i32>} : memref<6x80xf32, #tpu.memory_space<vmem>>, vector<16xf32>,
      %get3A_671 = arith.constant 1 : i32
      %get3A_672 = arith.index_cast %get3A_671 : i32 to index
      %get3A_673 = arith.constant 16 : index
      %get3A_674 = tpu.vector_load %arg13[%get3A_672, %get3A_673] {strides = array<i32>} : memref<6x80xf32, #tpu.memory_space<vmem>>, vector<16xf32>,
      %get3A_675 = arith.constant 2 : i32
      %get3A_676 = arith.index_cast %get3A_675 : i32 to index
      %get3A_677 = arith.constant 16 : index
      %get3A_678 = tpu.vector_load %arg13[%get3A_676, %get3A_677] {strides = array<i32>} : memref<6x80xf32, #tpu.memory_space<vmem>>, vector<16xf32>,
      %get3A_679 = arith.constant 3 : i32
      %get3A_680 = arith.index_cast %get3A_679 : i32 to index
      %get3A_681 = arith.constant 16 : index
      %get3A_682 = tpu.vector_load %arg13[%get3A_680, %get3A_681] {strides = array<i32>} : memref<6x80xf32, #tpu.memory_space<vmem>>, vector<16xf32>,
      %get3A_683 = arith.constant 4 : i32
      %get3A_684 = arith.index_cast %get3A_683 : i32 to index
      %get3A_685 = arith.constant 16 : index
      %get3A_686 = tpu.vector_load %arg13[%get3A_684, %get3A_685] {strides = array<i32>} : memref<6x80xf32, #tpu.memory_space<vmem>>, vector<16xf32>,
      %get3A_687 = arith.constant 5 : i32
      %get3A_688 = arith.index_cast %get3A_687 : i32 to index
      %get3A_689 = arith.constant 16 : index
      %get3A_690 = tpu.vector_load %arg13[%get3A_688, %get3A_689] {strides = array<i32>} : memref<6x80xf32, #tpu.memory_space<vmem>>, vector<16xf32>,
      %mul3A_691 = arith.mulf %get3A_670, %get3A_682 : vector<16xf32>
      %mul3A_692 = arith.mulf %get3A_674, %get3A_686 : vector<16xf32>
      %add3A_693 = arith.addf %mul3A_691, %mul3A_692 : vector<16xf32>
      %mul3A_694 = arith.mulf %get3A_678, %get3A_690 : vector<16xf32>
      %add3A_695 = arith.addf %add3A_693, %mul3A_694 : vector<16xf32>
      %mul3A_696 = arith.mulf %get3A_674, %get3A_690 : vector<16xf32>
      %mul3A_697 = arith.mulf %get3A_678, %get3A_686 : vector<16xf32>
      %sub3A_698 = arith.subf %mul3A_696, %mul3A_697 : vector<16xf32>
      %mul3A_699 = arith.mulf %get3A_678, %get3A_682 : vector<16xf32>
      %mul3A_700 = arith.mulf %get3A_670, %get3A_690 : vector<16xf32>
      %sub3A_701 = arith.subf %mul3A_699, %mul3A_700 : vector<16xf32>
      %mul3A_702 = arith.mulf %get3A_670, %get3A_686 : vector<16xf32>
      %mul3A_703 = arith.mulf %get3A_674, %get3A_682 : vector<16xf32>
      %sub3A_704 = arith.subf %mul3A_702, %mul3A_703 : vector<16xf32>
      %mul3A_705 = arith.mulf %add3A_695, %add3A_695 : vector<16xf32>
      %mul3A_706 = arith.mulf %sub3A_698, %sub3A_698 : vector<16xf32>
      %add3A_707 = arith.addf %mul3A_705, %mul3A_706 : vector<16xf32>
      %mul3A_708 = arith.mulf %sub3A_701, %sub3A_701 : vector<16xf32>
      %add3A_709 = arith.addf %add3A_707, %mul3A_708 : vector<16xf32>
      %mul3A_710 = arith.mulf %sub3A_704, %sub3A_704 : vector<16xf32>
      %add3A_711 = arith.addf %add3A_709, %mul3A_710 : vector<16xf32>
      %bitcast_convert_type3A_712 = tpu.bitcast %add3A_711 : vector<16xf32> -> vector<16xi32>
      %shift_right_arithmetic3A_713 = arith.constant 1 : i32
      %shift_right_arithmetic3A_714 = vector.broadcast %shift_right_arithmetic3A_713 : i32 to vector<16xi32>
      %shift_right_arithmetic3A_715 = arith.shrsi %bitcast_convert_type3A_712, %shift_right_arithmetic3A_714 : vector<16xi32>
      %sub3A_716 = arith.constant 1597463007 : i32
      %sub3A_717 = vector.broadcast %sub3A_716 : i32 to vector<16xi32>
      %sub3A_718 = arith.subi %sub3A_717, %shift_right_arithmetic3A_715 : vector<16xi32>
      %bitcast_convert_type3A_719 = tpu.bitcast %sub3A_718 : vector<16xi32> -> vector<16xf32>
      %mul3A_720 = arith.constant 5.000000e-01 : f32
      %mul3A_721 = vector.broadcast %mul3A_720 : f32 to vector<16xf32>
      %mul3A_722 = arith.mulf %mul3A_721, %add3A_711 : vector<16xf32>
      %mul3A_723 = arith.mulf %mul3A_722, %bitcast_convert_type3A_719 : vector<16xf32>
      %mul3A_724 = arith.mulf %mul3A_723, %bitcast_convert_type3A_719 : vector<16xf32>
      %sub3A_725 = arith.constant 1.500000e+00 : f32
      %sub3A_726 = vector.broadcast %sub3A_725 : f32 to vector<16xf32>
      %sub3A_727 = arith.subf %sub3A_726, %mul3A_724 : vector<16xf32>
      %mul3A_728 = arith.mulf %bitcast_convert_type3A_719, %sub3A_727 : vector<16xf32>
      %mul3A_729 = arith.constant 5.000000e-01 : f32
      %mul3A_730 = vector.broadcast %mul3A_729 : f32 to vector<16xf32>
      %mul3A_731 = arith.mulf %mul3A_730, %add3A_711 : vector<16xf32>
      %mul3A_732 = arith.mulf %mul3A_731, %mul3A_728 : vector<16xf32>
      %mul3A_733 = arith.mulf %mul3A_732, %mul3A_728 : vector<16xf32>
      %sub3A_734 = arith.constant 1.500000e+00 : f32
      %sub3A_735 = vector.broadcast %sub3A_734 : f32 to vector<16xf32>
      %sub3A_736 = arith.subf %sub3A_735, %mul3A_733 : vector<16xf32>
      %mul3A_737 = arith.mulf %mul3A_728, %sub3A_736 : vector<16xf32>
      %mul3A_738 = arith.constant 5.000000e-01 : f32
      %mul3A_739 = vector.broadcast %mul3A_738 : f32 to vector<16xf32>
      %mul3A_740 = arith.mulf %mul3A_739, %add3A_711 : vector<16xf32>
      %mul3A_741 = arith.mulf %mul3A_740, %mul3A_737 : vector<16xf32>
      %mul3A_742 = arith.mulf %mul3A_741, %mul3A_737 : vector<16xf32>
      %sub3A_743 = arith.constant 1.500000e+00 : f32
      %sub3A_744 = vector.broadcast %sub3A_743 : f32 to vector<16xf32>
      %sub3A_745 = arith.subf %sub3A_744, %mul3A_742 : vector<16xf32>
      %mul3A_746 = arith.mulf %mul3A_737, %sub3A_745 : vector<16xf32>
      %mul3A_747 = arith.mulf %add3A_695, %mul3A_746 : vector<16xf32>
      %swap3A_748 = arith.constant 16 : index
      %swap3A_749 = tpu.vector_load %arg18[%swap3A_748] {strides = array<i32>} : memref<80xf32, #tpu.memory_space<vmem>>, vector<16xf32>,
      tpu.vector_store %arg18[%swap3A_748], %mul3A_747 {strides = array<i32>} : memref<80xf32, #tpu.memory_space<vmem>>, vector<16xf32>,
      %get3A_750 = arith.constant 0 : i32
      %get3A_751 = arith.index_cast %get3A_750 : i32 to index
      %get3A_752 = arith.constant 32 : index
      %get3A_753 = tpu.vector_load %arg13[%get3A_751, %get3A_752] {strides = array<i32>} : memref<6x80xf32, #tpu.memory_space<vmem>>, vector<16xf32>,
      %get3A_754 = arith.constant 1 : i32
      %get3A_755 = arith.index_cast %get3A_754 : i32 to index
      %get3A_756 = arith.constant 32 : index
      %get3A_757 = tpu.vector_load %arg13[%get3A_755, %get3A_756] {strides = array<i32>} : memref<6x80xf32, #tpu.memory_space<vmem>>, vector<16xf32>,
      %get3A_758 = arith.constant 2 : i32
      %get3A_759 = arith.index_cast %get3A_758 : i32 to index
      %get3A_760 = arith.constant 32 : index
      %get3A_761 = tpu.vector_load %arg13[%get3A_759, %get3A_760] {strides = array<i32>} : memref<6x80xf32, #tpu.memory_space<vmem>>, vector<16xf32>,
      %get3A_762 = arith.constant 3 : i32
      %get3A_763 = arith.index_cast %get3A_762 : i32 to index
      %get3A_764 = arith.constant 32 : index
      %get3A_765 = tpu.vector_load %arg13[%get3A_763, %get3A_764] {strides = array<i32>} : memref<6x80xf32, #tpu.memory_space<vmem>>, vector<16xf32>,
      %get3A_766 = arith.constant 4 : i32
      %get3A_767 = arith.index_cast %get3A_766 : i32 to index
      %get3A_768 = arith.constant 32 : index
      %get3A_769 = tpu.vector_load %arg13[%get3A_767, %get3A_768] {strides = array<i32>} : memref<6x80xf32, #tpu.memory_space<vmem>>, vector<16xf32>,
      %get3A_770 = arith.constant 5 : i32
      %get3A_771 = arith.index_cast %get3A_770 : i32 to index
      %get3A_772 = arith.constant 32 : index
      %get3A_773 = tpu.vector_load %arg13[%get3A_771, %get3A_772] {strides = array<i32>} : memref<6x80xf32, #tpu.memory_space<vmem>>, vector<16xf32>,
      %mul3A_774 = arith.mulf %get3A_753, %get3A_765 : vector<16xf32>
      %mul3A_775 = arith.mulf %get3A_757, %get3A_769 : vector<16xf32>
      %add3A_776 = arith.addf %mul3A_774, %mul3A_775 : vector<16xf32>
      %mul3A_777 = arith.mulf %get3A_761, %get3A_773 : vector<16xf32>
      %add3A_778 = arith.addf %add3A_776, %mul3A_777 : vector<16xf32>
      %mul3A_779 = arith.mulf %get3A_757, %get3A_773 : vector<16xf32>
      %mul3A_780 = arith.mulf %get3A_761, %get3A_769 : vector<16xf32>
      %sub3A_781 = arith.subf %mul3A_779, %mul3A_780 : vector<16xf32>
      %mul3A_782 = arith.mulf %get3A_761, %get3A_765 : vector<16xf32>
      %mul3A_783 = arith.mulf %get3A_753, %get3A_773 : vector<16xf32>
      %sub3A_784 = arith.subf %mul3A_782, %mul3A_783 : vector<16xf32>
      %mul3A_785 = arith.mulf %get3A_753, %get3A_769 : vector<16xf32>
      %mul3A_786 = arith.mulf %get3A_757, %get3A_765 : vector<16xf32>
      %sub3A_787 = arith.subf %mul3A_785, %mul3A_786 : vector<16xf32>
      %mul3A_788 = arith.mulf %add3A_778, %add3A_778 : vector<16xf32>
      %mul3A_789 = arith.mulf %sub3A_781, %sub3A_781 : vector<16xf32>
      %add3A_790 = arith.addf %mul3A_788, %mul3A_789 : vector<16xf32>
      %mul3A_791 = arith.mulf %sub3A_784, %sub3A_784 : vector<16xf32>
      %add3A_792 = arith.addf %add3A_790, %mul3A_791 : vector<16xf32>
      %mul3A_793 = arith.mulf %sub3A_787, %sub3A_787 : vector<16xf32>
      %add3A_794 = arith.addf %add3A_792, %mul3A_793 : vector<16xf32>
      %bitcast_convert_type3A_795 = tpu.bitcast %add3A_794 : vector<16xf32> -> vector<16xi32>
      %shift_right_arithmetic3A_796 = arith.constant 1 : i32
      %shift_right_arithmetic3A_797 = vector.broadcast %shift_right_arithmetic3A_796 : i32 to vector<16xi32>
      %shift_right_arithmetic3A_798 = arith.shrsi %bitcast_convert_type3A_795, %shift_right_arithmetic3A_797 : vector<16xi32>
      %sub3A_799 = arith.constant 1597463007 : i32
      %sub3A_800 = vector.broadcast %sub3A_799 : i32 to vector<16xi32>
      %sub3A_801 = arith.subi %sub3A_800, %shift_right_arithmetic3A_798 : vector<16xi32>
      %bitcast_convert_type3A_802 = tpu.bitcast %sub3A_801 : vector<16xi32> -> vector<16xf32>
      %mul3A_803 = arith.constant 5.000000e-01 : f32
      %mul3A_804 = vector.broadcast %mul3A_803 : f32 to vector<16xf32>
      %mul3A_805 = arith.mulf %mul3A_804, %add3A_794 : vector<16xf32>
      %mul3A_806 = arith.mulf %mul3A_805, %bitcast_convert_type3A_802 : vector<16xf32>
      %mul3A_807 = arith.mulf %mul3A_806, %bitcast_convert_type3A_802 : vector<16xf32>
      %sub3A_808 = arith.constant 1.500000e+00 : f32
      %sub3A_809 = vector.broadcast %sub3A_808 : f32 to vector<16xf32>
      %sub3A_810 = arith.subf %sub3A_809, %mul3A_807 : vector<16xf32>
      %mul3A_811 = arith.mulf %bitcast_convert_type3A_802, %sub3A_810 : vector<16xf32>
      %mul3A_812 = arith.constant 5.000000e-01 : f32
      %mul3A_813 = vector.broadcast %mul3A_812 : f32 to vector<16xf32>
      %mul3A_814 = arith.mulf %mul3A_813, %add3A_794 : vector<16xf32>
      %mul3A_815 = arith.mulf %mul3A_814, %mul3A_811 : vector<16xf32>
      %mul3A_816 = arith.mulf %mul3A_815, %mul3A_811 : vector<16xf32>
      %sub3A_817 = arith.constant 1.500000e+00 : f32
      %sub3A_818 = vector.broadcast %sub3A_817 : f32 to vector<16xf32>
      %sub3A_819 = arith.subf %sub3A_818, %mul3A_816 : vector<16xf32>
      %mul3A_820 = arith.mulf %mul3A_811, %sub3A_819 : vector<16xf32>
      %mul3A_821 = arith.constant 5.000000e-01 : f32
      %mul3A_822 = vector.broadcast %mul3A_821 : f32 to vector<16xf32>
      %mul3A_823 = arith.mulf %mul3A_822, %add3A_794 : vector<16xf32>
      %mul3A_824 = arith.mulf %mul3A_823, %mul3A_820 : vector<16xf32>
      %mul3A_825 = arith.mulf %mul3A_824, %mul3A_820 : vector<16xf32>
      %sub3A_826 = arith.constant 1.500000e+00 : f32
      %sub3A_827 = vector.broadcast %sub3A_826 : f32 to vector<16xf32>
      %sub3A_828 = arith.subf %sub3A_827, %mul3A_825 : vector<16xf32>
      %mul3A_829 = arith.mulf %mul3A_820, %sub3A_828 : vector<16xf32>
      %mul3A_830 = arith.mulf %add3A_778, %mul3A_829 : vector<16xf32>
      %swap3A_831 = arith.constant 32 : index
      %swap3A_832 = tpu.vector_load %arg18[%swap3A_831] {strides = array<i32>} : memref<80xf32, #tpu.memory_space<vmem>>, vector<16xf32>,
      tpu.vector_store %arg18[%swap3A_831], %mul3A_830 {strides = array<i32>} : memref<80xf32, #tpu.memory_space<vmem>>, vector<16xf32>,
      %get3A_833 = arith.constant 0 : i32
      %get3A_834 = arith.index_cast %get3A_833 : i32 to index
      %get3A_835 = arith.constant 48 : index
      %get3A_836 = tpu.vector_load %arg13[%get3A_834, %get3A_835] {strides = array<i32>} : memref<6x80xf32, #tpu.memory_space<vmem>>, vector<16xf32>,
      %get3A_837 = arith.constant 1 : i32
      %get3A_838 = arith.index_cast %get3A_837 : i32 to index
      %get3A_839 = arith.constant 48 : index
      %get3A_840 = tpu.vector_load %arg13[%get3A_838, %get3A_839] {strides = array<i32>} : memref<6x80xf32, #tpu.memory_space<vmem>>, vector<16xf32>,
      %get3A_841 = arith.constant 2 : i32
      %get3A_842 = arith.index_cast %get3A_841 : i32 to index
      %get3A_843 = arith.constant 48 : index
      %get3A_844 = tpu.vector_load %arg13[%get3A_842, %get3A_843] {strides = array<i32>} : memref<6x80xf32, #tpu.memory_space<vmem>>, vector<16xf32>,
      %get3A_845 = arith.constant 3 : i32
      %get3A_846 = arith.index_cast %get3A_845 : i32 to index
      %get3A_847 = arith.constant 48 : index
      %get3A_848 = tpu.vector_load %arg13[%get3A_846, %get3A_847] {strides = array<i32>} : memref<6x80xf32, #tpu.memory_space<vmem>>, vector<16xf32>,
      %get3A_849 = arith.constant 4 : i32
      %get3A_850 = arith.index_cast %get3A_849 : i32 to index
      %get3A_851 = arith.constant 48 : index
      %get3A_852 = tpu.vector_load %arg13[%get3A_850, %get3A_851] {strides = array<i32>} : memref<6x80xf32, #tpu.memory_space<vmem>>, vector<16xf32>,
      %get3A_853 = arith.constant 5 : i32
      %get3A_854 = arith.index_cast %get3A_853 : i32 to index
      %get3A_855 = arith.constant 48 : index
      %get3A_856 = tpu.vector_load %arg13[%get3A_854, %get3A_855] {strides = array<i32>} : memref<6x80xf32, #tpu.memory_space<vmem>>, vector<16xf32>,
      %mul3A_857 = arith.mulf %get3A_836, %get3A_848 : vector<16xf32>
      %mul3A_858 = arith.mulf %get3A_840, %get3A_852 : vector<16xf32>
      %add3A_859 = arith.addf %mul3A_857, %mul3A_858 : vector<16xf32>
      %mul3A_860 = arith.mulf %get3A_844, %get3A_856 : vector<16xf32>
      %add3A_861 = arith.addf %add3A_859, %mul3A_860 : vector<16xf32>
      %mul3A_862 = arith.mulf %get3A_840, %get3A_856 : vector<16xf32>
      %mul3A_863 = arith.mulf %get3A_844, %get3A_852 : vector<16xf32>
      %sub3A_864 = arith.subf %mul3A_862, %mul3A_863 : vector<16xf32>
      %mul3A_865 = arith.mulf %get3A_844, %get3A_848 : vector<16xf32>
      %mul3A_866 = arith.mulf %get3A_836, %get3A_856 : vector<16xf32>
      %sub3A_867 = arith.subf %mul3A_865, %mul3A_866 : vector<16xf32>
      %mul3A_868 = arith.mulf %get3A_836, %get3A_852 : vector<16xf32>
      %mul3A_869 = arith.mulf %get3A_840, %get3A_848 : vector<16xf32>
      %sub3A_870 = arith.subf %mul3A_868, %mul3A_869 : vector<16xf32>
      %mul3A_871 = arith.mulf %add3A_861, %add3A_861 : vector<16xf32>
      %mul3A_872 = arith.mulf %sub3A_864, %sub3A_864 : vector<16xf32>
      %add3A_873 = arith.addf %mul3A_871, %mul3A_872 : vector<16xf32>
      %mul3A_874 = arith.mulf %sub3A_867, %sub3A_867 : vector<16xf32>
      %add3A_875 = arith.addf %add3A_873, %mul3A_874 : vector<16xf32>
      %mul3A_876 = arith.mulf %sub3A_870, %sub3A_870 : vector<16xf32>
      %add3A_877 = arith.addf %add3A_875, %mul3A_876 : vector<16xf32>
      %bitcast_convert_type3A_878 = tpu.bitcast %add3A_877 : vector<16xf32> -> vector<16xi32>
      %shift_right_arithmetic3A_879 = arith.constant 1 : i32
      %shift_right_arithmetic3A_880 = vector.broadcast %shift_right_arithmetic3A_879 : i32 to vector<16xi32>
      %shift_right_arithmetic3A_881 = arith.shrsi %bitcast_convert_type3A_878, %shift_right_arithmetic3A_880 : vector<16xi32>
      %sub3A_882 = arith.constant 1597463007 : i32
      %sub3A_883 = vector.broadcast %sub3A_882 : i32 to vector<16xi32>
      %sub3A_884 = arith.subi %sub3A_883, %shift_right_arithmetic3A_881 : vector<16xi32>
      %bitcast_convert_type3A_885 = tpu.bitcast %sub3A_884 : vector<16xi32> -> vector<16xf32>
      %mul3A_886 = arith.constant 5.000000e-01 : f32
      %mul3A_887 = vector.broadcast %mul3A_886 : f32 to vector<16xf32>
      %mul3A_888 = arith.mulf %mul3A_887, %add3A_877 : vector<16xf32>
      %mul3A_889 = arith.mulf %mul3A_888, %bitcast_convert_type3A_885 : vector<16xf32>
      %mul3A_890 = arith.mulf %mul3A_889, %bitcast_convert_type3A_885 : vector<16xf32>
      %sub3A_891 = arith.constant 1.500000e+00 : f32
      %sub3A_892 = vector.broadcast %sub3A_891 : f32 to vector<16xf32>
      %sub3A_893 = arith.subf %sub3A_892, %mul3A_890 : vector<16xf32>
      %mul3A_894 = arith.mulf %bitcast_convert_type3A_885, %sub3A_893 : vector<16xf32>
      %mul3A_895 = arith.constant 5.000000e-01 : f32
      %mul3A_896 = vector.broadcast %mul3A_895 : f32 to vector<16xf32>
      %mul3A_897 = arith.mulf %mul3A_896, %add3A_877 : vector<16xf32>
      %mul3A_898 = arith.mulf %mul3A_897, %mul3A_894 : vector<16xf32>
      %mul3A_899 = arith.mulf %mul3A_898, %mul3A_894 : vector<16xf32>
      %sub3A_900 = arith.constant 1.500000e+00 : f32
      %sub3A_901 = vector.broadcast %sub3A_900 : f32 to vector<16xf32>
      %sub3A_902 = arith.subf %sub3A_901, %mul3A_899 : vector<16xf32>
      %mul3A_903 = arith.mulf %mul3A_894, %sub3A_902 : vector<16xf32>
      %mul3A_904 = arith.constant 5.000000e-01 : f32
      %mul3A_905 = vector.broadcast %mul3A_904 : f32 to vector<16xf32>
      %mul3A_906 = arith.mulf %mul3A_905, %add3A_877 : vector<16xf32>
      %mul3A_907 = arith.mulf %mul3A_906, %mul3A_903 : vector<16xf32>
      %mul3A_908 = arith.mulf %mul3A_907, %mul3A_903 : vector<16xf32>
      %sub3A_909 = arith.constant 1.500000e+00 : f32
      %sub3A_910 = vector.broadcast %sub3A_909 : f32 to vector<16xf32>
      %sub3A_911 = arith.subf %sub3A_910, %mul3A_908 : vector<16xf32>
      %mul3A_912 = arith.mulf %mul3A_903, %sub3A_911 : vector<16xf32>
      %mul3A_913 = arith.mulf %add3A_861, %mul3A_912 : vector<16xf32>
      %swap3A_914 = arith.constant 48 : index
      %swap3A_915 = tpu.vector_load %arg18[%swap3A_914] {strides = array<i32>} : memref<80xf32, #tpu.memory_space<vmem>>, vector<16xf32>,
      tpu.vector_store %arg18[%swap3A_914], %mul3A_913 {strides = array<i32>} : memref<80xf32, #tpu.memory_space<vmem>>, vector<16xf32>,
      %get3A_916 = arith.constant 0 : i32
      %get3A_917 = arith.index_cast %get3A_916 : i32 to index
      %get3A_918 = arith.constant 64 : index
      %get3A_919 = tpu.vector_load %arg13[%get3A_917, %get3A_918] {strides = array<i32>} : memref<6x80xf32, #tpu.memory_space<vmem>>, vector<16xf32>,
      %get3A_920 = arith.constant 1 : i32
      %get3A_921 = arith.index_cast %get3A_920 : i32 to index
      %get3A_922 = arith.constant 64 : index
      %get3A_923 = tpu.vector_load %arg13[%get3A_921, %get3A_922] {strides = array<i32>} : memref<6x80xf32, #tpu.memory_space<vmem>>, vector<16xf32>,
      %get3A_924 = arith.constant 2 : i32
      %get3A_925 = arith.index_cast %get3A_924 : i32 to index
      %get3A_926 = arith.constant 64 : index
      %get3A_927 = tpu.vector_load %arg13[%get3A_925, %get3A_926] {strides = array<i32>} : memref<6x80xf32, #tpu.memory_space<vmem>>, vector<16xf32>,
      %get3A_928 = arith.constant 3 : i32
      %get3A_929 = arith.index_cast %get3A_928 : i32 to index
      %get3A_930 = arith.constant 64 : index
      %get3A_931 = tpu.vector_load %arg13[%get3A_929, %get3A_930] {strides = array<i32>} : memref<6x80xf32, #tpu.memory_space<vmem>>, vector<16xf32>,
      %get3A_932 = arith.constant 4 : i32
      %get3A_933 = arith.index_cast %get3A_932 : i32 to index
      %get3A_934 = arith.constant 64 : index
      %get3A_935 = tpu.vector_load %arg13[%get3A_933, %get3A_934] {strides = array<i32>} : memref<6x80xf32, #tpu.memory_space<vmem>>, vector<16xf32>,
      %get3A_936 = arith.constant 5 : i32
      %get3A_937 = arith.index_cast %get3A_936 : i32 to index
      %get3A_938 = arith.constant 64 : index
      %get3A_939 = tpu.vector_load %arg13[%get3A_937, %get3A_938] {strides = array<i32>} : memref<6x80xf32, #tpu.memory_space<vmem>>, vector<16xf32>,
      %mul3A_940 = arith.mulf %get3A_919, %get3A_931 : vector<16xf32>
      %mul3A_941 = arith.mulf %get3A_923, %get3A_935 : vector<16xf32>
      %add3A_942 = arith.addf %mul3A_940, %mul3A_941 : vector<16xf32>
      %mul3A_943 = arith.mulf %get3A_927, %get3A_939 : vector<16xf32>
      %add3A_944 = arith.addf %add3A_942, %mul3A_943 : vector<16xf32>
      %mul3A_945 = arith.mulf %get3A_923, %get3A_939 : vector<16xf32>
      %mul3A_946 = arith.mulf %get3A_927, %get3A_935 : vector<16xf32>
      %sub3A_947 = arith.subf %mul3A_945, %mul3A_946 : vector<16xf32>
      %mul3A_948 = arith.mulf %get3A_927, %get3A_931 : vector<16xf32>
      %mul3A_949 = arith.mulf %get3A_919, %get3A_939 : vector<16xf32>
      %sub3A_950 = arith.subf %mul3A_948, %mul3A_949 : vector<16xf32>
      %mul3A_951 = arith.mulf %get3A_919, %get3A_935 : vector<16xf32>
      %mul3A_952 = arith.mulf %get3A_923, %get3A_931 : vector<16xf32>
      %sub3A_953 = arith.subf %mul3A_951, %mul3A_952 : vector<16xf32>
      %mul3A_954 = arith.mulf %add3A_944, %add3A_944 : vector<16xf32>
      %mul3A_955 = arith.mulf %sub3A_947, %sub3A_947 : vector<16xf32>
      %add3A_956 = arith.addf %mul3A_954, %mul3A_955 : vector<16xf32>
      %mul3A_957 = arith.mulf %sub3A_950, %sub3A_950 : vector<16xf32>
      %add3A_958 = arith.addf %add3A_956, %mul3A_957 : vector<16xf32>
      %mul3A_959 = arith.mulf %sub3A_953, %sub3A_953 : vector<16xf32>
      %add3A_960 = arith.addf %add3A_958, %mul3A_959 : vector<16xf32>
      %bitcast_convert_type3A_961 = tpu.bitcast %add3A_960 : vector<16xf32> -> vector<16xi32>
      %shift_right_arithmetic3A_962 = arith.constant 1 : i32
      %shift_right_arithmetic3A_963 = vector.broadcast %shift_right_arithmetic3A_962 : i32 to vector<16xi32>
      %shift_right_arithmetic3A_964 = arith.shrsi %bitcast_convert_type3A_961, %shift_right_arithmetic3A_963 : vector<16xi32>
      %sub3A_965 = arith.constant 1597463007 : i32
      %sub3A_966 = vector.broadcast %sub3A_965 : i32 to vector<16xi32>
      %sub3A_967 = arith.subi %sub3A_966, %shift_right_arithmetic3A_964 : vector<16xi32>
      %bitcast_convert_type3A_968 = tpu.bitcast %sub3A_967 : vector<16xi32> -> vector<16xf32>
      %mul3A_969 = arith.constant 5.000000e-01 : f32
      %mul3A_970 = vector.broadcast %mul3A_969 : f32 to vector<16xf32>
      %mul3A_971 = arith.mulf %mul3A_970, %add3A_960 : vector<16xf32>
      %mul3A_972 = arith.mulf %mul3A_971, %bitcast_convert_type3A_968 : vector<16xf32>
      %mul3A_973 = arith.mulf %mul3A_972, %bitcast_convert_type3A_968 : vector<16xf32>
      %sub3A_974 = arith.constant 1.500000e+00 : f32
      %sub3A_975 = vector.broadcast %sub3A_974 : f32 to vector<16xf32>
      %sub3A_976 = arith.subf %sub3A_975, %mul3A_973 : vector<16xf32>
      %mul3A_977 = arith.mulf %bitcast_convert_type3A_968, %sub3A_976 : vector<16xf32>
      %mul3A_978 = arith.constant 5.000000e-01 : f32
      %mul3A_979 = vector.broadcast %mul3A_978 : f32 to vector<16xf32>
      %mul3A_980 = arith.mulf %mul3A_979, %add3A_960 : vector<16xf32>
      %mul3A_981 = arith.mulf %mul3A_980, %mul3A_977 : vector<16xf32>
      %mul3A_982 = arith.mulf %mul3A_981, %mul3A_977 : vector<16xf32>
      %sub3A_983 = arith.constant 1.500000e+00 : f32
      %sub3A_984 = vector.broadcast %sub3A_983 : f32 to vector<16xf32>
      %sub3A_985 = arith.subf %sub3A_984, %mul3A_982 : vector<16xf32>
      %mul3A_986 = arith.mulf %mul3A_977, %sub3A_985 : vector<16xf32>
      %mul3A_987 = arith.constant 5.000000e-01 : f32
      %mul3A_988 = vector.broadcast %mul3A_987 : f32 to vector<16xf32>
      %mul3A_989 = arith.mulf %mul3A_988, %add3A_960 : vector<16xf32>
      %mul3A_990 = arith.mulf %mul3A_989, %mul3A_986 : vector<16xf32>
      %mul3A_991 = arith.mulf %mul3A_990, %mul3A_986 : vector<16xf32>
      %sub3A_992 = arith.constant 1.500000e+00 : f32
      %sub3A_993 = vector.broadcast %sub3A_992 : f32 to vector<16xf32>
      %sub3A_994 = arith.subf %sub3A_993, %mul3A_991 : vector<16xf32>
      %mul3A_995 = arith.mulf %mul3A_986, %sub3A_994 : vector<16xf32>
      %mul3A_996 = arith.mulf %add3A_944, %mul3A_995 : vector<16xf32>
      %swap3A_997 = arith.constant 64 : index
      %swap3A_998 = tpu.vector_load %arg18[%swap3A_997] {strides = array<i32>} : memref<80xf32, #tpu.memory_space<vmem>>, vector<16xf32>,
      tpu.vector_store %arg18[%swap3A_997], %mul3A_996 {strides = array<i32>} : memref<80xf32, #tpu.memory_space<vmem>>, vector<16xf32>,
      %dma_wait3A_999 = arith.constant 0 : i32
      %dma_wait3A_1000 = arith.constant 0 : i32
      %dma_wait3A_1001 = tpu.memref_slice %arg5[%dma_wait3A_999, %dma_wait3A_1000] : memref<160000x128xf32, #tpu.memory_space<hbm>> -> memref<160000x128xf32, #tpu.memory_space<hbm>>
      tpu.wait_indirect_dma semaphore(%arg19 : memref<!tpu.dma_semaphore, #tpu.memory_space<semaphore_mem>>) src(%dma_wait3A_1001 : memref<160000x128xf32, #tpu.memory_space<hbm>>) dst(%arg12 : memref<80x128xf32, #tpu.memory_space<vmem>>)
      "tpu.region"() ({
        %run_scoped3A = tpu.sem_alloc : memref<!tpu.dma_semaphore, #tpu.memory_space<semaphore_mem>>
        %dma_start3A_1505 = arith.constant 0 : i32
        %dma_start3A_1506 = tpu.memref_slice %arg8[%add3A_547, %dma_start3A_1505] : memref<320000x128xf32, #tpu.memory_space<hbm>> -> memref<80x128xf32, #tpu.memory_space<hbm>>
        %dma_start3A_1507 = arith.constant 0 : i32
        %dma_start3A_1508 = tpu.memref_slice %arg8[%add3A_547, %dma_start3A_1507] : memref<320000x128xf32, #tpu.memory_space<hbm>> -> memref<80x128xf32, #tpu.memory_space<hbm>>
        tpu.enqueue_dma source(%arg12 : memref<80x128xf32, #tpu.memory_space<vmem>>) target(%dma_start3A_1508 : memref<80x128xf32, #tpu.memory_space<hbm>>) target_semaphore(%run_scoped3A : memref<!tpu.dma_semaphore, #tpu.memory_space<semaphore_mem>>)
        %dma_wait3A_1509 = arith.constant 0 : i32
        %dma_wait3A_1510 = tpu.memref_slice %arg8[%add3A_547, %dma_wait3A_1509] : memref<320000x128xf32, #tpu.memory_space<hbm>> -> memref<80x128xf32, #tpu.memory_space<hbm>>
        %dma_wait3A_1511 = arith.constant 0 : i32
        %dma_wait3A_1512 = tpu.memref_slice %arg8[%add3A_547, %dma_wait3A_1511] : memref<320000x128xf32, #tpu.memory_space<hbm>> -> memref<80x128xf32, #tpu.memory_space<hbm>>
        tpu.wait_dma2 semaphore(%run_scoped3A : memref<!tpu.dma_semaphore, #tpu.memory_space<semaphore_mem>>) src(%arg12 : memref<80x128xf32, #tpu.memory_space<vmem>>) dst(%dma_wait3A_1512 : memref<80x128xf32, #tpu.memory_space<hbm>>)
        tpu.yield
      }) : () -> ()
      "tpu.region"() ({
        %run_scoped3A = tpu.sem_alloc : memref<!tpu.dma_semaphore, #tpu.memory_space<semaphore_mem>>
        %dma_start3A_1505 = tpu.memref_slice %arg9[%add3A_547] : memref<320000xf32, #tpu.memory_space<hbm>> -> memref<80xf32, #tpu.memory_space<hbm>>
        %dma_start3A_1506 = tpu.memref_slice %arg9[%add3A_547] : memref<320000xf32, #tpu.memory_space<hbm>> -> memref<80xf32, #tpu.memory_space<hbm>>
        tpu.enqueue_dma source(%arg18 : memref<80xf32, #tpu.memory_space<vmem>>) target(%dma_start3A_1506 : memref<80xf32, #tpu.memory_space<hbm>>) target_semaphore(%run_scoped3A : memref<!tpu.dma_semaphore, #tpu.memory_space<semaphore_mem>>)
        %dma_wait3A_1507 = tpu.memref_slice %arg9[%add3A_547] : memref<320000xf32, #tpu.memory_space<hbm>> -> memref<80xf32, #tpu.memory_space<hbm>>
        %dma_wait3A_1508 = tpu.memref_slice %arg9[%add3A_547] : memref<320000xf32, #tpu.memory_space<hbm>> -> memref<80xf32, #tpu.memory_space<hbm>>
        tpu.wait_dma2 semaphore(%run_scoped3A : memref<!tpu.dma_semaphore, #tpu.memory_space<semaphore_mem>>) src(%arg18 : memref<80xf32, #tpu.memory_space<vmem>>) dst(%dma_wait3A_1508 : memref<80xf32, #tpu.memory_space<hbm>>)
        tpu.yield
      }) : () -> ()
      %add3A_1002 = arith.constant 2 : i32
      %add3A_1003 = arith.addi %mul3A_500, %add3A_1002 : i32
      %mul3A_1004 = arith.constant 80 : i32
      %mul3A_1005 = arith.muli %add3A_1003, %mul3A_1004 : i32
      %add3A_1006 = arith.addi %mul3A_2, %mul3A_1005 : i32
      "tpu.region"() ({
        %run_scoped3A = tpu.sem_alloc : memref<!tpu.dma_semaphore, #tpu.memory_space<semaphore_mem>>
        %dma_start3A_1505 = tpu.memref_slice %arg6[%add3A_1006] : memref<320000xi32, #tpu.memory_space<hbm>> -> memref<80xi32, #tpu.memory_space<hbm>>
        %dma_start3A_1506 = tpu.memref_slice %arg6[%add3A_1006] : memref<320000xi32, #tpu.memory_space<hbm>> -> memref<80xi32, #tpu.memory_space<hbm>>
        tpu.enqueue_dma source(%dma_start3A_1506 : memref<80xi32, #tpu.memory_space<hbm>>) target(%arg10 : memref<80xi32, #tpu.memory_space<vmem>>) target_semaphore(%run_scoped3A : memref<!tpu.dma_semaphore, #tpu.memory_space<semaphore_mem>>)
        %dma_wait3A_1507 = tpu.memref_slice %arg6[%add3A_1006] : memref<320000xi32, #tpu.memory_space<hbm>> -> memref<80xi32, #tpu.memory_space<hbm>>
        %dma_wait3A_1508 = tpu.memref_slice %arg6[%add3A_1006] : memref<320000xi32, #tpu.memory_space<hbm>> -> memref<80xi32, #tpu.memory_space<hbm>>
        tpu.wait_dma2 semaphore(%run_scoped3A : memref<!tpu.dma_semaphore, #tpu.memory_space<semaphore_mem>>) src(%dma_wait3A_1508 : memref<80xi32, #tpu.memory_space<hbm>>) dst(%arg10 : memref<80xi32, #tpu.memory_space<vmem>>)
        tpu.yield
      }) : () -> ()
      "tpu.region"() ({
        %run_scoped3A = tpu.sem_alloc : memref<!tpu.dma_semaphore, #tpu.memory_space<semaphore_mem>>
        %dma_start3A_1505 = tpu.memref_slice %arg7[%add3A_1006] : memref<320000xi32, #tpu.memory_space<hbm>> -> memref<80xi32, #tpu.memory_space<hbm>>
        %dma_start3A_1506 = tpu.memref_slice %arg7[%add3A_1006] : memref<320000xi32, #tpu.memory_space<hbm>> -> memref<80xi32, #tpu.memory_space<hbm>>
        tpu.enqueue_dma source(%dma_start3A_1506 : memref<80xi32, #tpu.memory_space<hbm>>) target(%arg11 : memref<80xi32, #tpu.memory_space<vmem>>) target_semaphore(%run_scoped3A : memref<!tpu.dma_semaphore, #tpu.memory_space<semaphore_mem>>)
        %dma_wait3A_1507 = tpu.memref_slice %arg7[%add3A_1006] : memref<320000xi32, #tpu.memory_space<hbm>> -> memref<80xi32, #tpu.memory_space<hbm>>
        %dma_wait3A_1508 = tpu.memref_slice %arg7[%add3A_1006] : memref<320000xi32, #tpu.memory_space<hbm>> -> memref<80xi32, #tpu.memory_space<hbm>>
        tpu.wait_dma2 semaphore(%run_scoped3A : memref<!tpu.dma_semaphore, #tpu.memory_space<semaphore_mem>>) src(%dma_wait3A_1508 : memref<80xi32, #tpu.memory_space<hbm>>) dst(%arg11 : memref<80xi32, #tpu.memory_space<vmem>>)
        tpu.yield
      }) : () -> ()
      %dma_start3A_1007 = arith.constant 0 : i32
      %dma_start3A_1008 = arith.constant 0 : i32
      %dma_start3A_1009 = tpu.memref_slice %arg5[%dma_start3A_1007, %dma_start3A_1008] : memref<160000x128xf32, #tpu.memory_space<hbm>> -> memref<160000x128xf32, #tpu.memory_space<hbm>>
      tpu.enqueue_indirect_dma source(%dma_start3A_1009 : memref<160000x128xf32, #tpu.memory_space<hbm>>) target(%arg12 : memref<80x128xf32, #tpu.memory_space<vmem>>) offsets(%arg10 : memref<80xi32, #tpu.memory_space<vmem>>) semaphore(%arg19 : memref<!tpu.dma_semaphore, #tpu.memory_space<semaphore_mem>>)
      %dma_start3A_1010 = arith.constant 0 : i32
      %dma_start3A_1011 = arith.constant 0 : i32
      %dma_start3A_1012 = tpu.memref_slice %arg13[%dma_start3A_1010, %dma_start3A_1011] : memref<6x80xf32, #tpu.memory_space<vmem>> -> memref<1x80xf32, #tpu.memory_space<vmem>>
      %dma_start3A_1013 = tpu.memref_squeeze %dma_start3A_1012 : memref<1x80xf32, #tpu.memory_space<vmem>> -> memref<80xf32, #tpu.memory_space<vmem>>
      %dma_start3A_1014 = arith.constant 0 : i32
      %dma_start3A_1015 = tpu.memref_slice %arg2[%dma_start3A_1014] : memref<160000xf32, #tpu.memory_space<hbm>> -> memref<160000xf32, #tpu.memory_space<hbm>>
      tpu.enqueue_indirect_dma source(%dma_start3A_1015 : memref<160000xf32, #tpu.memory_space<hbm>>) target(%dma_start3A_1013 : memref<80xf32, #tpu.memory_space<vmem>>) offsets(%arg10 : memref<80xi32, #tpu.memory_space<vmem>>) semaphore(%arg20 : memref<!tpu.dma_semaphore, #tpu.memory_space<semaphore_mem>>)
      %dma_start3A_1016 = arith.constant 1 : i32
      %dma_start3A_1017 = arith.constant 0 : i32
      %dma_start3A_1018 = tpu.memref_slice %arg13[%dma_start3A_1016, %dma_start3A_1017] : memref<6x80xf32, #tpu.memory_space<vmem>> -> memref<1x80xf32, #tpu.memory_space<vmem>>
      %dma_start3A_1019 = tpu.memref_squeeze %dma_start3A_1018 : memref<1x80xf32, #tpu.memory_space<vmem>> -> memref<80xf32, #tpu.memory_space<vmem>>
      %dma_start3A_1020 = arith.constant 0 : i32
      %dma_start3A_1021 = tpu.memref_slice %arg3[%dma_start3A_1020] : memref<160000xf32, #tpu.memory_space<hbm>> -> memref<160000xf32, #tpu.memory_space<hbm>>
      tpu.enqueue_indirect_dma source(%dma_start3A_1021 : memref<160000xf32, #tpu.memory_space<hbm>>) target(%dma_start3A_1019 : memref<80xf32, #tpu.memory_space<vmem>>) offsets(%arg10 : memref<80xi32, #tpu.memory_space<vmem>>) semaphore(%arg20 : memref<!tpu.dma_semaphore, #tpu.memory_space<semaphore_mem>>)
      %dma_start3A_1022 = arith.constant 2 : i32
      %dma_start3A_1023 = arith.constant 0 : i32
      %dma_start3A_1024 = tpu.memref_slice %arg13[%dma_start3A_1022, %dma_start3A_1023] : memref<6x80xf32, #tpu.memory_space<vmem>> -> memref<1x80xf32, #tpu.memory_space<vmem>>
      %dma_start3A_1025 = tpu.memref_squeeze %dma_start3A_1024 : memref<1x80xf32, #tpu.memory_space<vmem>> -> memref<80xf32, #tpu.memory_space<vmem>>
      %dma_start3A_1026 = arith.constant 0 : i32
      %dma_start3A_1027 = tpu.memref_slice %arg4[%dma_start3A_1026] : memref<160000xf32, #tpu.memory_space<hbm>> -> memref<160000xf32, #tpu.memory_space<hbm>>
      tpu.enqueue_indirect_dma source(%dma_start3A_1027 : memref<160000xf32, #tpu.memory_space<hbm>>) target(%dma_start3A_1025 : memref<80xf32, #tpu.memory_space<vmem>>) offsets(%arg10 : memref<80xi32, #tpu.memory_space<vmem>>) semaphore(%arg20 : memref<!tpu.dma_semaphore, #tpu.memory_space<semaphore_mem>>)
      %dma_start3A_1028 = arith.constant 3 : i32
      %dma_start3A_1029 = arith.constant 0 : i32
      %dma_start3A_1030 = tpu.memref_slice %arg13[%dma_start3A_1028, %dma_start3A_1029] : memref<6x80xf32, #tpu.memory_space<vmem>> -> memref<1x80xf32, #tpu.memory_space<vmem>>
      %dma_start3A_1031 = tpu.memref_squeeze %dma_start3A_1030 : memref<1x80xf32, #tpu.memory_space<vmem>> -> memref<80xf32, #tpu.memory_space<vmem>>
      %dma_start3A_1032 = arith.constant 0 : i32
      %dma_start3A_1033 = tpu.memref_slice %arg2[%dma_start3A_1032] : memref<160000xf32, #tpu.memory_space<hbm>> -> memref<160000xf32, #tpu.memory_space<hbm>>
      tpu.enqueue_indirect_dma source(%dma_start3A_1033 : memref<160000xf32, #tpu.memory_space<hbm>>) target(%dma_start3A_1031 : memref<80xf32, #tpu.memory_space<vmem>>) offsets(%arg11 : memref<80xi32, #tpu.memory_space<vmem>>) semaphore(%arg20 : memref<!tpu.dma_semaphore, #tpu.memory_space<semaphore_mem>>)
      %dma_start3A_1034 = arith.constant 4 : i32
      %dma_start3A_1035 = arith.constant 0 : i32
      %dma_start3A_1036 = tpu.memref_slice %arg13[%dma_start3A_1034, %dma_start3A_1035] : memref<6x80xf32, #tpu.memory_space<vmem>> -> memref<1x80xf32, #tpu.memory_space<vmem>>
      %dma_start3A_1037 = tpu.memref_squeeze %dma_start3A_1036 : memref<1x80xf32, #tpu.memory_space<vmem>> -> memref<80xf32, #tpu.memory_space<vmem>>
      %dma_start3A_1038 = arith.constant 0 : i32
      %dma_start3A_1039 = tpu.memref_slice %arg3[%dma_start3A_1038] : memref<160000xf32, #tpu.memory_space<hbm>> -> memref<160000xf32, #tpu.memory_space<hbm>>
      tpu.enqueue_indirect_dma source(%dma_start3A_1039 : memref<160000xf32, #tpu.memory_space<hbm>>) target(%dma_start3A_1037 : memref<80xf32, #tpu.memory_space<vmem>>) offsets(%arg11 : memref<80xi32, #tpu.memory_space<vmem>>) semaphore(%arg20 : memref<!tpu.dma_semaphore, #tpu.memory_space<semaphore_mem>>)
      %dma_start3A_1040 = arith.constant 5 : i32
      %dma_start3A_1041 = arith.constant 0 : i32
      %dma_start3A_1042 = tpu.memref_slice %arg13[%dma_start3A_1040, %dma_start3A_1041] : memref<6x80xf32, #tpu.memory_space<vmem>> -> memref<1x80xf32, #tpu.memory_space<vmem>>
      %dma_start3A_1043 = tpu.memref_squeeze %dma_start3A_1042 : memref<1x80xf32, #tpu.memory_space<vmem>> -> memref<80xf32, #tpu.memory_space<vmem>>
      %dma_start3A_1044 = arith.constant 0 : i32
      %dma_start3A_1045 = tpu.memref_slice %arg4[%dma_start3A_1044] : memref<160000xf32, #tpu.memory_space<hbm>> -> memref<160000xf32, #tpu.memory_space<hbm>>
      tpu.enqueue_indirect_dma source(%dma_start3A_1045 : memref<160000xf32, #tpu.memory_space<hbm>>) target(%dma_start3A_1043 : memref<80xf32, #tpu.memory_space<vmem>>) offsets(%arg11 : memref<80xi32, #tpu.memory_space<vmem>>) semaphore(%arg20 : memref<!tpu.dma_semaphore, #tpu.memory_space<semaphore_mem>>)
      %add3A_1046 = arith.constant 1 : i32
      %add3A_1047 = arith.addi %mul3A_500, %add3A_1046 : i32
      %mul3A_1048 = arith.constant 80 : i32
      %mul3A_1049 = arith.muli %add3A_1047, %mul3A_1048 : i32
      %add3A_1050 = arith.addi %mul3A_2, %mul3A_1049 : i32
      %dma_wait3A_1051 = arith.constant 0 : i32
      %dma_wait3A_1052 = arith.constant 0 : i32
      %dma_wait3A_1053 = tpu.memref_slice %arg17[%dma_wait3A_1051, %dma_wait3A_1052] : memref<6x80xf32, #tpu.memory_space<vmem>> -> memref<1x80xf32, #tpu.memory_space<vmem>>
      %dma_wait3A_1054 = tpu.memref_squeeze %dma_wait3A_1053 : memref<1x80xf32, #tpu.memory_space<vmem>> -> memref<80xf32, #tpu.memory_space<vmem>>
      %dma_wait3A_1055 = arith.constant 0 : i32
      %dma_wait3A_1056 = tpu.memref_slice %arg2[%dma_wait3A_1055] : memref<160000xf32, #tpu.memory_space<hbm>> -> memref<160000xf32, #tpu.memory_space<hbm>>
      tpu.wait_indirect_dma semaphore(%arg22 : memref<!tpu.dma_semaphore, #tpu.memory_space<semaphore_mem>>) src(%dma_wait3A_1056 : memref<160000xf32, #tpu.memory_space<hbm>>) dst(%dma_wait3A_1054 : memref<80xf32, #tpu.memory_space<vmem>>)
      %dma_wait3A_1057 = arith.constant 1 : i32
      %dma_wait3A_1058 = arith.constant 0 : i32
      %dma_wait3A_1059 = tpu.memref_slice %arg17[%dma_wait3A_1057, %dma_wait3A_1058] : memref<6x80xf32, #tpu.memory_space<vmem>> -> memref<1x80xf32, #tpu.memory_space<vmem>>
      %dma_wait3A_1060 = tpu.memref_squeeze %dma_wait3A_1059 : memref<1x80xf32, #tpu.memory_space<vmem>> -> memref<80xf32, #tpu.memory_space<vmem>>
      %dma_wait3A_1061 = arith.constant 0 : i32
      %dma_wait3A_1062 = tpu.memref_slice %arg3[%dma_wait3A_1061] : memref<160000xf32, #tpu.memory_space<hbm>> -> memref<160000xf32, #tpu.memory_space<hbm>>
      tpu.wait_indirect_dma semaphore(%arg22 : memref<!tpu.dma_semaphore, #tpu.memory_space<semaphore_mem>>) src(%dma_wait3A_1062 : memref<160000xf32, #tpu.memory_space<hbm>>) dst(%dma_wait3A_1060 : memref<80xf32, #tpu.memory_space<vmem>>)
      %dma_wait3A_1063 = arith.constant 2 : i32
      %dma_wait3A_1064 = arith.constant 0 : i32
      %dma_wait3A_1065 = tpu.memref_slice %arg17[%dma_wait3A_1063, %dma_wait3A_1064] : memref<6x80xf32, #tpu.memory_space<vmem>> -> memref<1x80xf32, #tpu.memory_space<vmem>>
      %dma_wait3A_1066 = tpu.memref_squeeze %dma_wait3A_1065 : memref<1x80xf32, #tpu.memory_space<vmem>> -> memref<80xf32, #tpu.memory_space<vmem>>
      %dma_wait3A_1067 = arith.constant 0 : i32
      %dma_wait3A_1068 = tpu.memref_slice %arg4[%dma_wait3A_1067] : memref<160000xf32, #tpu.memory_space<hbm>> -> memref<160000xf32, #tpu.memory_space<hbm>>
      tpu.wait_indirect_dma semaphore(%arg22 : memref<!tpu.dma_semaphore, #tpu.memory_space<semaphore_mem>>) src(%dma_wait3A_1068 : memref<160000xf32, #tpu.memory_space<hbm>>) dst(%dma_wait3A_1066 : memref<80xf32, #tpu.memory_space<vmem>>)
      %dma_wait3A_1069 = arith.constant 3 : i32
      %dma_wait3A_1070 = arith.constant 0 : i32
      %dma_wait3A_1071 = tpu.memref_slice %arg17[%dma_wait3A_1069, %dma_wait3A_1070] : memref<6x80xf32, #tpu.memory_space<vmem>> -> memref<1x80xf32, #tpu.memory_space<vmem>>
      %dma_wait3A_1072 = tpu.memref_squeeze %dma_wait3A_1071 : memref<1x80xf32, #tpu.memory_space<vmem>> -> memref<80xf32, #tpu.memory_space<vmem>>
      %dma_wait3A_1073 = arith.constant 0 : i32
      %dma_wait3A_1074 = tpu.memref_slice %arg2[%dma_wait3A_1073] : memref<160000xf32, #tpu.memory_space<hbm>> -> memref<160000xf32, #tpu.memory_space<hbm>>
      tpu.wait_indirect_dma semaphore(%arg22 : memref<!tpu.dma_semaphore, #tpu.memory_space<semaphore_mem>>) src(%dma_wait3A_1074 : memref<160000xf32, #tpu.memory_space<hbm>>) dst(%dma_wait3A_1072 : memref<80xf32, #tpu.memory_space<vmem>>)
      %dma_wait3A_1075 = arith.constant 4 : i32
      %dma_wait3A_1076 = arith.constant 0 : i32
      %dma_wait3A_1077 = tpu.memref_slice %arg17[%dma_wait3A_1075, %dma_wait3A_1076] : memref<6x80xf32, #tpu.memory_space<vmem>> -> memref<1x80xf32, #tpu.memory_space<vmem>>
      %dma_wait3A_1078 = tpu.memref_squeeze %dma_wait3A_1077 : memref<1x80xf32, #tpu.memory_space<vmem>> -> memref<80xf32, #tpu.memory_space<vmem>>
      %dma_wait3A_1079 = arith.constant 0 : i32
      %dma_wait3A_1080 = tpu.memref_slice %arg3[%dma_wait3A_1079] : memref<160000xf32, #tpu.memory_space<hbm>> -> memref<160000xf32, #tpu.memory_space<hbm>>
      tpu.wait_indirect_dma semaphore(%arg22 : memref<!tpu.dma_semaphore, #tpu.memory_space<semaphore_mem>>) src(%dma_wait3A_1080 : memref<160000xf32, #tpu.memory_space<hbm>>) dst(%dma_wait3A_1078 : memref<80xf32, #tpu.memory_space<vmem>>)
      %dma_wait3A_1081 = arith.constant 5 : i32
      %dma_wait3A_1082 = arith.constant 0 : i32
      %dma_wait3A_1083 = tpu.memref_slice %arg17[%dma_wait3A_1081, %dma_wait3A_1082] : memref<6x80xf32, #tpu.memory_space<vmem>> -> memref<1x80xf32, #tpu.memory_space<vmem>>
      %dma_wait3A_1084 = tpu.memref_squeeze %dma_wait3A_1083 : memref<1x80xf32, #tpu.memory_space<vmem>> -> memref<80xf32, #tpu.memory_space<vmem>>
      %dma_wait3A_1085 = arith.constant 0 : i32
      %dma_wait3A_1086 = tpu.memref_slice %arg4[%dma_wait3A_1085] : memref<160000xf32, #tpu.memory_space<hbm>> -> memref<160000xf32, #tpu.memory_space<hbm>>
      tpu.wait_indirect_dma semaphore(%arg22 : memref<!tpu.dma_semaphore, #tpu.memory_space<semaphore_mem>>) src(%dma_wait3A_1086 : memref<160000xf32, #tpu.memory_space<hbm>>) dst(%dma_wait3A_1084 : memref<80xf32, #tpu.memory_space<vmem>>)
      %get3A_1087 = arith.constant 0 : i32
      %get3A_1088 = arith.index_cast %get3A_1087 : i32 to index
      %get3A_1089 = arith.constant 0 : index
      %get3A_1090 = tpu.vector_load %arg17[%get3A_1088, %get3A_1089] {strides = array<i32>} : memref<6x80xf32, #tpu.memory_space<vmem>>, vector<16xf32>,
      %get3A_1091 = arith.constant 1 : i32
      %get3A_1092 = arith.index_cast %get3A_1091 : i32 to index
      %get3A_1093 = arith.constant 0 : index
      %get3A_1094 = tpu.vector_load %arg17[%get3A_1092, %get3A_1093] {strides = array<i32>} : memref<6x80xf32, #tpu.memory_space<vmem>>, vector<16xf32>,
      %get3A_1095 = arith.constant 2 : i32
      %get3A_1096 = arith.index_cast %get3A_1095 : i32 to index
      %get3A_1097 = arith.constant 0 : index
      %get3A_1098 = tpu.vector_load %arg17[%get3A_1096, %get3A_1097] {strides = array<i32>} : memref<6x80xf32, #tpu.memory_space<vmem>>, vector<16xf32>,
      %get3A_1099 = arith.constant 3 : i32
      %get3A_1100 = arith.index_cast %get3A_1099 : i32 to index
      %get3A_1101 = arith.constant 0 : index
      %get3A_1102 = tpu.vector_load %arg17[%get3A_1100, %get3A_1101] {strides = array<i32>} : memref<6x80xf32, #tpu.memory_space<vmem>>, vector<16xf32>,
      %get3A_1103 = arith.constant 4 : i32
      %get3A_1104 = arith.index_cast %get3A_1103 : i32 to index
      %get3A_1105 = arith.constant 0 : index
      %get3A_1106 = tpu.vector_load %arg17[%get3A_1104, %get3A_1105] {strides = array<i32>} : memref<6x80xf32, #tpu.memory_space<vmem>>, vector<16xf32>,
      %get3A_1107 = arith.constant 5 : i32
      %get3A_1108 = arith.index_cast %get3A_1107 : i32 to index
      %get3A_1109 = arith.constant 0 : index
      %get3A_1110 = tpu.vector_load %arg17[%get3A_1108, %get3A_1109] {strides = array<i32>} : memref<6x80xf32, #tpu.memory_space<vmem>>, vector<16xf32>,
      %mul3A_1111 = arith.mulf %get3A_1090, %get3A_1102 : vector<16xf32>
      %mul3A_1112 = arith.mulf %get3A_1094, %get3A_1106 : vector<16xf32>
      %add3A_1113 = arith.addf %mul3A_1111, %mul3A_1112 : vector<16xf32>
      %mul3A_1114 = arith.mulf %get3A_1098, %get3A_1110 : vector<16xf32>
      %add3A_1115 = arith.addf %add3A_1113, %mul3A_1114 : vector<16xf32>
      %mul3A_1116 = arith.mulf %get3A_1094, %get3A_1110 : vector<16xf32>
      %mul3A_1117 = arith.mulf %get3A_1098, %get3A_1106 : vector<16xf32>
      %sub3A_1118 = arith.subf %mul3A_1116, %mul3A_1117 : vector<16xf32>
      %mul3A_1119 = arith.mulf %get3A_1098, %get3A_1102 : vector<16xf32>
      %mul3A_1120 = arith.mulf %get3A_1090, %get3A_1110 : vector<16xf32>
      %sub3A_1121 = arith.subf %mul3A_1119, %mul3A_1120 : vector<16xf32>
      %mul3A_1122 = arith.mulf %get3A_1090, %get3A_1106 : vector<16xf32>
      %mul3A_1123 = arith.mulf %get3A_1094, %get3A_1102 : vector<16xf32>
      %sub3A_1124 = arith.subf %mul3A_1122, %mul3A_1123 : vector<16xf32>
      %mul3A_1125 = arith.mulf %add3A_1115, %add3A_1115 : vector<16xf32>
      %mul3A_1126 = arith.mulf %sub3A_1118, %sub3A_1118 : vector<16xf32>
      %add3A_1127 = arith.addf %mul3A_1125, %mul3A_1126 : vector<16xf32>
      %mul3A_1128 = arith.mulf %sub3A_1121, %sub3A_1121 : vector<16xf32>
      %add3A_1129 = arith.addf %add3A_1127, %mul3A_1128 : vector<16xf32>
      %mul3A_1130 = arith.mulf %sub3A_1124, %sub3A_1124 : vector<16xf32>
      %add3A_1131 = arith.addf %add3A_1129, %mul3A_1130 : vector<16xf32>
      %bitcast_convert_type3A_1132 = tpu.bitcast %add3A_1131 : vector<16xf32> -> vector<16xi32>
      %shift_right_arithmetic3A_1133 = arith.constant 1 : i32
      %shift_right_arithmetic3A_1134 = vector.broadcast %shift_right_arithmetic3A_1133 : i32 to vector<16xi32>
      %shift_right_arithmetic3A_1135 = arith.shrsi %bitcast_convert_type3A_1132, %shift_right_arithmetic3A_1134 : vector<16xi32>
      %sub3A_1136 = arith.constant 1597463007 : i32
      %sub3A_1137 = vector.broadcast %sub3A_1136 : i32 to vector<16xi32>
      %sub3A_1138 = arith.subi %sub3A_1137, %shift_right_arithmetic3A_1135 : vector<16xi32>
      %bitcast_convert_type3A_1139 = tpu.bitcast %sub3A_1138 : vector<16xi32> -> vector<16xf32>
      %mul3A_1140 = arith.constant 5.000000e-01 : f32
      %mul3A_1141 = vector.broadcast %mul3A_1140 : f32 to vector<16xf32>
      %mul3A_1142 = arith.mulf %mul3A_1141, %add3A_1131 : vector<16xf32>
      %mul3A_1143 = arith.mulf %mul3A_1142, %bitcast_convert_type3A_1139 : vector<16xf32>
      %mul3A_1144 = arith.mulf %mul3A_1143, %bitcast_convert_type3A_1139 : vector<16xf32>
      %sub3A_1145 = arith.constant 1.500000e+00 : f32
      %sub3A_1146 = vector.broadcast %sub3A_1145 : f32 to vector<16xf32>
      %sub3A_1147 = arith.subf %sub3A_1146, %mul3A_1144 : vector<16xf32>
      %mul3A_1148 = arith.mulf %bitcast_convert_type3A_1139, %sub3A_1147 : vector<16xf32>
      %mul3A_1149 = arith.constant 5.000000e-01 : f32
      %mul3A_1150 = vector.broadcast %mul3A_1149 : f32 to vector<16xf32>
      %mul3A_1151 = arith.mulf %mul3A_1150, %add3A_1131 : vector<16xf32>
      %mul3A_1152 = arith.mulf %mul3A_1151, %mul3A_1148 : vector<16xf32>
      %mul3A_1153 = arith.mulf %mul3A_1152, %mul3A_1148 : vector<16xf32>
      %sub3A_1154 = arith.constant 1.500000e+00 : f32
      %sub3A_1155 = vector.broadcast %sub3A_1154 : f32 to vector<16xf32>
      %sub3A_1156 = arith.subf %sub3A_1155, %mul3A_1153 : vector<16xf32>
      %mul3A_1157 = arith.mulf %mul3A_1148, %sub3A_1156 : vector<16xf32>
      %mul3A_1158 = arith.constant 5.000000e-01 : f32
      %mul3A_1159 = vector.broadcast %mul3A_1158 : f32 to vector<16xf32>
      %mul3A_1160 = arith.mulf %mul3A_1159, %add3A_1131 : vector<16xf32>
      %mul3A_1161 = arith.mulf %mul3A_1160, %mul3A_1157 : vector<16xf32>
      %mul3A_1162 = arith.mulf %mul3A_1161, %mul3A_1157 : vector<16xf32>
      %sub3A_1163 = arith.constant 1.500000e+00 : f32
      %sub3A_1164 = vector.broadcast %sub3A_1163 : f32 to vector<16xf32>
      %sub3A_1165 = arith.subf %sub3A_1164, %mul3A_1162 : vector<16xf32>
      %mul3A_1166 = arith.mulf %mul3A_1157, %sub3A_1165 : vector<16xf32>
      %mul3A_1167 = arith.mulf %add3A_1115, %mul3A_1166 : vector<16xf32>
      %swap3A_1168 = arith.constant 0 : index
      %swap3A_1169 = tpu.vector_load %arg18[%swap3A_1168] {strides = array<i32>} : memref<80xf32, #tpu.memory_space<vmem>>, vector<16xf32>,
      tpu.vector_store %arg18[%swap3A_1168], %mul3A_1167 {strides = array<i32>} : memref<80xf32, #tpu.memory_space<vmem>>, vector<16xf32>,
      %get3A_1170 = arith.constant 0 : i32
      %get3A_1171 = arith.index_cast %get3A_1170 : i32 to index
      %get3A_1172 = arith.constant 16 : index
      %get3A_1173 = tpu.vector_load %arg17[%get3A_1171, %get3A_1172] {strides = array<i32>} : memref<6x80xf32, #tpu.memory_space<vmem>>, vector<16xf32>,
      %get3A_1174 = arith.constant 1 : i32
      %get3A_1175 = arith.index_cast %get3A_1174 : i32 to index
      %get3A_1176 = arith.constant 16 : index
      %get3A_1177 = tpu.vector_load %arg17[%get3A_1175, %get3A_1176] {strides = array<i32>} : memref<6x80xf32, #tpu.memory_space<vmem>>, vector<16xf32>,
      %get3A_1178 = arith.constant 2 : i32
      %get3A_1179 = arith.index_cast %get3A_1178 : i32 to index
      %get3A_1180 = arith.constant 16 : index
      %get3A_1181 = tpu.vector_load %arg17[%get3A_1179, %get3A_1180] {strides = array<i32>} : memref<6x80xf32, #tpu.memory_space<vmem>>, vector<16xf32>,
      %get3A_1182 = arith.constant 3 : i32
      %get3A_1183 = arith.index_cast %get3A_1182 : i32 to index
      %get3A_1184 = arith.constant 16 : index
      %get3A_1185 = tpu.vector_load %arg17[%get3A_1183, %get3A_1184] {strides = array<i32>} : memref<6x80xf32, #tpu.memory_space<vmem>>, vector<16xf32>,
      %get3A_1186 = arith.constant 4 : i32
      %get3A_1187 = arith.index_cast %get3A_1186 : i32 to index
      %get3A_1188 = arith.constant 16 : index
      %get3A_1189 = tpu.vector_load %arg17[%get3A_1187, %get3A_1188] {strides = array<i32>} : memref<6x80xf32, #tpu.memory_space<vmem>>, vector<16xf32>,
      %get3A_1190 = arith.constant 5 : i32
      %get3A_1191 = arith.index_cast %get3A_1190 : i32 to index
      %get3A_1192 = arith.constant 16 : index
      %get3A_1193 = tpu.vector_load %arg17[%get3A_1191, %get3A_1192] {strides = array<i32>} : memref<6x80xf32, #tpu.memory_space<vmem>>, vector<16xf32>,
      %mul3A_1194 = arith.mulf %get3A_1173, %get3A_1185 : vector<16xf32>
      %mul3A_1195 = arith.mulf %get3A_1177, %get3A_1189 : vector<16xf32>
      %add3A_1196 = arith.addf %mul3A_1194, %mul3A_1195 : vector<16xf32>
      %mul3A_1197 = arith.mulf %get3A_1181, %get3A_1193 : vector<16xf32>
      %add3A_1198 = arith.addf %add3A_1196, %mul3A_1197 : vector<16xf32>
      %mul3A_1199 = arith.mulf %get3A_1177, %get3A_1193 : vector<16xf32>
      %mul3A_1200 = arith.mulf %get3A_1181, %get3A_1189 : vector<16xf32>
      %sub3A_1201 = arith.subf %mul3A_1199, %mul3A_1200 : vector<16xf32>
      %mul3A_1202 = arith.mulf %get3A_1181, %get3A_1185 : vector<16xf32>
      %mul3A_1203 = arith.mulf %get3A_1173, %get3A_1193 : vector<16xf32>
      %sub3A_1204 = arith.subf %mul3A_1202, %mul3A_1203 : vector<16xf32>
      %mul3A_1205 = arith.mulf %get3A_1173, %get3A_1189 : vector<16xf32>
      %mul3A_1206 = arith.mulf %get3A_1177, %get3A_1185 : vector<16xf32>
      %sub3A_1207 = arith.subf %mul3A_1205, %mul3A_1206 : vector<16xf32>
      %mul3A_1208 = arith.mulf %add3A_1198, %add3A_1198 : vector<16xf32>
      %mul3A_1209 = arith.mulf %sub3A_1201, %sub3A_1201 : vector<16xf32>
      %add3A_1210 = arith.addf %mul3A_1208, %mul3A_1209 : vector<16xf32>
      %mul3A_1211 = arith.mulf %sub3A_1204, %sub3A_1204 : vector<16xf32>
      %add3A_1212 = arith.addf %add3A_1210, %mul3A_1211 : vector<16xf32>
      %mul3A_1213 = arith.mulf %sub3A_1207, %sub3A_1207 : vector<16xf32>
      %add3A_1214 = arith.addf %add3A_1212, %mul3A_1213 : vector<16xf32>
      %bitcast_convert_type3A_1215 = tpu.bitcast %add3A_1214 : vector<16xf32> -> vector<16xi32>
      %shift_right_arithmetic3A_1216 = arith.constant 1 : i32
      %shift_right_arithmetic3A_1217 = vector.broadcast %shift_right_arithmetic3A_1216 : i32 to vector<16xi32>
      %shift_right_arithmetic3A_1218 = arith.shrsi %bitcast_convert_type3A_1215, %shift_right_arithmetic3A_1217 : vector<16xi32>
      %sub3A_1219 = arith.constant 1597463007 : i32
      %sub3A_1220 = vector.broadcast %sub3A_1219 : i32 to vector<16xi32>
      %sub3A_1221 = arith.subi %sub3A_1220, %shift_right_arithmetic3A_1218 : vector<16xi32>
      %bitcast_convert_type3A_1222 = tpu.bitcast %sub3A_1221 : vector<16xi32> -> vector<16xf32>
      %mul3A_1223 = arith.constant 5.000000e-01 : f32
      %mul3A_1224 = vector.broadcast %mul3A_1223 : f32 to vector<16xf32>
      %mul3A_1225 = arith.mulf %mul3A_1224, %add3A_1214 : vector<16xf32>
      %mul3A_1226 = arith.mulf %mul3A_1225, %bitcast_convert_type3A_1222 : vector<16xf32>
      %mul3A_1227 = arith.mulf %mul3A_1226, %bitcast_convert_type3A_1222 : vector<16xf32>
      %sub3A_1228 = arith.constant 1.500000e+00 : f32
      %sub3A_1229 = vector.broadcast %sub3A_1228 : f32 to vector<16xf32>
      %sub3A_1230 = arith.subf %sub3A_1229, %mul3A_1227 : vector<16xf32>
      %mul3A_1231 = arith.mulf %bitcast_convert_type3A_1222, %sub3A_1230 : vector<16xf32>
      %mul3A_1232 = arith.constant 5.000000e-01 : f32
      %mul3A_1233 = vector.broadcast %mul3A_1232 : f32 to vector<16xf32>
      %mul3A_1234 = arith.mulf %mul3A_1233, %add3A_1214 : vector<16xf32>
      %mul3A_1235 = arith.mulf %mul3A_1234, %mul3A_1231 : vector<16xf32>
      %mul3A_1236 = arith.mulf %mul3A_1235, %mul3A_1231 : vector<16xf32>
      %sub3A_1237 = arith.constant 1.500000e+00 : f32
      %sub3A_1238 = vector.broadcast %sub3A_1237 : f32 to vector<16xf32>
      %sub3A_1239 = arith.subf %sub3A_1238, %mul3A_1236 : vector<16xf32>
      %mul3A_1240 = arith.mulf %mul3A_1231, %sub3A_1239 : vector<16xf32>
      %mul3A_1241 = arith.constant 5.000000e-01 : f32
      %mul3A_1242 = vector.broadcast %mul3A_1241 : f32 to vector<16xf32>
      %mul3A_1243 = arith.mulf %mul3A_1242, %add3A_1214 : vector<16xf32>
      %mul3A_1244 = arith.mulf %mul3A_1243, %mul3A_1240 : vector<16xf32>
      %mul3A_1245 = arith.mulf %mul3A_1244, %mul3A_1240 : vector<16xf32>
      %sub3A_1246 = arith.constant 1.500000e+00 : f32
      %sub3A_1247 = vector.broadcast %sub3A_1246 : f32 to vector<16xf32>
      %sub3A_1248 = arith.subf %sub3A_1247, %mul3A_1245 : vector<16xf32>
      %mul3A_1249 = arith.mulf %mul3A_1240, %sub3A_1248 : vector<16xf32>
      %mul3A_1250 = arith.mulf %add3A_1198, %mul3A_1249 : vector<16xf32>
      %swap3A_1251 = arith.constant 16 : index
      %swap3A_1252 = tpu.vector_load %arg18[%swap3A_1251] {strides = array<i32>} : memref<80xf32, #tpu.memory_space<vmem>>, vector<16xf32>,
      tpu.vector_store %arg18[%swap3A_1251], %mul3A_1250 {strides = array<i32>} : memref<80xf32, #tpu.memory_space<vmem>>, vector<16xf32>,
      %get3A_1253 = arith.constant 0 : i32
      %get3A_1254 = arith.index_cast %get3A_1253 : i32 to index
      %get3A_1255 = arith.constant 32 : index
      %get3A_1256 = tpu.vector_load %arg17[%get3A_1254, %get3A_1255] {strides = array<i32>} : memref<6x80xf32, #tpu.memory_space<vmem>>, vector<16xf32>,
      %get3A_1257 = arith.constant 1 : i32
      %get3A_1258 = arith.index_cast %get3A_1257 : i32 to index
      %get3A_1259 = arith.constant 32 : index
      %get3A_1260 = tpu.vector_load %arg17[%get3A_1258, %get3A_1259] {strides = array<i32>} : memref<6x80xf32, #tpu.memory_space<vmem>>, vector<16xf32>,
      %get3A_1261 = arith.constant 2 : i32
      %get3A_1262 = arith.index_cast %get3A_1261 : i32 to index
      %get3A_1263 = arith.constant 32 : index
      %get3A_1264 = tpu.vector_load %arg17[%get3A_1262, %get3A_1263] {strides = array<i32>} : memref<6x80xf32, #tpu.memory_space<vmem>>, vector<16xf32>,
      %get3A_1265 = arith.constant 3 : i32
      %get3A_1266 = arith.index_cast %get3A_1265 : i32 to index
      %get3A_1267 = arith.constant 32 : index
      %get3A_1268 = tpu.vector_load %arg17[%get3A_1266, %get3A_1267] {strides = array<i32>} : memref<6x80xf32, #tpu.memory_space<vmem>>, vector<16xf32>,
      %get3A_1269 = arith.constant 4 : i32
      %get3A_1270 = arith.index_cast %get3A_1269 : i32 to index
      %get3A_1271 = arith.constant 32 : index
      %get3A_1272 = tpu.vector_load %arg17[%get3A_1270, %get3A_1271] {strides = array<i32>} : memref<6x80xf32, #tpu.memory_space<vmem>>, vector<16xf32>,
      %get3A_1273 = arith.constant 5 : i32
      %get3A_1274 = arith.index_cast %get3A_1273 : i32 to index
      %get3A_1275 = arith.constant 32 : index
      %get3A_1276 = tpu.vector_load %arg17[%get3A_1274, %get3A_1275] {strides = array<i32>} : memref<6x80xf32, #tpu.memory_space<vmem>>, vector<16xf32>,
      %mul3A_1277 = arith.mulf %get3A_1256, %get3A_1268 : vector<16xf32>
      %mul3A_1278 = arith.mulf %get3A_1260, %get3A_1272 : vector<16xf32>
      %add3A_1279 = arith.addf %mul3A_1277, %mul3A_1278 : vector<16xf32>
      %mul3A_1280 = arith.mulf %get3A_1264, %get3A_1276 : vector<16xf32>
      %add3A_1281 = arith.addf %add3A_1279, %mul3A_1280 : vector<16xf32>
      %mul3A_1282 = arith.mulf %get3A_1260, %get3A_1276 : vector<16xf32>
      %mul3A_1283 = arith.mulf %get3A_1264, %get3A_1272 : vector<16xf32>
      %sub3A_1284 = arith.subf %mul3A_1282, %mul3A_1283 : vector<16xf32>
      %mul3A_1285 = arith.mulf %get3A_1264, %get3A_1268 : vector<16xf32>
      %mul3A_1286 = arith.mulf %get3A_1256, %get3A_1276 : vector<16xf32>
      %sub3A_1287 = arith.subf %mul3A_1285, %mul3A_1286 : vector<16xf32>
      %mul3A_1288 = arith.mulf %get3A_1256, %get3A_1272 : vector<16xf32>
      %mul3A_1289 = arith.mulf %get3A_1260, %get3A_1268 : vector<16xf32>
      %sub3A_1290 = arith.subf %mul3A_1288, %mul3A_1289 : vector<16xf32>
      %mul3A_1291 = arith.mulf %add3A_1281, %add3A_1281 : vector<16xf32>
      %mul3A_1292 = arith.mulf %sub3A_1284, %sub3A_1284 : vector<16xf32>
      %add3A_1293 = arith.addf %mul3A_1291, %mul3A_1292 : vector<16xf32>
      %mul3A_1294 = arith.mulf %sub3A_1287, %sub3A_1287 : vector<16xf32>
      %add3A_1295 = arith.addf %add3A_1293, %mul3A_1294 : vector<16xf32>
      %mul3A_1296 = arith.mulf %sub3A_1290, %sub3A_1290 : vector<16xf32>
      %add3A_1297 = arith.addf %add3A_1295, %mul3A_1296 : vector<16xf32>
      %bitcast_convert_type3A_1298 = tpu.bitcast %add3A_1297 : vector<16xf32> -> vector<16xi32>
      %shift_right_arithmetic3A_1299 = arith.constant 1 : i32
      %shift_right_arithmetic3A_1300 = vector.broadcast %shift_right_arithmetic3A_1299 : i32 to vector<16xi32>
      %shift_right_arithmetic3A_1301 = arith.shrsi %bitcast_convert_type3A_1298, %shift_right_arithmetic3A_1300 : vector<16xi32>
      %sub3A_1302 = arith.constant 1597463007 : i32
      %sub3A_1303 = vector.broadcast %sub3A_1302 : i32 to vector<16xi32>
      %sub3A_1304 = arith.subi %sub3A_1303, %shift_right_arithmetic3A_1301 : vector<16xi32>
      %bitcast_convert_type3A_1305 = tpu.bitcast %sub3A_1304 : vector<16xi32> -> vector<16xf32>
      %mul3A_1306 = arith.constant 5.000000e-01 : f32
      %mul3A_1307 = vector.broadcast %mul3A_1306 : f32 to vector<16xf32>
      %mul3A_1308 = arith.mulf %mul3A_1307, %add3A_1297 : vector<16xf32>
      %mul3A_1309 = arith.mulf %mul3A_1308, %bitcast_convert_type3A_1305 : vector<16xf32>
      %mul3A_1310 = arith.mulf %mul3A_1309, %bitcast_convert_type3A_1305 : vector<16xf32>
      %sub3A_1311 = arith.constant 1.500000e+00 : f32
      %sub3A_1312 = vector.broadcast %sub3A_1311 : f32 to vector<16xf32>
      %sub3A_1313 = arith.subf %sub3A_1312, %mul3A_1310 : vector<16xf32>
      %mul3A_1314 = arith.mulf %bitcast_convert_type3A_1305, %sub3A_1313 : vector<16xf32>
      %mul3A_1315 = arith.constant 5.000000e-01 : f32
      %mul3A_1316 = vector.broadcast %mul3A_1315 : f32 to vector<16xf32>
      %mul3A_1317 = arith.mulf %mul3A_1316, %add3A_1297 : vector<16xf32>
      %mul3A_1318 = arith.mulf %mul3A_1317, %mul3A_1314 : vector<16xf32>
      %mul3A_1319 = arith.mulf %mul3A_1318, %mul3A_1314 : vector<16xf32>
      %sub3A_1320 = arith.constant 1.500000e+00 : f32
      %sub3A_1321 = vector.broadcast %sub3A_1320 : f32 to vector<16xf32>
      %sub3A_1322 = arith.subf %sub3A_1321, %mul3A_1319 : vector<16xf32>
      %mul3A_1323 = arith.mulf %mul3A_1314, %sub3A_1322 : vector<16xf32>
      %mul3A_1324 = arith.constant 5.000000e-01 : f32
      %mul3A_1325 = vector.broadcast %mul3A_1324 : f32 to vector<16xf32>
      %mul3A_1326 = arith.mulf %mul3A_1325, %add3A_1297 : vector<16xf32>
      %mul3A_1327 = arith.mulf %mul3A_1326, %mul3A_1323 : vector<16xf32>
      %mul3A_1328 = arith.mulf %mul3A_1327, %mul3A_1323 : vector<16xf32>
      %sub3A_1329 = arith.constant 1.500000e+00 : f32
      %sub3A_1330 = vector.broadcast %sub3A_1329 : f32 to vector<16xf32>
      %sub3A_1331 = arith.subf %sub3A_1330, %mul3A_1328 : vector<16xf32>
      %mul3A_1332 = arith.mulf %mul3A_1323, %sub3A_1331 : vector<16xf32>
      %mul3A_1333 = arith.mulf %add3A_1281, %mul3A_1332 : vector<16xf32>
      %swap3A_1334 = arith.constant 32 : index
      %swap3A_1335 = tpu.vector_load %arg18[%swap3A_1334] {strides = array<i32>} : memref<80xf32, #tpu.memory_space<vmem>>, vector<16xf32>,
      tpu.vector_store %arg18[%swap3A_1334], %mul3A_1333 {strides = array<i32>} : memref<80xf32, #tpu.memory_space<vmem>>, vector<16xf32>,
      %get3A_1336 = arith.constant 0 : i32
      %get3A_1337 = arith.index_cast %get3A_1336 : i32 to index
      %get3A_1338 = arith.constant 48 : index
      %get3A_1339 = tpu.vector_load %arg17[%get3A_1337, %get3A_1338] {strides = array<i32>} : memref<6x80xf32, #tpu.memory_space<vmem>>, vector<16xf32>,
      %get3A_1340 = arith.constant 1 : i32
      %get3A_1341 = arith.index_cast %get3A_1340 : i32 to index
      %get3A_1342 = arith.constant 48 : index
      %get3A_1343 = tpu.vector_load %arg17[%get3A_1341, %get3A_1342] {strides = array<i32>} : memref<6x80xf32, #tpu.memory_space<vmem>>, vector<16xf32>,
      %get3A_1344 = arith.constant 2 : i32
      %get3A_1345 = arith.index_cast %get3A_1344 : i32 to index
      %get3A_1346 = arith.constant 48 : index
      %get3A_1347 = tpu.vector_load %arg17[%get3A_1345, %get3A_1346] {strides = array<i32>} : memref<6x80xf32, #tpu.memory_space<vmem>>, vector<16xf32>,
      %get3A_1348 = arith.constant 3 : i32
      %get3A_1349 = arith.index_cast %get3A_1348 : i32 to index
      %get3A_1350 = arith.constant 48 : index
      %get3A_1351 = tpu.vector_load %arg17[%get3A_1349, %get3A_1350] {strides = array<i32>} : memref<6x80xf32, #tpu.memory_space<vmem>>, vector<16xf32>,
      %get3A_1352 = arith.constant 4 : i32
      %get3A_1353 = arith.index_cast %get3A_1352 : i32 to index
      %get3A_1354 = arith.constant 48 : index
      %get3A_1355 = tpu.vector_load %arg17[%get3A_1353, %get3A_1354] {strides = array<i32>} : memref<6x80xf32, #tpu.memory_space<vmem>>, vector<16xf32>,
      %get3A_1356 = arith.constant 5 : i32
      %get3A_1357 = arith.index_cast %get3A_1356 : i32 to index
      %get3A_1358 = arith.constant 48 : index
      %get3A_1359 = tpu.vector_load %arg17[%get3A_1357, %get3A_1358] {strides = array<i32>} : memref<6x80xf32, #tpu.memory_space<vmem>>, vector<16xf32>,
      %mul3A_1360 = arith.mulf %get3A_1339, %get3A_1351 : vector<16xf32>
      %mul3A_1361 = arith.mulf %get3A_1343, %get3A_1355 : vector<16xf32>
      %add3A_1362 = arith.addf %mul3A_1360, %mul3A_1361 : vector<16xf32>
      %mul3A_1363 = arith.mulf %get3A_1347, %get3A_1359 : vector<16xf32>
      %add3A_1364 = arith.addf %add3A_1362, %mul3A_1363 : vector<16xf32>
      %mul3A_1365 = arith.mulf %get3A_1343, %get3A_1359 : vector<16xf32>
      %mul3A_1366 = arith.mulf %get3A_1347, %get3A_1355 : vector<16xf32>
      %sub3A_1367 = arith.subf %mul3A_1365, %mul3A_1366 : vector<16xf32>
      %mul3A_1368 = arith.mulf %get3A_1347, %get3A_1351 : vector<16xf32>
      %mul3A_1369 = arith.mulf %get3A_1339, %get3A_1359 : vector<16xf32>
      %sub3A_1370 = arith.subf %mul3A_1368, %mul3A_1369 : vector<16xf32>
      %mul3A_1371 = arith.mulf %get3A_1339, %get3A_1355 : vector<16xf32>
      %mul3A_1372 = arith.mulf %get3A_1343, %get3A_1351 : vector<16xf32>
      %sub3A_1373 = arith.subf %mul3A_1371, %mul3A_1372 : vector<16xf32>
      %mul3A_1374 = arith.mulf %add3A_1364, %add3A_1364 : vector<16xf32>
      %mul3A_1375 = arith.mulf %sub3A_1367, %sub3A_1367 : vector<16xf32>
      %add3A_1376 = arith.addf %mul3A_1374, %mul3A_1375 : vector<16xf32>
      %mul3A_1377 = arith.mulf %sub3A_1370, %sub3A_1370 : vector<16xf32>
      %add3A_1378 = arith.addf %add3A_1376, %mul3A_1377 : vector<16xf32>
      %mul3A_1379 = arith.mulf %sub3A_1373, %sub3A_1373 : vector<16xf32>
      %add3A_1380 = arith.addf %add3A_1378, %mul3A_1379 : vector<16xf32>
      %bitcast_convert_type3A_1381 = tpu.bitcast %add3A_1380 : vector<16xf32> -> vector<16xi32>
      %shift_right_arithmetic3A_1382 = arith.constant 1 : i32
      %shift_right_arithmetic3A_1383 = vector.broadcast %shift_right_arithmetic3A_1382 : i32 to vector<16xi32>
      %shift_right_arithmetic3A_1384 = arith.shrsi %bitcast_convert_type3A_1381, %shift_right_arithmetic3A_1383 : vector<16xi32>
      %sub3A_1385 = arith.constant 1597463007 : i32
      %sub3A_1386 = vector.broadcast %sub3A_1385 : i32 to vector<16xi32>
      %sub3A_1387 = arith.subi %sub3A_1386, %shift_right_arithmetic3A_1384 : vector<16xi32>
      %bitcast_convert_type3A_1388 = tpu.bitcast %sub3A_1387 : vector<16xi32> -> vector<16xf32>
      %mul3A_1389 = arith.constant 5.000000e-01 : f32
      %mul3A_1390 = vector.broadcast %mul3A_1389 : f32 to vector<16xf32>
      %mul3A_1391 = arith.mulf %mul3A_1390, %add3A_1380 : vector<16xf32>
      %mul3A_1392 = arith.mulf %mul3A_1391, %bitcast_convert_type3A_1388 : vector<16xf32>
      %mul3A_1393 = arith.mulf %mul3A_1392, %bitcast_convert_type3A_1388 : vector<16xf32>
      %sub3A_1394 = arith.constant 1.500000e+00 : f32
      %sub3A_1395 = vector.broadcast %sub3A_1394 : f32 to vector<16xf32>
      %sub3A_1396 = arith.subf %sub3A_1395, %mul3A_1393 : vector<16xf32>
      %mul3A_1397 = arith.mulf %bitcast_convert_type3A_1388, %sub3A_1396 : vector<16xf32>
      %mul3A_1398 = arith.constant 5.000000e-01 : f32
      %mul3A_1399 = vector.broadcast %mul3A_1398 : f32 to vector<16xf32>
      %mul3A_1400 = arith.mulf %mul3A_1399, %add3A_1380 : vector<16xf32>
      %mul3A_1401 = arith.mulf %mul3A_1400, %mul3A_1397 : vector<16xf32>
      %mul3A_1402 = arith.mulf %mul3A_1401, %mul3A_1397 : vector<16xf32>
      %sub3A_1403 = arith.constant 1.500000e+00 : f32
      %sub3A_1404 = vector.broadcast %sub3A_1403 : f32 to vector<16xf32>
      %sub3A_1405 = arith.subf %sub3A_1404, %mul3A_1402 : vector<16xf32>
      %mul3A_1406 = arith.mulf %mul3A_1397, %sub3A_1405 : vector<16xf32>
      %mul3A_1407 = arith.constant 5.000000e-01 : f32
      %mul3A_1408 = vector.broadcast %mul3A_1407 : f32 to vector<16xf32>
      %mul3A_1409 = arith.mulf %mul3A_1408, %add3A_1380 : vector<16xf32>
      %mul3A_1410 = arith.mulf %mul3A_1409, %mul3A_1406 : vector<16xf32>
      %mul3A_1411 = arith.mulf %mul3A_1410, %mul3A_1406 : vector<16xf32>
      %sub3A_1412 = arith.constant 1.500000e+00 : f32
      %sub3A_1413 = vector.broadcast %sub3A_1412 : f32 to vector<16xf32>
      %sub3A_1414 = arith.subf %sub3A_1413, %mul3A_1411 : vector<16xf32>
      %mul3A_1415 = arith.mulf %mul3A_1406, %sub3A_1414 : vector<16xf32>
      %mul3A_1416 = arith.mulf %add3A_1364, %mul3A_1415 : vector<16xf32>
      %swap3A_1417 = arith.constant 48 : index
      %swap3A_1418 = tpu.vector_load %arg18[%swap3A_1417] {strides = array<i32>} : memref<80xf32, #tpu.memory_space<vmem>>, vector<16xf32>,
      tpu.vector_store %arg18[%swap3A_1417], %mul3A_1416 {strides = array<i32>} : memref<80xf32, #tpu.memory_space<vmem>>, vector<16xf32>,
      %get3A_1419 = arith.constant 0 : i32
      %get3A_1420 = arith.index_cast %get3A_1419 : i32 to index
      %get3A_1421 = arith.constant 64 : index
      %get3A_1422 = tpu.vector_load %arg17[%get3A_1420, %get3A_1421] {strides = array<i32>} : memref<6x80xf32, #tpu.memory_space<vmem>>, vector<16xf32>,
      %get3A_1423 = arith.constant 1 : i32
      %get3A_1424 = arith.index_cast %get3A_1423 : i32 to index
      %get3A_1425 = arith.constant 64 : index
      %get3A_1426 = tpu.vector_load %arg17[%get3A_1424, %get3A_1425] {strides = array<i32>} : memref<6x80xf32, #tpu.memory_space<vmem>>, vector<16xf32>,
      %get3A_1427 = arith.constant 2 : i32
      %get3A_1428 = arith.index_cast %get3A_1427 : i32 to index
      %get3A_1429 = arith.constant 64 : index
      %get3A_1430 = tpu.vector_load %arg17[%get3A_1428, %get3A_1429] {strides = array<i32>} : memref<6x80xf32, #tpu.memory_space<vmem>>, vector<16xf32>,
      %get3A_1431 = arith.constant 3 : i32
      %get3A_1432 = arith.index_cast %get3A_1431 : i32 to index
      %get3A_1433 = arith.constant 64 : index
      %get3A_1434 = tpu.vector_load %arg17[%get3A_1432, %get3A_1433] {strides = array<i32>} : memref<6x80xf32, #tpu.memory_space<vmem>>, vector<16xf32>,
      %get3A_1435 = arith.constant 4 : i32
      %get3A_1436 = arith.index_cast %get3A_1435 : i32 to index
      %get3A_1437 = arith.constant 64 : index
      %get3A_1438 = tpu.vector_load %arg17[%get3A_1436, %get3A_1437] {strides = array<i32>} : memref<6x80xf32, #tpu.memory_space<vmem>>, vector<16xf32>,
      %get3A_1439 = arith.constant 5 : i32
      %get3A_1440 = arith.index_cast %get3A_1439 : i32 to index
      %get3A_1441 = arith.constant 64 : index
      %get3A_1442 = tpu.vector_load %arg17[%get3A_1440, %get3A_1441] {strides = array<i32>} : memref<6x80xf32, #tpu.memory_space<vmem>>, vector<16xf32>,
      %mul3A_1443 = arith.mulf %get3A_1422, %get3A_1434 : vector<16xf32>
      %mul3A_1444 = arith.mulf %get3A_1426, %get3A_1438 : vector<16xf32>
      %add3A_1445 = arith.addf %mul3A_1443, %mul3A_1444 : vector<16xf32>
      %mul3A_1446 = arith.mulf %get3A_1430, %get3A_1442 : vector<16xf32>
      %add3A_1447 = arith.addf %add3A_1445, %mul3A_1446 : vector<16xf32>
      %mul3A_1448 = arith.mulf %get3A_1426, %get3A_1442 : vector<16xf32>
      %mul3A_1449 = arith.mulf %get3A_1430, %get3A_1438 : vector<16xf32>
      %sub3A_1450 = arith.subf %mul3A_1448, %mul3A_1449 : vector<16xf32>
      %mul3A_1451 = arith.mulf %get3A_1430, %get3A_1434 : vector<16xf32>
      %mul3A_1452 = arith.mulf %get3A_1422, %get3A_1442 : vector<16xf32>
      %sub3A_1453 = arith.subf %mul3A_1451, %mul3A_1452 : vector<16xf32>
      %mul3A_1454 = arith.mulf %get3A_1422, %get3A_1438 : vector<16xf32>
      %mul3A_1455 = arith.mulf %get3A_1426, %get3A_1434 : vector<16xf32>
      %sub3A_1456 = arith.subf %mul3A_1454, %mul3A_1455 : vector<16xf32>
      %mul3A_1457 = arith.mulf %add3A_1447, %add3A_1447 : vector<16xf32>
      %mul3A_1458 = arith.mulf %sub3A_1450, %sub3A_1450 : vector<16xf32>
      %add3A_1459 = arith.addf %mul3A_1457, %mul3A_1458 : vector<16xf32>
      %mul3A_1460 = arith.mulf %sub3A_1453, %sub3A_1453 : vector<16xf32>
      %add3A_1461 = arith.addf %add3A_1459, %mul3A_1460 : vector<16xf32>
      %mul3A_1462 = arith.mulf %sub3A_1456, %sub3A_1456 : vector<16xf32>
      %add3A_1463 = arith.addf %add3A_1461, %mul3A_1462 : vector<16xf32>
      %bitcast_convert_type3A_1464 = tpu.bitcast %add3A_1463 : vector<16xf32> -> vector<16xi32>
      %shift_right_arithmetic3A_1465 = arith.constant 1 : i32
      %shift_right_arithmetic3A_1466 = vector.broadcast %shift_right_arithmetic3A_1465 : i32 to vector<16xi32>
      %shift_right_arithmetic3A_1467 = arith.shrsi %bitcast_convert_type3A_1464, %shift_right_arithmetic3A_1466 : vector<16xi32>
      %sub3A_1468 = arith.constant 1597463007 : i32
      %sub3A_1469 = vector.broadcast %sub3A_1468 : i32 to vector<16xi32>
      %sub3A_1470 = arith.subi %sub3A_1469, %shift_right_arithmetic3A_1467 : vector<16xi32>
      %bitcast_convert_type3A_1471 = tpu.bitcast %sub3A_1470 : vector<16xi32> -> vector<16xf32>
      %mul3A_1472 = arith.constant 5.000000e-01 : f32
      %mul3A_1473 = vector.broadcast %mul3A_1472 : f32 to vector<16xf32>
      %mul3A_1474 = arith.mulf %mul3A_1473, %add3A_1463 : vector<16xf32>
      %mul3A_1475 = arith.mulf %mul3A_1474, %bitcast_convert_type3A_1471 : vector<16xf32>
      %mul3A_1476 = arith.mulf %mul3A_1475, %bitcast_convert_type3A_1471 : vector<16xf32>
      %sub3A_1477 = arith.constant 1.500000e+00 : f32
      %sub3A_1478 = vector.broadcast %sub3A_1477 : f32 to vector<16xf32>
      %sub3A_1479 = arith.subf %sub3A_1478, %mul3A_1476 : vector<16xf32>
      %mul3A_1480 = arith.mulf %bitcast_convert_type3A_1471, %sub3A_1479 : vector<16xf32>
      %mul3A_1481 = arith.constant 5.000000e-01 : f32
      %mul3A_1482 = vector.broadcast %mul3A_1481 : f32 to vector<16xf32>
      %mul3A_1483 = arith.mulf %mul3A_1482, %add3A_1463 : vector<16xf32>
      %mul3A_1484 = arith.mulf %mul3A_1483, %mul3A_1480 : vector<16xf32>
      %mul3A_1485 = arith.mulf %mul3A_1484, %mul3A_1480 : vector<16xf32>
      %sub3A_1486 = arith.constant 1.500000e+00 : f32
      %sub3A_1487 = vector.broadcast %sub3A_1486 : f32 to vector<16xf32>
      %sub3A_1488 = arith.subf %sub3A_1487, %mul3A_1485 : vector<16xf32>
      %mul3A_1489 = arith.mulf %mul3A_1480, %sub3A_1488 : vector<16xf32>
      %mul3A_1490 = arith.constant 5.000000e-01 : f32
      %mul3A_1491 = vector.broadcast %mul3A_1490 : f32 to vector<16xf32>
      %mul3A_1492 = arith.mulf %mul3A_1491, %add3A_1463 : vector<16xf32>
      %mul3A_1493 = arith.mulf %mul3A_1492, %mul3A_1489 : vector<16xf32>
      %mul3A_1494 = arith.mulf %mul3A_1493, %mul3A_1489 : vector<16xf32>
      %sub3A_1495 = arith.constant 1.500000e+00 : f32
      %sub3A_1496 = vector.broadcast %sub3A_1495 : f32 to vector<16xf32>
      %sub3A_1497 = arith.subf %sub3A_1496, %mul3A_1494 : vector<16xf32>
      %mul3A_1498 = arith.mulf %mul3A_1489, %sub3A_1497 : vector<16xf32>
      %mul3A_1499 = arith.mulf %add3A_1447, %mul3A_1498 : vector<16xf32>
      %swap3A_1500 = arith.constant 64 : index
      %swap3A_1501 = tpu.vector_load %arg18[%swap3A_1500] {strides = array<i32>} : memref<80xf32, #tpu.memory_space<vmem>>, vector<16xf32>,
      tpu.vector_store %arg18[%swap3A_1500], %mul3A_1499 {strides = array<i32>} : memref<80xf32, #tpu.memory_space<vmem>>, vector<16xf32>,
      %dma_wait3A_1502 = arith.constant 0 : i32
      %dma_wait3A_1503 = arith.constant 0 : i32
      %dma_wait3A_1504 = tpu.memref_slice %arg5[%dma_wait3A_1502, %dma_wait3A_1503] : memref<160000x128xf32, #tpu.memory_space<hbm>> -> memref<160000x128xf32, #tpu.memory_space<hbm>>
      tpu.wait_indirect_dma semaphore(%arg21 : memref<!tpu.dma_semaphore, #tpu.memory_space<semaphore_mem>>) src(%dma_wait3A_1504 : memref<160000x128xf32, #tpu.memory_space<hbm>>) dst(%arg16 : memref<80x128xf32, #tpu.memory_space<vmem>>)
      "tpu.region"() ({
        %run_scoped3A = tpu.sem_alloc : memref<!tpu.dma_semaphore, #tpu.memory_space<semaphore_mem>>
        %dma_start3A_1505 = arith.constant 0 : i32
        %dma_start3A_1506 = tpu.memref_slice %arg8[%add3A_1050, %dma_start3A_1505] : memref<320000x128xf32, #tpu.memory_space<hbm>> -> memref<80x128xf32, #tpu.memory_space<hbm>>
        %dma_start3A_1507 = arith.constant 0 : i32
        %dma_start3A_1508 = tpu.memref_slice %arg8[%add3A_1050, %dma_start3A_1507] : memref<320000x128xf32, #tpu.memory_space<hbm>> -> memref<80x128xf32, #tpu.memory_space<hbm>>
        tpu.enqueue_dma source(%arg16 : memref<80x128xf32, #tpu.memory_space<vmem>>) target(%dma_start3A_1508 : memref<80x128xf32, #tpu.memory_space<hbm>>) target_semaphore(%run_scoped3A : memref<!tpu.dma_semaphore, #tpu.memory_space<semaphore_mem>>)
        %dma_wait3A_1509 = arith.constant 0 : i32
        %dma_wait3A_1510 = tpu.memref_slice %arg8[%add3A_1050, %dma_wait3A_1509] : memref<320000x128xf32, #tpu.memory_space<hbm>> -> memref<80x128xf32, #tpu.memory_space<hbm>>
        %dma_wait3A_1511 = arith.constant 0 : i32
        %dma_wait3A_1512 = tpu.memref_slice %arg8[%add3A_1050, %dma_wait3A_1511] : memref<320000x128xf32, #tpu.memory_space<hbm>> -> memref<80x128xf32, #tpu.memory_space<hbm>>
        tpu.wait_dma2 semaphore(%run_scoped3A : memref<!tpu.dma_semaphore, #tpu.memory_space<semaphore_mem>>) src(%arg16 : memref<80x128xf32, #tpu.memory_space<vmem>>) dst(%dma_wait3A_1512 : memref<80x128xf32, #tpu.memory_space<hbm>>)
        tpu.yield
      }) : () -> ()
      "tpu.region"() ({
        %run_scoped3A = tpu.sem_alloc : memref<!tpu.dma_semaphore, #tpu.memory_space<semaphore_mem>>
        %dma_start3A_1505 = tpu.memref_slice %arg9[%add3A_1050] : memref<320000xf32, #tpu.memory_space<hbm>> -> memref<80xf32, #tpu.memory_space<hbm>>
        %dma_start3A_1506 = tpu.memref_slice %arg9[%add3A_1050] : memref<320000xf32, #tpu.memory_space<hbm>> -> memref<80xf32, #tpu.memory_space<hbm>>
        tpu.enqueue_dma source(%arg18 : memref<80xf32, #tpu.memory_space<vmem>>) target(%dma_start3A_1506 : memref<80xf32, #tpu.memory_space<hbm>>) target_semaphore(%run_scoped3A : memref<!tpu.dma_semaphore, #tpu.memory_space<semaphore_mem>>)
        %dma_wait3A_1507 = tpu.memref_slice %arg9[%add3A_1050] : memref<320000xf32, #tpu.memory_space<hbm>> -> memref<80xf32, #tpu.memory_space<hbm>>
        %dma_wait3A_1508 = tpu.memref_slice %arg9[%add3A_1050] : memref<320000xf32, #tpu.memory_space<hbm>> -> memref<80xf32, #tpu.memory_space<hbm>>
        tpu.wait_dma2 semaphore(%run_scoped3A : memref<!tpu.dma_semaphore, #tpu.memory_space<semaphore_mem>>) src(%arg18 : memref<80xf32, #tpu.memory_space<vmem>>) dst(%dma_wait3A_1508 : memref<80xf32, #tpu.memory_space<hbm>>)
        tpu.yield
      }) : () -> ()
    }
    %scan3A_47 = arith.constant 62 : i32
    %add3A_48 = arith.constant 9920 : i32
    %add3A_49 = arith.addi %mul3A_2, %add3A_48 : i32
    %dma_wait3A = arith.constant 0 : i32
    %dma_wait3A_50 = arith.constant 0 : i32
    %dma_wait3A_51 = tpu.memref_slice %arg13[%dma_wait3A, %dma_wait3A_50] : memref<6x80xf32, #tpu.memory_space<vmem>> -> memref<1x80xf32, #tpu.memory_space<vmem>>
    %dma_wait3A_52 = tpu.memref_squeeze %dma_wait3A_51 : memref<1x80xf32, #tpu.memory_space<vmem>> -> memref<80xf32, #tpu.memory_space<vmem>>
    %dma_wait3A_53 = arith.constant 0 : i32
    %dma_wait3A_54 = tpu.memref_slice %arg2[%dma_wait3A_53] : memref<160000xf32, #tpu.memory_space<hbm>> -> memref<160000xf32, #tpu.memory_space<hbm>>
    tpu.wait_indirect_dma semaphore(%arg20 : memref<!tpu.dma_semaphore, #tpu.memory_space<semaphore_mem>>) src(%dma_wait3A_54 : memref<160000xf32, #tpu.memory_space<hbm>>) dst(%dma_wait3A_52 : memref<80xf32, #tpu.memory_space<vmem>>)
    %dma_wait3A_55 = arith.constant 1 : i32
    %dma_wait3A_56 = arith.constant 0 : i32
    %dma_wait3A_57 = tpu.memref_slice %arg13[%dma_wait3A_55, %dma_wait3A_56] : memref<6x80xf32, #tpu.memory_space<vmem>> -> memref<1x80xf32, #tpu.memory_space<vmem>>
    %dma_wait3A_58 = tpu.memref_squeeze %dma_wait3A_57 : memref<1x80xf32, #tpu.memory_space<vmem>> -> memref<80xf32, #tpu.memory_space<vmem>>
    %dma_wait3A_59 = arith.constant 0 : i32
    %dma_wait3A_60 = tpu.memref_slice %arg3[%dma_wait3A_59] : memref<160000xf32, #tpu.memory_space<hbm>> -> memref<160000xf32, #tpu.memory_space<hbm>>
    tpu.wait_indirect_dma semaphore(%arg20 : memref<!tpu.dma_semaphore, #tpu.memory_space<semaphore_mem>>) src(%dma_wait3A_60 : memref<160000xf32, #tpu.memory_space<hbm>>) dst(%dma_wait3A_58 : memref<80xf32, #tpu.memory_space<vmem>>)
    %dma_wait3A_61 = arith.constant 2 : i32
    %dma_wait3A_62 = arith.constant 0 : i32
    %dma_wait3A_63 = tpu.memref_slice %arg13[%dma_wait3A_61, %dma_wait3A_62] : memref<6x80xf32, #tpu.memory_space<vmem>> -> memref<1x80xf32, #tpu.memory_space<vmem>>
    %dma_wait3A_64 = tpu.memref_squeeze %dma_wait3A_63 : memref<1x80xf32, #tpu.memory_space<vmem>> -> memref<80xf32, #tpu.memory_space<vmem>>
    %dma_wait3A_65 = arith.constant 0 : i32
    %dma_wait3A_66 = tpu.memref_slice %arg4[%dma_wait3A_65] : memref<160000xf32, #tpu.memory_space<hbm>> -> memref<160000xf32, #tpu.memory_space<hbm>>
    tpu.wait_indirect_dma semaphore(%arg20 : memref<!tpu.dma_semaphore, #tpu.memory_space<semaphore_mem>>) src(%dma_wait3A_66 : memref<160000xf32, #tpu.memory_space<hbm>>) dst(%dma_wait3A_64 : memref<80xf32, #tpu.memory_space<vmem>>)
    %dma_wait3A_67 = arith.constant 3 : i32
    %dma_wait3A_68 = arith.constant 0 : i32
    %dma_wait3A_69 = tpu.memref_slice %arg13[%dma_wait3A_67, %dma_wait3A_68] : memref<6x80xf32, #tpu.memory_space<vmem>> -> memref<1x80xf32, #tpu.memory_space<vmem>>
    %dma_wait3A_70 = tpu.memref_squeeze %dma_wait3A_69 : memref<1x80xf32, #tpu.memory_space<vmem>> -> memref<80xf32, #tpu.memory_space<vmem>>
    %dma_wait3A_71 = arith.constant 0 : i32
    %dma_wait3A_72 = tpu.memref_slice %arg2[%dma_wait3A_71] : memref<160000xf32, #tpu.memory_space<hbm>> -> memref<160000xf32, #tpu.memory_space<hbm>>
    tpu.wait_indirect_dma semaphore(%arg20 : memref<!tpu.dma_semaphore, #tpu.memory_space<semaphore_mem>>) src(%dma_wait3A_72 : memref<160000xf32, #tpu.memory_space<hbm>>) dst(%dma_wait3A_70 : memref<80xf32, #tpu.memory_space<vmem>>)
    %dma_wait3A_73 = arith.constant 4 : i32
    %dma_wait3A_74 = arith.constant 0 : i32
    %dma_wait3A_75 = tpu.memref_slice %arg13[%dma_wait3A_73, %dma_wait3A_74] : memref<6x80xf32, #tpu.memory_space<vmem>> -> memref<1x80xf32, #tpu.memory_space<vmem>>
    %dma_wait3A_76 = tpu.memref_squeeze %dma_wait3A_75 : memref<1x80xf32, #tpu.memory_space<vmem>> -> memref<80xf32, #tpu.memory_space<vmem>>
    %dma_wait3A_77 = arith.constant 0 : i32
    %dma_wait3A_78 = tpu.memref_slice %arg3[%dma_wait3A_77] : memref<160000xf32, #tpu.memory_space<hbm>> -> memref<160000xf32, #tpu.memory_space<hbm>>
    tpu.wait_indirect_dma semaphore(%arg20 : memref<!tpu.dma_semaphore, #tpu.memory_space<semaphore_mem>>) src(%dma_wait3A_78 : memref<160000xf32, #tpu.memory_space<hbm>>) dst(%dma_wait3A_76 : memref<80xf32, #tpu.memory_space<vmem>>)
    %dma_wait3A_79 = arith.constant 5 : i32
    %dma_wait3A_80 = arith.constant 0 : i32
    %dma_wait3A_81 = tpu.memref_slice %arg13[%dma_wait3A_79, %dma_wait3A_80] : memref<6x80xf32, #tpu.memory_space<vmem>> -> memref<1x80xf32, #tpu.memory_space<vmem>>
    %dma_wait3A_82 = tpu.memref_squeeze %dma_wait3A_81 : memref<1x80xf32, #tpu.memory_space<vmem>> -> memref<80xf32, #tpu.memory_space<vmem>>
    %dma_wait3A_83 = arith.constant 0 : i32
    %dma_wait3A_84 = tpu.memref_slice %arg4[%dma_wait3A_83] : memref<160000xf32, #tpu.memory_space<hbm>> -> memref<160000xf32, #tpu.memory_space<hbm>>
    tpu.wait_indirect_dma semaphore(%arg20 : memref<!tpu.dma_semaphore, #tpu.memory_space<semaphore_mem>>) src(%dma_wait3A_84 : memref<160000xf32, #tpu.memory_space<hbm>>) dst(%dma_wait3A_82 : memref<80xf32, #tpu.memory_space<vmem>>)
    %get3A = arith.constant 0 : i32
    %get3A_85 = arith.index_cast %get3A : i32 to index
    %get3A_86 = arith.constant 0 : index
    %get3A_87 = tpu.vector_load %arg13[%get3A_85, %get3A_86] {strides = array<i32>} : memref<6x80xf32, #tpu.memory_space<vmem>>, vector<16xf32>,
    %get3A_88 = arith.constant 1 : i32
    %get3A_89 = arith.index_cast %get3A_88 : i32 to index
    %get3A_90 = arith.constant 0 : index
    %get3A_91 = tpu.vector_load %arg13[%get3A_89, %get3A_90] {strides = array<i32>} : memref<6x80xf32, #tpu.memory_space<vmem>>, vector<16xf32>,
    %get3A_92 = arith.constant 2 : i32
    %get3A_93 = arith.index_cast %get3A_92 : i32 to index
    %get3A_94 = arith.constant 0 : index
    %get3A_95 = tpu.vector_load %arg13[%get3A_93, %get3A_94] {strides = array<i32>} : memref<6x80xf32, #tpu.memory_space<vmem>>, vector<16xf32>,
    %get3A_96 = arith.constant 3 : i32
    %get3A_97 = arith.index_cast %get3A_96 : i32 to index
    %get3A_98 = arith.constant 0 : index
    %get3A_99 = tpu.vector_load %arg13[%get3A_97, %get3A_98] {strides = array<i32>} : memref<6x80xf32, #tpu.memory_space<vmem>>, vector<16xf32>,
    %get3A_100 = arith.constant 4 : i32
    %get3A_101 = arith.index_cast %get3A_100 : i32 to index
    %get3A_102 = arith.constant 0 : index
    %get3A_103 = tpu.vector_load %arg13[%get3A_101, %get3A_102] {strides = array<i32>} : memref<6x80xf32, #tpu.memory_space<vmem>>, vector<16xf32>,
    %get3A_104 = arith.constant 5 : i32
    %get3A_105 = arith.index_cast %get3A_104 : i32 to index
    %get3A_106 = arith.constant 0 : index
    %get3A_107 = tpu.vector_load %arg13[%get3A_105, %get3A_106] {strides = array<i32>} : memref<6x80xf32, #tpu.memory_space<vmem>>, vector<16xf32>,
    %mul3A_108 = arith.mulf %get3A_87, %get3A_99 : vector<16xf32>
    %mul3A_109 = arith.mulf %get3A_91, %get3A_103 : vector<16xf32>
    %add3A_110 = arith.addf %mul3A_108, %mul3A_109 : vector<16xf32>
    %mul3A_111 = arith.mulf %get3A_95, %get3A_107 : vector<16xf32>
    %add3A_112 = arith.addf %add3A_110, %mul3A_111 : vector<16xf32>
    %mul3A_113 = arith.mulf %get3A_91, %get3A_107 : vector<16xf32>
    %mul3A_114 = arith.mulf %get3A_95, %get3A_103 : vector<16xf32>
    %sub3A = arith.subf %mul3A_113, %mul3A_114 : vector<16xf32>
    %mul3A_115 = arith.mulf %get3A_95, %get3A_99 : vector<16xf32>
    %mul3A_116 = arith.mulf %get3A_87, %get3A_107 : vector<16xf32>
    %sub3A_117 = arith.subf %mul3A_115, %mul3A_116 : vector<16xf32>
    %mul3A_118 = arith.mulf %get3A_87, %get3A_103 : vector<16xf32>
    %mul3A_119 = arith.mulf %get3A_91, %get3A_99 : vector<16xf32>
    %sub3A_120 = arith.subf %mul3A_118, %mul3A_119 : vector<16xf32>
    %mul3A_121 = arith.mulf %add3A_112, %add3A_112 : vector<16xf32>
    %mul3A_122 = arith.mulf %sub3A, %sub3A : vector<16xf32>
    %add3A_123 = arith.addf %mul3A_121, %mul3A_122 : vector<16xf32>
    %mul3A_124 = arith.mulf %sub3A_117, %sub3A_117 : vector<16xf32>
    %add3A_125 = arith.addf %add3A_123, %mul3A_124 : vector<16xf32>
    %mul3A_126 = arith.mulf %sub3A_120, %sub3A_120 : vector<16xf32>
    %add3A_127 = arith.addf %add3A_125, %mul3A_126 : vector<16xf32>
    %bitcast_convert_type3A = tpu.bitcast %add3A_127 : vector<16xf32> -> vector<16xi32>
    %shift_right_arithmetic3A = arith.constant 1 : i32
    %shift_right_arithmetic3A_128 = vector.broadcast %shift_right_arithmetic3A : i32 to vector<16xi32>
    %shift_right_arithmetic3A_129 = arith.shrsi %bitcast_convert_type3A, %shift_right_arithmetic3A_128 : vector<16xi32>
    %sub3A_130 = arith.constant 1597463007 : i32
    %sub3A_131 = vector.broadcast %sub3A_130 : i32 to vector<16xi32>
    %sub3A_132 = arith.subi %sub3A_131, %shift_right_arithmetic3A_129 : vector<16xi32>
    %bitcast_convert_type3A_133 = tpu.bitcast %sub3A_132 : vector<16xi32> -> vector<16xf32>
    %mul3A_134 = arith.constant 5.000000e-01 : f32
    %mul3A_135 = vector.broadcast %mul3A_134 : f32 to vector<16xf32>
    %mul3A_136 = arith.mulf %mul3A_135, %add3A_127 : vector<16xf32>
    %mul3A_137 = arith.mulf %mul3A_136, %bitcast_convert_type3A_133 : vector<16xf32>
    %mul3A_138 = arith.mulf %mul3A_137, %bitcast_convert_type3A_133 : vector<16xf32>
    %sub3A_139 = arith.constant 1.500000e+00 : f32
    %sub3A_140 = vector.broadcast %sub3A_139 : f32 to vector<16xf32>
    %sub3A_141 = arith.subf %sub3A_140, %mul3A_138 : vector<16xf32>
    %mul3A_142 = arith.mulf %bitcast_convert_type3A_133, %sub3A_141 : vector<16xf32>
    %mul3A_143 = arith.constant 5.000000e-01 : f32
    %mul3A_144 = vector.broadcast %mul3A_143 : f32 to vector<16xf32>
    %mul3A_145 = arith.mulf %mul3A_144, %add3A_127 : vector<16xf32>
    %mul3A_146 = arith.mulf %mul3A_145, %mul3A_142 : vector<16xf32>
    %mul3A_147 = arith.mulf %mul3A_146, %mul3A_142 : vector<16xf32>
    %sub3A_148 = arith.constant 1.500000e+00 : f32
    %sub3A_149 = vector.broadcast %sub3A_148 : f32 to vector<16xf32>
    %sub3A_150 = arith.subf %sub3A_149, %mul3A_147 : vector<16xf32>
    %mul3A_151 = arith.mulf %mul3A_142, %sub3A_150 : vector<16xf32>
    %mul3A_152 = arith.constant 5.000000e-01 : f32
    %mul3A_153 = vector.broadcast %mul3A_152 : f32 to vector<16xf32>
    %mul3A_154 = arith.mulf %mul3A_153, %add3A_127 : vector<16xf32>
    %mul3A_155 = arith.mulf %mul3A_154, %mul3A_151 : vector<16xf32>
    %mul3A_156 = arith.mulf %mul3A_155, %mul3A_151 : vector<16xf32>
    %sub3A_157 = arith.constant 1.500000e+00 : f32
    %sub3A_158 = vector.broadcast %sub3A_157 : f32 to vector<16xf32>
    %sub3A_159 = arith.subf %sub3A_158, %mul3A_156 : vector<16xf32>
    %mul3A_160 = arith.mulf %mul3A_151, %sub3A_159 : vector<16xf32>
    %mul3A_161 = arith.mulf %add3A_112, %mul3A_160 : vector<16xf32>
    %swap3A = arith.constant 0 : index
    %swap3A_162 = tpu.vector_load %arg18[%swap3A] {strides = array<i32>} : memref<80xf32, #tpu.memory_space<vmem>>, vector<16xf32>,
    tpu.vector_store %arg18[%swap3A], %mul3A_161 {strides = array<i32>} : memref<80xf32, #tpu.memory_space<vmem>>, vector<16xf32>,
    %get3A_163 = arith.constant 0 : i32
    %get3A_164 = arith.index_cast %get3A_163 : i32 to index
    %get3A_165 = arith.constant 16 : index
    %get3A_166 = tpu.vector_load %arg13[%get3A_164, %get3A_165] {strides = array<i32>} : memref<6x80xf32, #tpu.memory_space<vmem>>, vector<16xf32>,
    %get3A_167 = arith.constant 1 : i32
    %get3A_168 = arith.index_cast %get3A_167 : i32 to index
    %get3A_169 = arith.constant 16 : index
    %get3A_170 = tpu.vector_load %arg13[%get3A_168, %get3A_169] {strides = array<i32>} : memref<6x80xf32, #tpu.memory_space<vmem>>, vector<16xf32>,
    %get3A_171 = arith.constant 2 : i32
    %get3A_172 = arith.index_cast %get3A_171 : i32 to index
    %get3A_173 = arith.constant 16 : index
    %get3A_174 = tpu.vector_load %arg13[%get3A_172, %get3A_173] {strides = array<i32>} : memref<6x80xf32, #tpu.memory_space<vmem>>, vector<16xf32>,
    %get3A_175 = arith.constant 3 : i32
    %get3A_176 = arith.index_cast %get3A_175 : i32 to index
    %get3A_177 = arith.constant 16 : index
    %get3A_178 = tpu.vector_load %arg13[%get3A_176, %get3A_177] {strides = array<i32>} : memref<6x80xf32, #tpu.memory_space<vmem>>, vector<16xf32>,
    %get3A_179 = arith.constant 4 : i32
    %get3A_180 = arith.index_cast %get3A_179 : i32 to index
    %get3A_181 = arith.constant 16 : index
    %get3A_182 = tpu.vector_load %arg13[%get3A_180, %get3A_181] {strides = array<i32>} : memref<6x80xf32, #tpu.memory_space<vmem>>, vector<16xf32>,
    %get3A_183 = arith.constant 5 : i32
    %get3A_184 = arith.index_cast %get3A_183 : i32 to index
    %get3A_185 = arith.constant 16 : index
    %get3A_186 = tpu.vector_load %arg13[%get3A_184, %get3A_185] {strides = array<i32>} : memref<6x80xf32, #tpu.memory_space<vmem>>, vector<16xf32>,
    %mul3A_187 = arith.mulf %get3A_166, %get3A_178 : vector<16xf32>
    %mul3A_188 = arith.mulf %get3A_170, %get3A_182 : vector<16xf32>
    %add3A_189 = arith.addf %mul3A_187, %mul3A_188 : vector<16xf32>
    %mul3A_190 = arith.mulf %get3A_174, %get3A_186 : vector<16xf32>
    %add3A_191 = arith.addf %add3A_189, %mul3A_190 : vector<16xf32>
    %mul3A_192 = arith.mulf %get3A_170, %get3A_186 : vector<16xf32>
    %mul3A_193 = arith.mulf %get3A_174, %get3A_182 : vector<16xf32>
    %sub3A_194 = arith.subf %mul3A_192, %mul3A_193 : vector<16xf32>
    %mul3A_195 = arith.mulf %get3A_174, %get3A_178 : vector<16xf32>
    %mul3A_196 = arith.mulf %get3A_166, %get3A_186 : vector<16xf32>
    %sub3A_197 = arith.subf %mul3A_195, %mul3A_196 : vector<16xf32>
    %mul3A_198 = arith.mulf %get3A_166, %get3A_182 : vector<16xf32>
    %mul3A_199 = arith.mulf %get3A_170, %get3A_178 : vector<16xf32>
    %sub3A_200 = arith.subf %mul3A_198, %mul3A_199 : vector<16xf32>
    %mul3A_201 = arith.mulf %add3A_191, %add3A_191 : vector<16xf32>
    %mul3A_202 = arith.mulf %sub3A_194, %sub3A_194 : vector<16xf32>
    %add3A_203 = arith.addf %mul3A_201, %mul3A_202 : vector<16xf32>
    %mul3A_204 = arith.mulf %sub3A_197, %sub3A_197 : vector<16xf32>
    %add3A_205 = arith.addf %add3A_203, %mul3A_204 : vector<16xf32>
    %mul3A_206 = arith.mulf %sub3A_200, %sub3A_200 : vector<16xf32>
    %add3A_207 = arith.addf %add3A_205, %mul3A_206 : vector<16xf32>
    %bitcast_convert_type3A_208 = tpu.bitcast %add3A_207 : vector<16xf32> -> vector<16xi32>
    %shift_right_arithmetic3A_209 = arith.constant 1 : i32
    %shift_right_arithmetic3A_210 = vector.broadcast %shift_right_arithmetic3A_209 : i32 to vector<16xi32>
    %shift_right_arithmetic3A_211 = arith.shrsi %bitcast_convert_type3A_208, %shift_right_arithmetic3A_210 : vector<16xi32>
    %sub3A_212 = arith.constant 1597463007 : i32
    %sub3A_213 = vector.broadcast %sub3A_212 : i32 to vector<16xi32>
    %sub3A_214 = arith.subi %sub3A_213, %shift_right_arithmetic3A_211 : vector<16xi32>
    %bitcast_convert_type3A_215 = tpu.bitcast %sub3A_214 : vector<16xi32> -> vector<16xf32>
    %mul3A_216 = arith.constant 5.000000e-01 : f32
    %mul3A_217 = vector.broadcast %mul3A_216 : f32 to vector<16xf32>
    %mul3A_218 = arith.mulf %mul3A_217, %add3A_207 : vector<16xf32>
    %mul3A_219 = arith.mulf %mul3A_218, %bitcast_convert_type3A_215 : vector<16xf32>
    %mul3A_220 = arith.mulf %mul3A_219, %bitcast_convert_type3A_215 : vector<16xf32>
    %sub3A_221 = arith.constant 1.500000e+00 : f32
    %sub3A_222 = vector.broadcast %sub3A_221 : f32 to vector<16xf32>
    %sub3A_223 = arith.subf %sub3A_222, %mul3A_220 : vector<16xf32>
    %mul3A_224 = arith.mulf %bitcast_convert_type3A_215, %sub3A_223 : vector<16xf32>
    %mul3A_225 = arith.constant 5.000000e-01 : f32
    %mul3A_226 = vector.broadcast %mul3A_225 : f32 to vector<16xf32>
    %mul3A_227 = arith.mulf %mul3A_226, %add3A_207 : vector<16xf32>
    %mul3A_228 = arith.mulf %mul3A_227, %mul3A_224 : vector<16xf32>
    %mul3A_229 = arith.mulf %mul3A_228, %mul3A_224 : vector<16xf32>
    %sub3A_230 = arith.constant 1.500000e+00 : f32
    %sub3A_231 = vector.broadcast %sub3A_230 : f32 to vector<16xf32>
    %sub3A_232 = arith.subf %sub3A_231, %mul3A_229 : vector<16xf32>
    %mul3A_233 = arith.mulf %mul3A_224, %sub3A_232 : vector<16xf32>
    %mul3A_234 = arith.constant 5.000000e-01 : f32
    %mul3A_235 = vector.broadcast %mul3A_234 : f32 to vector<16xf32>
    %mul3A_236 = arith.mulf %mul3A_235, %add3A_207 : vector<16xf32>
    %mul3A_237 = arith.mulf %mul3A_236, %mul3A_233 : vector<16xf32>
    %mul3A_238 = arith.mulf %mul3A_237, %mul3A_233 : vector<16xf32>
    %sub3A_239 = arith.constant 1.500000e+00 : f32
    %sub3A_240 = vector.broadcast %sub3A_239 : f32 to vector<16xf32>
    %sub3A_241 = arith.subf %sub3A_240, %mul3A_238 : vector<16xf32>
    %mul3A_242 = arith.mulf %mul3A_233, %sub3A_241 : vector<16xf32>
    %mul3A_243 = arith.mulf %add3A_191, %mul3A_242 : vector<16xf32>
    %swap3A_244 = arith.constant 16 : index
    %swap3A_245 = tpu.vector_load %arg18[%swap3A_244] {strides = array<i32>} : memref<80xf32, #tpu.memory_space<vmem>>, vector<16xf32>,
    tpu.vector_store %arg18[%swap3A_244], %mul3A_243 {strides = array<i32>} : memref<80xf32, #tpu.memory_space<vmem>>, vector<16xf32>,
    %get3A_246 = arith.constant 0 : i32
    %get3A_247 = arith.index_cast %get3A_246 : i32 to index
    %get3A_248 = arith.constant 32 : index
    %get3A_249 = tpu.vector_load %arg13[%get3A_247, %get3A_248] {strides = array<i32>} : memref<6x80xf32, #tpu.memory_space<vmem>>, vector<16xf32>,
    %get3A_250 = arith.constant 1 : i32
    %get3A_251 = arith.index_cast %get3A_250 : i32 to index
    %get3A_252 = arith.constant 32 : index
    %get3A_253 = tpu.vector_load %arg13[%get3A_251, %get3A_252] {strides = array<i32>} : memref<6x80xf32, #tpu.memory_space<vmem>>, vector<16xf32>,
    %get3A_254 = arith.constant 2 : i32
    %get3A_255 = arith.index_cast %get3A_254 : i32 to index
    %get3A_256 = arith.constant 32 : index
    %get3A_257 = tpu.vector_load %arg13[%get3A_255, %get3A_256] {strides = array<i32>} : memref<6x80xf32, #tpu.memory_space<vmem>>, vector<16xf32>,
    %get3A_258 = arith.constant 3 : i32
    %get3A_259 = arith.index_cast %get3A_258 : i32 to index
    %get3A_260 = arith.constant 32 : index
    %get3A_261 = tpu.vector_load %arg13[%get3A_259, %get3A_260] {strides = array<i32>} : memref<6x80xf32, #tpu.memory_space<vmem>>, vector<16xf32>,
    %get3A_262 = arith.constant 4 : i32
    %get3A_263 = arith.index_cast %get3A_262 : i32 to index
    %get3A_264 = arith.constant 32 : index
    %get3A_265 = tpu.vector_load %arg13[%get3A_263, %get3A_264] {strides = array<i32>} : memref<6x80xf32, #tpu.memory_space<vmem>>, vector<16xf32>,
    %get3A_266 = arith.constant 5 : i32
    %get3A_267 = arith.index_cast %get3A_266 : i32 to index
    %get3A_268 = arith.constant 32 : index
    %get3A_269 = tpu.vector_load %arg13[%get3A_267, %get3A_268] {strides = array<i32>} : memref<6x80xf32, #tpu.memory_space<vmem>>, vector<16xf32>,
    %mul3A_270 = arith.mulf %get3A_249, %get3A_261 : vector<16xf32>
    %mul3A_271 = arith.mulf %get3A_253, %get3A_265 : vector<16xf32>
    %add3A_272 = arith.addf %mul3A_270, %mul3A_271 : vector<16xf32>
    %mul3A_273 = arith.mulf %get3A_257, %get3A_269 : vector<16xf32>
    %add3A_274 = arith.addf %add3A_272, %mul3A_273 : vector<16xf32>
    %mul3A_275 = arith.mulf %get3A_253, %get3A_269 : vector<16xf32>
    %mul3A_276 = arith.mulf %get3A_257, %get3A_265 : vector<16xf32>
    %sub3A_277 = arith.subf %mul3A_275, %mul3A_276 : vector<16xf32>
    %mul3A_278 = arith.mulf %get3A_257, %get3A_261 : vector<16xf32>
    %mul3A_279 = arith.mulf %get3A_249, %get3A_269 : vector<16xf32>
    %sub3A_280 = arith.subf %mul3A_278, %mul3A_279 : vector<16xf32>
    %mul3A_281 = arith.mulf %get3A_249, %get3A_265 : vector<16xf32>
    %mul3A_282 = arith.mulf %get3A_253, %get3A_261 : vector<16xf32>
    %sub3A_283 = arith.subf %mul3A_281, %mul3A_282 : vector<16xf32>
    %mul3A_284 = arith.mulf %add3A_274, %add3A_274 : vector<16xf32>
    %mul3A_285 = arith.mulf %sub3A_277, %sub3A_277 : vector<16xf32>
    %add3A_286 = arith.addf %mul3A_284, %mul3A_285 : vector<16xf32>
    %mul3A_287 = arith.mulf %sub3A_280, %sub3A_280 : vector<16xf32>
    %add3A_288 = arith.addf %add3A_286, %mul3A_287 : vector<16xf32>
    %mul3A_289 = arith.mulf %sub3A_283, %sub3A_283 : vector<16xf32>
    %add3A_290 = arith.addf %add3A_288, %mul3A_289 : vector<16xf32>
    %bitcast_convert_type3A_291 = tpu.bitcast %add3A_290 : vector<16xf32> -> vector<16xi32>
    %shift_right_arithmetic3A_292 = arith.constant 1 : i32
    %shift_right_arithmetic3A_293 = vector.broadcast %shift_right_arithmetic3A_292 : i32 to vector<16xi32>
    %shift_right_arithmetic3A_294 = arith.shrsi %bitcast_convert_type3A_291, %shift_right_arithmetic3A_293 : vector<16xi32>
    %sub3A_295 = arith.constant 1597463007 : i32
    %sub3A_296 = vector.broadcast %sub3A_295 : i32 to vector<16xi32>
    %sub3A_297 = arith.subi %sub3A_296, %shift_right_arithmetic3A_294 : vector<16xi32>
    %bitcast_convert_type3A_298 = tpu.bitcast %sub3A_297 : vector<16xi32> -> vector<16xf32>
    %mul3A_299 = arith.constant 5.000000e-01 : f32
    %mul3A_300 = vector.broadcast %mul3A_299 : f32 to vector<16xf32>
    %mul3A_301 = arith.mulf %mul3A_300, %add3A_290 : vector<16xf32>
    %mul3A_302 = arith.mulf %mul3A_301, %bitcast_convert_type3A_298 : vector<16xf32>
    %mul3A_303 = arith.mulf %mul3A_302, %bitcast_convert_type3A_298 : vector<16xf32>
    %sub3A_304 = arith.constant 1.500000e+00 : f32
    %sub3A_305 = vector.broadcast %sub3A_304 : f32 to vector<16xf32>
    %sub3A_306 = arith.subf %sub3A_305, %mul3A_303 : vector<16xf32>
    %mul3A_307 = arith.mulf %bitcast_convert_type3A_298, %sub3A_306 : vector<16xf32>
    %mul3A_308 = arith.constant 5.000000e-01 : f32
    %mul3A_309 = vector.broadcast %mul3A_308 : f32 to vector<16xf32>
    %mul3A_310 = arith.mulf %mul3A_309, %add3A_290 : vector<16xf32>
    %mul3A_311 = arith.mulf %mul3A_310, %mul3A_307 : vector<16xf32>
    %mul3A_312 = arith.mulf %mul3A_311, %mul3A_307 : vector<16xf32>
    %sub3A_313 = arith.constant 1.500000e+00 : f32
    %sub3A_314 = vector.broadcast %sub3A_313 : f32 to vector<16xf32>
    %sub3A_315 = arith.subf %sub3A_314, %mul3A_312 : vector<16xf32>
    %mul3A_316 = arith.mulf %mul3A_307, %sub3A_315 : vector<16xf32>
    %mul3A_317 = arith.constant 5.000000e-01 : f32
    %mul3A_318 = vector.broadcast %mul3A_317 : f32 to vector<16xf32>
    %mul3A_319 = arith.mulf %mul3A_318, %add3A_290 : vector<16xf32>
    %mul3A_320 = arith.mulf %mul3A_319, %mul3A_316 : vector<16xf32>
    %mul3A_321 = arith.mulf %mul3A_320, %mul3A_316 : vector<16xf32>
    %sub3A_322 = arith.constant 1.500000e+00 : f32
    %sub3A_323 = vector.broadcast %sub3A_322 : f32 to vector<16xf32>
    %sub3A_324 = arith.subf %sub3A_323, %mul3A_321 : vector<16xf32>
    %mul3A_325 = arith.mulf %mul3A_316, %sub3A_324 : vector<16xf32>
    %mul3A_326 = arith.mulf %add3A_274, %mul3A_325 : vector<16xf32>
    %swap3A_327 = arith.constant 32 : index
    %swap3A_328 = tpu.vector_load %arg18[%swap3A_327] {strides = array<i32>} : memref<80xf32, #tpu.memory_space<vmem>>, vector<16xf32>,
    tpu.vector_store %arg18[%swap3A_327], %mul3A_326 {strides = array<i32>} : memref<80xf32, #tpu.memory_space<vmem>>, vector<16xf32>,
    %get3A_329 = arith.constant 0 : i32
    %get3A_330 = arith.index_cast %get3A_329 : i32 to index
    %get3A_331 = arith.constant 48 : index
    %get3A_332 = tpu.vector_load %arg13[%get3A_330, %get3A_331] {strides = array<i32>} : memref<6x80xf32, #tpu.memory_space<vmem>>, vector<16xf32>,
    %get3A_333 = arith.constant 1 : i32
    %get3A_334 = arith.index_cast %get3A_333 : i32 to index
    %get3A_335 = arith.constant 48 : index
    %get3A_336 = tpu.vector_load %arg13[%get3A_334, %get3A_335] {strides = array<i32>} : memref<6x80xf32, #tpu.memory_space<vmem>>, vector<16xf32>,
    %get3A_337 = arith.constant 2 : i32
    %get3A_338 = arith.index_cast %get3A_337 : i32 to index
    %get3A_339 = arith.constant 48 : index
    %get3A_340 = tpu.vector_load %arg13[%get3A_338, %get3A_339] {strides = array<i32>} : memref<6x80xf32, #tpu.memory_space<vmem>>, vector<16xf32>,
    %get3A_341 = arith.constant 3 : i32
    %get3A_342 = arith.index_cast %get3A_341 : i32 to index
    %get3A_343 = arith.constant 48 : index
    %get3A_344 = tpu.vector_load %arg13[%get3A_342, %get3A_343] {strides = array<i32>} : memref<6x80xf32, #tpu.memory_space<vmem>>, vector<16xf32>,
    %get3A_345 = arith.constant 4 : i32
    %get3A_346 = arith.index_cast %get3A_345 : i32 to index
    %get3A_347 = arith.constant 48 : index
    %get3A_348 = tpu.vector_load %arg13[%get3A_346, %get3A_347] {strides = array<i32>} : memref<6x80xf32, #tpu.memory_space<vmem>>, vector<16xf32>,
    %get3A_349 = arith.constant 5 : i32
    %get3A_350 = arith.index_cast %get3A_349 : i32 to index
    %get3A_351 = arith.constant 48 : index
    %get3A_352 = tpu.vector_load %arg13[%get3A_350, %get3A_351] {strides = array<i32>} : memref<6x80xf32, #tpu.memory_space<vmem>>, vector<16xf32>,
    %mul3A_353 = arith.mulf %get3A_332, %get3A_344 : vector<16xf32>
    %mul3A_354 = arith.mulf %get3A_336, %get3A_348 : vector<16xf32>
    %add3A_355 = arith.addf %mul3A_353, %mul3A_354 : vector<16xf32>
    %mul3A_356 = arith.mulf %get3A_340, %get3A_352 : vector<16xf32>
    %add3A_357 = arith.addf %add3A_355, %mul3A_356 : vector<16xf32>
    %mul3A_358 = arith.mulf %get3A_336, %get3A_352 : vector<16xf32>
    %mul3A_359 = arith.mulf %get3A_340, %get3A_348 : vector<16xf32>
    %sub3A_360 = arith.subf %mul3A_358, %mul3A_359 : vector<16xf32>
    %mul3A_361 = arith.mulf %get3A_340, %get3A_344 : vector<16xf32>
    %mul3A_362 = arith.mulf %get3A_332, %get3A_352 : vector<16xf32>
    %sub3A_363 = arith.subf %mul3A_361, %mul3A_362 : vector<16xf32>
    %mul3A_364 = arith.mulf %get3A_332, %get3A_348 : vector<16xf32>
    %mul3A_365 = arith.mulf %get3A_336, %get3A_344 : vector<16xf32>
    %sub3A_366 = arith.subf %mul3A_364, %mul3A_365 : vector<16xf32>
    %mul3A_367 = arith.mulf %add3A_357, %add3A_357 : vector<16xf32>
    %mul3A_368 = arith.mulf %sub3A_360, %sub3A_360 : vector<16xf32>
    %add3A_369 = arith.addf %mul3A_367, %mul3A_368 : vector<16xf32>
    %mul3A_370 = arith.mulf %sub3A_363, %sub3A_363 : vector<16xf32>
    %add3A_371 = arith.addf %add3A_369, %mul3A_370 : vector<16xf32>
    %mul3A_372 = arith.mulf %sub3A_366, %sub3A_366 : vector<16xf32>
    %add3A_373 = arith.addf %add3A_371, %mul3A_372 : vector<16xf32>
    %bitcast_convert_type3A_374 = tpu.bitcast %add3A_373 : vector<16xf32> -> vector<16xi32>
    %shift_right_arithmetic3A_375 = arith.constant 1 : i32
    %shift_right_arithmetic3A_376 = vector.broadcast %shift_right_arithmetic3A_375 : i32 to vector<16xi32>
    %shift_right_arithmetic3A_377 = arith.shrsi %bitcast_convert_type3A_374, %shift_right_arithmetic3A_376 : vector<16xi32>
    %sub3A_378 = arith.constant 1597463007 : i32
    %sub3A_379 = vector.broadcast %sub3A_378 : i32 to vector<16xi32>
    %sub3A_380 = arith.subi %sub3A_379, %shift_right_arithmetic3A_377 : vector<16xi32>
    %bitcast_convert_type3A_381 = tpu.bitcast %sub3A_380 : vector<16xi32> -> vector<16xf32>
    %mul3A_382 = arith.constant 5.000000e-01 : f32
    %mul3A_383 = vector.broadcast %mul3A_382 : f32 to vector<16xf32>
    %mul3A_384 = arith.mulf %mul3A_383, %add3A_373 : vector<16xf32>
    %mul3A_385 = arith.mulf %mul3A_384, %bitcast_convert_type3A_381 : vector<16xf32>
    %mul3A_386 = arith.mulf %mul3A_385, %bitcast_convert_type3A_381 : vector<16xf32>
    %sub3A_387 = arith.constant 1.500000e+00 : f32
    %sub3A_388 = vector.broadcast %sub3A_387 : f32 to vector<16xf32>
    %sub3A_389 = arith.subf %sub3A_388, %mul3A_386 : vector<16xf32>
    %mul3A_390 = arith.mulf %bitcast_convert_type3A_381, %sub3A_389 : vector<16xf32>
    %mul3A_391 = arith.constant 5.000000e-01 : f32
    %mul3A_392 = vector.broadcast %mul3A_391 : f32 to vector<16xf32>
    %mul3A_393 = arith.mulf %mul3A_392, %add3A_373 : vector<16xf32>
    %mul3A_394 = arith.mulf %mul3A_393, %mul3A_390 : vector<16xf32>
    %mul3A_395 = arith.mulf %mul3A_394, %mul3A_390 : vector<16xf32>
    %sub3A_396 = arith.constant 1.500000e+00 : f32
    %sub3A_397 = vector.broadcast %sub3A_396 : f32 to vector<16xf32>
    %sub3A_398 = arith.subf %sub3A_397, %mul3A_395 : vector<16xf32>
    %mul3A_399 = arith.mulf %mul3A_390, %sub3A_398 : vector<16xf32>
    %mul3A_400 = arith.constant 5.000000e-01 : f32
    %mul3A_401 = vector.broadcast %mul3A_400 : f32 to vector<16xf32>
    %mul3A_402 = arith.mulf %mul3A_401, %add3A_373 : vector<16xf32>
    %mul3A_403 = arith.mulf %mul3A_402, %mul3A_399 : vector<16xf32>
    %mul3A_404 = arith.mulf %mul3A_403, %mul3A_399 : vector<16xf32>
    %sub3A_405 = arith.constant 1.500000e+00 : f32
    %sub3A_406 = vector.broadcast %sub3A_405 : f32 to vector<16xf32>
    %sub3A_407 = arith.subf %sub3A_406, %mul3A_404 : vector<16xf32>
    %mul3A_408 = arith.mulf %mul3A_399, %sub3A_407 : vector<16xf32>
    %mul3A_409 = arith.mulf %add3A_357, %mul3A_408 : vector<16xf32>
    %swap3A_410 = arith.constant 48 : index
    %swap3A_411 = tpu.vector_load %arg18[%swap3A_410] {strides = array<i32>} : memref<80xf32, #tpu.memory_space<vmem>>, vector<16xf32>,
    tpu.vector_store %arg18[%swap3A_410], %mul3A_409 {strides = array<i32>} : memref<80xf32, #tpu.memory_space<vmem>>, vector<16xf32>,
    %get3A_412 = arith.constant 0 : i32
    %get3A_413 = arith.index_cast %get3A_412 : i32 to index
    %get3A_414 = arith.constant 64 : index
    %get3A_415 = tpu.vector_load %arg13[%get3A_413, %get3A_414] {strides = array<i32>} : memref<6x80xf32, #tpu.memory_space<vmem>>, vector<16xf32>,
    %get3A_416 = arith.constant 1 : i32
    %get3A_417 = arith.index_cast %get3A_416 : i32 to index
    %get3A_418 = arith.constant 64 : index
    %get3A_419 = tpu.vector_load %arg13[%get3A_417, %get3A_418] {strides = array<i32>} : memref<6x80xf32, #tpu.memory_space<vmem>>, vector<16xf32>,
    %get3A_420 = arith.constant 2 : i32
    %get3A_421 = arith.index_cast %get3A_420 : i32 to index
    %get3A_422 = arith.constant 64 : index
    %get3A_423 = tpu.vector_load %arg13[%get3A_421, %get3A_422] {strides = array<i32>} : memref<6x80xf32, #tpu.memory_space<vmem>>, vector<16xf32>,
    %get3A_424 = arith.constant 3 : i32
    %get3A_425 = arith.index_cast %get3A_424 : i32 to index
    %get3A_426 = arith.constant 64 : index
    %get3A_427 = tpu.vector_load %arg13[%get3A_425, %get3A_426] {strides = array<i32>} : memref<6x80xf32, #tpu.memory_space<vmem>>, vector<16xf32>,
    %get3A_428 = arith.constant 4 : i32
    %get3A_429 = arith.index_cast %get3A_428 : i32 to index
    %get3A_430 = arith.constant 64 : index
    %get3A_431 = tpu.vector_load %arg13[%get3A_429, %get3A_430] {strides = array<i32>} : memref<6x80xf32, #tpu.memory_space<vmem>>, vector<16xf32>,
    %get3A_432 = arith.constant 5 : i32
    %get3A_433 = arith.index_cast %get3A_432 : i32 to index
    %get3A_434 = arith.constant 64 : index
    %get3A_435 = tpu.vector_load %arg13[%get3A_433, %get3A_434] {strides = array<i32>} : memref<6x80xf32, #tpu.memory_space<vmem>>, vector<16xf32>,
    %mul3A_436 = arith.mulf %get3A_415, %get3A_427 : vector<16xf32>
    %mul3A_437 = arith.mulf %get3A_419, %get3A_431 : vector<16xf32>
    %add3A_438 = arith.addf %mul3A_436, %mul3A_437 : vector<16xf32>
    %mul3A_439 = arith.mulf %get3A_423, %get3A_435 : vector<16xf32>
    %add3A_440 = arith.addf %add3A_438, %mul3A_439 : vector<16xf32>
    %mul3A_441 = arith.mulf %get3A_419, %get3A_435 : vector<16xf32>
    %mul3A_442 = arith.mulf %get3A_423, %get3A_431 : vector<16xf32>
    %sub3A_443 = arith.subf %mul3A_441, %mul3A_442 : vector<16xf32>
    %mul3A_444 = arith.mulf %get3A_423, %get3A_427 : vector<16xf32>
    %mul3A_445 = arith.mulf %get3A_415, %get3A_435 : vector<16xf32>
    %sub3A_446 = arith.subf %mul3A_444, %mul3A_445 : vector<16xf32>
    %mul3A_447 = arith.mulf %get3A_415, %get3A_431 : vector<16xf32>
    %mul3A_448 = arith.mulf %get3A_419, %get3A_427 : vector<16xf32>
    %sub3A_449 = arith.subf %mul3A_447, %mul3A_448 : vector<16xf32>
    %mul3A_450 = arith.mulf %add3A_440, %add3A_440 : vector<16xf32>
    %mul3A_451 = arith.mulf %sub3A_443, %sub3A_443 : vector<16xf32>
    %add3A_452 = arith.addf %mul3A_450, %mul3A_451 : vector<16xf32>
    %mul3A_453 = arith.mulf %sub3A_446, %sub3A_446 : vector<16xf32>
    %add3A_454 = arith.addf %add3A_452, %mul3A_453 : vector<16xf32>
    %mul3A_455 = arith.mulf %sub3A_449, %sub3A_449 : vector<16xf32>
    %add3A_456 = arith.addf %add3A_454, %mul3A_455 : vector<16xf32>
    %bitcast_convert_type3A_457 = tpu.bitcast %add3A_456 : vector<16xf32> -> vector<16xi32>
    %shift_right_arithmetic3A_458 = arith.constant 1 : i32
    %shift_right_arithmetic3A_459 = vector.broadcast %shift_right_arithmetic3A_458 : i32 to vector<16xi32>
    %shift_right_arithmetic3A_460 = arith.shrsi %bitcast_convert_type3A_457, %shift_right_arithmetic3A_459 : vector<16xi32>
    %sub3A_461 = arith.constant 1597463007 : i32
    %sub3A_462 = vector.broadcast %sub3A_461 : i32 to vector<16xi32>
    %sub3A_463 = arith.subi %sub3A_462, %shift_right_arithmetic3A_460 : vector<16xi32>
    %bitcast_convert_type3A_464 = tpu.bitcast %sub3A_463 : vector<16xi32> -> vector<16xf32>
    %mul3A_465 = arith.constant 5.000000e-01 : f32
    %mul3A_466 = vector.broadcast %mul3A_465 : f32 to vector<16xf32>
    %mul3A_467 = arith.mulf %mul3A_466, %add3A_456 : vector<16xf32>
    %mul3A_468 = arith.mulf %mul3A_467, %bitcast_convert_type3A_464 : vector<16xf32>
    %mul3A_469 = arith.mulf %mul3A_468, %bitcast_convert_type3A_464 : vector<16xf32>
    %sub3A_470 = arith.constant 1.500000e+00 : f32
    %sub3A_471 = vector.broadcast %sub3A_470 : f32 to vector<16xf32>
    %sub3A_472 = arith.subf %sub3A_471, %mul3A_469 : vector<16xf32>
    %mul3A_473 = arith.mulf %bitcast_convert_type3A_464, %sub3A_472 : vector<16xf32>
    %mul3A_474 = arith.constant 5.000000e-01 : f32
    %mul3A_475 = vector.broadcast %mul3A_474 : f32 to vector<16xf32>
    %mul3A_476 = arith.mulf %mul3A_475, %add3A_456 : vector<16xf32>
    %mul3A_477 = arith.mulf %mul3A_476, %mul3A_473 : vector<16xf32>
    %mul3A_478 = arith.mulf %mul3A_477, %mul3A_473 : vector<16xf32>
    %sub3A_479 = arith.constant 1.500000e+00 : f32
    %sub3A_480 = vector.broadcast %sub3A_479 : f32 to vector<16xf32>
    %sub3A_481 = arith.subf %sub3A_480, %mul3A_478 : vector<16xf32>
    %mul3A_482 = arith.mulf %mul3A_473, %sub3A_481 : vector<16xf32>
    %mul3A_483 = arith.constant 5.000000e-01 : f32
    %mul3A_484 = vector.broadcast %mul3A_483 : f32 to vector<16xf32>
    %mul3A_485 = arith.mulf %mul3A_484, %add3A_456 : vector<16xf32>
    %mul3A_486 = arith.mulf %mul3A_485, %mul3A_482 : vector<16xf32>
    %mul3A_487 = arith.mulf %mul3A_486, %mul3A_482 : vector<16xf32>
    %sub3A_488 = arith.constant 1.500000e+00 : f32
    %sub3A_489 = vector.broadcast %sub3A_488 : f32 to vector<16xf32>
    %sub3A_490 = arith.subf %sub3A_489, %mul3A_487 : vector<16xf32>
    %mul3A_491 = arith.mulf %mul3A_482, %sub3A_490 : vector<16xf32>
    %mul3A_492 = arith.mulf %add3A_440, %mul3A_491 : vector<16xf32>
    %swap3A_493 = arith.constant 64 : index
    %swap3A_494 = tpu.vector_load %arg18[%swap3A_493] {strides = array<i32>} : memref<80xf32, #tpu.memory_space<vmem>>, vector<16xf32>,
    tpu.vector_store %arg18[%swap3A_493], %mul3A_492 {strides = array<i32>} : memref<80xf32, #tpu.memory_space<vmem>>, vector<16xf32>,
    %dma_wait3A_495 = arith.constant 0 : i32
    %dma_wait3A_496 = arith.constant 0 : i32
    %dma_wait3A_497 = tpu.memref_slice %arg5[%dma_wait3A_495, %dma_wait3A_496] : memref<160000x128xf32, #tpu.memory_space<hbm>> -> memref<160000x128xf32, #tpu.memory_space<hbm>>
    tpu.wait_indirect_dma semaphore(%arg19 : memref<!tpu.dma_semaphore, #tpu.memory_space<semaphore_mem>>) src(%dma_wait3A_497 : memref<160000x128xf32, #tpu.memory_space<hbm>>) dst(%arg12 : memref<80x128xf32, #tpu.memory_space<vmem>>)
    "tpu.region"() ({
      %run_scoped3A = tpu.sem_alloc : memref<!tpu.dma_semaphore, #tpu.memory_space<semaphore_mem>>
      %dma_start3A_498 = arith.constant 0 : i32
      %dma_start3A_499 = tpu.memref_slice %arg8[%add3A_49, %dma_start3A_498] : memref<320000x128xf32, #tpu.memory_space<hbm>> -> memref<80x128xf32, #tpu.memory_space<hbm>>
      %dma_start3A_500 = arith.constant 0 : i32
      %dma_start3A_501 = tpu.memref_slice %arg8[%add3A_49, %dma_start3A_500] : memref<320000x128xf32, #tpu.memory_space<hbm>> -> memref<80x128xf32, #tpu.memory_space<hbm>>
      tpu.enqueue_dma source(%arg12 : memref<80x128xf32, #tpu.memory_space<vmem>>) target(%dma_start3A_501 : memref<80x128xf32, #tpu.memory_space<hbm>>) target_semaphore(%run_scoped3A : memref<!tpu.dma_semaphore, #tpu.memory_space<semaphore_mem>>)
      %dma_wait3A_502 = arith.constant 0 : i32
      %dma_wait3A_503 = tpu.memref_slice %arg8[%add3A_49, %dma_wait3A_502] : memref<320000x128xf32, #tpu.memory_space<hbm>> -> memref<80x128xf32, #tpu.memory_space<hbm>>
      %dma_wait3A_504 = arith.constant 0 : i32
      %dma_wait3A_505 = tpu.memref_slice %arg8[%add3A_49, %dma_wait3A_504] : memref<320000x128xf32, #tpu.memory_space<hbm>> -> memref<80x128xf32, #tpu.memory_space<hbm>>
      tpu.wait_dma2 semaphore(%run_scoped3A : memref<!tpu.dma_semaphore, #tpu.memory_space<semaphore_mem>>) src(%arg12 : memref<80x128xf32, #tpu.memory_space<vmem>>) dst(%dma_wait3A_505 : memref<80x128xf32, #tpu.memory_space<hbm>>)
      tpu.yield
    }) : () -> ()
    "tpu.region"() ({
      %run_scoped3A = tpu.sem_alloc : memref<!tpu.dma_semaphore, #tpu.memory_space<semaphore_mem>>
      %dma_start3A_498 = tpu.memref_slice %arg9[%add3A_49] : memref<320000xf32, #tpu.memory_space<hbm>> -> memref<80xf32, #tpu.memory_space<hbm>>
      %dma_start3A_499 = tpu.memref_slice %arg9[%add3A_49] : memref<320000xf32, #tpu.memory_space<hbm>> -> memref<80xf32, #tpu.memory_space<hbm>>
      tpu.enqueue_dma source(%arg18 : memref<80xf32, #tpu.memory_space<vmem>>) target(%dma_start3A_499 : memref<80xf32, #tpu.memory_space<hbm>>) target_semaphore(%run_scoped3A : memref<!tpu.dma_semaphore, #tpu.memory_space<semaphore_mem>>)
      %dma_wait3A_500 = tpu.memref_slice %arg9[%add3A_49] : memref<320000xf32, #tpu.memory_space<hbm>> -> memref<80xf32, #tpu.memory_space<hbm>>
      %dma_wait3A_501 = tpu.memref_slice %arg9[%add3A_49] : memref<320000xf32, #tpu.memory_space<hbm>> -> memref<80xf32, #tpu.memory_space<hbm>>
      tpu.wait_dma2 semaphore(%run_scoped3A : memref<!tpu.dma_semaphore, #tpu.memory_space<semaphore_mem>>) src(%arg18 : memref<80xf32, #tpu.memory_space<vmem>>) dst(%dma_wait3A_501 : memref<80xf32, #tpu.memory_space<hbm>>)
      tpu.yield
    }) : () -> ()
    return
  }
}

module attributes {stable_mosaic.version = 14 : i64} {
  func.func @_xkj_body(%arg0: i32, %arg1: memref<512xf32, #tpu.memory_space<vmem>>, %arg2: memref<512x128xf32, #tpu.memory_space<vmem>>, %arg3: memref<7x8xf32, #tpu.memory_space<smem>>, %arg4: memref<1024x128xbf16, #tpu.memory_space<vmem>>, %arg5: memref<512x128xf32, #tpu.memory_space<vmem>>) attributes {dimension_semantics = [#tpu.dimension_semantics<arbitrary>], iteration_bounds = array<i64: 625>, scalar_prefetch = 0 : i64, scratch_operands = 0 : i64, tpu.core_type = #tpu.core_type<tc>, window_params = [{transform_indices = @transform_0, window_bounds = array<i64: 512>}, {transform_indices = @transform_1, window_bounds = array<i64: 512, 128>}, {transform_indices = @transform_2, window_bounds = array<i64: 7, 8>}, {pipeline_mode = #tpu.pipeline_mode<synchronous>, transform_indices = @transform_3, window_bounds = array<i64: 1024, 128>}, {transform_indices = @transform_4, window_bounds = array<i64: 512, 128>}]} {
    %get3A = arith.constant 0 : index
    %get3A_0 = vector.load %arg1[%get3A] : memref<512xf32, #tpu.memory_space<vmem>>, vector<512xf32>
    %get3A_1 = arith.constant 0 : index
    %get3A_2 = arith.constant 0 : index
    %get3A_3 = vector.load %arg2[%get3A_1, %get3A_2] : memref<512x128xf32, #tpu.memory_space<vmem>>, vector<512x128xf32>
    %convert_element_type3A = arith.truncf %get3A_3 : vector<512x128xf32> to vector<512x128xbf16>
    %broadcast_in_dim3A = arith.constant 1.000000e+00 : f32
    %broadcast_in_dim3A_4 = vector.broadcast %broadcast_in_dim3A : f32 to vector<512xf32>
    %mul3A = arith.constant 2.000000e+00 : f32
    %mul3A_5 = vector.broadcast %mul3A : f32 to vector<512xf32>
    %mul3A_6 = arith.mulf %mul3A_5, %get3A_0 : vector<512xf32>
    %mul3A_7 = arith.mulf %mul3A_6, %get3A_0 : vector<512xf32>
    %sub3A = arith.subf %mul3A_7, %broadcast_in_dim3A_4 : vector<512xf32>
    %mul3A_8 = arith.constant 2.000000e+00 : f32
    %mul3A_9 = vector.broadcast %mul3A_8 : f32 to vector<512xf32>
    %mul3A_10 = arith.mulf %mul3A_9, %get3A_0 : vector<512xf32>
    %mul3A_11 = arith.mulf %mul3A_10, %sub3A : vector<512xf32>
    %sub3A_12 = arith.subf %mul3A_11, %get3A_0 : vector<512xf32>
    %mul3A_13 = arith.constant 2.000000e+00 : f32
    %mul3A_14 = vector.broadcast %mul3A_13 : f32 to vector<512xf32>
    %mul3A_15 = arith.mulf %mul3A_14, %get3A_0 : vector<512xf32>
    %mul3A_16 = arith.mulf %mul3A_15, %sub3A_12 : vector<512xf32>
    %sub3A_17 = arith.subf %mul3A_16, %sub3A : vector<512xf32>
    %mul3A_18 = arith.constant 2.000000e+00 : f32
    %mul3A_19 = vector.broadcast %mul3A_18 : f32 to vector<512xf32>
    %mul3A_20 = arith.mulf %mul3A_19, %get3A_0 : vector<512xf32>
    %mul3A_21 = arith.mulf %mul3A_20, %sub3A_17 : vector<512xf32>
    %sub3A_22 = arith.subf %mul3A_21, %sub3A_12 : vector<512xf32>
    %mul3A_23 = arith.constant 2.000000e+00 : f32
    %mul3A_24 = vector.broadcast %mul3A_23 : f32 to vector<512xf32>
    %mul3A_25 = arith.mulf %mul3A_24, %get3A_0 : vector<512xf32>
    %mul3A_26 = arith.mulf %mul3A_25, %sub3A_22 : vector<512xf32>
    %sub3A_27 = arith.subf %mul3A_26, %sub3A_17 : vector<512xf32>
    %get3A_28 = arith.constant 0 : index
    %get3A_29 = arith.constant 0 : index
    %get3A_30 = memref.load %arg3[%get3A_28, %get3A_29] : memref<7x8xf32, #tpu.memory_space<smem>>
    %mul3A_31 = vector.broadcast %get3A_30 : f32 to vector<512xf32>
    %mul3A_32 = arith.mulf %broadcast_in_dim3A_4, %mul3A_31 : vector<512xf32>
    %get3A_33 = arith.constant 1 : index
    %get3A_34 = arith.constant 0 : index
    %get3A_35 = memref.load %arg3[%get3A_33, %get3A_34] : memref<7x8xf32, #tpu.memory_space<smem>>
    %mul3A_36 = vector.broadcast %get3A_35 : f32 to vector<512xf32>
    %mul3A_37 = arith.mulf %get3A_0, %mul3A_36 : vector<512xf32>
    %add3A = arith.addf %mul3A_32, %mul3A_37 : vector<512xf32>
    %get3A_38 = arith.constant 2 : index
    %get3A_39 = arith.constant 0 : index
    %get3A_40 = memref.load %arg3[%get3A_38, %get3A_39] : memref<7x8xf32, #tpu.memory_space<smem>>
    %mul3A_41 = vector.broadcast %get3A_40 : f32 to vector<512xf32>
    %mul3A_42 = arith.mulf %sub3A, %mul3A_41 : vector<512xf32>
    %add3A_43 = arith.addf %add3A, %mul3A_42 : vector<512xf32>
    %get3A_44 = arith.constant 3 : index
    %get3A_45 = arith.constant 0 : index
    %get3A_46 = memref.load %arg3[%get3A_44, %get3A_45] : memref<7x8xf32, #tpu.memory_space<smem>>
    %mul3A_47 = vector.broadcast %get3A_46 : f32 to vector<512xf32>
    %mul3A_48 = arith.mulf %sub3A_12, %mul3A_47 : vector<512xf32>
    %add3A_49 = arith.addf %add3A_43, %mul3A_48 : vector<512xf32>
    %get3A_50 = arith.constant 4 : index
    %get3A_51 = arith.constant 0 : index
    %get3A_52 = memref.load %arg3[%get3A_50, %get3A_51] : memref<7x8xf32, #tpu.memory_space<smem>>
    %mul3A_53 = vector.broadcast %get3A_52 : f32 to vector<512xf32>
    %mul3A_54 = arith.mulf %sub3A_17, %mul3A_53 : vector<512xf32>
    %add3A_55 = arith.addf %add3A_49, %mul3A_54 : vector<512xf32>
    %get3A_56 = arith.constant 5 : index
    %get3A_57 = arith.constant 0 : index
    %get3A_58 = memref.load %arg3[%get3A_56, %get3A_57] : memref<7x8xf32, #tpu.memory_space<smem>>
    %mul3A_59 = vector.broadcast %get3A_58 : f32 to vector<512xf32>
    %mul3A_60 = arith.mulf %sub3A_22, %mul3A_59 : vector<512xf32>
    %add3A_61 = arith.addf %add3A_55, %mul3A_60 : vector<512xf32>
    %get3A_62 = arith.constant 6 : index
    %get3A_63 = arith.constant 0 : index
    %get3A_64 = memref.load %arg3[%get3A_62, %get3A_63] : memref<7x8xf32, #tpu.memory_space<smem>>
    %mul3A_65 = vector.broadcast %get3A_64 : f32 to vector<512xf32>
    %mul3A_66 = arith.mulf %sub3A_27, %mul3A_65 : vector<512xf32>
    %add3A_67 = arith.addf %add3A_61, %mul3A_66 : vector<512xf32>
    %convert_element_type3A_68 = arith.truncf %add3A_67 : vector<512xf32> to vector<512xbf16>
    %broadcast_in_dim3A_69 = vector.shape_cast %convert_element_type3A_68 : vector<512xbf16> to vector<512x1xbf16>
    %mul3A_70 = vector.broadcast %broadcast_in_dim3A_69 : vector<512x1xbf16> to vector<512x128xbf16>
    %mul3A_71 = arith.mulf %convert_element_type3A, %mul3A_70 : vector<512x128xbf16>
    %get3A_72 = arith.constant 0 : index
    %get3A_73 = arith.constant 0 : index
    %get3A_74 = vector.load %arg4[%get3A_72, %get3A_73] : memref<1024x128xbf16, #tpu.memory_space<vmem>>, vector<128x128xbf16>
    %dot_general3A = arith.constant dense<0.000000e+00> : vector<512x128xf32>
    %dot_general3A_75 = tpu.matmul %mul3A_71, %get3A_74, %dot_general3A {dimension_numbers = #tpu.dot_dimension_numbers<[1], [0], [0], [1], [0, 0, 1, 1], [], []>, transpose_lhs_hint = false} : vector<512x128xbf16>, vector<128x128xbf16>, vector<512x128xf32> -> vector<512x128xf32>
    %get3A_76 = arith.constant 0 : index
    %get3A_77 = arith.constant 1 : index
    %get3A_78 = memref.load %arg3[%get3A_76, %get3A_77] : memref<7x8xf32, #tpu.memory_space<smem>>
    %mul3A_79 = vector.broadcast %get3A_78 : f32 to vector<512xf32>
    %mul3A_80 = arith.mulf %broadcast_in_dim3A_4, %mul3A_79 : vector<512xf32>
    %get3A_81 = arith.constant 1 : index
    %get3A_82 = arith.constant 1 : index
    %get3A_83 = memref.load %arg3[%get3A_81, %get3A_82] : memref<7x8xf32, #tpu.memory_space<smem>>
    %mul3A_84 = vector.broadcast %get3A_83 : f32 to vector<512xf32>
    %mul3A_85 = arith.mulf %get3A_0, %mul3A_84 : vector<512xf32>
    %add3A_86 = arith.addf %mul3A_80, %mul3A_85 : vector<512xf32>
    %get3A_87 = arith.constant 2 : index
    %get3A_88 = arith.constant 1 : index
    %get3A_89 = memref.load %arg3[%get3A_87, %get3A_88] : memref<7x8xf32, #tpu.memory_space<smem>>
    %mul3A_90 = vector.broadcast %get3A_89 : f32 to vector<512xf32>
    %mul3A_91 = arith.mulf %sub3A, %mul3A_90 : vector<512xf32>
    %add3A_92 = arith.addf %add3A_86, %mul3A_91 : vector<512xf32>
    %get3A_93 = arith.constant 3 : index
    %get3A_94 = arith.constant 1 : index
    %get3A_95 = memref.load %arg3[%get3A_93, %get3A_94] : memref<7x8xf32, #tpu.memory_space<smem>>
    %mul3A_96 = vector.broadcast %get3A_95 : f32 to vector<512xf32>
    %mul3A_97 = arith.mulf %sub3A_12, %mul3A_96 : vector<512xf32>
    %add3A_98 = arith.addf %add3A_92, %mul3A_97 : vector<512xf32>
    %get3A_99 = arith.constant 4 : index
    %get3A_100 = arith.constant 1 : index
    %get3A_101 = memref.load %arg3[%get3A_99, %get3A_100] : memref<7x8xf32, #tpu.memory_space<smem>>
    %mul3A_102 = vector.broadcast %get3A_101 : f32 to vector<512xf32>
    %mul3A_103 = arith.mulf %sub3A_17, %mul3A_102 : vector<512xf32>
    %add3A_104 = arith.addf %add3A_98, %mul3A_103 : vector<512xf32>
    %get3A_105 = arith.constant 5 : index
    %get3A_106 = arith.constant 1 : index
    %get3A_107 = memref.load %arg3[%get3A_105, %get3A_106] : memref<7x8xf32, #tpu.memory_space<smem>>
    %mul3A_108 = vector.broadcast %get3A_107 : f32 to vector<512xf32>
    %mul3A_109 = arith.mulf %sub3A_22, %mul3A_108 : vector<512xf32>
    %add3A_110 = arith.addf %add3A_104, %mul3A_109 : vector<512xf32>
    %get3A_111 = arith.constant 6 : index
    %get3A_112 = arith.constant 1 : index
    %get3A_113 = memref.load %arg3[%get3A_111, %get3A_112] : memref<7x8xf32, #tpu.memory_space<smem>>
    %mul3A_114 = vector.broadcast %get3A_113 : f32 to vector<512xf32>
    %mul3A_115 = arith.mulf %sub3A_27, %mul3A_114 : vector<512xf32>
    %add3A_116 = arith.addf %add3A_110, %mul3A_115 : vector<512xf32>
    %convert_element_type3A_117 = arith.truncf %add3A_116 : vector<512xf32> to vector<512xbf16>
    %broadcast_in_dim3A_118 = vector.shape_cast %convert_element_type3A_117 : vector<512xbf16> to vector<512x1xbf16>
    %mul3A_119 = vector.broadcast %broadcast_in_dim3A_118 : vector<512x1xbf16> to vector<512x128xbf16>
    %mul3A_120 = arith.mulf %convert_element_type3A, %mul3A_119 : vector<512x128xbf16>
    %get3A_121 = arith.constant 128 : index
    %get3A_122 = arith.constant 0 : index
    %get3A_123 = vector.load %arg4[%get3A_121, %get3A_122] : memref<1024x128xbf16, #tpu.memory_space<vmem>>, vector<128x128xbf16>
    %dot_general3A_124 = arith.constant dense<0.000000e+00> : vector<512x128xf32>
    %dot_general3A_125 = tpu.matmul %mul3A_120, %get3A_123, %dot_general3A_124 {dimension_numbers = #tpu.dot_dimension_numbers<[1], [0], [0], [1], [0, 0, 1, 1], [], []>, transpose_lhs_hint = false} : vector<512x128xbf16>, vector<128x128xbf16>, vector<512x128xf32> -> vector<512x128xf32>
    %add3A_126 = arith.addf %dot_general3A_75, %dot_general3A_125 : vector<512x128xf32>
    %get3A_127 = arith.constant 0 : index
    %get3A_128 = arith.constant 2 : index
    %get3A_129 = memref.load %arg3[%get3A_127, %get3A_128] : memref<7x8xf32, #tpu.memory_space<smem>>
    %mul3A_130 = vector.broadcast %get3A_129 : f32 to vector<512xf32>
    %mul3A_131 = arith.mulf %broadcast_in_dim3A_4, %mul3A_130 : vector<512xf32>
    %get3A_132 = arith.constant 1 : index
    %get3A_133 = arith.constant 2 : index
    %get3A_134 = memref.load %arg3[%get3A_132, %get3A_133] : memref<7x8xf32, #tpu.memory_space<smem>>
    %mul3A_135 = vector.broadcast %get3A_134 : f32 to vector<512xf32>
    %mul3A_136 = arith.mulf %get3A_0, %mul3A_135 : vector<512xf32>
    %add3A_137 = arith.addf %mul3A_131, %mul3A_136 : vector<512xf32>
    %get3A_138 = arith.constant 2 : index
    %get3A_139 = arith.constant 2 : index
    %get3A_140 = memref.load %arg3[%get3A_138, %get3A_139] : memref<7x8xf32, #tpu.memory_space<smem>>
    %mul3A_141 = vector.broadcast %get3A_140 : f32 to vector<512xf32>
    %mul3A_142 = arith.mulf %sub3A, %mul3A_141 : vector<512xf32>
    %add3A_143 = arith.addf %add3A_137, %mul3A_142 : vector<512xf32>
    %get3A_144 = arith.constant 3 : index
    %get3A_145 = arith.constant 2 : index
    %get3A_146 = memref.load %arg3[%get3A_144, %get3A_145] : memref<7x8xf32, #tpu.memory_space<smem>>
    %mul3A_147 = vector.broadcast %get3A_146 : f32 to vector<512xf32>
    %mul3A_148 = arith.mulf %sub3A_12, %mul3A_147 : vector<512xf32>
    %add3A_149 = arith.addf %add3A_143, %mul3A_148 : vector<512xf32>
    %get3A_150 = arith.constant 4 : index
    %get3A_151 = arith.constant 2 : index
    %get3A_152 = memref.load %arg3[%get3A_150, %get3A_151] : memref<7x8xf32, #tpu.memory_space<smem>>
    %mul3A_153 = vector.broadcast %get3A_152 : f32 to vector<512xf32>
    %mul3A_154 = arith.mulf %sub3A_17, %mul3A_153 : vector<512xf32>
    %add3A_155 = arith.addf %add3A_149, %mul3A_154 : vector<512xf32>
    %get3A_156 = arith.constant 5 : index
    %get3A_157 = arith.constant 2 : index
    %get3A_158 = memref.load %arg3[%get3A_156, %get3A_157] : memref<7x8xf32, #tpu.memory_space<smem>>
    %mul3A_159 = vector.broadcast %get3A_158 : f32 to vector<512xf32>
    %mul3A_160 = arith.mulf %sub3A_22, %mul3A_159 : vector<512xf32>
    %add3A_161 = arith.addf %add3A_155, %mul3A_160 : vector<512xf32>
    %get3A_162 = arith.constant 6 : index
    %get3A_163 = arith.constant 2 : index
    %get3A_164 = memref.load %arg3[%get3A_162, %get3A_163] : memref<7x8xf32, #tpu.memory_space<smem>>
    %mul3A_165 = vector.broadcast %get3A_164 : f32 to vector<512xf32>
    %mul3A_166 = arith.mulf %sub3A_27, %mul3A_165 : vector<512xf32>
    %add3A_167 = arith.addf %add3A_161, %mul3A_166 : vector<512xf32>
    %convert_element_type3A_168 = arith.truncf %add3A_167 : vector<512xf32> to vector<512xbf16>
    %broadcast_in_dim3A_169 = vector.shape_cast %convert_element_type3A_168 : vector<512xbf16> to vector<512x1xbf16>
    %mul3A_170 = vector.broadcast %broadcast_in_dim3A_169 : vector<512x1xbf16> to vector<512x128xbf16>
    %mul3A_171 = arith.mulf %convert_element_type3A, %mul3A_170 : vector<512x128xbf16>
    %get3A_172 = arith.constant 256 : index
    %get3A_173 = arith.constant 0 : index
    %get3A_174 = vector.load %arg4[%get3A_172, %get3A_173] : memref<1024x128xbf16, #tpu.memory_space<vmem>>, vector<128x128xbf16>
    %dot_general3A_175 = arith.constant dense<0.000000e+00> : vector<512x128xf32>
    %dot_general3A_176 = tpu.matmul %mul3A_171, %get3A_174, %dot_general3A_175 {dimension_numbers = #tpu.dot_dimension_numbers<[1], [0], [0], [1], [0, 0, 1, 1], [], []>, transpose_lhs_hint = false} : vector<512x128xbf16>, vector<128x128xbf16>, vector<512x128xf32> -> vector<512x128xf32>
    %add3A_177 = arith.addf %add3A_126, %dot_general3A_176 : vector<512x128xf32>
    %get3A_178 = arith.constant 0 : index
    %get3A_179 = arith.constant 3 : index
    %get3A_180 = memref.load %arg3[%get3A_178, %get3A_179] : memref<7x8xf32, #tpu.memory_space<smem>>
    %mul3A_181 = vector.broadcast %get3A_180 : f32 to vector<512xf32>
    %mul3A_182 = arith.mulf %broadcast_in_dim3A_4, %mul3A_181 : vector<512xf32>
    %get3A_183 = arith.constant 1 : index
    %get3A_184 = arith.constant 3 : index
    %get3A_185 = memref.load %arg3[%get3A_183, %get3A_184] : memref<7x8xf32, #tpu.memory_space<smem>>
    %mul3A_186 = vector.broadcast %get3A_185 : f32 to vector<512xf32>
    %mul3A_187 = arith.mulf %get3A_0, %mul3A_186 : vector<512xf32>
    %add3A_188 = arith.addf %mul3A_182, %mul3A_187 : vector<512xf32>
    %get3A_189 = arith.constant 2 : index
    %get3A_190 = arith.constant 3 : index
    %get3A_191 = memref.load %arg3[%get3A_189, %get3A_190] : memref<7x8xf32, #tpu.memory_space<smem>>
    %mul3A_192 = vector.broadcast %get3A_191 : f32 to vector<512xf32>
    %mul3A_193 = arith.mulf %sub3A, %mul3A_192 : vector<512xf32>
    %add3A_194 = arith.addf %add3A_188, %mul3A_193 : vector<512xf32>
    %get3A_195 = arith.constant 3 : index
    %get3A_196 = arith.constant 3 : index
    %get3A_197 = memref.load %arg3[%get3A_195, %get3A_196] : memref<7x8xf32, #tpu.memory_space<smem>>
    %mul3A_198 = vector.broadcast %get3A_197 : f32 to vector<512xf32>
    %mul3A_199 = arith.mulf %sub3A_12, %mul3A_198 : vector<512xf32>
    %add3A_200 = arith.addf %add3A_194, %mul3A_199 : vector<512xf32>
    %get3A_201 = arith.constant 4 : index
    %get3A_202 = arith.constant 3 : index
    %get3A_203 = memref.load %arg3[%get3A_201, %get3A_202] : memref<7x8xf32, #tpu.memory_space<smem>>
    %mul3A_204 = vector.broadcast %get3A_203 : f32 to vector<512xf32>
    %mul3A_205 = arith.mulf %sub3A_17, %mul3A_204 : vector<512xf32>
    %add3A_206 = arith.addf %add3A_200, %mul3A_205 : vector<512xf32>
    %get3A_207 = arith.constant 5 : index
    %get3A_208 = arith.constant 3 : index
    %get3A_209 = memref.load %arg3[%get3A_207, %get3A_208] : memref<7x8xf32, #tpu.memory_space<smem>>
    %mul3A_210 = vector.broadcast %get3A_209 : f32 to vector<512xf32>
    %mul3A_211 = arith.mulf %sub3A_22, %mul3A_210 : vector<512xf32>
    %add3A_212 = arith.addf %add3A_206, %mul3A_211 : vector<512xf32>
    %get3A_213 = arith.constant 6 : index
    %get3A_214 = arith.constant 3 : index
    %get3A_215 = memref.load %arg3[%get3A_213, %get3A_214] : memref<7x8xf32, #tpu.memory_space<smem>>
    %mul3A_216 = vector.broadcast %get3A_215 : f32 to vector<512xf32>
    %mul3A_217 = arith.mulf %sub3A_27, %mul3A_216 : vector<512xf32>
    %add3A_218 = arith.addf %add3A_212, %mul3A_217 : vector<512xf32>
    %convert_element_type3A_219 = arith.truncf %add3A_218 : vector<512xf32> to vector<512xbf16>
    %broadcast_in_dim3A_220 = vector.shape_cast %convert_element_type3A_219 : vector<512xbf16> to vector<512x1xbf16>
    %mul3A_221 = vector.broadcast %broadcast_in_dim3A_220 : vector<512x1xbf16> to vector<512x128xbf16>
    %mul3A_222 = arith.mulf %convert_element_type3A, %mul3A_221 : vector<512x128xbf16>
    %get3A_223 = arith.constant 384 : index
    %get3A_224 = arith.constant 0 : index
    %get3A_225 = vector.load %arg4[%get3A_223, %get3A_224] : memref<1024x128xbf16, #tpu.memory_space<vmem>>, vector<128x128xbf16>
    %dot_general3A_226 = arith.constant dense<0.000000e+00> : vector<512x128xf32>
    %dot_general3A_227 = tpu.matmul %mul3A_222, %get3A_225, %dot_general3A_226 {dimension_numbers = #tpu.dot_dimension_numbers<[1], [0], [0], [1], [0, 0, 1, 1], [], []>, transpose_lhs_hint = false} : vector<512x128xbf16>, vector<128x128xbf16>, vector<512x128xf32> -> vector<512x128xf32>
    %add3A_228 = arith.addf %add3A_177, %dot_general3A_227 : vector<512x128xf32>
    %get3A_229 = arith.constant 0 : index
    %get3A_230 = arith.constant 4 : index
    %get3A_231 = memref.load %arg3[%get3A_229, %get3A_230] : memref<7x8xf32, #tpu.memory_space<smem>>
    %mul3A_232 = vector.broadcast %get3A_231 : f32 to vector<512xf32>
    %mul3A_233 = arith.mulf %broadcast_in_dim3A_4, %mul3A_232 : vector<512xf32>
    %get3A_234 = arith.constant 1 : index
    %get3A_235 = arith.constant 4 : index
    %get3A_236 = memref.load %arg3[%get3A_234, %get3A_235] : memref<7x8xf32, #tpu.memory_space<smem>>
    %mul3A_237 = vector.broadcast %get3A_236 : f32 to vector<512xf32>
    %mul3A_238 = arith.mulf %get3A_0, %mul3A_237 : vector<512xf32>
    %add3A_239 = arith.addf %mul3A_233, %mul3A_238 : vector<512xf32>
    %get3A_240 = arith.constant 2 : index
    %get3A_241 = arith.constant 4 : index
    %get3A_242 = memref.load %arg3[%get3A_240, %get3A_241] : memref<7x8xf32, #tpu.memory_space<smem>>
    %mul3A_243 = vector.broadcast %get3A_242 : f32 to vector<512xf32>
    %mul3A_244 = arith.mulf %sub3A, %mul3A_243 : vector<512xf32>
    %add3A_245 = arith.addf %add3A_239, %mul3A_244 : vector<512xf32>
    %get3A_246 = arith.constant 3 : index
    %get3A_247 = arith.constant 4 : index
    %get3A_248 = memref.load %arg3[%get3A_246, %get3A_247] : memref<7x8xf32, #tpu.memory_space<smem>>
    %mul3A_249 = vector.broadcast %get3A_248 : f32 to vector<512xf32>
    %mul3A_250 = arith.mulf %sub3A_12, %mul3A_249 : vector<512xf32>
    %add3A_251 = arith.addf %add3A_245, %mul3A_250 : vector<512xf32>
    %get3A_252 = arith.constant 4 : index
    %get3A_253 = arith.constant 4 : index
    %get3A_254 = memref.load %arg3[%get3A_252, %get3A_253] : memref<7x8xf32, #tpu.memory_space<smem>>
    %mul3A_255 = vector.broadcast %get3A_254 : f32 to vector<512xf32>
    %mul3A_256 = arith.mulf %sub3A_17, %mul3A_255 : vector<512xf32>
    %add3A_257 = arith.addf %add3A_251, %mul3A_256 : vector<512xf32>
    %get3A_258 = arith.constant 5 : index
    %get3A_259 = arith.constant 4 : index
    %get3A_260 = memref.load %arg3[%get3A_258, %get3A_259] : memref<7x8xf32, #tpu.memory_space<smem>>
    %mul3A_261 = vector.broadcast %get3A_260 : f32 to vector<512xf32>
    %mul3A_262 = arith.mulf %sub3A_22, %mul3A_261 : vector<512xf32>
    %add3A_263 = arith.addf %add3A_257, %mul3A_262 : vector<512xf32>
    %get3A_264 = arith.constant 6 : index
    %get3A_265 = arith.constant 4 : index
    %get3A_266 = memref.load %arg3[%get3A_264, %get3A_265] : memref<7x8xf32, #tpu.memory_space<smem>>
    %mul3A_267 = vector.broadcast %get3A_266 : f32 to vector<512xf32>
    %mul3A_268 = arith.mulf %sub3A_27, %mul3A_267 : vector<512xf32>
    %add3A_269 = arith.addf %add3A_263, %mul3A_268 : vector<512xf32>
    %convert_element_type3A_270 = arith.truncf %add3A_269 : vector<512xf32> to vector<512xbf16>
    %broadcast_in_dim3A_271 = vector.shape_cast %convert_element_type3A_270 : vector<512xbf16> to vector<512x1xbf16>
    %mul3A_272 = vector.broadcast %broadcast_in_dim3A_271 : vector<512x1xbf16> to vector<512x128xbf16>
    %mul3A_273 = arith.mulf %convert_element_type3A, %mul3A_272 : vector<512x128xbf16>
    %get3A_274 = arith.constant 512 : index
    %get3A_275 = arith.constant 0 : index
    %get3A_276 = vector.load %arg4[%get3A_274, %get3A_275] : memref<1024x128xbf16, #tpu.memory_space<vmem>>, vector<128x128xbf16>
    %dot_general3A_277 = arith.constant dense<0.000000e+00> : vector<512x128xf32>
    %dot_general3A_278 = tpu.matmul %mul3A_273, %get3A_276, %dot_general3A_277 {dimension_numbers = #tpu.dot_dimension_numbers<[1], [0], [0], [1], [0, 0, 1, 1], [], []>, transpose_lhs_hint = false} : vector<512x128xbf16>, vector<128x128xbf16>, vector<512x128xf32> -> vector<512x128xf32>
    %add3A_279 = arith.addf %add3A_228, %dot_general3A_278 : vector<512x128xf32>
    %get3A_280 = arith.constant 0 : index
    %get3A_281 = arith.constant 5 : index
    %get3A_282 = memref.load %arg3[%get3A_280, %get3A_281] : memref<7x8xf32, #tpu.memory_space<smem>>
    %mul3A_283 = vector.broadcast %get3A_282 : f32 to vector<512xf32>
    %mul3A_284 = arith.mulf %broadcast_in_dim3A_4, %mul3A_283 : vector<512xf32>
    %get3A_285 = arith.constant 1 : index
    %get3A_286 = arith.constant 5 : index
    %get3A_287 = memref.load %arg3[%get3A_285, %get3A_286] : memref<7x8xf32, #tpu.memory_space<smem>>
    %mul3A_288 = vector.broadcast %get3A_287 : f32 to vector<512xf32>
    %mul3A_289 = arith.mulf %get3A_0, %mul3A_288 : vector<512xf32>
    %add3A_290 = arith.addf %mul3A_284, %mul3A_289 : vector<512xf32>
    %get3A_291 = arith.constant 2 : index
    %get3A_292 = arith.constant 5 : index
    %get3A_293 = memref.load %arg3[%get3A_291, %get3A_292] : memref<7x8xf32, #tpu.memory_space<smem>>
    %mul3A_294 = vector.broadcast %get3A_293 : f32 to vector<512xf32>
    %mul3A_295 = arith.mulf %sub3A, %mul3A_294 : vector<512xf32>
    %add3A_296 = arith.addf %add3A_290, %mul3A_295 : vector<512xf32>
    %get3A_297 = arith.constant 3 : index
    %get3A_298 = arith.constant 5 : index
    %get3A_299 = memref.load %arg3[%get3A_297, %get3A_298] : memref<7x8xf32, #tpu.memory_space<smem>>
    %mul3A_300 = vector.broadcast %get3A_299 : f32 to vector<512xf32>
    %mul3A_301 = arith.mulf %sub3A_12, %mul3A_300 : vector<512xf32>
    %add3A_302 = arith.addf %add3A_296, %mul3A_301 : vector<512xf32>
    %get3A_303 = arith.constant 4 : index
    %get3A_304 = arith.constant 5 : index
    %get3A_305 = memref.load %arg3[%get3A_303, %get3A_304] : memref<7x8xf32, #tpu.memory_space<smem>>
    %mul3A_306 = vector.broadcast %get3A_305 : f32 to vector<512xf32>
    %mul3A_307 = arith.mulf %sub3A_17, %mul3A_306 : vector<512xf32>
    %add3A_308 = arith.addf %add3A_302, %mul3A_307 : vector<512xf32>
    %get3A_309 = arith.constant 5 : index
    %get3A_310 = arith.constant 5 : index
    %get3A_311 = memref.load %arg3[%get3A_309, %get3A_310] : memref<7x8xf32, #tpu.memory_space<smem>>
    %mul3A_312 = vector.broadcast %get3A_311 : f32 to vector<512xf32>
    %mul3A_313 = arith.mulf %sub3A_22, %mul3A_312 : vector<512xf32>
    %add3A_314 = arith.addf %add3A_308, %mul3A_313 : vector<512xf32>
    %get3A_315 = arith.constant 6 : index
    %get3A_316 = arith.constant 5 : index
    %get3A_317 = memref.load %arg3[%get3A_315, %get3A_316] : memref<7x8xf32, #tpu.memory_space<smem>>
    %mul3A_318 = vector.broadcast %get3A_317 : f32 to vector<512xf32>
    %mul3A_319 = arith.mulf %sub3A_27, %mul3A_318 : vector<512xf32>
    %add3A_320 = arith.addf %add3A_314, %mul3A_319 : vector<512xf32>
    %convert_element_type3A_321 = arith.truncf %add3A_320 : vector<512xf32> to vector<512xbf16>
    %broadcast_in_dim3A_322 = vector.shape_cast %convert_element_type3A_321 : vector<512xbf16> to vector<512x1xbf16>
    %mul3A_323 = vector.broadcast %broadcast_in_dim3A_322 : vector<512x1xbf16> to vector<512x128xbf16>
    %mul3A_324 = arith.mulf %convert_element_type3A, %mul3A_323 : vector<512x128xbf16>
    %get3A_325 = arith.constant 640 : index
    %get3A_326 = arith.constant 0 : index
    %get3A_327 = vector.load %arg4[%get3A_325, %get3A_326] : memref<1024x128xbf16, #tpu.memory_space<vmem>>, vector<128x128xbf16>
    %dot_general3A_328 = arith.constant dense<0.000000e+00> : vector<512x128xf32>
    %dot_general3A_329 = tpu.matmul %mul3A_324, %get3A_327, %dot_general3A_328 {dimension_numbers = #tpu.dot_dimension_numbers<[1], [0], [0], [1], [0, 0, 1, 1], [], []>, transpose_lhs_hint = false} : vector<512x128xbf16>, vector<128x128xbf16>, vector<512x128xf32> -> vector<512x128xf32>
    %add3A_330 = arith.addf %add3A_279, %dot_general3A_329 : vector<512x128xf32>
    %get3A_331 = arith.constant 0 : index
    %get3A_332 = arith.constant 6 : index
    %get3A_333 = memref.load %arg3[%get3A_331, %get3A_332] : memref<7x8xf32, #tpu.memory_space<smem>>
    %mul3A_334 = vector.broadcast %get3A_333 : f32 to vector<512xf32>
    %mul3A_335 = arith.mulf %broadcast_in_dim3A_4, %mul3A_334 : vector<512xf32>
    %get3A_336 = arith.constant 1 : index
    %get3A_337 = arith.constant 6 : index
    %get3A_338 = memref.load %arg3[%get3A_336, %get3A_337] : memref<7x8xf32, #tpu.memory_space<smem>>
    %mul3A_339 = vector.broadcast %get3A_338 : f32 to vector<512xf32>
    %mul3A_340 = arith.mulf %get3A_0, %mul3A_339 : vector<512xf32>
    %add3A_341 = arith.addf %mul3A_335, %mul3A_340 : vector<512xf32>
    %get3A_342 = arith.constant 2 : index
    %get3A_343 = arith.constant 6 : index
    %get3A_344 = memref.load %arg3[%get3A_342, %get3A_343] : memref<7x8xf32, #tpu.memory_space<smem>>
    %mul3A_345 = vector.broadcast %get3A_344 : f32 to vector<512xf32>
    %mul3A_346 = arith.mulf %sub3A, %mul3A_345 : vector<512xf32>
    %add3A_347 = arith.addf %add3A_341, %mul3A_346 : vector<512xf32>
    %get3A_348 = arith.constant 3 : index
    %get3A_349 = arith.constant 6 : index
    %get3A_350 = memref.load %arg3[%get3A_348, %get3A_349] : memref<7x8xf32, #tpu.memory_space<smem>>
    %mul3A_351 = vector.broadcast %get3A_350 : f32 to vector<512xf32>
    %mul3A_352 = arith.mulf %sub3A_12, %mul3A_351 : vector<512xf32>
    %add3A_353 = arith.addf %add3A_347, %mul3A_352 : vector<512xf32>
    %get3A_354 = arith.constant 4 : index
    %get3A_355 = arith.constant 6 : index
    %get3A_356 = memref.load %arg3[%get3A_354, %get3A_355] : memref<7x8xf32, #tpu.memory_space<smem>>
    %mul3A_357 = vector.broadcast %get3A_356 : f32 to vector<512xf32>
    %mul3A_358 = arith.mulf %sub3A_17, %mul3A_357 : vector<512xf32>
    %add3A_359 = arith.addf %add3A_353, %mul3A_358 : vector<512xf32>
    %get3A_360 = arith.constant 5 : index
    %get3A_361 = arith.constant 6 : index
    %get3A_362 = memref.load %arg3[%get3A_360, %get3A_361] : memref<7x8xf32, #tpu.memory_space<smem>>
    %mul3A_363 = vector.broadcast %get3A_362 : f32 to vector<512xf32>
    %mul3A_364 = arith.mulf %sub3A_22, %mul3A_363 : vector<512xf32>
    %add3A_365 = arith.addf %add3A_359, %mul3A_364 : vector<512xf32>
    %get3A_366 = arith.constant 6 : index
    %get3A_367 = arith.constant 6 : index
    %get3A_368 = memref.load %arg3[%get3A_366, %get3A_367] : memref<7x8xf32, #tpu.memory_space<smem>>
    %mul3A_369 = vector.broadcast %get3A_368 : f32 to vector<512xf32>
    %mul3A_370 = arith.mulf %sub3A_27, %mul3A_369 : vector<512xf32>
    %add3A_371 = arith.addf %add3A_365, %mul3A_370 : vector<512xf32>
    %convert_element_type3A_372 = arith.truncf %add3A_371 : vector<512xf32> to vector<512xbf16>
    %broadcast_in_dim3A_373 = vector.shape_cast %convert_element_type3A_372 : vector<512xbf16> to vector<512x1xbf16>
    %mul3A_374 = vector.broadcast %broadcast_in_dim3A_373 : vector<512x1xbf16> to vector<512x128xbf16>
    %mul3A_375 = arith.mulf %convert_element_type3A, %mul3A_374 : vector<512x128xbf16>
    %get3A_376 = arith.constant 768 : index
    %get3A_377 = arith.constant 0 : index
    %get3A_378 = vector.load %arg4[%get3A_376, %get3A_377] : memref<1024x128xbf16, #tpu.memory_space<vmem>>, vector<128x128xbf16>
    %dot_general3A_379 = arith.constant dense<0.000000e+00> : vector<512x128xf32>
    %dot_general3A_380 = tpu.matmul %mul3A_375, %get3A_378, %dot_general3A_379 {dimension_numbers = #tpu.dot_dimension_numbers<[1], [0], [0], [1], [0, 0, 1, 1], [], []>, transpose_lhs_hint = false} : vector<512x128xbf16>, vector<128x128xbf16>, vector<512x128xf32> -> vector<512x128xf32>
    %add3A_381 = arith.addf %add3A_330, %dot_general3A_380 : vector<512x128xf32>
    %get3A_382 = arith.constant 0 : index
    %get3A_383 = arith.constant 7 : index
    %get3A_384 = memref.load %arg3[%get3A_382, %get3A_383] : memref<7x8xf32, #tpu.memory_space<smem>>
    %mul3A_385 = vector.broadcast %get3A_384 : f32 to vector<512xf32>
    %mul3A_386 = arith.mulf %broadcast_in_dim3A_4, %mul3A_385 : vector<512xf32>
    %get3A_387 = arith.constant 1 : index
    %get3A_388 = arith.constant 7 : index
    %get3A_389 = memref.load %arg3[%get3A_387, %get3A_388] : memref<7x8xf32, #tpu.memory_space<smem>>
    %mul3A_390 = vector.broadcast %get3A_389 : f32 to vector<512xf32>
    %mul3A_391 = arith.mulf %get3A_0, %mul3A_390 : vector<512xf32>
    %add3A_392 = arith.addf %mul3A_386, %mul3A_391 : vector<512xf32>
    %get3A_393 = arith.constant 2 : index
    %get3A_394 = arith.constant 7 : index
    %get3A_395 = memref.load %arg3[%get3A_393, %get3A_394] : memref<7x8xf32, #tpu.memory_space<smem>>
    %mul3A_396 = vector.broadcast %get3A_395 : f32 to vector<512xf32>
    %mul3A_397 = arith.mulf %sub3A, %mul3A_396 : vector<512xf32>
    %add3A_398 = arith.addf %add3A_392, %mul3A_397 : vector<512xf32>
    %get3A_399 = arith.constant 3 : index
    %get3A_400 = arith.constant 7 : index
    %get3A_401 = memref.load %arg3[%get3A_399, %get3A_400] : memref<7x8xf32, #tpu.memory_space<smem>>
    %mul3A_402 = vector.broadcast %get3A_401 : f32 to vector<512xf32>
    %mul3A_403 = arith.mulf %sub3A_12, %mul3A_402 : vector<512xf32>
    %add3A_404 = arith.addf %add3A_398, %mul3A_403 : vector<512xf32>
    %get3A_405 = arith.constant 4 : index
    %get3A_406 = arith.constant 7 : index
    %get3A_407 = memref.load %arg3[%get3A_405, %get3A_406] : memref<7x8xf32, #tpu.memory_space<smem>>
    %mul3A_408 = vector.broadcast %get3A_407 : f32 to vector<512xf32>
    %mul3A_409 = arith.mulf %sub3A_17, %mul3A_408 : vector<512xf32>
    %add3A_410 = arith.addf %add3A_404, %mul3A_409 : vector<512xf32>
    %get3A_411 = arith.constant 5 : index
    %get3A_412 = arith.constant 7 : index
    %get3A_413 = memref.load %arg3[%get3A_411, %get3A_412] : memref<7x8xf32, #tpu.memory_space<smem>>
    %mul3A_414 = vector.broadcast %get3A_413 : f32 to vector<512xf32>
    %mul3A_415 = arith.mulf %sub3A_22, %mul3A_414 : vector<512xf32>
    %add3A_416 = arith.addf %add3A_410, %mul3A_415 : vector<512xf32>
    %get3A_417 = arith.constant 6 : index
    %get3A_418 = arith.constant 7 : index
    %get3A_419 = memref.load %arg3[%get3A_417, %get3A_418] : memref<7x8xf32, #tpu.memory_space<smem>>
    %mul3A_420 = vector.broadcast %get3A_419 : f32 to vector<512xf32>
    %mul3A_421 = arith.mulf %sub3A_27, %mul3A_420 : vector<512xf32>
    %add3A_422 = arith.addf %add3A_416, %mul3A_421 : vector<512xf32>
    %convert_element_type3A_423 = arith.truncf %add3A_422 : vector<512xf32> to vector<512xbf16>
    %broadcast_in_dim3A_424 = vector.shape_cast %convert_element_type3A_423 : vector<512xbf16> to vector<512x1xbf16>
    %mul3A_425 = vector.broadcast %broadcast_in_dim3A_424 : vector<512x1xbf16> to vector<512x128xbf16>
    %mul3A_426 = arith.mulf %convert_element_type3A, %mul3A_425 : vector<512x128xbf16>
    %get3A_427 = arith.constant 896 : index
    %get3A_428 = arith.constant 0 : index
    %get3A_429 = vector.load %arg4[%get3A_427, %get3A_428] : memref<1024x128xbf16, #tpu.memory_space<vmem>>, vector<128x128xbf16>
    %dot_general3A_430 = arith.constant dense<0.000000e+00> : vector<512x128xf32>
    %dot_general3A_431 = tpu.matmul %mul3A_426, %get3A_429, %dot_general3A_430 {dimension_numbers = #tpu.dot_dimension_numbers<[1], [0], [0], [1], [0, 0, 1, 1], [], []>, transpose_lhs_hint = false} : vector<512x128xbf16>, vector<128x128xbf16>, vector<512x128xf32> -> vector<512x128xf32>
    %add3A_432 = arith.addf %add3A_381, %dot_general3A_431 : vector<512x128xf32>
    %swap3A = arith.constant 0 : index
    %swap3A_433 = arith.constant 0 : index
    %swap3A_434 = vector.load %arg5[%swap3A, %swap3A_433] : memref<512x128xf32, #tpu.memory_space<vmem>>, vector<512x128xf32>
    tpu.vector_store %arg5[%swap3A, %swap3A_433], %add3A_432 {strides = array<i32>} : memref<512x128xf32, #tpu.memory_space<vmem>>, vector<512x128xf32>,
    return
  }
  func.func @transform_0(%arg0: i32) -> i32 {
    %c0_i32 = arith.constant 0 : i32
    return %arg0 : i32
  }
  func.func @transform_1(%arg0: i32) -> (i32, i32) {
    %c0_i32 = arith.constant 0 : i32
    %c0_i32_0 = arith.constant 0 : i32
    return %arg0, %c0_i32 : i32, i32
  }
  func.func @transform_2(%arg0: i32) -> (i32, i32) {
    %c0_i32 = arith.constant 0 : i32
    %c0_i32_0 = arith.constant 0 : i32
    %c0_i32_1 = arith.constant 0 : i32
    return %c0_i32, %c0_i32_0 : i32, i32
  }
  func.func @transform_3(%arg0: i32) -> (i32, i32) {
    %c0_i32 = arith.constant 0 : i32
    %c0_i32_0 = arith.constant 0 : i32
    %c0_i32_1 = arith.constant 0 : i32
    return %c0_i32, %c0_i32_0 : i32, i32
  }
  func.func @transform_4(%arg0: i32) -> (i32, i32) {
    %c0_i32 = arith.constant 0 : i32
    %c0_i32_0 = arith.constant 0 : i32
    return %arg0, %c0_i32 : i32, i32
  }
}

module attributes {stable_mosaic.version = 14 : i64} {
  func.func @_w_body(%arg0: i32, %arg1: memref<640x6xf32, #tpu.memory_space<vmem>>, %arg2: memref<640x128xf32, #tpu.memory_space<vmem>>, %arg3: memref<6x128xf32, #tpu.memory_space<vmem>>, %arg4: memref<128x128xf32, #tpu.memory_space<vmem>>, %arg5: memref<128xf32, #tpu.memory_space<vmem>>, %arg6: memref<640x128xf32, #tpu.memory_space<vmem>>) attributes {dimension_semantics = [#tpu.dimension_semantics<arbitrary>], iteration_bounds = array<i64: 250>, scalar_prefetch = 0 : i64, scratch_operands = 0 : i64, tpu.core_type = #tpu.core_type<tc>, window_params = [{transform_indices = @transform_0, window_bounds = array<i64: 640, 6>}, {transform_indices = @transform_1, window_bounds = array<i64: 640, 128>}, {pipeline_mode = #tpu.pipeline_mode<synchronous>, transform_indices = @transform_2, window_bounds = array<i64: 6, 128>}, {pipeline_mode = #tpu.pipeline_mode<synchronous>, transform_indices = @transform_3, window_bounds = array<i64: 128, 128>}, {pipeline_mode = #tpu.pipeline_mode<synchronous>, transform_indices = @transform_4, window_bounds = array<i64: 128>}, {transform_indices = @transform_5, window_bounds = array<i64: 640, 128>}]} {
    %get3A = arith.constant 0 : index
    %get3A_0 = arith.constant 0 : index
    %get3A_1 = vector.load %arg2[%get3A, %get3A_0] : memref<640x128xf32, #tpu.memory_space<vmem>>, vector<640x128xf32>
    %get3A_2 = arith.constant 0 : index
    %get3A_3 = arith.constant 0 : index
    %get3A_4 = vector.load %arg4[%get3A_2, %get3A_3] : memref<128x128xf32, #tpu.memory_space<vmem>>, vector<128x128xf32>
    %dot_general3A = arith.constant dense<0.000000e+00> : vector<640x128xf32>
    %dot_general3A_5 = tpu.matmul %get3A_1, %get3A_4, %dot_general3A {dimension_numbers = #tpu.dot_dimension_numbers<[1], [0], [0], [1], [0, 0, 1, 1], [], []>, transpose_lhs_hint = false} : vector<640x128xf32>, vector<128x128xf32>, vector<640x128xf32> -> vector<640x128xf32>
    %get3A_6 = arith.constant 0 : index
    %get3A_7 = vector.load %arg5[%get3A_6] : memref<128xf32, #tpu.memory_space<vmem>>, vector<128xf32>
    %broadcast_in_dim3A = vector.shape_cast %get3A_7 : vector<128xf32> to vector<1x128xf32>
    %add3A = vector.broadcast %broadcast_in_dim3A : vector<1x128xf32> to vector<640x128xf32>
    %add3A_8 = arith.addf %dot_general3A_5, %add3A : vector<640x128xf32>
    %logistic3A = arith.negf %add3A_8 : vector<640x128xf32>
    %logistic3A_9 = math.exp %logistic3A : vector<640x128xf32>
    %logistic3A_10 = arith.constant 1.000000e+00 : f32
    %logistic3A_11 = vector.broadcast %logistic3A_10 : f32 to vector<640x128xf32>
    %logistic3A_12 = arith.addf %logistic3A_11, %logistic3A_9 : vector<640x128xf32>
    %logistic3A_13 = arith.divf %logistic3A_11, %logistic3A_12 : vector<640x128xf32>
    %mul3A = arith.mulf %add3A_8, %logistic3A_13 : vector<640x128xf32>
    %get3A_14 = arith.constant 0 : index
    %get3A_15 = arith.constant 0 : index
    %get3A_16 = vector.load %arg1[%get3A_14, %get3A_15] : memref<640x6xf32, #tpu.memory_space<vmem>>, vector<640x6xf32>
    %get3A_17 = arith.constant 0 : index
    %get3A_18 = arith.constant 0 : index
    %get3A_19 = vector.load %arg3[%get3A_17, %get3A_18] : memref<6x128xf32, #tpu.memory_space<vmem>>, vector<6x128xf32>
    %dot_general3A_20 = arith.constant dense<0.000000e+00> : vector<640x128xf32>
    %dot_general3A_21 = tpu.matmul %get3A_16, %get3A_19, %dot_general3A_20 {dimension_numbers = #tpu.dot_dimension_numbers<[1], [0], [0], [1], [0, 0, 1, 1], [], []>, transpose_lhs_hint = false} : vector<640x6xf32>, vector<6x128xf32>, vector<640x128xf32> -> vector<640x128xf32>
    %mul3A_22 = arith.mulf %dot_general3A_21, %mul3A : vector<640x128xf32>
    %swap3A = arith.constant 0 : index
    %swap3A_23 = arith.constant 0 : index
    %swap3A_24 = vector.load %arg6[%swap3A, %swap3A_23] : memref<640x128xf32, #tpu.memory_space<vmem>>, vector<640x128xf32>
    tpu.vector_store %arg6[%swap3A, %swap3A_23], %mul3A_22 {strides = array<i32>} : memref<640x128xf32, #tpu.memory_space<vmem>>, vector<640x128xf32>,
    return
  }
  func.func @transform_0(%arg0: i32) -> (i32, i32) {
    %c0_i32 = arith.constant 0 : i32
    %c0_i32_0 = arith.constant 0 : i32
    return %arg0, %c0_i32 : i32, i32
  }
  func.func @transform_1(%arg0: i32) -> (i32, i32) {
    %c0_i32 = arith.constant 0 : i32
    %c0_i32_0 = arith.constant 0 : i32
    return %arg0, %c0_i32 : i32, i32
  }
  func.func @transform_2(%arg0: i32) -> (i32, i32) {
    %c0_i32 = arith.constant 0 : i32
    %c0_i32_0 = arith.constant 0 : i32
    %c0_i32_1 = arith.constant 0 : i32
    return %c0_i32, %c0_i32_0 : i32, i32
  }
  func.func @transform_3(%arg0: i32) -> (i32, i32) {
    %c0_i32 = arith.constant 0 : i32
    %c0_i32_0 = arith.constant 0 : i32
    %c0_i32_1 = arith.constant 0 : i32
    return %c0_i32, %c0_i32_0 : i32, i32
  }
  func.func @transform_4(%arg0: i32) -> i32 {
    %c0_i32 = arith.constant 0 : i32
    %c0_i32_0 = arith.constant 0 : i32
    return %c0_i32 : i32
  }
  func.func @transform_5(%arg0: i32) -> (i32, i32) {
    %c0_i32 = arith.constant 0 : i32
    %c0_i32_0 = arith.constant 0 : i32
    return %arg0, %c0_i32 : i32, i32
  }
}

</mosaic_0001>

<sc_bundles>
// kernel: kernel.6.cloned.1.call-start
scs
__scs_entry_jumppad:
0x0: {  	(pc) =	sbr.rel $0x88, $3  }
0x1: {  	(tag) =	ssettag $0x0;
	lr =	simm.s32 $0x1  }
0x2: {  	[smem:$0x3F97] =	sst lr;
	_ =	strace $0xD0000000  }
0x3: {  	_ = 	snop  }
0x4: {  	_ = 	snop  }
0x5: {  	_ = 	snop  }
0x6: {  	_ = 	snop  }
0x7: {  	_ = 	snop  }
__scs_overlays_trampoline_lowered:
0x8: {  	[smem:$0x3FA6] =	sst s0  }
0x9: {  	[smem:$0x3FA7] =	sst s1  }
0xa: {  	[smem:$0x3FA8] =	sst s2  }
0xb: {  	[smem:$0x3FA9] =	sst s3  }
0xc: {  	[smem:$0x3FAA] =	sst s4  }
0xd: {  	[smem:$0x3FAB] =	sst s5  }
0xe: {  	[smem:$0x3FAC] =	sst s6  }
0xf: {  	[smem:$0x3FAD] =	sst s7  }
0x10: {  	[smem:$0x3FAE] =	sst s8  }
0x11: {  	[smem:$0x3FAF] =	sst s9;
	s0 =	simm.s32 @!p0 $0x0  }
0x12: {  	s1 =	sld [smem:$0x3F95];
	s0 =	simm.s32 @p0 $0x1  }
0x13: {  	[smem:$0x3FB0] =	sst s0;
	s0 =	simm.s32 @!p1 $0x0  }
0x14: {  	s2 =	sld [smem:$0x3F94];
	s0 =	simm.s32 @p1 $0x1  }
0x15: {  	[smem:$0x3FB1] =	sst s0;
	s0 =	simm.s32 @!p2 $0x0  }
0x16: {  	s3 =	sld [smem:$0x3FDB];
	s0 =	simm.s32 @p2 $0x1  }
0x17: {  	s4 =	simm.s32 $0x1BF5;
	[smem:$0x3FB3] =	sst s0  }
0x18: {  	s0 =	sld [smem:$0x3F96];
	_ =	swait.ge [sflag:s4], $0x0  }
0x19: {  	s7 =	sld [smem:$0x3F97]  }
0x1a: {  	s8 =	sadd.s32 $0xFFFFE003, lr  }
0x1b: {  	s9 =	sadd.s32 $0xFFFFFEF7, lr;
	s5 =	simm.s32 $0xFFFFFFFF;
	p2 =	slt.u32 s8, $0xFFFFF086  }
0x1c: {  	p1 =	slt.u32 s9, $0xF7A;
	s5 =	simm.s32 @!p2 $0x0  }
0x1d: {  	s5 =	simm.s32 @p1 $0x1;
	p0 =	seq.s32 s7, s2  }
0x1e: {  	s7 =	smul.u32 @!p0 $0xF7A, s2;
	p2 =	seq.s32 @!p0 s5, $0x0  }
0x1f: {  	s9 =	smul.u32 $0xF7A, s1;
	s8 =	simm.s32 @!p0 $0x1BF5;
	p2 =	por !p2, p0  }
0x20: {  	[sflag:s8] =	ssyncset.s32 @!p0 $0xFFFFF086;
	s6 =	sadd.s32 @!p0 s3, s7;
	s7 =	simm.s32 @!p0 $0x108  }
0x21: {  	s3 =	sadd.s32 s3, s9;
	s6 =	sadd.s32 @!p0 $0x88, s6;
	s7 =	simm.s32 @p2 $0x1082  }
0x22: {  	[simem:s7], [sflag:s8] =	dma.local @!p0 [hbm:s6], $0xF7A  }
0x23: {  	s9 =	sor.u32 $0xD0000000, s2;
	s6 =	simm.s32 $0x108;
	_ =	swait.ge @!p0 [sflag:s8], $0x0  }
0x24: {  	s3 =	sadd.s32 $0x88, s3;
	s6 =	simm.s32 @!p1 $0x1082;
	[sflag:s4] =	ssyncset.s32 $0xFFFFF086  }
0x25: {  	[simem:s6], [sflag:s4] =	dma.local [hbm:s3], $0xF7A  }
0x26: {  	[smem:$0x3F97] =	sst s1;
	(tag) =	ssettag s2;
	_ =	strace s9  }
0x27: {  	s1 =	sld [smem:$0x3FA7]  }
0x28: {  	s2 =	sld [smem:$0x3FA8]  }
0x29: {  	s4 =	sld [smem:$0x3FAA]  }
0x2a: {  	p0 =	seq.s32 s5, $0x0;
	s5 =	sld [smem:$0x3FAB]  }
0x2b: {  	s6 =	sld [smem:$0x3FAC]  }
0x2c: {  	s7 =	sld [smem:$0x3FAD]  }
0x2d: {  	s3 =	simm.s32 $0x108;
	s8 =	sld [smem:$0x3FAE]  }
0x2e: {  	s3 =	simm.s32 @!p0 $0x1082;
	s9 =	sld [smem:$0x3FAF]  }
0x2f: {  	lr =	sadd.s32 s0, s3;
	s0 =	sld [smem:$0x3FA6]  }
0x30: {  	s3 =	sld [smem:$0x3FA9]  }
0x31: {  	[smem:$0x3FB2] =	sst s10  }
0x32: {  	s10 =	sld [smem:$0x3FB0];
	_ =	sdelay $0x3  }
0x33: {  	p0 =	seq.s32 s10, $0x1;
	s10 =	sld [smem:$0x3FB2];
	_ =	sdelay $0x3  }
0x34: {  	[smem:$0x3FB2] =	sst s10  }
0x35: {  	s10 =	sld [smem:$0x3FB1];
	_ =	sdelay $0x3  }
0x36: {  	p1 =	seq.s32 s10, $0x1;
	s10 =	sld [smem:$0x3FB2];
	_ =	sdelay $0x3  }
0x37: {  	[smem:$0x3FB2] =	sst s10  }
0x38: {  	s10 =	sld [smem:$0x3FB3]  }
0x39: {  	_ = 	snop;
	(pc) =	sbr.ind lr, $3  }
0x3a: {  	_ = 	snop  }
0x3b: {  	_ = 	snop  }
0x3c: {  	p2 =	seq.s32 s10, $0x1;
	s10 =	sld [smem:$0x3FB2]  }
0x3d: {  	_ =	shalt  }
0x3e: {  	_ =	shalt  }
0x3f: {  	_ =	shalt  }
0x40: {  	_ =	shalt  }
0x41: {  	_ =	shalt  }
0x42: {  	_ =	shalt  }
0x43: {  	_ =	shalt  }
0x44: {  	_ =	shalt  }
0x45: {  	_ =	shalt  }
0x46: {  	_ =	shalt  }
0x47: {  	_ =	shalt  }
0x48: {  	_ =	shalt  }
0x49: {  	_ =	shalt  }
0x4a: {  	_ =	shalt  }
0x4b: {  	_ =	shalt  }
0x4c: {  	_ =	shalt  }
0x4d: {  	_ =	shalt  }
0x4e: {  	_ =	shalt  }
0x4f: {  	_ =	shalt  }
0x50: {  	_ =	shalt  }
0x51: {  	_ =	shalt  }
0x52: {  	_ =	shalt  }
0x53: {  	_ =	shalt  }
0x54: {  	_ =	shalt  }
0x55: {  	_ =	shalt  }
0x56: {  	_ =	shalt  }
0x57: {  	_ =	shalt  }
0x58: {  	_ =	shalt  }
0x59: {  	_ =	shalt  }
0x5a: {  	_ =	shalt  }
0x5b: {  	_ =	shalt  }
0x5c: {  	_ =	shalt  }
0x5d: {  	_ =	shalt  }
0x5e: {  	_ =	shalt  }
0x5f: {  	_ =	shalt  }
0x60: {  	_ =	shalt  }
0x61: {  	_ =	shalt  }
0x62: {  	_ =	shalt  }
0x63: {  	_ =	shalt  }
0x64: {  	_ =	shalt  }
0x65: {  	_ =	shalt  }
0x66: {  	_ =	shalt  }
0x67: {  	_ =	shalt  }
0x68: {  	_ =	shalt  }
0x69: {  	_ =	shalt  }
0x6a: {  	_ =	shalt  }
0x6b: {  	_ =	shalt  }
0x6c: {  	_ =	shalt  }
0x6d: {  	_ =	shalt  }
0x6e: {  	_ =	shalt  }
0x6f: {  	_ =	shalt  }
0x70: {  	_ =	shalt  }
0x71: {  	_ =	shalt  }
0x72: {  	_ =	shalt  }
0x73: {  	_ =	shalt  }
0x74: {  	_ =	shalt  }
0x75: {  	_ =	shalt  }
0x76: {  	_ =	shalt  }
0x77: {  	_ =	shalt  }
0x78: {  	_ =	shalt  }
0x79: {  	_ =	shalt  }
0x7a: {  	_ =	shalt  }
0x7b: {  	_ =	shalt  }
0x7c: {  	_ =	shalt  }
0x7d: {  	_ =	shalt  }
0x7e: {  	_ =	shalt  }
0x7f: {  	_ =	shalt  }
0x80: {  	_ =	shalt  }
0x81: {  	_ =	shalt  }
0x82: {  	_ =	shalt  }
0x83: {  	_ =	shalt  }
0x84: {  	_ =	shalt  }
0x85: {  	_ =	shalt  }
0x86: {  	_ =	shalt  }
0x87: {  	_ =	shalt  }
.Lfunc_end0:
.L_simem_size_0:
called_computation_lowered:
.L_overlay_start_0:
0x88: {  	s2 =	sld [smem:$0x3FD9]  }
0x89: {  	s3 =	sld [smem:$0x3FFE];
	_ =	sdelay $0x1  }
0x8a: {  	s1 =	srdreg.scid  }
0x8b: {  	s0 =	sand.u32 $0x1, s1  }
0x8c: {  	s14 =	sshll.u32 s0, $0xA;
	s2 =	sadd.s32 s3, s2  }
0x8d: {  	s2 =	sadd.s32 s2, s14  }
0x8e: {  	[smem:$0x3FBE] =	sst s2  }
0x8f: {  	_ = 	snop  }
0x90: {  	s2 =	sld [smem:$0x3FD0]  }
0x91: {  	s15 =	sld [smem:$0x3FC8]  }
0x92: {  	s4 =	sld [smem:$0x3FC6]  }
0x93: {  	s6 =	simm.s32 $0xA;
	s7 =	simm.s32 $0x10;
	s5 =	sld [smem:$0x3FC5]  }
0x94: {  	[smem:s7], [sflag:s6] =	dma.local [hbm:s2], $0x1  }
0x95: {  	_ =	swait.eq [sflag:s6], $0x1  }
0x96: {  	[sflag:s6] =	ssyncset.done $0x0  }
0x97: {  	s16 =	sld [smem:$0x10];
	[sflag:s6] =	ssyncadd.s32 $0xFFFFFFFF  }
0x98: {  	s17 =	sld [smem:$0x11];
	(tm) =	ssettm $0x1  }
0x99: {  	s18 =	sld [smem:$0x3FFB];
	_ =	sdelay $0x3  }
0x9a: {  	_ =	strace s18  }
0x9b: {  	s7 =	sld [smem:$0x3FFC];
	_ =	sdelay $0x3  }
0x9c: {  	_ =	strace s7  }
0x9d: {  	s7 =	sld [smem:$0x3FFD];
	_ =	sdelay $0x3  }
0x9e: {  	_ =	strace s7  }
0x9f: {  	_ =	strace $0x8FFFFFFF  }
0xa0: {  	s19 =	sld [smem:$0x3FDB];
	_ =	sdelay $0x1  }
0xa1: {  	s8 =	simm.s32 $_scs_section_size  }
0xa2: {  	s9 =	simm.s32 $_size__tile_overlayer_lowered;
	s10 =	simm.s32 $_tile_overlayer_lowered  }
0xa3: {  	s22 =	simm.s32 $0x1BFF;
	s21 =	sshll.u32 s10, $0x1;
	s7 =	sadd.s32 s8, s19  }
0xa4: {  	s11 =	simm.s32 $0x0;
	s20 =	sshll.u32 s9, $0x1;
	s9 =	sadd.s32 s21, s7  }
0xa5: {  	[timem:s11], [sflag:s22] =	dma.local [hbm:s9], s20  }
0xa6: {  	_ =	swait.ge [sflag:s22], s20  }
0xa7: {  	s8 =	ssub.s32 $0x0, s20;
	[sflag:s22] =	ssyncset.done $0x0  }
0xa8: {  	[sflag:s22] =	ssyncadd.s32 s8;
	_ =	sdelay $0x1  }
0xa9: {  	s23 =	simm.s32 $0x1B8B  }
0xaa: {  	_ =	swait.ge [sflag:s23], $0x1  }
0xab: {  	[sflag:s23] =	ssyncset.done $0x0  }
0xac: {  	s25 =	simm.s32 $0x1B8E;
	s24 =	sld [smem:$0x3FFE];
	[sflag:s23] =	ssyncadd.s32 $0xFFFFFFFF  }
0xad: {  	s26 =	simm.s32 $execute0_lowered;
	[smem:$0x3FD2] =	sst s25  }
0xae: {  	s9 =	sshll.u32 s26, $0x1;
	_ =	strace $0x80000046;
	[dreg:$0x1] =	wrdreg $0xFFFFFFFF  }
0xaf: {  	s28 =	simm.s32 $_size_execute0_lowered;
	s7 =	sadd.s32 s7, s9;
	[dreg:$0x0] =	wrdreg $0x0  }
0xb0: {  	s9 =	sshll.u32 s28, $0x1;
	[dreg:$0x2] =	wrdreg s7  }
0xb1: {  	[dreg:$0x3] =	wrdreg s9  }
0xb2: {  	[dreg:$0x4] =	wrdreg $0xC0  }
0xb3: {  	_ =	task [dreg:s11], $0x5FFFF  }
0xb4: {  	[dreg:$0x1] =	wrdreg $0xFFFFFFFF  }
0xb5: {  	[dreg:$0x0] =	wrdreg $0x60  }
0xb6: {  	[dreg:$0x2] =	wrdreg s24  }
0xb7: {  	[dreg:$0x3] =	wrdreg s17  }
0xb8: {  	[dreg:$0x4] =	wrdreg s15  }
0xb9: {  	[dreg:$0x5] =	wrdreg s4  }
0xba: {  	[dreg:$0x6] =	wrdreg s5  }
0xbb: {  	[dreg:$0x7] =	wrdreg s16  }
0xbc: {  	[dreg:$0x8] =	wrdreg $0x9  }
0xbd: {  	_ =	task.clear_ibuf [dreg:s11], $0x9FFFF;
	_ =	strace $0x90000046  }
0xbe: {  	s29 =	simm.s32 $0x9;
	_ =	strace $0x80000048  }
0xbf: {  	_ =	swait.ge [sflag:s29], $0x1  }
0xc0: {  	[sflag:s29] =	ssyncadd.s32 $0xFFFFFFFF  }
0xc1: {  	_ =	strace $0x90000048  }
0xc2: {  	_ =	sfence  }
0xc3: {  	s30 =	sld [smem:$0x0];
	_ =	sdelay $0x2  }
0xc4: {  	s31 =	sshll.u32 s1, $0xD;
	s1 =	sshrl.u32 s1, $0x2  }
0xc5: {  	s3 =	sand.u32 $0x4000, s31;
	s1 =	sadd.s32 s1, s30  }
0xc6: {  	s0 =	sor.u32 s3, s0;
	s1 =	sshll.u32 s1, $0x11  }
0xc7: {  	s0 =	sor.u32 s1, s0  }
0xc8: {  	s0 =	sadd.s32 $0x8F2B, s0  }
0xc9: {  	[sflag:s0] =	ssyncadd.remote.s32 $0x1  }
0xca: {  	_ =	sfence.sel $0xFFFF  }
0xcb: {  	[dreg:$0x0] =	wrdreg $0xFFFFFFFF;
	(pc) =	sbr.abs _section_cstart, $3  }
0xcc: {  	[dreg:$0x1] =	wrdreg $0xFFFFFFFF  }
0xcd: {  	_ =	task.clear_ibuf [dreg:s11], $0x2FFFF;
	_ =	strace $0x9FFFFFFF  }
0xce: {  	(tm) =	ssettm $0x7FFFFFFF  }
0xcf: {  	_ =	shalt  }
tec
execute0_lowered:
.L_overlay_start_1:
0x0: {  	(tag) =	ssettag $0x1  }
0x1: {  	s0 =	rddreg [dreg:$0x0]  }
0x2: {  	s1 =	rddreg [dreg:$0x1]  }
0x3: {  	s2 =	rddreg [dreg:$0x2]  }
0x4: {  	s3 =	rddreg [dreg:$0x3]  }
0x5: {  	s4 =	rddreg [dreg:$0x4]  }
0x6: {  	s5 =	rddreg [dreg:$0x5];
	s6 =	simm.s32 $0x0  }
0x7: {  	s7 =	srdreg.scid;
	s16 =	stileid.u32;
	s21 =	simm.s32 $0x5600  }
0x8: {  	s22 =	simm.s32 $0x5680;
	s28 =	simm.s32 $0x2D80;
	s29 =	simm.s32 $0x2E00  }
0x9: {  	s30 =	simm.s32 $0x2;
	s31 =	simm.s32 $0x1;
	[smem:$0x7FF] =	sst s6  }
0xa: {  	s9 =	sand.u32 $0x1, s7;
	s8 =	sshll.u32 s16, $0x1;
	s13 =	smul.u32 $0x4E20, s16  }
0xb: {  	s7 =	sadd.s32 $0x5600, s0;
	s25 =	smul.u32 $0x4E200, s16;
	_ =	strace $0x80000047  }
0xc: {  	s10 =	sor.u32 s9, s8;
	s8 =	sadd.s32 $0x600, s0;
	s15 =	smul.u32 $0x2710, s9  }
0xd: {  	s11 =	ssub.s32 $0x2, s9;
	s9 =	smul.u32 $0x27100, s9;
	[dreg:$0xb] =	wrdreg s21  }
0xe: {  	s0 =	sadd.s32 $0xA600, s0;
	[dreg:$0xc] =	wrdreg s22;
	s10 =	smul.u32 $0x2710, s10  }
0xf: {  	s21 =	simm.s32 $0x2980;
	s22 =	simm.s32 $0x2A00;
	s12 =	sshrl.u32 s11, $0x1  }
0x10: {  	s11 =	ssub.s32 s11, s12;
	s13 =	sadd.s32 s15, s13;
	s14 =	sshrl.u32 s10, $0x3  }
0x11: {  	s10 =	sadd.s32 $0x26C0, s10;
	s26 =	sadd.s32 $0x50, s13;
	s15 =	smax.u32 s11, $0x1  }
0x12: {  	s17 =	sadd.s32 $0xA0, s13;
	s20 =	sshrl.u32 s13, $0x3;
	[dreg:$0x15] =	wrdreg s15  }
0x13: {  	s23 =	sadd.s32 s3, s14;
	s24 =	sshll.u32 s10, $0x4;
	[dreg:$0x16] =	wrdreg s17  }
0x14: {  	s14 =	sadd.s32 s4, s14;
	s10 =	sshrl.u32 s10, $0x3;
	[dreg:$0x11] =	wrdreg s23  }
0x15: {  	s16 =	sshrl.u32 s26, $0x3;
	s26 =	simm.s32 $0x5880;
	[dreg:$0x12] =	wrdreg s14  }
0x16: {  	s17 =	simm.s32 $0x80;
	s12 =	sadd.s32 s0, s24;
	[dreg:$0x10] =	wrdreg s26  }
0x17: {  	s10 =	sadd.s32 s5, s10;
	s0 =	sadd.s32 s25, s0;
	[dreg:$0x13] =	wrdreg s12  }
0x18: {  	s18 =	sadd.s32 s16, s5;
	s19 =	sadd.s32 s16, s4;
	[dreg:$0x14] =	wrdreg s10  }
0x19: {  	s5 =	sadd.s32 s20, s5;
	s20 =	simm.s32 $0x2900;
	[dreg:$0x7] =	wrdreg s18  }
0x1a: {  	s23 =	simm.s32 $0x5700;
	s24 =	simm.s32 $0x5780;
	[dreg:$0x8] =	wrdreg s19  }
0x1b: {  	s25 =	simm.s32 $0x5800;
	s26 =	simm.s32 $0x2D00;
	[dreg:$0xa] =	wrdreg s5  }
0x1c: {  	s10 =	sadd.s32 s16, s3;
	s0 =	sadd.s32 s9, s0;
	[dreg:$0xd] =	wrdreg s23  }
0x1d: {  	s16 =	simm.s32 $0x5;
	s18 =	simm.s32 $0x50;
	[dreg:$0xe] =	wrdreg s24  }
0x1e: {  	s19 =	simm.s32 $0x100;
	s23 =	simm.s32 $0x2A80;
	[dreg:$0xf] =	wrdreg s25  }
0x1f: {  	s24 =	simm.s32 $0x2B00;
	s25 =	simm.s32 $0x2B80;
	s5 =	simm.s32 $0x4  }
0x20: {  	s9 =	simm.s32 $0x3;
	[dreg:$0x9] =	wrdreg s10;
	s0 =	sadd.s32 $0x500, s0  }
0x21: {  	s10 =	simm.s32 $0x0;
	[dreg:$0x17] =	wrdreg s0;
	s0 =	simm.s32 $0x5A00  }
.LBB2_1:
0x22: {  	s11 =	rddreg [dreg:$0x11]  }
0x23: {  	[tilespmem:s6], [sflag:$0x5] =	stream.linear.gather [hbm4b:s11+s6], $0x50, $0x38;
	[tilespmem:$0x5A80] =	vst v63  }
0x24: {  	_ =	swait.ge [sflag:s16], $0x50  }
0x25: {  	[sflag:s16] =	ssyncset.done $0x0  }
0x26: {  	s15 =	rddreg [dreg:$0x12];
	[sflag:s16] =	ssyncadd.s32 $0xFFFFFFB0  }
0x27: {  	[tilespmem:s17], [sflag:$0x5] =	stream.linear.gather [hbm4b:s15+s6], $0x50, $0x38;
	[tilespmem:$0x5A80] =	vst v63  }
0x28: {  	_ =	swait.ge [sflag:s16], $0x50  }
0x29: {  	[sflag:s16] =	ssyncset.done $0x0  }
0x2a: {  	[sflag:s16] =	ssyncadd.s32 $0xFFFFFFB0  }
0x2b: {  	[tilespmem:s19], [sflag:$0x1] =	stream.indirect.gather [hbm4b:s2+s18], $0x80, s6, s18, $0xb8;
	[tilespmem:$0x5A80] =	vst v63  }
0x2c: {  	_ = 	snop  }
0x2d: {  	[tilespmem:s20], [sflag:$0x2] =	stream.indirect.gather [hbm4b:s7+s18], $0x1, s6, s18, $0xb8;
	[tilespmem:$0x5A80] =	vst v63  }
0x2e: {  	_ = 	snop  }
0x2f: {  	[tilespmem:s21], [sflag:$0x2] =	stream.indirect.gather [hbm4b:s8+s18], $0x1, s6, s18, $0xb8;
	[tilespmem:$0x5A80] =	vst v63  }
0x30: {  	_ = 	snop  }
0x31: {  	[tilespmem:s22], [sflag:$0x2] =	stream.indirect.gather [hbm4b:s1+s18], $0x1, s6, s18, $0xb8;
	[tilespmem:$0x5A80] =	vst v63  }
0x32: {  	_ = 	snop  }
0x33: {  	[tilespmem:s23], [sflag:$0x2] =	stream.indirect.gather [hbm4b:s7+s18], $0x1, s17, s18, $0xb8;
	[tilespmem:$0x5A80] =	vst v63  }
0x34: {  	s15 =	rddreg [dreg:$0x17]  }
0x35: {  	[tilespmem:s24], [sflag:$0x2] =	stream.indirect.gather [hbm4b:s8+s18], $0x1, s17, s18, $0xb8;
	[tilespmem:$0x5A80] =	vst v63  }
0x36: {  	s13 =	simm.s32 $0x0;
	s14 =	rddreg [dreg:$0x16]  }
0x37: {  	[tilespmem:s25], [sflag:$0x2] =	stream.indirect.gather [hbm4b:s1+s18], $0x1, s17, s18, $0xb8;
	[tilespmem:$0x5A80] =	vst v63  }
.LBB2_2:
0x38: {  	s12 =	rddreg [dreg:$0x9]  }
0x39: {  	s12 =	sadd.s32 s13, s12  }
0x3a: {  	[tilespmem:s26], [sflag:$0x5] =	stream.linear.gather [hbm4b:s12+s6], $0x50, $0x38;
	[tilespmem:$0x5A80] =	vst v63  }
0x3b: {  	_ =	swait.ge [sflag:s16], $0x50  }
0x3c: {  	s11 =	rddreg [dreg:$0x8];
	[sflag:s16] =	ssyncset.done $0x0  }
0x3d: {  	[sflag:s16] =	ssyncadd.s32 $0xFFFFFFB0;
	s12 =	sadd.s32 s13, s11  }
0x3e: {  	[tilespmem:s28], [sflag:$0x5] =	stream.linear.gather [hbm4b:s12+s6], $0x50, $0x38;
	[tilespmem:$0x5A80] =	vst v63  }
0x3f: {  	_ =	swait.ge [sflag:s16], $0x50  }
0x40: {  	[sflag:s16] =	ssyncset.done $0x0  }
0x41: {  	[sflag:s16] =	ssyncadd.s32 $0xFFFFFFB0  }
0x42: {  	[tilespmem:s29], [sflag:$0x3] =	stream.indirect.gather [hbm4b:s2+s18], $0x80, s26, s18, $0xb8;
	[tilespmem:$0x5A80] =	vst v63  }
0x43: {  	s12 =	rddreg [dreg:$0xb]  }
0x44: {  	[tilespmem:s12], [sflag:$0x4] =	stream.indirect.gather [hbm4b:s7+s18], $0x1, s26, s18, $0xb8;
	[tilespmem:$0x5A80] =	vst v63  }
0x45: {  	s11 =	rddreg [dreg:$0xc]  }
0x46: {  	[tilespmem:s11], [sflag:$0x4] =	stream.indirect.gather [hbm4b:s8+s18], $0x1, s26, s18, $0xb8;
	[tilespmem:$0x5A80] =	vst v63  }
0x47: {  	s12 =	rddreg [dreg:$0xd]  }
0x48: {  	[tilespmem:s12], [sflag:$0x4] =	stream.indirect.gather [hbm4b:s1+s18], $0x1, s26, s18, $0xb8;
	[tilespmem:$0x5A80] =	vst v63  }
0x49: {  	s11 =	rddreg [dreg:$0xe]  }
0x4a: {  	[tilespmem:s11], [sflag:$0x4] =	stream.indirect.gather [hbm4b:s7+s18], $0x1, s28, s18, $0xb8;
	[tilespmem:$0x5A80] =	vst v63  }
0x4b: {  	s12 =	rddreg [dreg:$0xf]  }
0x4c: {  	[tilespmem:s12], [sflag:$0x4] =	stream.indirect.gather [hbm4b:s8+s18], $0x1, s28, s18, $0xb8;
	[tilespmem:$0x5A80] =	vst v63  }
0x4d: {  	s11 =	rddreg [dreg:$0x10]  }
0x4e: {  	[tilespmem:s11], [sflag:$0x4] =	stream.indirect.gather [hbm4b:s1+s18], $0x1, s28, s18, $0xb8;
	[tilespmem:$0x5A80] =	vst v63  }
0x4f: {  	_ =	swait.ge [sflag:s30], $0x50  }
0x50: {  	[sflag:s30] =	ssyncset.done $0x0  }
0x51: {  	[sflag:s30] =	ssyncadd.s32 $0xFFFFFFB0  }
0x52: {  	_ =	swait.ge [sflag:s30], $0x50  }
0x53: {  	[sflag:s30] =	ssyncset.done $0x0  }
0x54: {  	[sflag:s30] =	ssyncadd.s32 $0xFFFFFFB0  }
0x55: {  	_ =	swait.ge [sflag:s30], $0x50  }
0x56: {  	[sflag:s30] =	ssyncset.done $0x0  }
0x57: {  	[sflag:s30] =	ssyncadd.s32 $0xFFFFFFB0  }
0x58: {  	_ =	swait.ge [sflag:s30], $0x50  }
0x59: {  	[sflag:s30] =	ssyncset.done $0x0  }
0x5a: {  	[sflag:s30] =	ssyncadd.s32 $0xFFFFFFB0  }
0x5b: {  	_ =	swait.ge [sflag:s30], $0x50  }
0x5c: {  	[sflag:s30] =	ssyncset.done $0x0  }
0x5d: {  	[sflag:s30] =	ssyncadd.s32 $0xFFFFFFB0  }
0x5e: {  	_ =	swait.ge [sflag:s30], $0x50  }
0x5f: {  	[sflag:s30] =	ssyncset.done $0x0  }
0x60: {  	[sflag:s30] =	ssyncadd.s32 $0xFFFFFFB0  }
0x61: {  	v1 =	vld [tilespmem:$0x2900]  }
0x62: {  	v2 =	vld [tilespmem:$0x2980]  }
0x63: {  	v3 =	vld [tilespmem:$0x2A80]  }
0x64: {  	v4 =	vld [tilespmem:$0x2B00]  }
0x65: {  	v5 =	vld [tilespmem:$0x2A00]  }
0x66: {  	v6 =	vld [tilespmem:$0x2B80]  }
0x67: {  	v43 =	vld [tilespmem:$0x2910]  }
0x68: {  	v45 =	vld [tilespmem:$0x2990]  }
0x69: {  	v46 =	vld [tilespmem:$0x2A90]  }
0x6a: {  	v47 =	vld [tilespmem:$0x2B10]  }
0x6b: {  	v48 =	vld [tilespmem:$0x2A10]  }
0x6c: {  	v49 =	vld [tilespmem:$0x2B90]  }
0x6d: {  	v14 =	vld [tilespmem:$0x2920]  }
0x6e: {  	v52 =	vld [tilespmem:$0x29A0];
	v0 =	vmul.f32 v3, v1;
	v7 =	vmul.f32 v4, v2  }
0x6f: {  	v54 =	vld [tilespmem:$0x2A20];
	v38 =	vmul.f32 v6, v5;
	v8 =	vmul.f32 v6, v2  }
0x70: {  	v56 =	vld [tilespmem:$0x2AA0];
	v9 =	vmul.f32 v4, v5;
	v5 =	vmul.f32 v3, v5  }
0x71: {  	v60 =	vld [tilespmem:$0x2B20];
	v6 =	vmul.f32 v6, v1;
	v1 =	vmul.f32 v4, v1  }
0x72: {  	v61 =	vld [tilespmem:$0x2BA0];
	v2 =	vmul.f32 v3, v2;
	v50 =	vmul.f32 v46, v43  }
0x73: {  	v63 =	vld [tilespmem:$0x2930];
	v10 =	vmul.f32 v47, v45;
	v51 =	vmul.f32 v49, v48;
	v0 =	vadd.f32 v7, v0  }
0x74: {  	v28 =	vld [tilespmem:$0x29B0];
	v12 =	vmul.f32 v49, v45;
	v13 =	vmul.f32 v47, v48  }
0x75: {  	v18 =	vld [tilespmem:$0x2AB0];
	v4 =	vmul.f32 v46, v45;
	v39 =	vsub.f32 v8, v9;
	v0 =	vadd.f32 v38, v0  }
0x76: {  	v19 =	vld [tilespmem:$0x2B30];
	v16 =	vmul.f32 v56, v14;
	v17 =	vmul.f32 v60, v52  }
0x77: {  	v30 =	vld [tilespmem:$0x2A30];
	v40 =	vsub.f32 v5, v6;
	v42 =	vmul.f32 v39, v39;
	v41 =	vmul.f32 v0, v0  }
0x78: {  	v32 =	vmul.f32 v61, v54;
	v21 =	vmul.f32 v61, v52  }
0x79: {  	v1 =	vsub.f32 v1, v2;
	v3 =	vmul.f32 v40, v40;
	v44 =	vadd.f32 v42, v41  }
0x7a: {  	v33 =	vld [tilespmem:$0x2BB0];
	v22 =	vmul.f32 v60, v54;
	v36 =	vmul.f32 v18, v63  }
0x7b: {  	v24 =	vld [tilespmem:$0x2A40];
	v37 =	vmul.f32 v19, v28;
	v1 =	vmul.f32 v1, v1;
	v2 =	vadd.f32 v44, v3  }
0x7c: {  	v25 =	vld [tilespmem:$0x2BC0];
	v26 =	vmul.f32 v19, v30;
	v9 =	vadd.f32 v10, v50;
	v53 =	vsub.f32 v12, v13  }
0x7d: {  	v35 =	vld [tilespmem:$0x2AC0];
	v7 =	vmul.f32 v46, v48;
	v8 =	vmul.f32 v49, v43;
	v1 =	vadd.f32 v2, v1  }
0x7e: {  	v31 =	vadd.f32 v17, v16;
	v12 =	vmul.f32 v56, v54;
	v13 =	vmul.f32 v61, v14  }
0x7f: {  	v10 =	vmul.f32 v60, v14;
	v2 =	vmul.f32 $5.000000000e-01, v1;
	v1 =	vshra.s32 v1, $0x1  }
0x80: {  	v5 =	vmul.f32 v56, v52;
	v17 =	vmul.f32 v33, v63;
	v11 =	vsub.s32 $0x5F3759DF, v1  }
0x81: {  	v21 =	vsub.f32 v21, v22;
	v46 =	vmul.f32 v25, v24;
	v1 =	vmul.f32 v11, v2  }
0x82: {  	v50 =	vmul.f32 v35, v24;
	v57 =	vsub.f32 v7, v8;
	v59 =	vmul.f32 v53, v53  }
0x83: {  	v21 =	vmul.f32 v21, v21;
	v15 =	vmul.f32 v11, v1;
	v1 =	vadd.f32 v51, v9  }
0x84: {  	v12 =	vsub.f32 v12, v13;
	v40 =	vmul.f32 v33, v30;
	v7 =	vmul.f32 v19, v63  }
0x85: {  	v23 =	vld [tilespmem:$0x2940];
	v5 =	vsub.f32 v10, v5;
	v3 =	vmul.f32 v47, v43;
	v58 =	vmul.f32 v1, v1  }
0x86: {  	v38 =	vld [tilespmem:$0x2B40];
	v13 =	vadd.f32 v37, v36;
	v8 =	vmul.f32 v18, v28;
	v6 =	vmul.f32 v57, v57  }
0x87: {  	v34 =	vld [tilespmem:$0x29C0];
	v12 =	vmul.f32 v12, v12;
	v3 =	vsub.f32 v3, v4;
	v62 =	vadd.f32 v59, v58  }
0x88: {  	v5 =	vmul.f32 v5, v5;
	v13 =	vadd.f32 v40, v13;
	v7 =	vsub.f32 v7, v8  }
0x89: {  	v41 =	vmul.f32 v33, v28;
	v3 =	vmul.f32 v3, v3;
	v4 =	vadd.f32 v62, v6  }
0x8a: {  	v49 =	vmul.f32 v13, v13;
	v7 =	vmul.f32 v7, v7  }
0x8b: {  	v48 =	vmul.f32 v38, v24;
	v4 =	vadd.f32 v4, v3;
	v3 =	vadd.f32 v32, v31  }
0x8c: {  	v43 =	vmul.f32 v35, v23;
	v44 =	vmul.f32 v38, v34  }
0x8d: {  	v52 =	vmul.f32 v38, v23;
	v42 =	vsub.f32 v41, v26;
	v39 =	vmul.f32 v3, v3  }
0x8e: {  	v47 =	vmul.f32 v25, v34;
	v45 =	vadd.f32 v44, v43;
	v55 =	vsub.f32 $1.500000000e+00, v15  }
0x8f: {  	v14 =	vmul.f32 v42, v42;
	v51 =	vmul.f32 v25, v23;
	v10 =	vadd.f32 v21, v39  }
0x90: {  	v11 =	vmul.f32 v11, v55;
	v6 =	vmul.f32 v18, v30;
	v18 =	vadd.f32 v46, v45  }
0x91: {  	v9 =	vmul.f32 v35, v34;
	v10 =	vadd.f32 v10, v12;
	v12 =	vsub.f32 v47, v48  }
0x92: {  	v53 =	vsub.f32 v50, v51;
	v29 =	vmul.f32 v11, v2;
	v6 =	vsub.f32 v6, v17  }
0x93: {  	v9 =	vsub.f32 v52, v9;
	v54 =	vmul.f32 v18, v18;
	v12 =	vmul.f32 v12, v12  }
0x94: {  	v55 =	vadd.f32 v14, v49;
	v56 =	vmul.f32 v53, v53;
	v6 =	vmul.f32 v6, v6  }
0x95: {  	v9 =	vmul.f32 v9, v9;
	v15 =	vmul.f32 v29, v11;
	v12 =	vadd.f32 v12, v54  }
0x96: {  	v20 =	vshra.s32 v4, $0x1;
	v6 =	vadd.f32 v55, v6;
	v5 =	vadd.f32 v10, v5  }
0x97: {  	v4 =	vmul.f32 $5.000000000e-01, v4;
	v20 =	vsub.s32 $0x5F3759DF, v20;
	v57 =	vadd.f32 v12, v56  }
0x98: {  	v6 =	vadd.f32 v6, v7;
	v10 =	vshra.s32 v5, $0x1;
	v5 =	vmul.f32 $5.000000000e-01, v5  }
0x99: {  	v58 =	vmul.f32 v20, v4;
	v10 =	vsub.s32 $0x5F3759DF, v10;
	v8 =	vadd.f32 v57, v9  }
0x9a: {  	v60 =	vshra.s32 v6, $0x1;
	v6 =	vmul.f32 $5.000000000e-01, v6;
	v59 =	vmul.f32 v10, v5  }
0x9b: {  	v12 =	vsub.s32 $0x5F3759DF, v60;
	v61 =	vshra.s32 v8, $0x1;
	v8 =	vmul.f32 $5.000000000e-01, v8  }
0x9c: {  	v7 =	vmul.f32 v20, v58;
	v62 =	vmul.f32 v12, v6;
	v14 =	vsub.s32 $0x5F3759DF, v61  }
0x9d: {  	v9 =	vmul.f32 v10, v59;
	v63 =	vmul.f32 v14, v8  }
0x9e: {  	v7 =	vsub.f32 $1.500000000e+00, v7;
	v16 =	vmul.f32 v12, v62  }
0x9f: {  	v15 =	vsub.f32 $1.500000000e+00, v15;
	v9 =	vsub.f32 $1.500000000e+00, v9;
	v17 =	vmul.f32 v14, v63  }
0xa0: {  	v7 =	vmul.f32 v20, v7;
	v16 =	vsub.f32 $1.500000000e+00, v16  }
0xa1: {  	v11 =	vmul.f32 v15, v11;
	v9 =	vmul.f32 v10, v9;
	v20 =	vsub.f32 $1.500000000e+00, v17  }
0xa2: {  	v21 =	vmul.f32 v7, v4;
	v12 =	vmul.f32 v12, v16  }
0xa3: {  	v22 =	vmul.f32 v9, v5;
	v10 =	vmul.f32 v14, v20  }
0xa4: {  	v23 =	vmul.f32 v21, v7;
	v24 =	vmul.f32 v12, v6  }
0xa5: {  	v16 =	vmul.f32 v22, v9;
	v25 =	vmul.f32 v10, v8  }
0xa6: {  	v15 =	vmul.f32 v24, v12;
	v14 =	vsub.f32 $1.500000000e+00, v23  }
0xa7: {  	v2 =	vmul.f32 v11, v2;
	v16 =	vsub.f32 $1.500000000e+00, v16;
	v17 =	vmul.f32 v25, v10  }
0xa8: {  	v26 =	vsub.f32 $1.500000000e+00, v15;
	v7 =	vmul.f32 v14, v7  }
0xa9: {  	v2 =	vmul.f32 v2, v11;
	v9 =	vmul.f32 v16, v9;
	v27 =	vsub.f32 $1.500000000e+00, v17  }
0xaa: {  	v12 =	vmul.f32 v26, v12;
	v4 =	vmul.f32 v7, v4  }
0xab: {  	v5 =	vmul.f32 v9, v5;
	v10 =	vmul.f32 v27, v10  }
0xac: {  	v6 =	vmul.f32 v12, v6;
	v4 =	vmul.f32 v4, v7  }
0xad: {  	v2 =	vsub.f32 $1.500000000e+00, v2;
	v5 =	vmul.f32 v5, v9;
	v8 =	vmul.f32 v10, v8  }
0xae: {  	v6 =	vmul.f32 v6, v12;
	v4 =	vsub.f32 $1.500000000e+00, v4  }
0xaf: {  	v2 =	vmul.f32 v2, v11;
	v5 =	vsub.f32 $1.500000000e+00, v5;
	v8 =	vmul.f32 v8, v10  }
0xb0: {  	v6 =	vsub.f32 $1.500000000e+00, v6;
	v4 =	vmul.f32 v4, v7  }
0xb1: {  	v0 =	vmul.f32 v2, v0;
	v28 =	vmul.f32 v5, v9;
	v29 =	vsub.f32 $1.500000000e+00, v8  }
0xb2: {  	v30 =	vmul.f32 v6, v12;
	v1 =	vmul.f32 v4, v1  }
0xb3: {  	[tilespmem:$0x5A00] =	vst v0;
	v31 =	vmul.f32 v28, v3;
	v32 =	vmul.f32 v29, v10  }
0xb4: {  	v33 =	vmul.f32 v30, v13;
	[tilespmem:$0x5A10] =	vst v1  }
0xb5: {  	[tilespmem:$0x5A20] =	vst v31;
	v34 =	vmul.f32 v32, v18  }
0xb6: {  	[tilespmem:$0x5A30] =	vst v33  }
0xb7: {  	[tilespmem:$0x5A40] =	vst v34  }
0xb8: {  	_ =	swait.ge [sflag:s31], $0x2800  }
0xb9: {  	[sflag:s31] =	ssyncset.done $0x0  }
0xba: {  	s12 =	sadd.s32 $0xFFFFFB00, s15;
	[sflag:s31] =	ssyncadd.s32 $0xFFFFD800  }
0xbb: {  	[hbm4b:s12+s6] =	stream.linear.scatter [tilespmem:s19], [sflag:$0x5], $0x2800, $0x38;
	[tilespmem:$0x5A80] =	vst v63  }
0xbc: {  	_ =	swait.ge [sflag:s16], $0x2800  }
0xbd: {  	s12 =	rddreg [dreg:$0xa];
	[sflag:s16] =	ssyncset.done $0x0  }
0xbe: {  	[sflag:s16] =	ssyncadd.s32 $0xFFFFD800;
	s11 =	sadd.s32 s13, s12  }
0xbf: {  	[hbm4b:s11+s6] =	stream.linear.scatter [tilespmem:s0], [sflag:$0x5], $0x50, $0x38;
	[tilespmem:$0x5A80] =	vst v63  }
0xc0: {  	_ =	swait.ge [sflag:s16], $0x50  }
0xc1: {  	s11 =	sshrl.u32 s14, $0x3;
	[sflag:s16] =	ssyncset.done $0x0  }
0xc2: {  	s12 =	sadd.s32 s3, s11;
	[sflag:s16] =	ssyncadd.s32 $0xFFFFFFB0  }
0xc3: {  	[tilespmem:s6], [sflag:$0x5] =	stream.linear.gather [hbm4b:s12+s6], $0x50, $0x38;
	[tilespmem:$0x5A80] =	vst v63  }
0xc4: {  	_ =	swait.ge [sflag:s16], $0x50  }
0xc5: {  	[sflag:s16] =	ssyncset.done $0x0  }
0xc6: {  	s11 =	sadd.s32 s4, s11;
	[sflag:s16] =	ssyncadd.s32 $0xFFFFFFB0  }
0xc7: {  	[tilespmem:s17], [sflag:$0x5] =	stream.linear.gather [hbm4b:s11+s6], $0x50, $0x38;
	[tilespmem:$0x5A80] =	vst v63  }
0xc8: {  	_ =	swait.ge [sflag:s16], $0x50  }
0xc9: {  	[sflag:s16] =	ssyncset.done $0x0  }
0xca: {  	[sflag:s16] =	ssyncadd.s32 $0xFFFFFFB0  }
0xcb: {  	[tilespmem:s19], [sflag:$0x1] =	stream.indirect.gather [hbm4b:s2+s18], $0x80, s6, s18, $0xb8;
	[tilespmem:$0x5A80] =	vst v63  }
0xcc: {  	_ = 	snop  }
0xcd: {  	[tilespmem:s20], [sflag:$0x2] =	stream.indirect.gather [hbm4b:s7+s18], $0x1, s6, s18, $0xb8;
	[tilespmem:$0x5A80] =	vst v63  }
0xce: {  	_ = 	snop  }
0xcf: {  	[tilespmem:s21], [sflag:$0x2] =	stream.indirect.gather [hbm4b:s8+s18], $0x1, s6, s18, $0xb8;
	[tilespmem:$0x5A80] =	vst v63  }
0xd0: {  	_ = 	snop  }
0xd1: {  	[tilespmem:s22], [sflag:$0x2] =	stream.indirect.gather [hbm4b:s1+s18], $0x1, s6, s18, $0xb8;
	[tilespmem:$0x5A80] =	vst v63  }
0xd2: {  	_ = 	snop  }
0xd3: {  	[tilespmem:s23], [sflag:$0x2] =	stream.indirect.gather [hbm4b:s7+s18], $0x1, s17, s18, $0xb8;
	[tilespmem:$0x5A80] =	vst v63  }
0xd4: {  	_ = 	snop  }
0xd5: {  	[tilespmem:s24], [sflag:$0x2] =	stream.indirect.gather [hbm4b:s8+s18], $0x1, s17, s18, $0xb8;
	[tilespmem:$0x5A80] =	vst v63  }
0xd6: {  	_ = 	snop  }
0xd7: {  	[tilespmem:s25], [sflag:$0x2] =	stream.indirect.gather [hbm4b:s1+s18], $0x1, s17, s18, $0xb8;
	[tilespmem:$0x5A80] =	vst v63  }
0xd8: {  	_ =	swait.ge [sflag:s5], $0x50  }
0xd9: {  	[sflag:s5] =	ssyncset.done $0x0  }
0xda: {  	[sflag:s5] =	ssyncadd.s32 $0xFFFFFFB0  }
0xdb: {  	_ =	swait.ge [sflag:s5], $0x50  }
0xdc: {  	[sflag:s5] =	ssyncset.done $0x0  }
0xdd: {  	[sflag:s5] =	ssyncadd.s32 $0xFFFFFFB0  }
0xde: {  	_ =	swait.ge [sflag:s5], $0x50  }
0xdf: {  	[sflag:s5] =	ssyncset.done $0x0  }
0xe0: {  	[sflag:s5] =	ssyncadd.s32 $0xFFFFFFB0  }
0xe1: {  	_ =	swait.ge [sflag:s5], $0x50  }
0xe2: {  	[sflag:s5] =	ssyncset.done $0x0  }
0xe3: {  	[sflag:s5] =	ssyncadd.s32 $0xFFFFFFB0  }
0xe4: {  	_ =	swait.ge [sflag:s5], $0x50  }
0xe5: {  	[sflag:s5] =	ssyncset.done $0x0  }
0xe6: {  	[sflag:s5] =	ssyncadd.s32 $0xFFFFFFB0  }
0xe7: {  	_ =	swait.ge [sflag:s5], $0x50  }
0xe8: {  	[sflag:s5] =	ssyncset.done $0x0  }
0xe9: {  	[sflag:s5] =	ssyncadd.s32 $0xFFFFFFB0  }
0xea: {  	v35 =	vld [tilespmem:$0x5600]  }
0xeb: {  	v36 =	vld [tilespmem:$0x5680]  }
0xec: {  	v37 =	vld [tilespmem:$0x5780]  }
0xed: {  	v38 =	vld [tilespmem:$0x5800]  }
0xee: {  	v39 =	vld [tilespmem:$0x5700]  }
0xef: {  	v40 =	vld [tilespmem:$0x5880]  }
0xf0: {  	v51 =	vld [tilespmem:$0x5610]  }
0xf1: {  	v52 =	vld [tilespmem:$0x5690]  }
0xf2: {  	v53 =	vld [tilespmem:$0x5790]  }
0xf3: {  	v54 =	vld [tilespmem:$0x5810]  }
0xf4: {  	v55 =	vld [tilespmem:$0x5710];
	v41 =	vmul.f32 v37, v35  }
0xf5: {  	v57 =	vld [tilespmem:$0x5890];
	v42 =	vmul.f32 v38, v36;
	v43 =	vmul.f32 v40, v39  }
0xf6: {  	v58 =	vld [tilespmem:$0x5620];
	v44 =	vmul.f32 v40, v36;
	v45 =	vmul.f32 v38, v39  }
0xf7: {  	v62 =	vld [tilespmem:$0x5720];
	v5 =	vmul.f32 v37, v39;
	v6 =	vmul.f32 v40, v35  }
0xf8: {  	v63 =	vld [tilespmem:$0x57A0];
	v1 =	vmul.f32 v38, v35;
	v2 =	vmul.f32 v37, v36  }
0xf9: {  	v32 =	vld [tilespmem:$0x58A0];
	v60 =	vmul.f32 v53, v51;
	v61 =	vmul.f32 v54, v52  }
0xfa: {  	v59 =	vld [tilespmem:$0x56A0];
	v28 =	vmul.f32 v57, v55;
	v30 =	vmul.f32 v57, v52  }
0xfb: {  	v29 =	vld [tilespmem:$0x5820];
	v31 =	vmul.f32 v54, v55;
	v8 =	vmul.f32 v53, v55;
	v0 =	vadd.f32 v42, v41  }
0xfc: {  	v9 =	vmul.f32 v57, v51;
	v4 =	vmul.f32 v54, v51  }
0xfd: {  	v40 =	vmul.f32 v63, v58;
	v46 =	vsub.f32 v44, v45;
	v0 =	vadd.f32 v43, v0  }
0xfe: {  	v14 =	vmul.f32 v63, v62;
	v19 =	vmul.f32 v32, v58  }
0xff: {  	v47 =	vsub.f32 v5, v6;
	v49 =	vmul.f32 v46, v46;
	v48 =	vmul.f32 v0, v0  }
0x100: {  	v34 =	vld [tilespmem:$0x56B0];
	v10 =	vmul.f32 v29, v58;
	v11 =	vmul.f32 v63, v59  }
0x101: {  	v35 =	vld [tilespmem:$0x5730];
	v1 =	vsub.f32 v1, v2;
	v3 =	vmul.f32 v47, v47;
	v50 =	vadd.f32 v49, v48  }
0x102: {  	v39 =	vld [tilespmem:$0x57B0];
	v12 =	vadd.f32 v61, v60;
	v33 =	vsub.f32 v30, v31;
	v5 =	vmul.f32 v53, v52  }
0x103: {  	v54 =	vld [tilespmem:$0x5840];
	v36 =	vsub.f32 v8, v9;
	v1 =	vmul.f32 v1, v1;
	v2 =	vadd.f32 v50, v3  }
0x104: {  	v41 =	vmul.f32 v29, v59;
	v42 =	vld [tilespmem:$0x5830];
	v45 =	vmul.f32 v32, v59;
	v10 =	vsub.f32 v10, v11  }
0x105: {  	v44 =	vld [tilespmem:$0x58B0];
	v38 =	vmul.f32 v33, v33;
	v7 =	vmul.f32 v36, v36;
	v1 =	vadd.f32 v2, v1  }
0x106: {  	v57 =	vld [tilespmem:$0x58C0];
	v4 =	vsub.f32 v4, v5;
	v43 =	vmul.f32 v32, v62;
	v46 =	vmul.f32 v29, v62  }
0x107: {  	v52 =	vld [tilespmem:$0x57C0];
	v10 =	vmul.f32 v10, v10;
	v2 =	vshra.s32 v1, $0x1;
	v1 =	vmul.f32 $5.000000000e-01, v1  }
0x108: {  	v47 =	vld [tilespmem:$0x5640];
	v6 =	vmul.f32 v39, v35;
	v13 =	vmul.f32 v39, v34;
	v2 =	vsub.s32 $0x5F3759DF, v2  }
0x109: {  	v5 =	vadd.f32 v41, v40;
	v59 =	vmul.f32 v42, v34;
	v48 =	vld [tilespmem:$0x56C0];
	v56 =	vmul.f32 v2, v1  }
0x10a: {  	v51 =	vsub.f32 v45, v46;
	v60 =	vmul.f32 v44, v35;
	v61 =	vmul.f32 v44, v34  }
0x10b: {  	v62 =	vmul.f32 v42, v35;
	v50 =	vld [tilespmem:$0x5740];
	v3 =	vmul.f32 v2, v56  }
0x10c: {  	v49 =	vmul.f32 v4, v4;
	v4 =	vadd.f32 v43, v5;
	v55 =	vmul.f32 v51, v51  }
0x10d: {  	v63 =	vmul.f32 v52, v47;
	v34 =	vmul.f32 v54, v47;
	v3 =	vsub.f32 $1.500000000e+00, v3  }
0x10e: {  	v53 =	vmul.f32 v4, v4;
	v31 =	vmul.f32 v57, v48  }
0x10f: {  	v16 =	vmul.f32 v52, v48;
	v3 =	vmul.f32 v2, v3;
	v2 =	vadd.f32 v28, v12;
	v12 =	vld [tilespmem:$0x5630]  }
0x110: {  	v14 =	vsub.f32 v14, v19;
	v30 =	vmul.f32 v57, v50;
	v32 =	vmul.f32 v54, v50  }
0x111: {  	v5 =	vmul.f32 v52, v50;
	v28 =	vmul.f32 v54, v48  }
0x112: {  	v19 =	vsub.f32 v61, v62;
	v56 =	vmul.f32 v14, v14;
	v14 =	vmul.f32 v57, v47  }
0x113: {  	v16 =	vsub.f32 v34, v16;
	v37 =	vmul.f32 v2, v2;
	v9 =	vadd.f32 v28, v63  }
0x114: {  	v33 =	vsub.f32 v31, v32;
	v5 =	vsub.f32 v5, v14;
	v58 =	vmul.f32 v39, v12  }
0x115: {  	v19 =	vmul.f32 v19, v19;
	v8 =	vadd.f32 v38, v37;
	v9 =	vadd.f32 v30, v9  }
0x116: {  	v15 =	vmul.f32 v33, v33;
	v5 =	vmul.f32 v5, v5;
	v11 =	vadd.f32 v59, v58  }
0x117: {  	v29 =	vmul.f32 v44, v12;
	v7 =	vadd.f32 v8, v7;
	v37 =	vmul.f32 v9, v9  }
0x118: {  	v12 =	vmul.f32 v42, v12;
	v8 =	vadd.f32 v55, v53;
	v11 =	vadd.f32 v60, v11  }
0x119: {  	v47 =	vmul.f32 v3, v1;
	v6 =	vsub.f32 v6, v29;
	v14 =	vadd.f32 v15, v37  }
0x11a: {  	v12 =	vsub.f32 v12, v13;
	v7 =	vadd.f32 v7, v49;
	v36 =	vmul.f32 v11, v11  }
0x11b: {  	v39 =	vmul.f32 v16, v16;
	v8 =	vadd.f32 v8, v56;
	v5 =	vadd.f32 v14, v5  }
0x11c: {  	v6 =	vmul.f32 v6, v6;
	v38 =	vmul.f32 v12, v12;
	v13 =	vadd.f32 v19, v36  }
0x11d: {  	v35 =	vshra.s32 v7, $0x1;
	v8 =	vadd.f32 v8, v10;
	v5 =	vadd.f32 v5, v39  }
0x11e: {  	v7 =	vmul.f32 $5.000000000e-01, v7;
	v18 =	vsub.s32 $0x5F3759DF, v35;
	v6 =	vadd.f32 v13, v6  }
0x11f: {  	v40 =	vshra.s32 v8, $0x1;
	v8 =	vmul.f32 $5.000000000e-01, v8;
	v44 =	vshra.s32 v5, $0x1  }
0x120: {  	v5 =	vmul.f32 $5.000000000e-01, v5;
	v13 =	vsub.s32 $0x5F3759DF, v40;
	v6 =	vadd.f32 v6, v38  }
0x121: {  	v41 =	vmul.f32 v18, v7;
	v15 =	vsub.s32 $0x5F3759DF, v44;
	v42 =	vmul.f32 v13, v8  }
0x122: {  	v46 =	vmul.f32 v15, v5;
	v43 =	vshra.s32 v6, $0x1;
	v6 =	vmul.f32 $5.000000000e-01, v6  }
0x123: {  	v10 =	vmul.f32 v18, v41;
	v12 =	vmul.f32 v13, v42;
	v14 =	vsub.s32 $0x5F3759DF, v43  }
0x124: {  	v17 =	vmul.f32 v15, v46;
	v45 =	vmul.f32 v14, v6  }
0x125: {  	v48 =	vmul.f32 v47, v3;
	v10 =	vsub.f32 $1.500000000e+00, v10  }
0x126: {  	v12 =	vsub.f32 $1.500000000e+00, v12;
	v49 =	vsub.f32 $1.500000000e+00, v17;
	v16 =	vmul.f32 v14, v45  }
0x127: {  	v10 =	vmul.f32 v18, v10;
	v18 =	vsub.f32 $1.500000000e+00, v48  }
0x128: {  	v12 =	vmul.f32 v13, v12;
	v13 =	vmul.f32 v15, v49;
	v16 =	vsub.f32 $1.500000000e+00, v16  }
0x129: {  	v50 =	vmul.f32 v10, v7;
	v3 =	vmul.f32 v18, v3  }
0x12a: {  	v54 =	vmul.f32 v13, v5;
	v14 =	vmul.f32 v14, v16  }
0x12b: {  	v52 =	vmul.f32 v50, v10;
	v51 =	vmul.f32 v12, v8  }
0x12c: {  	v19 =	vmul.f32 v54, v13;
	v53 =	vmul.f32 v14, v6  }
0x12d: {  	v15 =	vsub.f32 $1.500000000e+00, v52;
	v16 =	vmul.f32 v51, v12  }
0x12e: {  	v1 =	vmul.f32 v3, v1;
	v55 =	vsub.f32 $1.500000000e+00, v19;
	v17 =	vmul.f32 v53, v14  }
0x12f: {  	v10 =	vmul.f32 v15, v10;
	v16 =	vsub.f32 $1.500000000e+00, v16  }
0x130: {  	v1 =	vmul.f32 v1, v3;
	v13 =	vmul.f32 v55, v13;
	v17 =	vsub.f32 $1.500000000e+00, v17  }
0x131: {  	v7 =	vmul.f32 v10, v7;
	v12 =	vmul.f32 v16, v12  }
0x132: {  	v5 =	vmul.f32 v13, v5;
	v14 =	vmul.f32 v17, v14  }
0x133: {  	v7 =	vmul.f32 v7, v10;
	v8 =	vmul.f32 v12, v8  }
0x134: {  	v1 =	vsub.f32 $1.500000000e+00, v1;
	v5 =	vmul.f32 v5, v13;
	v6 =	vmul.f32 v14, v6  }
0x135: {  	v7 =	vsub.f32 $1.500000000e+00, v7;
	v8 =	vmul.f32 v8, v12  }
0x136: {  	v1 =	vmul.f32 v1, v3;
	v58 =	vsub.f32 $1.500000000e+00, v5;
	v6 =	vmul.f32 v6, v14  }
0x137: {  	v7 =	vmul.f32 v7, v10;
	v56 =	vsub.f32 $1.500000000e+00, v8  }
0x138: {  	v0 =	vmul.f32 v1, v0;
	v61 =	vmul.f32 v58, v13;
	v6 =	vsub.f32 $1.500000000e+00, v6  }
0x139: {  	v2 =	vmul.f32 v7, v2;
	v57 =	vmul.f32 v56, v12  }
0x13a: {  	[tilespmem:$0x5A00] =	vst v0;
	v63 =	vmul.f32 v61, v9;
	v59 =	vmul.f32 v6, v14  }
0x13b: {  	[tilespmem:$0x5A10] =	vst v2;
	v60 =	vmul.f32 v57, v4  }
0x13c: {  	[tilespmem:$0x5A40] =	vst v63;
	v62 =	vmul.f32 v59, v11  }
0x13d: {  	[tilespmem:$0x5A20] =	vst v60  }
0x13e: {  	[tilespmem:$0x5A30] =	vst v62  }
0x13f: {  	_ =	swait.ge [sflag:s9], $0x2800  }
0x140: {  	[sflag:s9] =	ssyncset.done $0x0  }
0x141: {  	[sflag:s9] =	ssyncadd.s32 $0xFFFFD800  }
0x142: {  	[hbm4b:s15+s6] =	stream.linear.scatter [tilespmem:s29], [sflag:$0x5], $0x2800, $0x38;
	[tilespmem:$0x5A80] =	vst v63  }
0x143: {  	_ =	swait.ge [sflag:s16], $0x2800  }
0x144: {  	p0 =	sne.s32 s13, $0x4C4;
	s12 =	rddreg [dreg:$0x7];
	[sflag:s16] =	ssyncset.done $0x0  }
.Ltmp0:
0x145: {  	[sflag:s16] =	ssyncadd.s32 $0xFFFFD800;
	s11 =	sadd.s32 s13, s12;
	(pc) =	sbr.rel @p0 .LBB2_2-.Ltmp0, $4  }
0x146: {  	[hbm4b:s11+s6] =	stream.linear.scatter [tilespmem:s0], [sflag:$0x5], $0x50, $0x38;
	[tilespmem:$0x5A80] =	vst v63  }
0x147: {  	_ =	swait.ge [sflag:s16], $0x50  }
0x148: {  	s14 =	sadd.s32 $0xA0, s14;
	[sflag:s16] =	ssyncset.done $0x0  }
0x149: {  	s15 =	sadd.s32 $0xA00, s15;
	s13 =	sadd.s32 $0x14, s13;
	[sflag:s16] =	ssyncadd.s32 $0xFFFFFFB0  }
0x14a: {  	_ =	swait.ge [sflag:s30], $0x50  }
0x14b: {  	[sflag:s30] =	ssyncset.done $0x0  }
0x14c: {  	[sflag:s30] =	ssyncadd.s32 $0xFFFFFFB0  }
0x14d: {  	_ =	swait.ge [sflag:s30], $0x50  }
0x14e: {  	[sflag:s30] =	ssyncset.done $0x0  }
0x14f: {  	[sflag:s30] =	ssyncadd.s32 $0xFFFFFFB0  }
0x150: {  	_ =	swait.ge [sflag:s30], $0x50  }
0x151: {  	[sflag:s30] =	ssyncset.done $0x0  }
0x152: {  	[sflag:s30] =	ssyncadd.s32 $0xFFFFFFB0  }
0x153: {  	_ =	swait.ge [sflag:s30], $0x50  }
0x154: {  	[sflag:s30] =	ssyncset.done $0x0  }
0x155: {  	[sflag:s30] =	ssyncadd.s32 $0xFFFFFFB0  }
0x156: {  	_ =	swait.ge [sflag:s30], $0x50  }
0x157: {  	[sflag:s30] =	ssyncset.done $0x0  }
0x158: {  	[sflag:s30] =	ssyncadd.s32 $0xFFFFFFB0  }
0x159: {  	_ =	swait.ge [sflag:s30], $0x50  }
0x15a: {  	[sflag:s30] =	ssyncset.done $0x0  }
0x15b: {  	[sflag:s30] =	ssyncadd.s32 $0xFFFFFFB0  }
0x15c: {  	v1 =	vld [tilespmem:$0x2900]  }
0x15d: {  	v2 =	vld [tilespmem:$0x2980]  }
0x15e: {  	v3 =	vld [tilespmem:$0x2A80]  }
0x15f: {  	v4 =	vld [tilespmem:$0x2B00]  }
0x160: {  	v5 =	vld [tilespmem:$0x2A00]  }
0x161: {  	v6 =	vld [tilespmem:$0x2B80]  }
0x162: {  	v31 =	vld [tilespmem:$0x2910]  }
0x163: {  	v32 =	vld [tilespmem:$0x2990]  }
0x164: {  	v33 =	vld [tilespmem:$0x2A90]  }
0x165: {  	v34 =	vld [tilespmem:$0x2B10]  }
0x166: {  	v35 =	vld [tilespmem:$0x2A10]  }
0x167: {  	v37 =	vld [tilespmem:$0x2B90]  }
0x168: {  	v10 =	vld [tilespmem:$0x2920]  }
0x169: {  	v11 =	vld [tilespmem:$0x29A0]  }
0x16a: {  	v14 =	vld [tilespmem:$0x2A20]  }
0x16b: {  	v15 =	vld [tilespmem:$0x2AA0]  }
0x16c: {  	v16 =	vld [tilespmem:$0x2B20]  }
0x16d: {  	v19 =	vld [tilespmem:$0x2BA0];
	v0 =	vmul.f32 v3, v1  }
0x16e: {  	v39 =	vld [tilespmem:$0x2930];
	v7 =	vmul.f32 v4, v2;
	v25 =	vmul.f32 v6, v5  }
0x16f: {  	v41 =	vld [tilespmem:$0x29B0];
	v8 =	vmul.f32 v6, v2;
	v9 =	vmul.f32 v4, v5  }
0x170: {  	v42 =	vld [tilespmem:$0x2A30];
	v5 =	vmul.f32 v3, v5;
	v6 =	vmul.f32 v6, v1  }
0x171: {  	v46 =	vld [tilespmem:$0x2AB0];
	v1 =	vmul.f32 v4, v1;
	v2 =	vmul.f32 v3, v2  }
0x172: {  	v20 =	vld [tilespmem:$0x2B30];
	v12 =	vmul.f32 v33, v31;
	v13 =	vmul.f32 v34, v32  }
0x173: {  	v21 =	vld [tilespmem:$0x2BB0];
	v38 =	vmul.f32 v37, v35;
	v17 =	vmul.f32 v37, v32  }
0x174: {  	v23 =	vld [tilespmem:$0x2940];
	v18 =	vmul.f32 v34, v35;
	v4 =	vmul.f32 v34, v31  }
0x175: {  	v24 =	vld [tilespmem:$0x29C0];
	v47 =	vmul.f32 v15, v10;
	v48 =	vmul.f32 v16, v11  }
0x176: {  	v54 =	vld [tilespmem:$0x2AC0];
	v49 =	vmul.f32 v19, v14;
	v50 =	vmul.f32 v19, v11  }
0x177: {  	v56 =	vld [tilespmem:$0x2B40];
	v22 =	vmul.f32 v16, v14;
	v14 =	vmul.f32 v15, v14  }
0x178: {  	v19 =	vmul.f32 v19, v10;
	v10 =	vmul.f32 v16, v10  }
0x179: {  	v11 =	vmul.f32 v15, v11;
	v60 =	vmul.f32 v46, v39;
	v0 =	vadd.f32 v7, v0  }
0x17a: {  	v61 =	vmul.f32 v20, v41;
	v62 =	vmul.f32 v21, v42  }
0x17b: {  	v63 =	vmul.f32 v21, v41;
	v26 =	vsub.f32 v8, v9;
	v0 =	vadd.f32 v25, v0  }
0x17c: {  	v52 =	vld [tilespmem:$0x2A40];
	v34 =	vmul.f32 v56, v23;
	v16 =	vmul.f32 v54, v24;
	v27 =	vsub.f32 v5, v6  }
0x17d: {  	v59 =	vld [tilespmem:$0x2BC0];
	v1 =	vsub.f32 v1, v2;
	v29 =	vmul.f32 v26, v26;
	v28 =	vmul.f32 v0, v0  }
0x17e: {  	v12 =	vadd.f32 v13, v12;
	v40 =	vsub.f32 v17, v18;
	v8 =	vmul.f32 v33, v35  }
0x17f: {  	v9 =	vmul.f32 v37, v31;
	v3 =	vmul.f32 v27, v27;
	v30 =	vadd.f32 v29, v28  }
0x180: {  	v5 =	vmul.f32 v33, v32;
	v53 =	vsub.f32 v50, v22;
	v14 =	vsub.f32 v14, v19  }
0x181: {  	v10 =	vsub.f32 v10, v11;
	v1 =	vmul.f32 v1, v1;
	v2 =	vadd.f32 v30, v3  }
0x182: {  	v11 =	vadd.f32 v61, v60;
	v6 =	vmul.f32 v46, v42;
	v31 =	vmul.f32 v59, v52  }
0x183: {  	v32 =	vmul.f32 v59, v24;
	v13 =	vmul.f32 v46, v41;
	v1 =	vadd.f32 v2, v1  }
0x184: {  	v16 =	vsub.f32 v34, v16;
	v45 =	vmul.f32 v40, v40;
	v4 =	vsub.f32 v4, v5  }
0x185: {  	v57 =	vmul.f32 v53, v53;
	v2 =	vshra.s32 v1, $0x1;
	v1 =	vmul.f32 $5.000000000e-01, v1  }
0x186: {  	v58 =	vmul.f32 v14, v14;
	v25 =	vmul.f32 v56, v24;
	v2 =	vsub.s32 $0x5F3759DF, v2  }
0x187: {  	v43 =	vsub.f32 v8, v9;
	v26 =	vmul.f32 v56, v52;
	v36 =	vmul.f32 v2, v1  }
0x188: {  	v5 =	vadd.f32 v48, v47;
	v14 =	vmul.f32 v59, v23;
	v51 =	vmul.f32 v4, v4  }
0x189: {  	v11 =	vadd.f32 v62, v11;
	v28 =	vmul.f32 v20, v42;
	v3 =	vmul.f32 v2, v36  }
0x18a: {  	v4 =	vadd.f32 v49, v5;
	v33 =	vsub.f32 v32, v26;
	v29 =	vmul.f32 v54, v23  }
0x18b: {  	v7 =	vmul.f32 v43, v43;
	v19 =	vsub.f32 v63, v28;
	v3 =	vsub.f32 $1.500000000e+00, v3  }
0x18c: {  	v5 =	vmul.f32 v54, v52;
	v30 =	vmul.f32 v21, v39;
	v9 =	vadd.f32 v25, v29  }
0x18d: {  	v19 =	vmul.f32 v19, v19;
	v3 =	vmul.f32 v2, v3;
	v2 =	vadd.f32 v38, v12  }
0x18e: {  	v6 =	vsub.f32 v6, v30;
	v36 =	vmul.f32 v11, v11;
	v12 =	vmul.f32 v20, v39  }
0x18f: {  	v5 =	vsub.f32 v5, v14;
	v9 =	vadd.f32 v31, v9;
	v44 =	vmul.f32 v2, v2  }
0x190: {  	v6 =	vmul.f32 v6, v6;
	v12 =	vsub.f32 v12, v13;
	v13 =	vadd.f32 v19, v36  }
0x191: {  	v15 =	vmul.f32 v33, v33;
	v37 =	vmul.f32 v9, v9;
	v8 =	vadd.f32 v45, v44  }
0x192: {  	v55 =	vmul.f32 v4, v4;
	v6 =	vadd.f32 v13, v6;
	v38 =	vmul.f32 v12, v12  }
0x193: {  	v5 =	vmul.f32 v5, v5;
	v14 =	vadd.f32 v15, v37;
	v7 =	vadd.f32 v8, v7  }
0x194: {  	v8 =	vadd.f32 v57, v55;
	v6 =	vadd.f32 v6, v38  }
0x195: {  	v10 =	vmul.f32 v10, v10;
	v5 =	vadd.f32 v14, v5;
	v39 =	vmul.f32 v16, v16  }
0x196: {  	v7 =	vadd.f32 v7, v51;
	v8 =	vadd.f32 v8, v58;
	v43 =	vshra.s32 v6, $0x1  }
0x197: {  	v5 =	vadd.f32 v5, v39;
	v6 =	vmul.f32 $5.000000000e-01, v6;
	v14 =	vsub.s32 $0x5F3759DF, v43  }
0x198: {  	v35 =	vshra.s32 v7, $0x1;
	v8 =	vadd.f32 v8, v10;
	v7 =	vmul.f32 $5.000000000e-01, v7  }
0x199: {  	v44 =	vshra.s32 v5, $0x1;
	v45 =	vmul.f32 v14, v6;
	v18 =	vsub.s32 $0x5F3759DF, v35  }
0x19a: {  	v40 =	vshra.s32 v8, $0x1;
	v8 =	vmul.f32 $5.000000000e-01, v8;
	v41 =	vmul.f32 v18, v7  }
0x19b: {  	v5 =	vmul.f32 $5.000000000e-01, v5;
	v16 =	vmul.f32 v14, v45;
	v13 =	vsub.s32 $0x5F3759DF, v40  }
0x19c: {  	v15 =	vsub.s32 $0x5F3759DF, v44;
	v42 =	vmul.f32 v13, v8;
	v10 =	vmul.f32 v18, v41  }
0x19d: {  	v46 =	vmul.f32 v15, v5;
	v16 =	vsub.f32 $1.500000000e+00, v16  }
0x19e: {  	v47 =	vmul.f32 v3, v1;
	v12 =	vmul.f32 v13, v42;
	v10 =	vsub.f32 $1.500000000e+00, v10  }
0x19f: {  	v17 =	vmul.f32 v15, v46;
	v14 =	vmul.f32 v14, v16  }
0x1a0: {  	v48 =	vmul.f32 v47, v3;
	v12 =	vsub.f32 $1.500000000e+00, v12;
	v10 =	vmul.f32 v18, v10  }
0x1a1: {  	v49 =	vsub.f32 $1.500000000e+00, v17;
	v53 =	vmul.f32 v14, v6  }
0x1a2: {  	v18 =	vsub.f32 $1.500000000e+00, v48;
	v12 =	vmul.f32 v13, v12;
	v50 =	vmul.f32 v10, v7  }
0x1a3: {  	v13 =	vmul.f32 v15, v49;
	v17 =	vmul.f32 v53, v14  }
0x1a4: {  	v3 =	vmul.f32 v18, v3;
	v51 =	vmul.f32 v12, v8  }
0x1a5: {  	v52 =	vmul.f32 v50, v10;
	v54 =	vmul.f32 v13, v5  }
0x1a6: {  	v17 =	vsub.f32 $1.500000000e+00, v17;
	v16 =	vmul.f32 v51, v12  }
0x1a7: {  	v1 =	vmul.f32 v3, v1;
	v15 =	vsub.f32 $1.500000000e+00, v52;
	v19 =	vmul.f32 v54, v13  }
0x1a8: {  	v14 =	vmul.f32 v17, v14;
	v16 =	vsub.f32 $1.500000000e+00, v16  }
0x1a9: {  	v1 =	vmul.f32 v1, v3;
	v10 =	vmul.f32 v15, v10;
	v55 =	vsub.f32 $1.500000000e+00, v19  }
0x1aa: {  	v6 =	vmul.f32 v14, v6;
	v12 =	vmul.f32 v16, v12  }
0x1ab: {  	v13 =	vmul.f32 v55, v13;
	v7 =	vmul.f32 v10, v7  }
0x1ac: {  	v6 =	vmul.f32 v6, v14;
	v8 =	vmul.f32 v12, v8  }
0x1ad: {  	v1 =	vsub.f32 $1.500000000e+00, v1;
	v7 =	vmul.f32 v7, v10;
	v5 =	vmul.f32 v13, v5  }
0x1ae: {  	v6 =	vsub.f32 $1.500000000e+00, v6;
	v8 =	vmul.f32 v8, v12  }
0x1af: {  	v1 =	vmul.f32 v1, v3;
	v7 =	vsub.f32 $1.500000000e+00, v7;
	v5 =	vmul.f32 v5, v13  }
0x1b0: {  	v59 =	vmul.f32 v6, v14;
	v56 =	vsub.f32 $1.500000000e+00, v8  }
0x1b1: {  	v0 =	vmul.f32 v1, v0;
	v7 =	vmul.f32 v7, v10;
	v58 =	vsub.f32 $1.500000000e+00, v5  }
0x1b2: {  	v62 =	vmul.f32 v59, v11;
	v57 =	vmul.f32 v56, v12  }
0x1b3: {  	[tilespmem:$0x5A00] =	vst v0;
	v2 =	vmul.f32 v7, v2;
	v61 =	vmul.f32 v58, v13  }
0x1b4: {  	[tilespmem:$0x5A30] =	vst v62;
	v60 =	vmul.f32 v57, v4  }
0x1b5: {  	[tilespmem:$0x5A10] =	vst v2;
	v63 =	vmul.f32 v61, v9  }
0x1b6: {  	[tilespmem:$0x5A20] =	vst v60  }
0x1b7: {  	[tilespmem:$0x5A40] =	vst v63  }
0x1b8: {  	_ =	swait.ge [sflag:s31], $0x2800  }
0x1b9: {  	[sflag:s31] =	ssyncset.done $0x0  }
0x1ba: {  	s11 =	rddreg [dreg:$0x13];
	[sflag:s31] =	ssyncadd.s32 $0xFFFFD800  }
0x1bb: {  	[hbm4b:s11+s6] =	stream.linear.scatter [tilespmem:s19], [sflag:$0x5], $0x2800, $0x38;
	[tilespmem:$0x5A80] =	vst v63  }
0x1bc: {  	_ =	swait.ge [sflag:s16], $0x2800  }
0x1bd: {  	[sflag:s16] =	ssyncset.done $0x0  }
0x1be: {  	s14 =	rddreg [dreg:$0x14];
	[sflag:s16] =	ssyncadd.s32 $0xFFFFD800  }
0x1bf: {  	[hbm4b:s14+s6] =	stream.linear.scatter [tilespmem:s0], [sflag:$0x5], $0x50, $0x38;
	[tilespmem:$0x5A80] =	vst v63  }
0x1c0: {  	_ =	swait.ge [sflag:s16], $0x50  }
0x1c1: {  	s10 =	sadd.s32 $0x1, s10;
	s15 =	rddreg [dreg:$0x15]  }
0x1c2: {  	p0 =	sne.s32 s10, s15  }
.Ltmp1:
0x1c3: {  	_ = 	snop;
	(pc) =	sbr.rel @p0 .LBB2_1-.Ltmp1, $3  }
0x1c4: {  	_ =	sdelay $0x1  }
0x1c5: {  	[sflag:s16] =	ssyncset.done $0x0  }
0x1c6: {  	[sflag:s16] =	ssyncadd.s32 $0xFFFFFFB0  }
0x1c7: {  	_ =	sfence.sel $0x180000  }
0x1c8: {  	[bflag:$0x0] =	sbarrier.arrive $0xFFFF  }
0x1c9: {  	_ =	strace $0x90000047  }
0x1ca: {  	s0 =	stileid.u32;
	[bflag:$0x2] =	sbarrier.arrive $0xFFFF  }
0x1cb: {  	p0 =	sne.s32 s0, $0x0;
	s0 =	rddreg [dreg:$0x6]  }
0x1cc: {  	s0 =	sadd.s32 @!p0 $0x100000, s0  }
0x1cd: {  	[sflag:s0] =	ssyncadd.tile.s32 @!p0 $0x1;
	_ =	shalt  }
.Lfunc_end2:
_tile_overlayer_lowered:
.L_overlay_start_2:
0x1ce: {  	(tag) =	ssettag $0x2  }
0x1cf: {  	s0 =	rddreg [dreg:$0x0];
	s2 =	stileid.u32  }
0x1d0: {  	s1 =	rddreg [dreg:$0x1];
	p0 =	sne.s32 s2, $0x0  }
0x1d1: {  	s3 =	rddreg [dreg:$0x2];
	[bflag:$0x3] =	sbarrier.arrive $0xFFFF;
	s2 =	simm.s32 @!p0 $0x1C05  }
0x1d2: {  	[timem:s3], [sflag:s2] =	dma.local @!p0 [hbm:s0], s1  }
0x1d3: {  	s0 =	simm.s32 @!p0 $0x5  }
0x1d4: {  	_ =	swait.ge @!p0 [sflag:s0], s1  }
0x1d5: {  	s1 =	ssub.s32 @!p0 $0x0, s1;
	[sflag:s0] =	ssyncset.done @!p0 $0x0  }
0x1d6: {  	[sflag:s0] =	ssyncadd.s32 @!p0 s1  }
0x1d7: {  	[bflag:$0x3] =	sbarrier.arrive $0xFFFF  }
0x1d8: {  	_ =	shalt  }

// kernel: kernel.9.cloned.1.call-start
scs
__scs_entry_jumppad:
0x0: {  	(pc) =	sbr.rel $0x88, $3  }
0x1: {  	(tag) =	ssettag $0x0;
	lr =	simm.s32 $0x1  }
0x2: {  	[smem:$0x3F97] =	sst lr;
	_ =	strace $0xD0000000  }
0x3: {  	_ = 	snop  }
0x4: {  	_ = 	snop  }
0x5: {  	_ = 	snop  }
0x6: {  	_ = 	snop  }
0x7: {  	_ = 	snop  }
__scs_overlays_trampoline_lowered:
0x8: {  	[smem:$0x3FA6] =	sst s0  }
0x9: {  	[smem:$0x3FA7] =	sst s1  }
0xa: {  	[smem:$0x3FA8] =	sst s2  }
0xb: {  	[smem:$0x3FA9] =	sst s3  }
0xc: {  	[smem:$0x3FAA] =	sst s4  }
0xd: {  	[smem:$0x3FAB] =	sst s5  }
0xe: {  	[smem:$0x3FAC] =	sst s6  }
0xf: {  	[smem:$0x3FAD] =	sst s7  }
0x10: {  	[smem:$0x3FAE] =	sst s8  }
0x11: {  	[smem:$0x3FAF] =	sst s9;
	s0 =	simm.s32 @!p0 $0x0  }
0x12: {  	s1 =	sld [smem:$0x3F95];
	s0 =	simm.s32 @p0 $0x1  }
0x13: {  	[smem:$0x3FB0] =	sst s0;
	s0 =	simm.s32 @!p1 $0x0  }
0x14: {  	s2 =	sld [smem:$0x3F94];
	s0 =	simm.s32 @p1 $0x1  }
0x15: {  	[smem:$0x3FB1] =	sst s0;
	s0 =	simm.s32 @!p2 $0x0  }
0x16: {  	s3 =	sld [smem:$0x3FDB];
	s0 =	simm.s32 @p2 $0x1  }
0x17: {  	s4 =	simm.s32 $0x1BF5;
	[smem:$0x3FB3] =	sst s0  }
0x18: {  	s0 =	sld [smem:$0x3F96];
	_ =	swait.ge [sflag:s4], $0x0  }
0x19: {  	s7 =	sld [smem:$0x3F97]  }
0x1a: {  	s8 =	sadd.s32 $0xFFFFE003, lr  }
0x1b: {  	s9 =	sadd.s32 $0xFFFFFEF7, lr;
	s5 =	simm.s32 $0xFFFFFFFF;
	p2 =	slt.u32 s8, $0xFFFFF086  }
0x1c: {  	p1 =	slt.u32 s9, $0xF7A;
	s5 =	simm.s32 @!p2 $0x0  }
0x1d: {  	s5 =	simm.s32 @p1 $0x1;
	p0 =	seq.s32 s7, s2  }
0x1e: {  	s7 =	smul.u32 @!p0 $0xF7A, s2;
	p2 =	seq.s32 @!p0 s5, $0x0  }
0x1f: {  	s9 =	smul.u32 $0xF7A, s1;
	s8 =	simm.s32 @!p0 $0x1BF5;
	p2 =	por !p2, p0  }
0x20: {  	[sflag:s8] =	ssyncset.s32 @!p0 $0xFFFFF086;
	s6 =	sadd.s32 @!p0 s3, s7;
	s7 =	simm.s32 @!p0 $0x108  }
0x21: {  	s3 =	sadd.s32 s3, s9;
	s6 =	sadd.s32 @!p0 $0x88, s6;
	s7 =	simm.s32 @p2 $0x1082  }
0x22: {  	[simem:s7], [sflag:s8] =	dma.local @!p0 [hbm:s6], $0xF7A  }
0x23: {  	s9 =	sor.u32 $0xD0000000, s2;
	s6 =	simm.s32 $0x108;
	_ =	swait.ge @!p0 [sflag:s8], $0x0  }
0x24: {  	s3 =	sadd.s32 $0x88, s3;
	s6 =	simm.s32 @!p1 $0x1082;
	[sflag:s4] =	ssyncset.s32 $0xFFFFF086  }
0x25: {  	[simem:s6], [sflag:s4] =	dma.local [hbm:s3], $0xF7A  }
0x26: {  	[smem:$0x3F97] =	sst s1;
	(tag) =	ssettag s2;
	_ =	strace s9  }
0x27: {  	s1 =	sld [smem:$0x3FA7]  }
0x28: {  	s2 =	sld [smem:$0x3FA8]  }
0x29: {  	s4 =	sld [smem:$0x3FAA]  }
0x2a: {  	p0 =	seq.s32 s5, $0x0;
	s5 =	sld [smem:$0x3FAB]  }
0x2b: {  	s6 =	sld [smem:$0x3FAC]  }
0x2c: {  	s7 =	sld [smem:$0x3FAD]  }
0x2d: {  	s3 =	simm.s32 $0x108;
	s8 =	sld [smem:$0x3FAE]  }
0x2e: {  	s3 =	simm.s32 @!p0 $0x1082;
	s9 =	sld [smem:$0x3FAF]  }
0x2f: {  	lr =	sadd.s32 s0, s3;
	s0 =	sld [smem:$0x3FA6]  }
0x30: {  	s3 =	sld [smem:$0x3FA9]  }
0x31: {  	[smem:$0x3FB2] =	sst s10  }
0x32: {  	s10 =	sld [smem:$0x3FB0];
	_ =	sdelay $0x3  }
0x33: {  	p0 =	seq.s32 s10, $0x1;
	s10 =	sld [smem:$0x3FB2];
	_ =	sdelay $0x3  }
0x34: {  	[smem:$0x3FB2] =	sst s10  }
0x35: {  	s10 =	sld [smem:$0x3FB1];
	_ =	sdelay $0x3  }
0x36: {  	p1 =	seq.s32 s10, $0x1;
	s10 =	sld [smem:$0x3FB2];
	_ =	sdelay $0x3  }
0x37: {  	[smem:$0x3FB2] =	sst s10  }
0x38: {  	s10 =	sld [smem:$0x3FB3]  }
0x39: {  	_ = 	snop;
	(pc) =	sbr.ind lr, $3  }
0x3a: {  	_ = 	snop  }
0x3b: {  	_ = 	snop  }
0x3c: {  	p2 =	seq.s32 s10, $0x1;
	s10 =	sld [smem:$0x3FB2]  }
0x3d: {  	_ =	shalt  }
0x3e: {  	_ =	shalt  }
0x3f: {  	_ =	shalt  }
0x40: {  	_ =	shalt  }
0x41: {  	_ =	shalt  }
0x42: {  	_ =	shalt  }
0x43: {  	_ =	shalt  }
0x44: {  	_ =	shalt  }
0x45: {  	_ =	shalt  }
0x46: {  	_ =	shalt  }
0x47: {  	_ =	shalt  }
0x48: {  	_ =	shalt  }
0x49: {  	_ =	shalt  }
0x4a: {  	_ =	shalt  }
0x4b: {  	_ =	shalt  }
0x4c: {  	_ =	shalt  }
0x4d: {  	_ =	shalt  }
0x4e: {  	_ =	shalt  }
0x4f: {  	_ =	shalt  }
0x50: {  	_ =	shalt  }
0x51: {  	_ =	shalt  }
0x52: {  	_ =	shalt  }
0x53: {  	_ =	shalt  }
0x54: {  	_ =	shalt  }
0x55: {  	_ =	shalt  }
0x56: {  	_ =	shalt  }
0x57: {  	_ =	shalt  }
0x58: {  	_ =	shalt  }
0x59: {  	_ =	shalt  }
0x5a: {  	_ =	shalt  }
0x5b: {  	_ =	shalt  }
0x5c: {  	_ =	shalt  }
0x5d: {  	_ =	shalt  }
0x5e: {  	_ =	shalt  }
0x5f: {  	_ =	shalt  }
0x60: {  	_ =	shalt  }
0x61: {  	_ =	shalt  }
0x62: {  	_ =	shalt  }
0x63: {  	_ =	shalt  }
0x64: {  	_ =	shalt  }
0x65: {  	_ =	shalt  }
0x66: {  	_ =	shalt  }
0x67: {  	_ =	shalt  }
0x68: {  	_ =	shalt  }
0x69: {  	_ =	shalt  }
0x6a: {  	_ =	shalt  }
0x6b: {  	_ =	shalt  }
0x6c: {  	_ =	shalt  }
0x6d: {  	_ =	shalt  }
0x6e: {  	_ =	shalt  }
0x6f: {  	_ =	shalt  }
0x70: {  	_ =	shalt  }
0x71: {  	_ =	shalt  }
0x72: {  	_ =	shalt  }
0x73: {  	_ =	shalt  }
0x74: {  	_ =	shalt  }
0x75: {  	_ =	shalt  }
0x76: {  	_ =	shalt  }
0x77: {  	_ =	shalt  }
0x78: {  	_ =	shalt  }
0x79: {  	_ =	shalt  }
0x7a: {  	_ =	shalt  }
0x7b: {  	_ =	shalt  }
0x7c: {  	_ =	shalt  }
0x7d: {  	_ =	shalt  }
0x7e: {  	_ =	shalt  }
0x7f: {  	_ =	shalt  }
0x80: {  	_ =	shalt  }
0x81: {  	_ =	shalt  }
0x82: {  	_ =	shalt  }
0x83: {  	_ =	shalt  }
0x84: {  	_ =	shalt  }
0x85: {  	_ =	shalt  }
0x86: {  	_ =	shalt  }
0x87: {  	_ =	shalt  }
.Lfunc_end0:
.L_simem_size_0:
called_computation.1_lowered:
.L_overlay_start_0:
0x88: {  	s2 =	sld [smem:$0x3FD9]  }
0x89: {  	s3 =	sld [smem:$0x3FFE];
	_ =	sdelay $0x1  }
0x8a: {  	s1 =	srdreg.scid  }
0x8b: {  	s0 =	sand.u32 $0x1, s1  }
0x8c: {  	s14 =	sshll.u32 s0, $0xA;
	s2 =	sadd.s32 s3, s2  }
0x8d: {  	s2 =	sadd.s32 s2, s14  }
0x8e: {  	[smem:$0x3FBE] =	sst s2  }
0x8f: {  	_ = 	snop  }
0x90: {  	s2 =	sld [smem:$0x3FD0];
	_ =	sdelay $0x2  }
0x91: {  	s4 =	simm.s32 $0xA;
	s5 =	simm.s32 $0x10;
	s15 =	sld [smem:$0x3FC5]  }
0x92: {  	[smem:s5], [sflag:s4] =	dma.local [hbm:s2], $0x1  }
0x93: {  	_ =	swait.eq [sflag:s4], $0x1  }
0x94: {  	[sflag:s4] =	ssyncset.done $0x0  }
0x95: {  	[sflag:s4] =	ssyncadd.s32 $0xFFFFFFFF  }
0x96: {  	s16 =	sld [smem:$0x10];
	(tm) =	ssettm $0x1  }
0x97: {  	s17 =	sld [smem:$0x3FFB];
	_ =	sdelay $0x3  }
0x98: {  	_ =	strace s17  }
0x99: {  	s4 =	sld [smem:$0x3FFC];
	_ =	sdelay $0x3  }
0x9a: {  	_ =	strace s4  }
0x9b: {  	s4 =	sld [smem:$0x3FFD];
	_ =	sdelay $0x3  }
0x9c: {  	_ =	strace s4  }
0x9d: {  	_ =	strace $0x8FFFFFFF  }
0x9e: {  	s18 =	sld [smem:$0x3FDB];
	_ =	sdelay $0x1  }
0x9f: {  	s19 =	simm.s32 $_scs_section_size  }
0xa0: {  	s6 =	simm.s32 $_size__tile_overlayer_lowered;
	s7 =	simm.s32 $_tile_overlayer_lowered  }
0xa1: {  	s22 =	simm.s32 $0x1BFF;
	s21 =	sshll.u32 s7, $0x1;
	s4 =	sadd.s32 s19, s18  }
0xa2: {  	s8 =	simm.s32 $0x0;
	s20 =	sshll.u32 s6, $0x1;
	s6 =	sadd.s32 s21, s4  }
0xa3: {  	[timem:s8], [sflag:s22] =	dma.local [hbm:s6], s20  }
0xa4: {  	_ =	swait.ge [sflag:s22], s20  }
0xa5: {  	s5 =	ssub.s32 $0x0, s20;
	[sflag:s22] =	ssyncset.done $0x0  }
0xa6: {  	[sflag:s22] =	ssyncadd.s32 s5;
	_ =	sdelay $0x1  }
0xa7: {  	s23 =	simm.s32 $0x1B8B  }
0xa8: {  	_ =	swait.ge [sflag:s23], $0x1  }
0xa9: {  	[sflag:s23] =	ssyncset.done $0x0  }
0xaa: {  	s25 =	simm.s32 $0x1B8E;
	s24 =	sld [smem:$0x3FFE];
	[sflag:s23] =	ssyncadd.s32 $0xFFFFFFFF  }
0xab: {  	s26 =	simm.s32 $execute0_lowered;
	[smem:$0x3FD2] =	sst s25  }
0xac: {  	s6 =	sshll.u32 s26, $0x1;
	_ =	strace $0x80000049;
	[dreg:$0x1] =	wrdreg $0xFFFFFFFF  }
0xad: {  	s28 =	simm.s32 $_size_execute0_lowered;
	s4 =	sadd.s32 s4, s6;
	[dreg:$0x0] =	wrdreg $0x0  }
0xae: {  	s6 =	sshll.u32 s28, $0x1;
	[dreg:$0x2] =	wrdreg s4  }
0xaf: {  	[dreg:$0x3] =	wrdreg s6  }
0xb0: {  	[dreg:$0x4] =	wrdreg $0xC0  }
0xb1: {  	_ =	task [dreg:s8], $0x5FFFF  }
0xb2: {  	[dreg:$0x1] =	wrdreg $0xFFFFFFFF  }
0xb3: {  	[dreg:$0x0] =	wrdreg $0x60  }
0xb4: {  	[dreg:$0x2] =	wrdreg s15  }
0xb5: {  	[dreg:$0x3] =	wrdreg s24  }
0xb6: {  	[dreg:$0x4] =	wrdreg s16  }
0xb7: {  	[dreg:$0x5] =	wrdreg $0xE0800  }
0xb8: {  	[dreg:$0x6] =	wrdreg $0x9  }
0xb9: {  	_ =	task.clear_ibuf [dreg:s8], $0x7FFFF;
	_ =	strace $0x90000049  }
0xba: {  	s29 =	simm.s32 $0x9;
	_ =	strace $0x8000004B  }
0xbb: {  	_ =	swait.ge [sflag:s29], $0x1  }
0xbc: {  	[sflag:s29] =	ssyncadd.s32 $0xFFFFFFFF  }
0xbd: {  	_ =	strace $0x9000004B  }
0xbe: {  	_ =	sfence  }
0xbf: {  	s30 =	sld [smem:$0x0];
	_ =	sdelay $0x2  }
0xc0: {  	s31 =	sshll.u32 s1, $0xD;
	s1 =	sshrl.u32 s1, $0x2  }
0xc1: {  	s3 =	sand.u32 $0x4000, s31;
	s1 =	sadd.s32 s1, s30  }
0xc2: {  	s0 =	sor.u32 s3, s0;
	s1 =	sshll.u32 s1, $0x11  }
0xc3: {  	s0 =	sor.u32 s1, s0  }
0xc4: {  	s0 =	sadd.s32 $0x8F2B, s0  }
0xc5: {  	[sflag:s0] =	ssyncadd.remote.s32 $0x1  }
0xc6: {  	_ =	sfence.sel $0xFFFF  }
0xc7: {  	[dreg:$0x0] =	wrdreg $0xFFFFFFFF;
	(pc) =	sbr.abs _section_cstart, $3  }
0xc8: {  	[dreg:$0x1] =	wrdreg $0xFFFFFFFF  }
0xc9: {  	_ =	task.clear_ibuf [dreg:s8], $0x2FFFF;
	_ =	strace $0x9FFFFFFF  }
0xca: {  	(tm) =	ssettm $0x7FFFFFFF  }
0xcb: {  	_ =	shalt  }
tec
execute0_lowered:
.L_overlay_start_1:
0x0: {  	(tag) =	ssettag $0x1  }
0x1: {  	s0 =	rddreg [dreg:$0x0]  }
0x2: {  	s7 =	rddreg [dreg:$0x1]  }
0x3: {  	s1 =	rddreg [dreg:$0x2]  }
0x4: {  	s3 =	rddreg [dreg:$0x3]  }
0x5: {  	s4 =	simm.s32 $0x0;
	s2 =	stileid.u32;
	s5 =	srdreg.scid  }
0x6: {  	s13 =	simm.s32 $0x5;
	s17 =	simm.s32 $0x4E80;
	s18 =	simm.s32 $0x0  }
0x7: {  	[smem:$0x7FF] =	sst s4;
	s5 =	sand.u32 $0x1, s5;
	s16 =	smul.u32 $0x4E20, s2  }
0x8: {  	s6 =	sadd.s32 $0x4EC600, s7;
	s8 =	sshll.u32 s2, $0xD;
	s30 =	sshll.u32 s2, $0x10  }
0x9: {  	s11 =	sadd.s32 $0x270000, s1;
	s31 =	sshll.u32 s2, $0x6;
	_ =	strace $0x8000004A  }
.Ltmp0:
0xa: {  	s9 =	ssub.s32 $0x2, s5;
	s10 =	sadd.s32 s8, s7;
	(pc) =	sbr.rel .LBB2_1-.Ltmp0, $4  }
0xb: {  	s8 =	sshll.u32 s2, $0x9;
	s14 =	sor.u32 $0x1C06, s31;
	s28 =	sshrl.u32 s9, $0x1  }
0xc: {  	s29 =	sshrl.u32 s16, $0x3;
	s10 =	sadd.s32 $0x600, s10;
	v0 =	vmov s16;
	s16 =	simm.s32 $0x6  }
0xd: {  	s12 =	ssub.s32 s9, s28;
	s0 =	sadd.s32 s0, s29;
	s9 =	sadd.s32 s30, s3  }
0xe: {  	v1 =	vimm.s32 $0x0;
	[dreg:$0x5] =	wrdreg s0;
	s12 =	smax.u32 s12, $0x1;
	s15 =	sshrl.u32 s9, $0x3  }
.LBB2_11:
0xf: {  	s18 =	sadd.s32 $0x1, s18  }
0x10: {  	p0 =	sne.s32 s18, s12  }
.Ltmp1:
0x11: {  	_ = 	snop;
	(pc) =	sbr.rel @!p0 .LBB2_12-.Ltmp1, $1  }
0x12: {  	_ =	sdelay $0x3  }
.LBB2_1:
.Ltmp2:
0x13: {  	s0 =	rddreg [dreg:$0x5];
	(pc) =	sbr.rel .LBB2_2-.Ltmp2, $4  }
0x14: {  	[tilespmem:s4], [sflag:$0x5] =	stream.linear.gather [hbm4b:s0+s4], $0x4E20, $0x38;
	[tilespmem:$0x1E0C0] =	vst v63  }
0x15: {  	_ =	swait.ge [sflag:s13], $0x4E20  }
0x16: {  	[sflag:s13] =	ssyncset.done $0x0  }
0x17: {  	s19 =	simm.s32 $0x0;
	[sflag:s13] =	ssyncadd.s32 $0xFFFFB1E0  }
.LBB2_6:
0x18: {  	s23 =	simm.s32 $0x0  }
.LBB2_9:
0x19: {  	p1 =	por p2, !p1  }
0x1a: {  	[sflag:s31] =	ssyncset.done @!p1 $0x0  }
0x1b: {  	s7 =	simm.s32 @!p4 $0x3;
	[sflag:s31] =	ssyncadd.s32 @!p1 $0xFFFFE000  }
0x1c: {  	[spmem:s3] =	stream.indirect.scatter.add.f32 @!p1 [tilespmem:s0], [sflag:$0x4], $0x80, s26, s30, $0xb8;
	[tilespmem:$0x1E0C0] =	vst v63  }
0x1d: {  	_ =	swait.ge @!p4 [sflag:s7], $0x2000  }
0x1e: {  	[sflag:s7] =	ssyncset.done @!p4 $0x0  }
0x1f: {  	s0 =	simm.s32 @!p0 $0x4E80;
	[sflag:s7] =	ssyncadd.s32 @!p4 $0xFFFFE000  }
0x20: {  	v6 =	vld.idx.msk @!p0 [tilespmem:v5+s0+$0x0], $0xffff;
	_ =	sdelay $0x3  }
0x21: {  	v7 =	vor.u32 @!p0 $0x10, v3  }
0x22: {  	v8 =	vor.u32 @!p0 s22, v7;
	v9 =	vshrl.u32 @!p0 v6, $0xD  }
0x23: {  	vm0 =	vlt.s32 @!p0 v5, v2;
	v5 =	vadd.s32 @!p0 v0, v9  }
0x24: {  	v4 =	vor.u32 @!p0 $0x2000, v4;
	s7 =	simm.s32 @!p0 $0xDE80;
	v6 =	vand.u32 @!p0 $0x1FFF, v6;
	v5 =	vnsel @!p0 vm0, $0x0, v5  }
0x25: {  	s24 =	simm.s32 @!p0 $0xDF00;
	v6 =	vsel @!p0 vm0, v6, v4;
	[tilespmem:v3+s7+$0x0] =	vst.idx.msk @!p0 $0xffff, v5  }
0x26: {  	[tilespmem:v3+s24+$0x0] =	vst.idx.msk @!p0 $0xffff, v6  }
0x27: {  	v5 =	vld.idx.msk @!p0 [tilespmem:v8+s0+$0x0], $0xffff;
	_ =	sdelay $0x3  }
0x28: {  	v6 =	vor.u32 @!p0 $0x20, v3  }
0x29: {  	v9 =	vor.u32 @!p0 s22, v6;
	v10 =	vshrl.u32 @!p0 v5, $0xD  }
0x2a: {  	vm0 =	vlt.s32 @!p0 v8, v2;
	v8 =	vadd.s32 @!p0 v0, v10  }
0x2b: {  	v5 =	vand.u32 @!p0 $0x1FFF, v5;
	v8 =	vnsel @!p0 vm0, $0x0, v8  }
0x2c: {  	v5 =	vsel @!p0 vm0, v5, v4;
	[tilespmem:v7+s7+$0x0] =	vst.idx.msk @!p0 $0xffff, v8  }
0x2d: {  	[tilespmem:v7+s24+$0x0] =	vst.idx.msk @!p0 $0xffff, v5  }
0x2e: {  	v5 =	vld.idx.msk @!p0 [tilespmem:v9+s0+$0x0], $0xffff;
	_ =	sdelay $0x3  }
0x2f: {  	v3 =	vor.u32 @!p0 $0x30, v3  }
0x30: {  	v7 =	vor.u32 @!p0 s22, v3;
	v8 =	vshrl.u32 @!p0 v5, $0xD  }
0x31: {  	vm0 =	vlt.s32 @!p0 v9, v2;
	v8 =	vadd.s32 @!p0 v0, v8  }
0x32: {  	v5 =	vand.u32 @!p0 $0x1FFF, v5;
	v8 =	vnsel @!p0 vm0, $0x0, v8  }
0x33: {  	v5 =	vsel @!p0 vm0, v5, v4;
	[tilespmem:v6+s7+$0x0] =	vst.idx.msk @!p0 $0xffff, v8  }
0x34: {  	[tilespmem:v6+s24+$0x0] =	vst.idx.msk @!p0 $0xffff, v5  }
0x35: {  	v5 =	vld.idx.msk @!p0 [tilespmem:v7+s0+$0x0], $0xffff;
	_ =	sdelay $0x4  }
0x36: {  	s31 =	sadd.s32 $0x1, s23;
	v6 =	vshrl.u32 @!p0 v5, $0xD  }
0x37: {  	p1 =	sge.s32 s31, s21;
	vm0 =	vlt.s32 @!p0 v7, v2;
	v6 =	vadd.s32 @!p0 v0, v6  }
0x38: {  	p2 =	seq.s32 @!p1 s23, $0x0;
	v5 =	vand.u32 @!p0 $0x1FFF, v5;
	v6 =	vnsel @!p0 vm0, $0x0, v6  }
0x39: {  	s23 =	sadd.s32 @!p1 $0x40, s22;
	p2 =	por p2, p1;
	v4 =	vsel @!p0 vm0, v5, v4;
	v5 =	vlaneseq.u32 @!p1;
	[tilespmem:v3+s7+$0x0] =	vst.idx.msk @!p0 $0xffff, v6  }
0x3a: {  	s25 =	simm.s32 @!p2 $0x4;
	s22 =	simm.s32 @!p0 $0x9E80;
	s0 =	simm.s32 @!p0 $0x40;
	v6 =	vor.u32 @!p1 s23, v5;
	[tilespmem:v3+s24+$0x0] =	vst.idx.msk @!p0 $0xffff, v4  }
0x3b: {  	[tilespmem:s22], [sflag:$0x1] =	stream.indirect.gather @!p0 [hbm4b:s6+s0], $0x80, s7, s0, $0xb8;
	[tilespmem:$0x1E0C0] =	vst v63  }
0x3c: {  	_ =	swait.ge @!p2 [sflag:s25], $0x2000  }
0x3d: {  	[sflag:s25] =	ssyncset.done @!p2 $0x0  }
0x3e: {  	s7 =	simm.s32 @!p1 $0x4E80;
	[sflag:s25] =	ssyncadd.s32 @!p2 $0xFFFFE000  }
0x3f: {  	v3 =	vld.idx.msk @!p1 [tilespmem:v6+s7+$0x0], $0xffff;
	_ =	sdelay $0x3  }
0x40: {  	v4 =	vor.u32 @!p1 $0x10, v5  }
0x41: {  	v7 =	vor.u32 @!p1 s23, v4;
	v8 =	vshrl.u32 @!p1 v3, $0xD  }
0x42: {  	v9 =	vand.u32 @!p1 $0x7, v5;
	vm0 =	vlt.s32 @!p1 v6, v2;
	v6 =	vadd.s32 @!p1 v0, v8  }
0x43: {  	s25 =	simm.s32 @!p1 $0xDF80;
	v3 =	vand.u32 @!p1 $0x1FFF, v3;
	v8 =	vor.u32 @!p1 $0x2000, v9;
	v6 =	vnsel @!p1 vm0, $0x0, v6  }
0x44: {  	s26 =	simm.s32 @!p1 $0xE000;
	v3 =	vsel @!p1 vm0, v3, v8;
	[tilespmem:v5+s25+$0x0] =	vst.idx.msk @!p1 $0xffff, v6  }
0x45: {  	[tilespmem:v5+s26+$0x0] =	vst.idx.msk @!p1 $0xffff, v3  }
0x46: {  	v3 =	vld.idx.msk @!p1 [tilespmem:v7+s7+$0x0], $0xffff;
	_ =	sdelay $0x3  }
0x47: {  	v6 =	vor.u32 @!p1 $0x20, v5  }
0x48: {  	v9 =	vor.u32 @!p1 s23, v6;
	v10 =	vshrl.u32 @!p1 v3, $0xD  }
0x49: {  	vm0 =	vlt.s32 @!p1 v7, v2;
	v7 =	vadd.s32 @!p1 v0, v10  }
0x4a: {  	v3 =	vand.u32 @!p1 $0x1FFF, v3;
	v7 =	vnsel @!p1 vm0, $0x0, v7  }
0x4b: {  	v3 =	vsel @!p1 vm0, v3, v8;
	[tilespmem:v4+s25+$0x0] =	vst.idx.msk @!p1 $0xffff, v7  }
0x4c: {  	[tilespmem:v4+s26+$0x0] =	vst.idx.msk @!p1 $0xffff, v3  }
0x4d: {  	v3 =	vld.idx.msk @!p1 [tilespmem:v9+s7+$0x0], $0xffff;
	_ =	sdelay $0x3  }
0x4e: {  	v4 =	vor.u32 @!p1 $0x30, v5  }
0x4f: {  	v5 =	vor.u32 @!p1 s23, v4;
	v7 =	vshrl.u32 @!p1 v3, $0xD  }
0x50: {  	vm0 =	vlt.s32 @!p1 v9, v2;
	v7 =	vadd.s32 @!p1 v0, v7  }
0x51: {  	v3 =	vand.u32 @!p1 $0x1FFF, v3;
	v7 =	vnsel @!p1 vm0, $0x0, v7  }
0x52: {  	v3 =	vsel @!p1 vm0, v3, v8;
	[tilespmem:v6+s25+$0x0] =	vst.idx.msk @!p1 $0xffff, v7  }
0x53: {  	[tilespmem:v6+s26+$0x0] =	vst.idx.msk @!p1 $0xffff, v3  }
0x54: {  	v3 =	vld.idx.msk @!p1 [tilespmem:v5+s7+$0x0], $0xffff;
	_ =	sdelay $0x4  }
0x55: {  	v6 =	vshrl.u32 @!p1 v3, $0xD  }
0x56: {  	vm0 =	vlt.s32 @!p1 v5, v2;
	v2 =	vadd.s32 @!p1 v0, v6  }
0x57: {  	v3 =	vand.u32 @!p1 $0x1FFF, v3;
	v2 =	vnsel @!p1 vm0, $0x0, v2  }
0x58: {  	v3 =	vsel @!p1 vm0, v3, v8;
	[tilespmem:v4+s25+$0x0] =	vst.idx.msk @!p1 $0xffff, v2  }
0x59: {  	s28 =	simm.s32 @!p0 $0x1;
	s23 =	simm.s32 @!p1 $0xBE80;
	s7 =	simm.s32 @!p1 $0x40;
	[tilespmem:v4+s26+$0x0] =	vst.idx.msk @!p1 $0xffff, v3  }
0x5a: {  	[tilespmem:s23], [sflag:$0x2] =	stream.indirect.gather @!p1 [hbm4b:s6+s7], $0x80, s25, s7, $0xb8;
	[tilespmem:$0x1E0C0] =	vst v63  }
0x5b: {  	_ =	swait.ge @!p0 [sflag:s28], $0x2000  }
0x5c: {  	[sflag:s28] =	ssyncset.done @!p0 $0x0  }
0x5d: {  	s25 =	simm.s32 @!p1 $0x2;
	[sflag:s28] =	ssyncadd.s32 @!p0 $0xFFFFE000  }
0x5e: {  	[spmem:s3] =	stream.indirect.scatter.add.f32 @!p0 [tilespmem:s22], [sflag:$0x3], $0x80, s24, s0, $0xb8;
	[tilespmem:$0x1E0C0] =	vst v63  }
0x5f: {  	_ =	swait.ge @!p1 [sflag:s25], $0x2000  }
0x60: {  	[sflag:s25] =	ssyncset.done @!p1 $0x0  }
0x61: {  	[sflag:s25] =	ssyncadd.s32 @!p1 $0xFFFFE000  }
0x62: {  	[spmem:s3] =	stream.indirect.scatter.add.f32 @!p1 [tilespmem:s23], [sflag:$0x4], $0x80, s26, s7, $0xb8;
	[tilespmem:$0x1E0C0] =	vst v63  }
.LBB2_10:
0x63: {  	p0 =	slt.s32 s21, $0x1  }
0x64: {  	s0 =	simm.s32 @!p0 $0x3  }
0x65: {  	s7 =	sshll.u32 s20, $0xD;
	p1 =	seq.s32 @!p0 s21, $0x1;
	_ =	swait.ge @!p0 [sflag:s0], $0x2000  }
0x66: {  	s7 =	sor.u32 s8, s7;
	p1 =	por p1, p0;
	[sflag:s0] =	ssyncset.done @!p0 $0x0  }
0x67: {  	[sflag:s0] =	ssyncadd.s32 @!p0 $0xFFFFE000;
	s0 =	simm.s32 @!p1 $0x4;
	p0 =	sgt.u32 s7, $0x26F00  }
0x68: {  	_ =	swait.ge @!p1 [sflag:s0], $0x2000;
	p2 =	sne.s32 @p0 s7, $0x27000  }
0x69: {  	[sflag:s0] =	ssyncset.done @!p1 $0x0;
	p2 =	por p2, !p0  }
0x6a: {  	[sflag:s0] =	ssyncadd.s32 @!p1 $0xFFFFE000;
	s0 =	sshll.u32 @!p2 s2, $0x6  }
0x6b: {  	s20 =	sshrl.u32 @!p2 s9, $0x3;
	[bflag:$0x0] =	sbarrier.arrive $0xFFFF;
	s0 =	sor.u32 @!p2 $0x1C05, s0  }
0x6c: {  	[hbm:s11], [sflag:s0] =	dma.local @!p2 [spmem:s20], $0x1000  }
0x6d: {  	s0 =	simm.s32 @!p2 $0x5  }
0x6e: {  	s19 =	sadd.s32 $0x1, s19;
	_ =	swait.ge @!p2 [sflag:s0], $0x1000  }
0x6f: {  	s7 =	sshll.u32 @!p0 s7, $0x4;
	p1 =	sne.s32 s19, $0xA;
	[sflag:s0] =	ssyncset.done @!p2 $0x0  }
0x70: {  	[sflag:s0] =	ssyncadd.s32 @!p2 $0xFFFFF000;
	s0 =	sadd.s32 @!p0 s1, s7;
	s7 =	sshrl.u32 @!p0 s9, $0x3  }
0x71: {  	[hbm:s0], [sflag:s14] =	dma.local @!p0 [spmem:s7], $0x2000  }
.Ltmp3:
0x72: {  	_ = 	snop;
	(pc) =	sbr.rel @!p1 .LBB2_11-.Ltmp3, $4  }
0x73: {  	s0 =	simm.s32 @!p0 $0x6  }
0x74: {  	_ =	swait.ge @!p0 [sflag:s0], $0x2000  }
0x75: {  	[sflag:s0] =	ssyncset.done @!p0 $0x0  }
0x76: {  	[sflag:s0] =	ssyncadd.s32 @!p0 $0xFFFFE000  }
.LBB2_2:
0x77: {  	[spmem:s15], [sflag:s14] =	dma.local [hbm:s10], $0x2000;
	v2 =	vlaneseq.u32  }
0x78: {  	_ =	swait.ge [sflag:s16], $0x2000  }
0x79: {  	[sflag:s16] =	ssyncset.done $0x0  }
0x7a: {  	[sflag:s16] =	ssyncadd.s32 $0xFFFFE000  }
0x7b: {  	[bflag:$0x0] =	sbarrier.arrive $0xFFFF  }
0x7c: {  	v3 =	vld.idx.msk [tilespmem:v2+s4+$0x0], $0xffff;
	_ =	sdelay $0x2  }
0x7d: {  	s0 =	sshll.u32 s19, $0x1  }
0x7e: {  	s20 =	sor.u32 s5, s0  }
0x7f: {  	v5 =	vmov s20;
	v4 =	vshra.s32 v3, $0xD  }
0x80: {  	vm0 =	veq.s32 v4, v5  }
0x81: {  	v4 =	vsel vm0, $0x1, v1  }
0x82: {  	(xrf0) =	vadd.scan.msk.s32 $0xffff, v4;
	_ =	sdelay $0x5  }
0x83: {  	v4 =	vimm.s32 $0xFFFFFFFF;
	v6, _, _ =	vpop (xrf0)  }
0x84: {  	v8 =	vadd.s32 v4, v6  }
0x85: {  	v7 =	vadd.s32 $0x10, v2  }
0x86: {  	v2 =	vmul.u32 $0x2000, v2  }
0x87: {  	v3 =	vand.u32 $0x1FFF, v3;
	v6 =	vmpcnt.ones.xlane vm0  }
0x88: {  	v3 =	vor.u32 v2, v3  }
0x89: {  	v6 =	vadd.s32 v4, v6;
	[tilespmem:v8+s17+$0x0] =	vst.idx.msk vm0, v3  }
0x8a: {  	s0 =	simm.s32 $0x4E0;
	v4 =	vmov v6;
	v3 =	vld.idx.msk [tilespmem:v7+s4+$0x0], $0xffff  }
.LBB2_3:
0x8b: {  	p0 =	sne.s32 s0, $0x1;
	_ =	sdelay $0x4  }
0x8c: {  	v8 =	vshra.s32 v3, $0xD  }
0x8d: {  	vm0 =	veq.s32 v8, v5  }
0x8e: {  	v8 =	vsel vm0, $0x1, v1;
	v9 =	vmpcnt.ones.xlane vm0  }
0x8f: {  	(xrf0) =	vadd.scan.msk.s32 $0xffff, v8  }
0x90: {  	v6 =	vadd.s32 v6, v9;
	_ =	sdelay $0x4  }
0x91: {  	v8, _, _ =	vpop (xrf0)  }
0x92: {  	v8 =	vadd.s32 v4, v8;
	v4 =	vmov v6  }
0x93: {  	v7 =	vadd.s32 $0x10, v7  }
.Ltmp4:
0x94: {  	(pc) =	sbr.rel @p0 .LBB2_3-.Ltmp4, $4  }
0x95: {  	v2 =	vadd.s32 $0x20000, v2;
	v3 =	vand.u32 $0x1FFF, v3  }
0x96: {  	v3 =	vor.u32 v2, v3  }
0x97: {  	[tilespmem:v8+s17+$0x0] =	vst.idx.msk vm0, v3  }
0x98: {  	s0 =	sadd.s32 $0xFFFFFFFF, s0;
	v3 =	vld.idx.msk [tilespmem:v7+s4+$0x0], $0xffff  }
0x99: {  	_ =	sdelay $0x3  }
0x9a: {  	v7 =	vshra.s32 v3, $0xD  }
0x9b: {  	vm0 =	veq.s32 v7, v5  }
0x9c: {  	v5 =	vmpcnt.ones.xlane vm0;
	_ =	sdelay $0x1  }
0x9d: {  	v7 =	vsel vm0, $0x1, v1;
	v5 =	vadd.s32 v6, v5  }
0x9e: {  	(xrf0) =	vadd.scan.msk.s32 $0xffff, v7;
	v5 =	vxor.u32 $0x80000000, v5  }
0x9f: {  	(xrf0) =	vmax.scan.msk.u32 $0xffff, v5;
	_ =	sdelay $0x4  }
0xa0: {  	v62, _, _ =	vpop (xrf0)  }
0xa1: {  	v63, _, _ =	vpop (xrf0)  }
0xa2: {  	(v2sf) =	vpush v63, $0xF;
	_ =	sdelay $0xe  }
0xa3: {  	s0 =	spop (v2sf)  }
0xa4: {  	s21 =	sadd.s32 $0x80000040, s0;
	s22 =	sand.u32 $0x3F, s0  }
0xa5: {  	p0 =	sne.s32 s22, $0x0;
	s31 =	sshra.s32 s21, $0x1F;
	p1 =	slt.s32 s21, $0x1  }
0xa6: {  	s22 =	sshrl.u32 s31, $0x1A;
	p0 =	por !p1, !p0  }
0xa7: {  	s21 =	sadd.s32 s22, s21;
	p0 =	por !p0, !p0;
	s22 =	simm.s32 $0x1  }
0xa8: {  	s21 =	sshra.s32 s21, $0x6;
	s22 =	simm.s32 @!p0 $0x0  }
0xa9: {  	s21 =	ssub.s32 s21, s22  }
0xaa: {  	s22 =	sadd.s32 $0x1, s21  }
0xab: {  	s22 =	sshra.s32 s22, $0x1  }
0xac: {  	v4 =	vadd.s32 v4, v62;
	p0 =	slt.s32 s22, $0x1  }
.Ltmp5:
0xad: {  	_ = 	snop;
	(pc) =	sbr.rel @p0 .LBB2_10-.Ltmp5, $4  }
0xae: {  	_ = 	snop  }
0xaf: {  	v2 =	vadd.s32 $0x20000, v2;
	v3 =	vand.u32 $0x1FFF, v3  }
0xb0: {  	v2 =	vor.u32 v2, v3  }
0xb1: {  	[tilespmem:v4+s17+$0x0] =	vst.idx.msk vm0, v2  }
0xb2: {  	s23 =	sadd.s32 $0xFFFFFFFF, s22  }
0xb3: {  	p2 =	sne.s32 s23, $0x0  }
.Ltmp6:
0xb4: {  	_ = 	snop;
	(pc) =	sbr.rel @!p2 .LBB2_6-.Ltmp6, $4  }
0xb5: {  	_ = 	snop  }
0xb6: {  	p0 =	sle.s32 s21, $0x0  }
0xb7: {  	s0 =	sadd.s32 $0x80000001, s0;
	s22 =	simm.s32 $0x0;
	p1 =	por @!p0 $0x1, $0x1;
	v3 =	vlaneseq.u32 @!p0  }
0xb8: {  	v2 =	vmov s0;
	p4 =	por p1, p0;
	v5 =	vor.u32 @!p0 s22, v3;
	v4 =	vand.u32 @!p0 $0x7, v3;
	p0 =	por p0, p0;
	p1 =	por $0x0, $0x0  }
0xb9: {  	s0 =	simm.s32 @!p4 $0x3  }
0xba: {  	_ =	swait.ge @!p4 [sflag:s0], $0x2000  }
0xbb: {  	[sflag:s0] =	ssyncset.done @!p4 $0x0  }
0xbc: {  	s24 =	simm.s32 @!p0 $0x4E80;
	[sflag:s0] =	ssyncadd.s32 @!p4 $0xFFFFE000  }
0xbd: {  	v6 =	vld.idx.msk @!p0 [tilespmem:v5+s24+$0x0], $0xffff;
	_ =	sdelay $0x3  }
0xbe: {  	v7 =	vor.u32 @!p0 $0x10, v3  }
0xbf: {  	v8 =	vor.u32 @!p0 s22, v7;
	v9 =	vshrl.u32 @!p0 v6, $0xD  }
0xc0: {  	vm0 =	vlt.s32 @!p0 v5, v2;
	v5 =	vadd.s32 @!p0 v0, v9  }
0xc1: {  	v4 =	vor.u32 @!p0 $0x2000, v4;
	s0 =	simm.s32 @!p0 $0xDE80;
	v6 =	vand.u32 @!p0 $0x1FFF, v6;
	v5 =	vnsel @!p0 vm0, $0x0, v5  }
0xc2: {  	s25 =	simm.s32 @!p0 $0xDF00;
	v6 =	vsel @!p0 vm0, v6, v4;
	[tilespmem:v3+s0+$0x0] =	vst.idx.msk @!p0 $0xffff, v5  }
0xc3: {  	[tilespmem:v3+s25+$0x0] =	vst.idx.msk @!p0 $0xffff, v6  }
0xc4: {  	v5 =	vld.idx.msk @!p0 [tilespmem:v8+s24+$0x0], $0xffff;
	_ =	sdelay $0x3  }
0xc5: {  	v6 =	vor.u32 @!p0 $0x20, v3  }
0xc6: {  	v9 =	vor.u32 @!p0 s22, v6;
	v10 =	vshrl.u32 @!p0 v5, $0xD  }
0xc7: {  	vm0 =	vlt.s32 @!p0 v8, v2;
	v8 =	vadd.s32 @!p0 v0, v10  }
0xc8: {  	v5 =	vand.u32 @!p0 $0x1FFF, v5;
	v8 =	vnsel @!p0 vm0, $0x0, v8  }
0xc9: {  	v5 =	vsel @!p0 vm0, v5, v4;
	[tilespmem:v7+s0+$0x0] =	vst.idx.msk @!p0 $0xffff, v8  }
0xca: {  	[tilespmem:v7+s25+$0x0] =	vst.idx.msk @!p0 $0xffff, v5  }
0xcb: {  	v5 =	vld.idx.msk @!p0 [tilespmem:v9+s24+$0x0], $0xffff;
	_ =	sdelay $0x3  }
0xcc: {  	v3 =	vor.u32 @!p0 $0x30, v3  }
0xcd: {  	v7 =	vor.u32 @!p0 s22, v3;
	v8 =	vshrl.u32 @!p0 v5, $0xD  }
0xce: {  	vm0 =	vlt.s32 @!p0 v9, v2;
	v8 =	vadd.s32 @!p0 v0, v8  }
0xcf: {  	v5 =	vand.u32 @!p0 $0x1FFF, v5;
	v8 =	vnsel @!p0 vm0, $0x0, v8  }
0xd0: {  	v5 =	vsel @!p0 vm0, v5, v4;
	[tilespmem:v6+s0+$0x0] =	vst.idx.msk @!p0 $0xffff, v8  }
0xd1: {  	[tilespmem:v6+s25+$0x0] =	vst.idx.msk @!p0 $0xffff, v5  }
0xd2: {  	v5 =	vld.idx.msk @!p0 [tilespmem:v7+s24+$0x0], $0xffff;
	_ =	sdelay $0x4  }
0xd3: {  	v6 =	vshrl.u32 @!p0 v5, $0xD  }
0xd4: {  	p2 =	sle.s32 s21, $0x1;
	vm0 =	vlt.s32 @!p0 v7, v2;
	v6 =	vadd.s32 @!p0 v0, v6  }
0xd5: {  	p1 =	por @!p2 $0x1, $0x1;
	v5 =	vand.u32 @!p0 $0x1FFF, v5;
	v6 =	vnsel @!p0 vm0, $0x0, v6  }
0xd6: {  	p1 =	por p1, p2;
	s24 =	simm.s32 @!p2 $0x40;
	v4 =	vsel @!p0 vm0, v5, v4;
	v5 =	vlaneseq.u32 @!p2;
	[tilespmem:v3+s0+$0x0] =	vst.idx.msk @!p0 $0xffff, v6  }
0xd7: {  	s28 =	simm.s32 @!p0 $0x9E80;
	s26 =	simm.s32 @!p1 $0x4;
	s22 =	simm.s32 @!p0 $0x40;
	v6 =	vor.u32 @!p2 s24, v5;
	[tilespmem:v3+s25+$0x0] =	vst.idx.msk @!p0 $0xffff, v4  }
0xd8: {  	[tilespmem:s28], [sflag:$0x1] =	stream.indirect.gather @!p0 [hbm4b:s6+s22], $0x80, s0, s22, $0xb8;
	[tilespmem:$0x1E0C0] =	vst v63  }
0xd9: {  	_ =	swait.ge @!p1 [sflag:s26], $0x2000  }
0xda: {  	[sflag:s26] =	ssyncset.done @!p1 $0x0  }
0xdb: {  	s0 =	simm.s32 @!p2 $0x4E80;
	[sflag:s26] =	ssyncadd.s32 @!p1 $0xFFFFE000  }
0xdc: {  	v3 =	vld.idx.msk @!p2 [tilespmem:v6+s0+$0x0], $0xffff;
	_ =	sdelay $0x3  }
0xdd: {  	v4 =	vor.u32 @!p2 $0x10, v5  }
0xde: {  	v7 =	vor.u32 @!p2 s24, v4;
	v8 =	vshrl.u32 @!p2 v3, $0xD  }
0xdf: {  	v9 =	vand.u32 @!p2 $0x7, v5;
	vm0 =	vlt.s32 @!p2 v6, v2;
	v6 =	vadd.s32 @!p2 v0, v8  }
0xe0: {  	s29 =	simm.s32 @!p2 $0xDF80;
	v3 =	vand.u32 @!p2 $0x1FFF, v3;
	v8 =	vor.u32 @!p2 $0x2000, v9;
	v6 =	vnsel @!p2 vm0, $0x0, v6  }
0xe1: {  	s26 =	simm.s32 @!p2 $0xE000;
	v3 =	vsel @!p2 vm0, v3, v8;
	[tilespmem:v5+s29+$0x0] =	vst.idx.msk @!p2 $0xffff, v6  }
0xe2: {  	[tilespmem:v5+s26+$0x0] =	vst.idx.msk @!p2 $0xffff, v3  }
0xe3: {  	v3 =	vld.idx.msk @!p2 [tilespmem:v7+s0+$0x0], $0xffff;
	_ =	sdelay $0x3  }
0xe4: {  	v6 =	vor.u32 @!p2 $0x20, v5  }
0xe5: {  	v9 =	vor.u32 @!p2 s24, v6;
	v10 =	vshrl.u32 @!p2 v3, $0xD  }
0xe6: {  	vm0 =	vlt.s32 @!p2 v7, v2;
	v7 =	vadd.s32 @!p2 v0, v10  }
0xe7: {  	v3 =	vand.u32 @!p2 $0x1FFF, v3;
	v7 =	vnsel @!p2 vm0, $0x0, v7  }
0xe8: {  	v3 =	vsel @!p2 vm0, v3, v8;
	[tilespmem:v4+s29+$0x0] =	vst.idx.msk @!p2 $0xffff, v7  }
0xe9: {  	[tilespmem:v4+s26+$0x0] =	vst.idx.msk @!p2 $0xffff, v3  }
0xea: {  	v3 =	vld.idx.msk @!p2 [tilespmem:v9+s0+$0x0], $0xffff;
	_ =	sdelay $0x3  }
0xeb: {  	v4 =	vor.u32 @!p2 $0x30, v5  }
0xec: {  	v5 =	vor.u32 @!p2 s24, v4;
	v7 =	vshrl.u32 @!p2 v3, $0xD  }
0xed: {  	vm0 =	vlt.s32 @!p2 v9, v2;
	v7 =	vadd.s32 @!p2 v0, v7  }
0xee: {  	v3 =	vand.u32 @!p2 $0x1FFF, v3;
	v7 =	vnsel @!p2 vm0, $0x0, v7  }
0xef: {  	v3 =	vsel @!p2 vm0, v3, v8;
	[tilespmem:v6+s29+$0x0] =	vst.idx.msk @!p2 $0xffff, v7  }
0xf0: {  	[tilespmem:v6+s26+$0x0] =	vst.idx.msk @!p2 $0xffff, v3  }
0xf1: {  	v3 =	vld.idx.msk @!p2 [tilespmem:v5+s0+$0x0], $0xffff;
	_ =	sdelay $0x4  }
0xf2: {  	v6 =	vshrl.u32 @!p2 v3, $0xD  }
0xf3: {  	vm0 =	vlt.s32 @!p2 v5, v2;
	v5 =	vadd.s32 @!p2 v0, v6  }
0xf4: {  	v3 =	vand.u32 @!p2 $0x1FFF, v3;
	v5 =	vnsel @!p2 vm0, $0x0, v5  }
0xf5: {  	s31 =	simm.s32 @!p0 $0x1;
	v3 =	vsel @!p2 vm0, v3, v8;
	[tilespmem:v4+s29+$0x0] =	vst.idx.msk @!p2 $0xffff, v5  }
0xf6: {  	s30 =	simm.s32 @!p2 $0x40;
	s24 =	sadd.s32 $0xFFFFFFFF, s23;
	s0 =	simm.s32 @!p2 $0xBE80;
	[tilespmem:v4+s26+$0x0] =	vst.idx.msk @!p2 $0xffff, v3  }
0xf7: {  	[tilespmem:s0], [sflag:$0x2] =	stream.indirect.gather @!p2 [hbm4b:s6+s30], $0x80, s29, s30, $0xb8;
	[tilespmem:$0x1E0C0] =	vst v63  }
0xf8: {  	p1 =	sle.s32 s21, $0x2;
	p3 =	sne.s32 s24, $0x0;
	_ =	swait.ge @!p0 [sflag:s31], $0x2000  }
.Ltmp7:
0xf9: {  	p4 =	por @!p1 $0x0, $0x0;
	[sflag:s31] =	ssyncset.done @!p0 $0x0;
	(pc) =	sbr.rel @!p3 .LBB2_9-.Ltmp7, $4  }
0xfa: {  	p4 =	por p4, p1;
	[sflag:s31] =	ssyncadd.s32 @!p0 $0xFFFFE000  }
0xfb: {  	[spmem:s3] =	stream.indirect.scatter.add.f32 @!p0 [tilespmem:s28], [sflag:$0x3], $0x80, s25, s22, $0xb8;
	[tilespmem:$0x1E0C0] =	vst v63  }
0xfc: {  	s23 =	simm.s32 $0x2;
	v3 =	vlaneseq.u32 @!p1;
	s31 =	simm.s32 @!p2 $0x2;
	s22 =	simm.s32 $0x80  }
0xfd: {  	v4 =	vand.u32 @!p1 $0x7, v3;
	p0 =	por p1, p1;
	v5 =	vor.u32 @!p1 s22, v3;
	_ =	swait.ge @!p2 [sflag:s31], $0x2000;
	p1 =	por $0x1, $0x1  }
.LBB2_8:
0xfe: {  	s24 =	sadd.s32 $0xFFFFFFFF, s24;
	s25 =	simm.s32 @!p4 $0x3;
	[sflag:s31] =	ssyncset.done @!p2 $0x0  }
0xff: {  	p3 =	sne.s32 s24, $0x0;
	[sflag:s31] =	ssyncadd.s32 @!p2 $0xFFFFE000  }
0x100: {  	[spmem:s3] =	stream.indirect.scatter.add.f32 @!p2 [tilespmem:s0], [sflag:$0x4], $0x80, s26, s30, $0xb8;
	[tilespmem:$0x1E0C0] =	vst v63  }
0x101: {  	_ =	swait.ge @!p4 [sflag:s25], $0x2000  }
0x102: {  	s28 =	simm.s32 @!p0 $0x4E80;
	[sflag:s25] =	ssyncset.done @!p4 $0x0  }
0x103: {  	[sflag:s25] =	ssyncadd.s32 @!p4 $0xFFFFE000  }
0x104: {  	v6 =	vld.idx.msk @!p0 [tilespmem:v5+s28+$0x0], $0xffff;
	_ =	sdelay $0x3  }
0x105: {  	v7 =	vor.u32 @!p0 $0x10, v3  }
0x106: {  	v8 =	vor.u32 @!p0 s22, v7  }
0x107: {  	vm0 =	vlt.s32 @!p0 v5, v2;
	v5 =	vshrl.u32 @!p0 v6, $0xD;
	v6 =	vand.u32 @!p0 $0x1FFF, v6  }
0x108: {  	v4 =	vor.u32 @!p0 $0x2000, v4;
	s26 =	simm.s32 @!p0 $0xDE80;
	v5 =	vadd.s32 @!p0 v0, v5  }
0x109: {  	s25 =	simm.s32 @!p0 $0xDF00;
	v6 =	vsel @!p0 vm0, v6, v4;
	v5 =	vnsel @!p0 vm0, $0x0, v5  }
0x10a: {  	[tilespmem:v3+s26+$0x0] =	vst.idx.msk @!p0 $0xffff, v5  }
0x10b: {  	[tilespmem:v3+s25+$0x0] =	vst.idx.msk @!p0 $0xffff, v6  }
0x10c: {  	v5 =	vld.idx.msk @!p0 [tilespmem:v8+s28+$0x0], $0xffff;
	_ =	sdelay $0x3  }
0x10d: {  	v6 =	vor.u32 @!p0 $0x20, v3  }
0x10e: {  	v9 =	vor.u32 @!p0 s22, v6  }
0x10f: {  	vm0 =	vlt.s32 @!p0 v8, v2;
	v8 =	vshrl.u32 @!p0 v5, $0xD;
	v5 =	vand.u32 @!p0 $0x1FFF, v5  }
0x110: {  	v8 =	vadd.s32 @!p0 v0, v8  }
0x111: {  	v5 =	vsel @!p0 vm0, v5, v4;
	v8 =	vnsel @!p0 vm0, $0x0, v8  }
0x112: {  	[tilespmem:v7+s26+$0x0] =	vst.idx.msk @!p0 $0xffff, v8  }
0x113: {  	[tilespmem:v7+s25+$0x0] =	vst.idx.msk @!p0 $0xffff, v5  }
0x114: {  	v5 =	vld.idx.msk @!p0 [tilespmem:v9+s28+$0x0], $0xffff;
	_ =	sdelay $0x3  }
0x115: {  	v3 =	vor.u32 @!p0 $0x30, v3  }
0x116: {  	v7 =	vor.u32 @!p0 s22, v3  }
0x117: {  	vm0 =	vlt.s32 @!p0 v9, v2;
	v8 =	vshrl.u32 @!p0 v5, $0xD;
	v5 =	vand.u32 @!p0 $0x1FFF, v5  }
0x118: {  	v8 =	vadd.s32 @!p0 v0, v8  }
0x119: {  	v5 =	vsel @!p0 vm0, v5, v4;
	v8 =	vnsel @!p0 vm0, $0x0, v8  }
0x11a: {  	[tilespmem:v6+s26+$0x0] =	vst.idx.msk @!p0 $0xffff, v8  }
0x11b: {  	[tilespmem:v6+s25+$0x0] =	vst.idx.msk @!p0 $0xffff, v5  }
0x11c: {  	v5 =	vld.idx.msk @!p0 [tilespmem:v7+s28+$0x0], $0xffff;
	_ =	sdelay $0x5  }
0x11d: {  	s0 =	sadd.s32 $0x1, s23;
	vm0 =	vlt.s32 @!p0 v7, v2;
	v6 =	vshrl.u32 @!p0 v5, $0xD;
	v5 =	vand.u32 @!p0 $0x1FFF, v5  }
0x11e: {  	p2 =	sge.s32 s0, s21;
	v6 =	vadd.s32 @!p0 v0, v6  }
0x11f: {  	s30 =	sadd.s32 @!p2 $0x40, s22;
	p4 =	seq.s32 @!p2 s23, $0x0;
	v4 =	vsel @!p0 vm0, v5, v4;
	v5 =	vlaneseq.u32 @!p2;
	v6 =	vnsel @!p0 vm0, $0x0, v6  }
0x120: {  	s29 =	simm.s32 @!p0 $0x9E80;
	p4 =	por p4, p2;
	s28 =	simm.s32 @!p0 $0x40;
	v7 =	vand.u32 @!p2 $0x7, v5;
	[tilespmem:v3+s26+$0x0] =	vst.idx.msk @!p0 $0xffff, v6;
	v6 =	vor.u32 @!p2 s30, v5  }
0x121: {  	s31 =	simm.s32 @!p4 $0x4;
	[tilespmem:v3+s25+$0x0] =	vst.idx.msk @!p0 $0xffff, v4  }
0x122: {  	[tilespmem:s29], [sflag:$0x1] =	stream.indirect.gather @!p0 [hbm4b:s6+s28], $0x80, s26, s28, $0xb8;
	[tilespmem:$0x1E0C0] =	vst v63  }
0x123: {  	_ =	swait.ge @!p4 [sflag:s31], $0x2000  }
0x124: {  	s0 =	simm.s32 @!p2 $0x4E80;
	[sflag:s31] =	ssyncset.done @!p4 $0x0  }
0x125: {  	[sflag:s31] =	ssyncadd.s32 @!p4 $0xFFFFE000  }
0x126: {  	v3 =	vld.idx.msk @!p2 [tilespmem:v6+s0+$0x0], $0xffff;
	_ =	sdelay $0x3  }
0x127: {  	v4 =	vor.u32 @!p2 $0x10, v5  }
0x128: {  	v7 =	vor.u32 @!p2 $0x2000, v7;
	v8 =	vor.u32 @!p2 s30, v4  }
0x129: {  	vm0 =	vlt.s32 @!p2 v6, v2;
	v6 =	vshrl.u32 @!p2 v3, $0xD;
	v3 =	vand.u32 @!p2 $0x1FFF, v3  }
0x12a: {  	s31 =	simm.s32 @!p2 $0xDF80;
	v6 =	vadd.s32 @!p2 v0, v6;
	v3 =	vsel @!p2 vm0, v3, v7  }
0x12b: {  	s26 =	simm.s32 @!p2 $0xE000;
	v6 =	vnsel @!p2 vm0, $0x0, v6  }
0x12c: {  	[tilespmem:v5+s31+$0x0] =	vst.idx.msk @!p2 $0xffff, v6  }
0x12d: {  	[tilespmem:v5+s26+$0x0] =	vst.idx.msk @!p2 $0xffff, v3  }
0x12e: {  	v3 =	vld.idx.msk @!p2 [tilespmem:v8+s0+$0x0], $0xffff;
	_ =	sdelay $0x3  }
0x12f: {  	v6 =	vor.u32 @!p2 $0x20, v5  }
0x130: {  	v9 =	vor.u32 @!p2 s30, v6  }
0x131: {  	vm0 =	vlt.s32 @!p2 v8, v2;
	v8 =	vshrl.u32 @!p2 v3, $0xD;
	v3 =	vand.u32 @!p2 $0x1FFF, v3  }
0x132: {  	v8 =	vadd.s32 @!p2 v0, v8;
	v3 =	vsel @!p2 vm0, v3, v7  }
0x133: {  	v8 =	vnsel @!p2 vm0, $0x0, v8  }
0x134: {  	[tilespmem:v4+s31+$0x0] =	vst.idx.msk @!p2 $0xffff, v8  }
0x135: {  	[tilespmem:v4+s26+$0x0] =	vst.idx.msk @!p2 $0xffff, v3  }
0x136: {  	v3 =	vld.idx.msk @!p2 [tilespmem:v9+s0+$0x0], $0xffff;
	_ =	sdelay $0x3  }
0x137: {  	v4 =	vor.u32 @!p2 $0x30, v5  }
0x138: {  	v5 =	vor.u32 @!p2 s30, v4  }
0x139: {  	vm0 =	vlt.s32 @!p2 v9, v2;
	v8 =	vshrl.u32 @!p2 v3, $0xD;
	v3 =	vand.u32 @!p2 $0x1FFF, v3  }
0x13a: {  	v8 =	vadd.s32 @!p2 v0, v8;
	v3 =	vsel @!p2 vm0, v3, v7  }
0x13b: {  	v8 =	vnsel @!p2 vm0, $0x0, v8  }
0x13c: {  	[tilespmem:v6+s31+$0x0] =	vst.idx.msk @!p2 $0xffff, v8  }
0x13d: {  	[tilespmem:v6+s26+$0x0] =	vst.idx.msk @!p2 $0xffff, v3  }
0x13e: {  	v3 =	vld.idx.msk @!p2 [tilespmem:v5+s0+$0x0], $0xffff;
	_ =	sdelay $0x5  }
0x13f: {  	vm0 =	vlt.s32 @!p2 v5, v2;
	v5 =	vshrl.u32 @!p2 v3, $0xD;
	v3 =	vand.u32 @!p2 $0x1FFF, v3  }
0x140: {  	v5 =	vadd.s32 @!p2 v0, v5;
	v3 =	vsel @!p2 vm0, v3, v7  }
0x141: {  	v5 =	vnsel @!p2 vm0, $0x0, v5  }
0x142: {  	s7 =	simm.s32 @!p0 $0x1;
	s30 =	simm.s32 @!p2 $0x40;
	s0 =	simm.s32 @!p2 $0xBE80;
	[tilespmem:v4+s31+$0x0] =	vst.idx.msk @!p2 $0xffff, v5  }
0x143: {  	[tilespmem:v4+s26+$0x0] =	vst.idx.msk @!p2 $0xffff, v3  }
0x144: {  	[tilespmem:s0], [sflag:$0x2] =	stream.indirect.gather @!p2 [hbm4b:s6+s30], $0x80, s31, s30, $0xb8;
	[tilespmem:$0x1E0C0] =	vst v63  }
.Ltmp8:
0x145: {  	s23 =	sadd.s32 $0x2, s23;
	_ =	swait.ge @!p0 [sflag:s7], $0x2000;
	(pc) =	sbr.rel @p3 .LBB2_8-.Ltmp8, $4  }
0x146: {  	p5 =	sge.s32 s23, s21;
	s22 =	sadd.s32 $0x80, s22;
	[sflag:s7] =	ssyncset.done @!p0 $0x0  }
0x147: {  	p4 =	seq.s32 @!p5 s23, $0x0;
	s31 =	simm.s32 @!p2 $0x2;
	[sflag:s7] =	ssyncadd.s32 @!p0 $0xFFFFE000  }
0x148: {  	v3 =	vlaneseq.u32 @!p5;
	[spmem:s3] =	stream.indirect.scatter.add.f32 @!p0 [tilespmem:s29], [sflag:$0x3], $0x80, s25, s28, $0xb8;
	[tilespmem:$0x1E0C0] =	vst v63  }
0x149: {  	p4 =	por p4, p5;
	v5 =	vor.u32 @!p5 s22, v3;
	v4 =	vand.u32 @!p5 $0x7, v3;
	p0 =	por p5, p5;
	_ =	swait.ge @!p2 [sflag:s31], $0x2000  }
.Ltmp9:
0x14a: {  	_ = 	snop;
	(pc) =	sbr.rel .LBB2_9-.Ltmp9, $1  }
0x14b: {  	_ =	sdelay $0x3  }
.LBB2_12:
0x14c: {  	_ =	sfence.sel $0x180000  }
0x14d: {  	[bflag:$0x0] =	sbarrier.arrive $0xFFFF  }
0x14e: {  	_ =	strace $0x9000004A  }
0x14f: {  	[bflag:$0x2] =	sbarrier.arrive $0xFFFF  }
0x150: {  	p0 =	sne.s32 s2, $0x0;
	s0 =	rddreg [dreg:$0x4]  }
0x151: {  	s0 =	sadd.s32 @!p0 $0x100000, s0  }
0x152: {  	[sflag:s0] =	ssyncadd.tile.s32 @!p0 $0x1;
	_ =	shalt  }
.Lfunc_end2:
_tile_overlayer_lowered:
.L_overlay_start_2:
0x153: {  	(tag) =	ssettag $0x2  }
0x154: {  	s0 =	rddreg [dreg:$0x0];
	s2 =	stileid.u32  }
0x155: {  	s1 =	rddreg [dreg:$0x1];
	p0 =	sne.s32 s2, $0x0  }
0x156: {  	s3 =	rddreg [dreg:$0x2];
	[bflag:$0x3] =	sbarrier.arrive $0xFFFF;
	s2 =	simm.s32 @!p0 $0x1C05  }
0x157: {  	[timem:s3], [sflag:s2] =	dma.local @!p0 [hbm:s0], s1  }
0x158: {  	s0 =	simm.s32 @!p0 $0x5  }
0x159: {  	_ =	swait.ge @!p0 [sflag:s0], s1  }
0x15a: {  	s1 =	ssub.s32 @!p0 $0x0, s1;
	[sflag:s0] =	ssyncset.done @!p0 $0x0  }
0x15b: {  	[sflag:s0] =	ssyncadd.s32 @!p0 s1  }
0x15c: {  	[bflag:$0x3] =	sbarrier.arrive $0xFFFF  }
0x15d: {  	_ =	shalt  }

</sc_bundles>
